<compile_context>
chip_gen: v7x
topology: tpu7x:2x2x1
jax: 0.10.2.dev20260603
libtpu: 0.0.44.dev20260713+nightly
codegen_flags: <defaults>
</compile_context>

<pallas_src>
import dataclasses
import functools

import jax
import jax.numpy as jnp
from jax import lax
from jax.experimental import pallas as pl
from jax.experimental.pallas import tpu as pltpu
from jax.experimental.pallas import tpu_sc as plsc

N = 10000
E = 320000
D = 128
C = 47
NPAD = 10240
NC, NS = 2, 16
NW = NC * NS
CHUNK = 128
CPW = 80
EPAD = NW * CHUNK * CPW
GRP = 8
NGRP = CPW // GRP
NBUF = 2
RPS = NPAD // NS
BLK = 512


def _mesh():
    return plsc.VectorSubcoreMesh(core_axis_name="c", subcore_axis_name="s")


def _sc_segment_sum(table, src3, dst3, zrows, with_hist):
    out_type = [jax.ShapeDtypeStruct((NC, NPAD, D), jnp.float32)]
    scratch = [
        pltpu.VMEM((2, GRP, CHUNK), jnp.int32),
        pltpu.VMEM((2, GRP, CHUNK), jnp.int32),
        pltpu.VMEM((NBUF, CHUNK, D), jnp.float32),
        pltpu.VMEM_SHARED((NPAD, D), jnp.float32),
        [pltpu.SemaphoreType.DMA] * NBUF,
        [pltpu.SemaphoreType.DMA] * 4,
    ]
    if with_hist:
        out_type.append(jax.ShapeDtypeStruct((NC, NS, NPAD), jnp.float32))
        scratch.append(pltpu.VMEM((NPAD,), jnp.float32))

    cp = pltpu.CompilerParams()
    if "needs_layout_passes" in pltpu.CompilerParams.__dataclass_fields__:
        cp = dataclasses.replace(cp, needs_layout_passes=False)

    @functools.partial(pl.kernel,
                       out_type=tuple(out_type) if with_hist else out_type[0],
                       mesh=_mesh(), scratch_types=scratch,
                       compiler_params=cp)
    def k(table_hbm, src_hbm, dst_hbm, z_hbm, *rest):
        if with_hist:
            out_hbm, hout_hbm, sgrp, dgrp, rows, acc, gsems, isems, hist = rest
        else:
            out_hbm, sgrp, dgrp, rows, acc, gsems, isems = rest
            hist = None
        c = lax.axis_index("c")
        s = lax.axis_index("s")
        wid = s * NC + c

        def sload(g, slot):
            return pltpu.make_async_copy(
                src_hbm.at[wid].at[pl.ds(g * GRP, GRP)], sgrp.at[slot],
                isems[slot])

        def dload(g, slot):
            return pltpu.make_async_copy(
                dst_hbm.at[wid].at[pl.ds(g * GRP, GRP)], dgrp.at[slot],
                isems[2 + slot])

        pltpu.sync_copy(z_hbm, acc.at[pl.ds(s * RPS, RPS)])
        sload(0, 0).start()
        dload(0, 0).start()
        if with_hist:
            zero16 = jnp.zeros((16,), jnp.float32)

            @pl.loop(0, NPAD // 16)
            def _(i):
                hist[pl.ds(i * 16, 16)] = zero16

        plsc.subcore_barrier()

        @pl.loop(0, NGRP // 2)
        def _(q):
            for par in range(2):
                g = 2 * q + par
                sload(g, par).wait()
                dload(g, par).wait()

                @pl.when(g + 1 < NGRP)
                def _():
                    sload(g + 1, 1 - par).start()
                    dload(g + 1, 1 - par).start()

                handles = [
                    pltpu.async_copy(table_hbm.at[sgrp.at[par].at[b]],
                                     rows.at[b], gsems[b])
                    for b in range(NBUF)
                ]
                for k_ in range(GRP):
                    b = k_ % NBUF
                    handles[b].wait()
                    pltpu.sync_copy(rows.at[b], acc.at[dgrp.at[par].at[k_]],
                                    add=True)
                    if k_ + NBUF < GRP:
                        handles[b] = pltpu.async_copy(
                            table_hbm.at[sgrp.at[par].at[k_ + NBUF]],
                            rows.at[b], gsems[b])
                    if with_hist:
                        one16 = jnp.ones((16,), jnp.float32)
                        for v in range(CHUNK // 16):
                            idx16 = dgrp[par, k_, pl.ds(v * 16, 16)]
                            plsc.addupdate_scatter(hist, [idx16], one16)

        plsc.subcore_barrier()
        pltpu.sync_copy(acc.at[pl.ds(s * RPS, RPS)],
                        out_hbm.at[c].at[pl.ds(s * RPS, RPS)])
        if with_hist:
            pltpu.sync_copy(hist, hout_hbm.at[c].at[s])

    return k(table, src3, dst3, zrows)



def _dot(a, b):
    return jnp.dot(a, b, preferred_element_type=jnp.float32)


def _layer1_body(x_ref, p_ref, dp_ref, ws_ref, wn_ref, b_ref, o_ref):
    agg = p_ref[0] + p_ref[1]
    deg = jnp.sum(dp_ref[...], axis=(0, 1))[:, None]
    recip = 1.0 / jnp.maximum(deg, 1.0)
    mean = agg * recip
    o_ref[...] = jnp.maximum(_dot(x_ref[...], ws_ref[...])
                             + _dot(mean, wn_ref[...]) + b_ref[...], 0.0)


def _layer2_body(h_ref, p_ref, dp_ref, ws_ref, wn_ref, b_ref, mwin_ref,
                 mbin_ref, r1w1_ref, r1b1_ref, r1w2_ref, r1b2_ref, r2w1_ref,
                 r2b1_ref, r2w2_ref, r2b2_ref, wout_ref, bout_ref, o_ref):
    agg = p_ref[0] + p_ref[1]
    deg = jnp.sum(dp_ref[...], axis=(0, 1))[:, None]
    recip = 1.0 / jnp.maximum(deg, 1.0)
    mean = agg * recip
    z = _dot(h_ref[...], ws_ref[...]) + _dot(mean, wn_ref[...]) + b_ref[...]
    t = jnp.maximum(_dot(z, mwin_ref[...]) + mbin_ref[...], 0.0)
    t = t + _dot(jnp.maximum(_dot(t, r1w1_ref[...]) + r1b1_ref[...], 0.0),
                 r1w2_ref[...]) + r1b2_ref[...]
    t = t + _dot(jnp.maximum(_dot(t, r2w1_ref[...]) + r2b1_ref[...], 0.0),
                 r2w2_ref[...]) + r2b2_ref[...]
    o_ref[...] = _dot(t, wout_ref[...]) + bout_ref[...]


def _row_spec(width):
    return pl.BlockSpec((BLK, width), lambda i: (i, 0))


def _part_spec():
    return pl.BlockSpec((NC, BLK, D), lambda i: (0, i, 0))


def _w_spec(shape):
    return pl.BlockSpec(shape, lambda i: (0,) * len(shape))


def _hist_spec():
    return pl.BlockSpec((NC, NS, BLK), lambda i: (0, 0, i))


def _tc_layer1(xp, parts, hists, ws, wn, b):
    return pl.pallas_call(
        _layer1_body,
        grid=(NPAD // BLK,),
        in_specs=[_row_spec(D), _part_spec(), _hist_spec(), _w_spec((D, D)),
                  _w_spec((D, D)), _w_spec((1, D))],
        out_specs=_row_spec(D),
        out_shape=jax.ShapeDtypeStruct((NPAD, D), jnp.float32),
    )(xp, parts, hists, ws, wn, b)


def _tc_layer2(h, parts, hists, ws, wn, b, mwin, mbin, r1w1, r1b1, r1w2,
               r1b2, r2w1, r2b1, r2w2, r2b2, wout, bout):
    wspecs = [_w_spec((D, D)), _w_spec((D, D)), _w_spec((1, D)),
              _w_spec((D, D)), _w_spec((1, D)),
              _w_spec((D, D)), _w_spec((1, D)), _w_spec((D, D)),
              _w_spec((1, D)),
              _w_spec((D, D)), _w_spec((1, D)), _w_spec((D, D)),
              _w_spec((1, D)),
              _w_spec((D, D)), _w_spec((1, D))]
    return pl.pallas_call(
        _layer2_body,
        grid=(NPAD // BLK,),
        in_specs=[_row_spec(D), _part_spec(), _hist_spec()] + wspecs,
        out_specs=_row_spec(D),
        out_shape=jax.ShapeDtypeStruct((NPAD, D), jnp.float32),
    )(h, parts, hists, ws, wn, b, mwin, mbin, r1w1, r1b1, r1w2, r1b2,
      r2w1, r2b1, r2w2, r2b2, wout, bout)



def kernel(x, edge_index, s1_wself, s1_wneigh, s1_b, s2_wself, s2_wneigh,
           s2_b, m_win, m_bin, r1_w1, r1_b1, r1_w2, r1_b2, r2_w1, r2_b1,
           r2_w2, r2_b2, m_wout, m_bout):
    src = edge_index[0]
    dst = edge_index[1]
    pad_e = EPAD - E
    pad_src = jnp.arange(pad_e, dtype=jnp.int32) % N
    src3 = jnp.concatenate([src, pad_src]).reshape(NW, CPW, CHUNK)
    pad_dst = N + jnp.arange(pad_e, dtype=jnp.int32) % (NPAD - N)
    dst3 = jnp.concatenate([dst, pad_dst]).reshape(NW, CPW, CHUNK)

    xp = jnp.zeros((NPAD, D), jnp.float32).at[:N].set(x)
    zrows = jnp.zeros((RPS, D), jnp.float32)

    b1 = s1_b.reshape(1, D)
    b2 = s2_b.reshape(1, D)
    mbin = m_bin.reshape(1, D)
    r1b1 = r1_b1.reshape(1, D)
    r1b2 = r1_b2.reshape(1, D)
    r2b1 = r2_b1.reshape(1, D)
    r2b2 = r2_b2.reshape(1, D)
    wout = jnp.zeros((D, D), jnp.float32).at[:, :C].set(m_wout)
    bout = jnp.zeros((1, D), jnp.float32).at[0, :C].set(m_bout)

    parts1, hists = _sc_segment_sum(xp, src3, dst3, zrows, True)
    h = _tc_layer1(xp, parts1, hists, s1_wself, s1_wneigh, b1)
    parts2 = _sc_segment_sum(h, src3, dst3, zrows, False)
    out = _tc_layer2(h, parts2, hists, s2_wself, s2_wneigh, b2, m_win,
                     mbin, r1_w1, r1b1, r1_w2, r1b2, r2_w1, r2b1, r2_w2,
                     r2b2, wout, bout)

    return out[:N, :C]

# --- scband reference (transcript-rebuilt; emitter-appended) ---
"""Pipeline reference for scband-gnnclassifier-65240553226636 (READ-ONLY COPY).

The authoritative reference and input builder live on the scoring server;
editing this copy changes nothing except your own understanding.
"""

import jax, jax.numpy as jnp
import numpy as np

N = 10000
E = 320000
D = 128
H = 128
C = 47


def setup_inputs(seed: int = 0) -> dict:
    key = jax.random.key(seed)
    ks = jax.random.split(key, 24)
    s = 1.0 / np.sqrt(D)
    inp = {
        'x': jax.random.normal(ks[0], (N, D), dtype=jnp.float32),
        'edge_index': jax.random.randint(ks[1], (2, E), 0, N, dtype=jnp.int32),
        # GraphSAGE layer 1
        's1_wself': jax.random.normal(ks[2], (D, H), dtype=jnp.float32) * s,
        's1_wneigh': jax.random.normal(ks[3], (D, H), dtype=jnp.float32) * s,
        's1_b': jnp.zeros((H,), dtype=jnp.float32),
        # GraphSAGE layer 2
        's2_wself': jax.random.normal(ks[4], (H, H), dtype=jnp.float32) * s,
        's2_wneigh': jax.random.normal(ks[5], (H, H), dtype=jnp.float32) * s,
        's2_b': jnp.zeros((H,), dtype=jnp.float32),
        # ResMLP input proj
        'm_win': jax.random.normal(ks[6], (H, H), dtype=jnp.float32) * s,
        'm_bin': jnp.zeros((H,), dtype=jnp.float32),
        # residual block 1
        'r1_w1': jax.random.normal(ks[7], (H, H), dtype=jnp.float32) * s,
        'r1_b1': jnp.zeros((H,), dtype=jnp.float32),
        'r1_w2': jax.random.normal(ks[8], (H, H), dtype=jnp.float32) * s,
        'r1_b2': jnp.zeros((H,), dtype=jnp.float32),
        # residual block 2
        'r2_w1': jax.random.normal(ks[9], (H, H), dtype=jnp.float32) * s,
        'r2_b1': jnp.zeros((H,), dtype=jnp.float32),
        'r2_w2': jax.random.normal(ks[10], (H, H), dtype=jnp.float32) * s,
        'r2_b2': jnp.zeros((H,), dtype=jnp.float32),
        # output head
        'm_wout': jax.random.normal(ks[11], (H, C), dtype=jnp.float32) * s,
        'm_bout': jnp.zeros((C,), dtype=jnp.float32),
    }
    return inp


def _sage_layer(h, edge_index, w_self, w_neigh, b):
    src = edge_index[0]
    dst = edge_index[1]
    msgs = jnp.take(h, src, axis=0)
    agg = jax.ops.segment_sum(msgs, dst, num_segments=N)
    deg = jax.ops.segment_sum(jnp.ones((E,), dtype=h.dtype), dst, num_segments=N)
    mean = agg / jnp.clip(deg, 1.0, None)[:, None]
    return h @ w_self + mean @ w_neigh + b


def reference(x, edge_index, s1_wself, s1_wneigh, s1_b, s2_wself, s2_wneigh, s2_b,
              m_win, m_bin, r1_w1, r1_b1, r1_w2, r1_b2, r2_w1, r2_b1, r2_w2, r2_b2,
              m_wout, m_bout):
    # GraphSAGE encoder (mean aggregation)
    h = jax.nn.relu(_sage_layer(x, edge_index, s1_wself, s1_wneigh, s1_b))
    z = _sage_layer(h, edge_index, s2_wself, s2_wneigh, s2_b)
    # ResMLP classifier
    h = jax.nn.relu(z @ m_win + m_bin)
    h = h + jax.nn.relu(h @ r1_w1 + r1_b1) @ r1_w2 + r1_b2
    h = h + jax.nn.relu(h @ r2_w1 + r2_b1) @ r2_w2 + r2_b2
    out = h @ m_wout + m_bout
    return out

if __name__ == "__main__":
    import jax
    _d = setup_inputs()
    print(jax.jit(kernel)(*tuple(_d.values())))

</pallas_src>

<mosaic_0001>
#map = affine_map<(d0, d1) -> (0, 0)>
#map1 = affine_map<(d0, d1) -> (0, 0, 0)>
module attributes {stable_mosaic.version = 14 : i64} {
  func.func @k(%arg0: i32, %arg1: i32, %arg2: memref<10240x128xf32, #tpu.memory_space<hbm>>, %arg3: memref<32x80x128xi32, #tpu.memory_space<hbm>>, %arg4: memref<32x80x128xi32, #tpu.memory_space<hbm>>, %arg5: memref<640x128xf32, #tpu.memory_space<hbm>>, %arg6: memref<2x10240x128xf32, #tpu.memory_space<hbm>>, %arg7: memref<2x16x10240xf32, #tpu.memory_space<hbm>>, %arg8: memref<2x8x128xi32, #tpu.memory_space<vmem>>, %arg9: memref<2x8x128xi32, #tpu.memory_space<vmem>>, %arg10: memref<2x128x128xf32, #tpu.memory_space<vmem>>, %arg11: memref<10240x128xf32, #tpu.memory_space<vmem_shared>>, %arg12: memref<!tpu.dma_semaphore, #tpu.memory_space<semaphore_mem>>, %arg13: memref<!tpu.dma_semaphore, #tpu.memory_space<semaphore_mem>>, %arg14: memref<!tpu.dma_semaphore, #tpu.memory_space<semaphore_mem>>, %arg15: memref<!tpu.dma_semaphore, #tpu.memory_space<semaphore_mem>>, %arg16: memref<!tpu.dma_semaphore, #tpu.memory_space<semaphore_mem>>, %arg17: memref<!tpu.dma_semaphore, #tpu.memory_space<semaphore_mem>>, %arg18: memref<10240xf32, #tpu.memory_space<vmem>>) attributes {dimension_semantics = [#tpu.dimension_semantics<core_parallel>, #tpu.dimension_semantics<subcore_parallel>], iteration_bounds = array<i64: 2, 16>, scalar_prefetch = 0 : i64, scratch_operands = 11 : i64, tpu.core_type = #tpu.core_type<sc_vector_subcore>, window_params = [{transform_indices = #map}, {transform_indices = #map1}, {transform_indices = #map1}, {transform_indices = #map}, {transform_indices = #map1}, {transform_indices = #map1}]} {
    %mul3A = arith.constant 2 : i32
    %mul3A_0 = arith.muli %arg1, %mul3A : i32
    %add3A = arith.addi %mul3A_0, %arg0 : i32
    %mul3A_1 = arith.constant 640 : i32
    %mul3A_2 = arith.muli %arg1, %mul3A_1 : i32
    "tpu.region"() ({
      %run_scoped3A = tpu.sem_alloc : memref<!tpu.dma_semaphore, #tpu.memory_space<semaphore_mem>>
      %dma_start3A_63 = arith.constant 0 : i32
      %dma_start3A_64 = tpu.memref_slice %arg11[%mul3A_2, %dma_start3A_63] : memref<10240x128xf32, #tpu.memory_space<vmem_shared>> -> memref<640x128xf32, #tpu.memory_space<vmem_shared>>
      tpu.enqueue_dma source(%arg5 : memref<640x128xf32, #tpu.memory_space<hbm>>) target(%dma_start3A_64 : memref<640x128xf32, #tpu.memory_space<vmem_shared>>) target_semaphore(%run_scoped3A : memref<!tpu.dma_semaphore, #tpu.memory_space<semaphore_mem>>)
      %dma_wait3A = arith.constant 0 : i32
      %dma_wait3A_65 = tpu.memref_slice %arg11[%mul3A_2, %dma_wait3A] : memref<10240x128xf32, #tpu.memory_space<vmem_shared>> -> memref<640x128xf32, #tpu.memory_space<vmem_shared>>
      tpu.wait_dma2 semaphore(%run_scoped3A : memref<!tpu.dma_semaphore, #tpu.memory_space<semaphore_mem>>) src(%arg5 : memref<640x128xf32, #tpu.memory_space<hbm>>) dst(%dma_wait3A_65 : memref<640x128xf32, #tpu.memory_space<vmem_shared>>)
      tpu.yield
    }) : () -> ()
    %dma_start3A = arith.constant 0 : i32
    %dma_start3A_3 = arith.constant 0 : i32
    %dma_start3A_4 = arith.constant 0 : i32
    %dma_start3A_5 = tpu.memref_slice %arg8[%dma_start3A, %dma_start3A_3, %dma_start3A_4] : memref<2x8x128xi32, #tpu.memory_space<vmem>> -> memref<1x8x128xi32, #tpu.memory_space<vmem>>
    %dma_start3A_6 = tpu.memref_squeeze %dma_start3A_5 : memref<1x8x128xi32, #tpu.memory_space<vmem>> -> memref<8x128xi32, #tpu.memory_space<vmem>>
    %dma_start3A_7 = arith.constant 0 : i32
    %dma_start3A_8 = arith.constant 0 : i32
    %dma_start3A_9 = tpu.memref_slice %arg3[%add3A, %dma_start3A_7, %dma_start3A_8] : memref<32x80x128xi32, #tpu.memory_space<hbm>> -> memref<1x80x128xi32, #tpu.memory_space<hbm>>
    %dma_start3A_10 = tpu.memref_squeeze %dma_start3A_9 : memref<1x80x128xi32, #tpu.memory_space<hbm>> -> memref<80x128xi32, #tpu.memory_space<hbm>>
    %dma_start3A_11 = arith.constant 0 : i32
    %dma_start3A_12 = arith.constant 0 : i32
    %dma_start3A_13 = tpu.memref_slice %dma_start3A_10[%dma_start3A_11, %dma_start3A_12] : memref<80x128xi32, #tpu.memory_space<hbm>> -> memref<8x128xi32, #tpu.memory_space<hbm>>
    %dma_start3A_14 = arith.constant 0 : i32
    %dma_start3A_15 = arith.constant 0 : i32
    %dma_start3A_16 = tpu.memref_slice %arg8[%dma_start3A, %dma_start3A_14, %dma_start3A_15] : memref<2x8x128xi32, #tpu.memory_space<vmem>> -> memref<1x8x128xi32, #tpu.memory_space<vmem>>
    %dma_start3A_17 = tpu.memref_squeeze %dma_start3A_16 : memref<1x8x128xi32, #tpu.memory_space<vmem>> -> memref<8x128xi32, #tpu.memory_space<vmem>>
    %dma_start3A_18 = arith.constant 0 : i32
    %dma_start3A_19 = arith.constant 0 : i32
    %dma_start3A_20 = tpu.memref_slice %arg3[%add3A, %dma_start3A_18, %dma_start3A_19] : memref<32x80x128xi32, #tpu.memory_space<hbm>> -> memref<1x80x128xi32, #tpu.memory_space<hbm>>
    %dma_start3A_21 = tpu.memref_squeeze %dma_start3A_20 : memref<1x80x128xi32, #tpu.memory_space<hbm>> -> memref<80x128xi32, #tpu.memory_space<hbm>>
    %dma_start3A_22 = arith.constant 0 : i32
    %dma_start3A_23 = arith.constant 0 : i32
    %dma_start3A_24 = tpu.memref_slice %dma_start3A_21[%dma_start3A_22, %dma_start3A_23] : memref<80x128xi32, #tpu.memory_space<hbm>> -> memref<8x128xi32, #tpu.memory_space<hbm>>
    tpu.enqueue_dma source(%dma_start3A_24 : memref<8x128xi32, #tpu.memory_space<hbm>>) target(%dma_start3A_17 : memref<8x128xi32, #tpu.memory_space<vmem>>) target_semaphore(%arg14 : memref<!tpu.dma_semaphore, #tpu.memory_space<semaphore_mem>>)
    %dma_start3A_25 = arith.constant 0 : i32
    %dma_start3A_26 = arith.constant 0 : i32
    %dma_start3A_27 = arith.constant 0 : i32
    %dma_start3A_28 = tpu.memref_slice %arg9[%dma_start3A_25, %dma_start3A_26, %dma_start3A_27] : memref<2x8x128xi32, #tpu.memory_space<vmem>> -> memref<1x8x128xi32, #tpu.memory_space<vmem>>
    %dma_start3A_29 = tpu.memref_squeeze %dma_start3A_28 : memref<1x8x128xi32, #tpu.memory_space<vmem>> -> memref<8x128xi32, #tpu.memory_space<vmem>>
    %dma_start3A_30 = arith.constant 0 : i32
    %dma_start3A_31 = arith.constant 0 : i32
    %dma_start3A_32 = tpu.memref_slice %arg4[%add3A, %dma_start3A_30, %dma_start3A_31] : memref<32x80x128xi32, #tpu.memory_space<hbm>> -> memref<1x80x128xi32, #tpu.memory_space<hbm>>
    %dma_start3A_33 = tpu.memref_squeeze %dma_start3A_32 : memref<1x80x128xi32, #tpu.memory_space<hbm>> -> memref<80x128xi32, #tpu.memory_space<hbm>>
    %dma_start3A_34 = arith.constant 0 : i32
    %dma_start3A_35 = arith.constant 0 : i32
    %dma_start3A_36 = tpu.memref_slice %dma_start3A_33[%dma_start3A_34, %dma_start3A_35] : memref<80x128xi32, #tpu.memory_space<hbm>> -> memref<8x128xi32, #tpu.memory_space<hbm>>
    %dma_start3A_37 = arith.constant 0 : i32
    %dma_start3A_38 = arith.constant 0 : i32
    %dma_start3A_39 = tpu.memref_slice %arg9[%dma_start3A_25, %dma_start3A_37, %dma_start3A_38] : memref<2x8x128xi32, #tpu.memory_space<vmem>> -> memref<1x8x128xi32, #tpu.memory_space<vmem>>
    %dma_start3A_40 = tpu.memref_squeeze %dma_start3A_39 : memref<1x8x128xi32, #tpu.memory_space<vmem>> -> memref<8x128xi32, #tpu.memory_space<vmem>>
    %dma_start3A_41 = arith.constant 0 : i32
    %dma_start3A_42 = arith.constant 0 : i32
    %dma_start3A_43 = tpu.memref_slice %arg4[%add3A, %dma_start3A_41, %dma_start3A_42] : memref<32x80x128xi32, #tpu.memory_space<hbm>> -> memref<1x80x128xi32, #tpu.memory_space<hbm>>
    %dma_start3A_44 = tpu.memref_squeeze %dma_start3A_43 : memref<1x80x128xi32, #tpu.memory_space<hbm>> -> memref<80x128xi32, #tpu.memory_space<hbm>>
    %dma_start3A_45 = arith.constant 0 : i32
    %dma_start3A_46 = arith.constant 0 : i32
    %dma_start3A_47 = tpu.memref_slice %dma_start3A_44[%dma_start3A_45, %dma_start3A_46] : memref<80x128xi32, #tpu.memory_space<hbm>> -> memref<8x128xi32, #tpu.memory_space<hbm>>
    tpu.enqueue_dma source(%dma_start3A_47 : memref<8x128xi32, #tpu.memory_space<hbm>>) target(%dma_start3A_40 : memref<8x128xi32, #tpu.memory_space<vmem>>) target_semaphore(%arg16 : memref<!tpu.dma_semaphore, #tpu.memory_space<semaphore_mem>>)
    %broadcast_in_dim3A = arith.constant 0.000000e+00 : f32
    %broadcast_in_dim3A_48 = vector.broadcast %broadcast_in_dim3A : f32 to vector<16xf32>
    %scan3A = arith.constant 0 : i32
    %scan3A_49 = arith.constant 640 : i32
    %scan3A_50 = arith.addi %scan3A, %scan3A_49 : i32
    %scan3A_51 = arith.constant 1 : i32
    scf.for %scan3A_63 = %scan3A to %scan3A_50 step %scan3A_51  : i32 {
      %mul3A_64 = arith.constant 1 : i32
      %mul3A_65 = arith.muli %scan3A_63, %mul3A_64 : i32
      %add3A_66 = arith.constant 0 : i32
      %add3A_67 = arith.addi %add3A_66, %mul3A_65 : i32
      %mul3A_68 = arith.constant 16 : i32
      %mul3A_69 = arith.muli %add3A_67, %mul3A_68 : i32
      %swap3A = arith.index_cast %mul3A_69 : i32 to index
      %swap3A_70 = tpu.vector_load %arg18[%swap3A] {strides = array<i32>} : memref<10240xf32, #tpu.memory_space<vmem>>, vector<16xf32>,
      tpu.vector_store %arg18[%swap3A], %broadcast_in_dim3A_48 {strides = array<i32>} : memref<10240xf32, #tpu.memory_space<vmem>>, vector<16xf32>,
    }
    %scan3A_52 = arith.constant 640 : i32
    %barrier3A = arith.constant 0 : index
    tpu.barrier barrier_id(%barrier3A)
    %scan3A_53 = arith.constant 0 : i32
    %scan3A_54 = arith.constant 5 : i32
    %scan3A_55 = arith.addi %scan3A_53, %scan3A_54 : i32
    %scan3A_56 = arith.constant 1 : i32
    scf.for %scan3A_63 = %scan3A_53 to %scan3A_55 step %scan3A_56  : i32 {
      %mul3A_64 = arith.constant 1 : i32
      %mul3A_65 = arith.muli %scan3A_63, %mul3A_64 : i32
      %add3A_66 = arith.constant 0 : i32
      %add3A_67 = arith.addi %add3A_66, %mul3A_65 : i32
      %mul3A_68 = arith.constant 2 : i32
      %mul3A_69 = arith.muli %mul3A_68, %add3A_67 : i32
      %add3A_70 = arith.constant 0 : i32
      %add3A_71 = arith.addi %mul3A_69, %add3A_70 : i32
      %mul3A_72 = arith.constant 8 : i32
      %mul3A_73 = arith.muli %add3A_71, %mul3A_72 : i32
      %dma_wait3A = arith.constant 0 : i32
      %dma_wait3A_74 = arith.constant 0 : i32
      %dma_wait3A_75 = arith.constant 0 : i32
      %dma_wait3A_76 = tpu.memref_slice %arg8[%dma_wait3A, %dma_wait3A_74, %dma_wait3A_75] : memref<2x8x128xi32, #tpu.memory_space<vmem>> -> memref<1x8x128xi32, #tpu.memory_space<vmem>>
      %dma_wait3A_77 = tpu.memref_squeeze %dma_wait3A_76 : memref<1x8x128xi32, #tpu.memory_space<vmem>> -> memref<8x128xi32, #tpu.memory_space<vmem>>
      %dma_wait3A_78 = arith.constant 0 : i32
      %dma_wait3A_79 = arith.constant 0 : i32
      %dma_wait3A_80 = tpu.memref_slice %arg3[%add3A, %dma_wait3A_78, %dma_wait3A_79] : memref<32x80x128xi32, #tpu.memory_space<hbm>> -> memref<1x80x128xi32, #tpu.memory_space<hbm>>
      %dma_wait3A_81 = tpu.memref_squeeze %dma_wait3A_80 : memref<1x80x128xi32, #tpu.memory_space<hbm>> -> memref<80x128xi32, #tpu.memory_space<hbm>>
      %dma_wait3A_82 = arith.constant 0 : i32
      %dma_wait3A_83 = tpu.memref_slice %dma_wait3A_81[%mul3A_73, %dma_wait3A_82] : memref<80x128xi32, #tpu.memory_space<hbm>> -> memref<8x128xi32, #tpu.memory_space<hbm>>
      %dma_wait3A_84 = arith.constant 0 : i32
      %dma_wait3A_85 = arith.constant 0 : i32
      %dma_wait3A_86 = tpu.memref_slice %arg8[%dma_wait3A, %dma_wait3A_84, %dma_wait3A_85] : memref<2x8x128xi32, #tpu.memory_space<vmem>> -> memref<1x8x128xi32, #tpu.memory_space<vmem>>
      %dma_wait3A_87 = tpu.memref_squeeze %dma_wait3A_86 : memref<1x8x128xi32, #tpu.memory_space<vmem>> -> memref<8x128xi32, #tpu.memory_space<vmem>>
      %dma_wait3A_88 = arith.constant 0 : i32
      %dma_wait3A_89 = arith.constant 0 : i32
      %dma_wait3A_90 = tpu.memref_slice %arg3[%add3A, %dma_wait3A_88, %dma_wait3A_89] : memref<32x80x128xi32, #tpu.memory_space<hbm>> -> memref<1x80x128xi32, #tpu.memory_space<hbm>>
      %dma_wait3A_91 = tpu.memref_squeeze %dma_wait3A_90 : memref<1x80x128xi32, #tpu.memory_space<hbm>> -> memref<80x128xi32, #tpu.memory_space<hbm>>
      %dma_wait3A_92 = arith.constant 0 : i32
      %dma_wait3A_93 = tpu.memref_slice %dma_wait3A_91[%mul3A_73, %dma_wait3A_92] : memref<80x128xi32, #tpu.memory_space<hbm>> -> memref<8x128xi32, #tpu.memory_space<hbm>>
      tpu.wait_dma2 semaphore(%arg14 : memref<!tpu.dma_semaphore, #tpu.memory_space<semaphore_mem>>) src(%dma_wait3A_93 : memref<8x128xi32, #tpu.memory_space<hbm>>) dst(%dma_wait3A_87 : memref<8x128xi32, #tpu.memory_space<vmem>>)
      %mul3A_94 = arith.constant 8 : i32
      %mul3A_95 = arith.muli %add3A_71, %mul3A_94 : i32
      %dma_wait3A_96 = arith.constant 0 : i32
      %dma_wait3A_97 = arith.constant 0 : i32
      %dma_wait3A_98 = arith.constant 0 : i32
      %dma_wait3A_99 = tpu.memref_slice %arg9[%dma_wait3A_96, %dma_wait3A_97, %dma_wait3A_98] : memref<2x8x128xi32, #tpu.memory_space<vmem>> -> memref<1x8x128xi32, #tpu.memory_space<vmem>>
      %dma_wait3A_100 = tpu.memref_squeeze %dma_wait3A_99 : memref<1x8x128xi32, #tpu.memory_space<vmem>> -> memref<8x128xi32, #tpu.memory_space<vmem>>
      %dma_wait3A_101 = arith.constant 0 : i32
      %dma_wait3A_102 = arith.constant 0 : i32
      %dma_wait3A_103 = tpu.memref_slice %arg4[%add3A, %dma_wait3A_101, %dma_wait3A_102] : memref<32x80x128xi32, #tpu.memory_space<hbm>> -> memref<1x80x128xi32, #tpu.memory_space<hbm>>
      %dma_wait3A_104 = tpu.memref_squeeze %dma_wait3A_103 : memref<1x80x128xi32, #tpu.memory_space<hbm>> -> memref<80x128xi32, #tpu.memory_space<hbm>>
      %dma_wait3A_105 = arith.constant 0 : i32
      %dma_wait3A_106 = tpu.memref_slice %dma_wait3A_104[%mul3A_95, %dma_wait3A_105] : memref<80x128xi32, #tpu.memory_space<hbm>> -> memref<8x128xi32, #tpu.memory_space<hbm>>
      %dma_wait3A_107 = arith.constant 0 : i32
      %dma_wait3A_108 = arith.constant 0 : i32
      %dma_wait3A_109 = tpu.memref_slice %arg9[%dma_wait3A_96, %dma_wait3A_107, %dma_wait3A_108] : memref<2x8x128xi32, #tpu.memory_space<vmem>> -> memref<1x8x128xi32, #tpu.memory_space<vmem>>
      %dma_wait3A_110 = tpu.memref_squeeze %dma_wait3A_109 : memref<1x8x128xi32, #tpu.memory_space<vmem>> -> memref<8x128xi32, #tpu.memory_space<vmem>>
      %dma_wait3A_111 = arith.constant 0 : i32
      %dma_wait3A_112 = arith.constant 0 : i32
      %dma_wait3A_113 = tpu.memref_slice %arg4[%add3A, %dma_wait3A_111, %dma_wait3A_112] : memref<32x80x128xi32, #tpu.memory_space<hbm>> -> memref<1x80x128xi32, #tpu.memory_space<hbm>>
      %dma_wait3A_114 = tpu.memref_squeeze %dma_wait3A_113 : memref<1x80x128xi32, #tpu.memory_space<hbm>> -> memref<80x128xi32, #tpu.memory_space<hbm>>
      %dma_wait3A_115 = arith.constant 0 : i32
      %dma_wait3A_116 = tpu.memref_slice %dma_wait3A_114[%mul3A_95, %dma_wait3A_115] : memref<80x128xi32, #tpu.memory_space<hbm>> -> memref<8x128xi32, #tpu.memory_space<hbm>>
      tpu.wait_dma2 semaphore(%arg16 : memref<!tpu.dma_semaphore, #tpu.memory_space<semaphore_mem>>) src(%dma_wait3A_116 : memref<8x128xi32, #tpu.memory_space<hbm>>) dst(%dma_wait3A_110 : memref<8x128xi32, #tpu.memory_space<vmem>>)
      %add3A_117 = arith.constant 1 : i32
      %add3A_118 = arith.addi %add3A_71, %add3A_117 : i32
      %lt3A = arith.constant 10 : i32
      %lt3A_119 = arith.cmpi slt, %add3A_118, %lt3A : i32
      %convert_element_type3A = arith.extui %lt3A_119 : i1 to i32
      %cond3A = arith.constant 0 : i32
      %cond3A_120 = arith.cmpi ne, %convert_element_type3A, %cond3A : i32
      scf.if %cond3A_120 {
        %add3A_1568 = arith.constant 1 : i32
        %add3A_1569 = arith.addi %add3A_71, %add3A_1568 : i32
        %mul3A_1570 = arith.constant 8 : i32
        %mul3A_1571 = arith.muli %add3A_1569, %mul3A_1570 : i32
        %dma_start3A_1572 = arith.constant 1 : i32
        %dma_start3A_1573 = arith.constant 0 : i32
        %dma_start3A_1574 = arith.constant 0 : i32
        %dma_start3A_1575 = tpu.memref_slice %arg8[%dma_start3A_1572, %dma_start3A_1573, %dma_start3A_1574] : memref<2x8x128xi32, #tpu.memory_space<vmem>> -> memref<1x8x128xi32, #tpu.memory_space<vmem>>
        %dma_start3A_1576 = tpu.memref_squeeze %dma_start3A_1575 : memref<1x8x128xi32, #tpu.memory_space<vmem>> -> memref<8x128xi32, #tpu.memory_space<vmem>>
        %dma_start3A_1577 = arith.constant 0 : i32
        %dma_start3A_1578 = arith.constant 0 : i32
        %dma_start3A_1579 = tpu.memref_slice %arg3[%add3A, %dma_start3A_1577, %dma_start3A_1578] : memref<32x80x128xi32, #tpu.memory_space<hbm>> -> memref<1x80x128xi32, #tpu.memory_space<hbm>>
        %dma_start3A_1580 = tpu.memref_squeeze %dma_start3A_1579 : memref<1x80x128xi32, #tpu.memory_space<hbm>> -> memref<80x128xi32, #tpu.memory_space<hbm>>
        %dma_start3A_1581 = arith.constant 0 : i32
        %dma_start3A_1582 = tpu.memref_slice %dma_start3A_1580[%mul3A_1571, %dma_start3A_1581] : memref<80x128xi32, #tpu.memory_space<hbm>> -> memref<8x128xi32, #tpu.memory_space<hbm>>
        %dma_start3A_1583 = arith.constant 0 : i32
        %dma_start3A_1584 = arith.constant 0 : i32
        %dma_start3A_1585 = tpu.memref_slice %arg8[%dma_start3A_1572, %dma_start3A_1583, %dma_start3A_1584] : memref<2x8x128xi32, #tpu.memory_space<vmem>> -> memref<1x8x128xi32, #tpu.memory_space<vmem>>
        %dma_start3A_1586 = tpu.memref_squeeze %dma_start3A_1585 : memref<1x8x128xi32, #tpu.memory_space<vmem>> -> memref<8x128xi32, #tpu.memory_space<vmem>>
        %dma_start3A_1587 = arith.constant 0 : i32
        %dma_start3A_1588 = arith.constant 0 : i32
        %dma_start3A_1589 = tpu.memref_slice %arg3[%add3A, %dma_start3A_1587, %dma_start3A_1588] : memref<32x80x128xi32, #tpu.memory_space<hbm>> -> memref<1x80x128xi32, #tpu.memory_space<hbm>>
        %dma_start3A_1590 = tpu.memref_squeeze %dma_start3A_1589 : memref<1x80x128xi32, #tpu.memory_space<hbm>> -> memref<80x128xi32, #tpu.memory_space<hbm>>
        %dma_start3A_1591 = arith.constant 0 : i32
        %dma_start3A_1592 = tpu.memref_slice %dma_start3A_1590[%mul3A_1571, %dma_start3A_1591] : memref<80x128xi32, #tpu.memory_space<hbm>> -> memref<8x128xi32, #tpu.memory_space<hbm>>
        tpu.enqueue_dma source(%dma_start3A_1592 : memref<8x128xi32, #tpu.memory_space<hbm>>) target(%dma_start3A_1586 : memref<8x128xi32, #tpu.memory_space<vmem>>) target_semaphore(%arg15 : memref<!tpu.dma_semaphore, #tpu.memory_space<semaphore_mem>>)
        %add3A_1593 = arith.constant 1 : i32
        %add3A_1594 = arith.addi %add3A_71, %add3A_1593 : i32
        %mul3A_1595 = arith.constant 8 : i32
        %mul3A_1596 = arith.muli %add3A_1594, %mul3A_1595 : i32
        %dma_start3A_1597 = arith.constant 1 : i32
        %dma_start3A_1598 = arith.constant 0 : i32
        %dma_start3A_1599 = arith.constant 0 : i32
        %dma_start3A_1600 = tpu.memref_slice %arg9[%dma_start3A_1597, %dma_start3A_1598, %dma_start3A_1599] : memref<2x8x128xi32, #tpu.memory_space<vmem>> -> memref<1x8x128xi32, #tpu.memory_space<vmem>>
        %dma_start3A_1601 = tpu.memref_squeeze %dma_start3A_1600 : memref<1x8x128xi32, #tpu.memory_space<vmem>> -> memref<8x128xi32, #tpu.memory_space<vmem>>
        %dma_start3A_1602 = arith.constant 0 : i32
        %dma_start3A_1603 = arith.constant 0 : i32
        %dma_start3A_1604 = tpu.memref_slice %arg4[%add3A, %dma_start3A_1602, %dma_start3A_1603] : memref<32x80x128xi32, #tpu.memory_space<hbm>> -> memref<1x80x128xi32, #tpu.memory_space<hbm>>
        %dma_start3A_1605 = tpu.memref_squeeze %dma_start3A_1604 : memref<1x80x128xi32, #tpu.memory_space<hbm>> -> memref<80x128xi32, #tpu.memory_space<hbm>>
        %dma_start3A_1606 = arith.constant 0 : i32
        %dma_start3A_1607 = tpu.memref_slice %dma_start3A_1605[%mul3A_1596, %dma_start3A_1606] : memref<80x128xi32, #tpu.memory_space<hbm>> -> memref<8x128xi32, #tpu.memory_space<hbm>>
        %dma_start3A_1608 = arith.constant 0 : i32
        %dma_start3A_1609 = arith.constant 0 : i32
        %dma_start3A_1610 = tpu.memref_slice %arg9[%dma_start3A_1597, %dma_start3A_1608, %dma_start3A_1609] : memref<2x8x128xi32, #tpu.memory_space<vmem>> -> memref<1x8x128xi32, #tpu.memory_space<vmem>>
        %dma_start3A_1611 = tpu.memref_squeeze %dma_start3A_1610 : memref<1x8x128xi32, #tpu.memory_space<vmem>> -> memref<8x128xi32, #tpu.memory_space<vmem>>
        %dma_start3A_1612 = arith.constant 0 : i32
        %dma_start3A_1613 = arith.constant 0 : i32
        %dma_start3A_1614 = tpu.memref_slice %arg4[%add3A, %dma_start3A_1612, %dma_start3A_1613] : memref<32x80x128xi32, #tpu.memory_space<hbm>> -> memref<1x80x128xi32, #tpu.memory_space<hbm>>
        %dma_start3A_1615 = tpu.memref_squeeze %dma_start3A_1614 : memref<1x80x128xi32, #tpu.memory_space<hbm>> -> memref<80x128xi32, #tpu.memory_space<hbm>>
        %dma_start3A_1616 = arith.constant 0 : i32
        %dma_start3A_1617 = tpu.memref_slice %dma_start3A_1615[%mul3A_1596, %dma_start3A_1616] : memref<80x128xi32, #tpu.memory_space<hbm>> -> memref<8x128xi32, #tpu.memory_space<hbm>>
        tpu.enqueue_dma source(%dma_start3A_1617 : memref<8x128xi32, #tpu.memory_space<hbm>>) target(%dma_start3A_1611 : memref<8x128xi32, #tpu.memory_space<vmem>>) target_semaphore(%arg17 : memref<!tpu.dma_semaphore, #tpu.memory_space<semaphore_mem>>)
      } else {
      }
      %dma_start3A_121 = arith.constant 0 : i32
      %dma_start3A_122 = arith.constant 0 : i32
      %dma_start3A_123 = arith.constant 0 : i32
      %dma_start3A_124 = arith.constant 0 : i32
      %dma_start3A_125 = arith.constant 0 : i32
      %dma_start3A_126 = tpu.memref_slice %arg10[%dma_start3A_123, %dma_start3A_124, %dma_start3A_125] : memref<2x128x128xf32, #tpu.memory_space<vmem>> -> memref<1x128x128xf32, #tpu.memory_space<vmem>>
      %dma_start3A_127 = tpu.memref_squeeze %dma_start3A_126 : memref<1x128x128xf32, #tpu.memory_space<vmem>> -> memref<128x128xf32, #tpu.memory_space<vmem>>
      %dma_start3A_128 = arith.constant 0 : i32
      %dma_start3A_129 = arith.constant 0 : i32
      %dma_start3A_130 = tpu.memref_slice %arg8[%dma_start3A_121, %dma_start3A_128, %dma_start3A_129] : memref<2x8x128xi32, #tpu.memory_space<vmem>> -> memref<1x8x128xi32, #tpu.memory_space<vmem>>
      %dma_start3A_131 = tpu.memref_squeeze %dma_start3A_130 : memref<1x8x128xi32, #tpu.memory_space<vmem>> -> memref<8x128xi32, #tpu.memory_space<vmem>>
      %dma_start3A_132 = arith.constant 0 : i32
      %dma_start3A_133 = tpu.memref_slice %dma_start3A_131[%dma_start3A_122, %dma_start3A_132] : memref<8x128xi32, #tpu.memory_space<vmem>> -> memref<1x128xi32, #tpu.memory_space<vmem>>
      %dma_start3A_134 = tpu.memref_squeeze %dma_start3A_133 : memref<1x128xi32, #tpu.memory_space<vmem>> -> memref<128xi32, #tpu.memory_space<vmem>>
      %dma_start3A_135 = arith.constant 0 : i32
      %dma_start3A_136 = arith.constant 0 : i32
      %dma_start3A_137 = tpu.memref_slice %arg2[%dma_start3A_135, %dma_start3A_136] : memref<10240x128xf32, #tpu.memory_space<hbm>> -> memref<10240x128xf32, #tpu.memory_space<hbm>>
      tpu.enqueue_indirect_dma source(%dma_start3A_137 : memref<10240x128xf32, #tpu.memory_space<hbm>>) target(%dma_start3A_127 : memref<128x128xf32, #tpu.memory_space<vmem>>) offsets(%dma_start3A_134 : memref<128xi32, #tpu.memory_space<vmem>>) semaphore(%arg12 : memref<!tpu.dma_semaphore, #tpu.memory_space<semaphore_mem>>)
      %dma_start3A_138 = arith.constant 0 : i32
      %dma_start3A_139 = arith.constant 1 : i32
      %dma_start3A_140 = arith.constant 1 : i32
      %dma_start3A_141 = arith.constant 0 : i32
      %dma_start3A_142 = arith.constant 0 : i32
      %dma_start3A_143 = tpu.memref_slice %arg10[%dma_start3A_140, %dma_start3A_141, %dma_start3A_142] : memref<2x128x128xf32, #tpu.memory_space<vmem>> -> memref<1x128x128xf32, #tpu.memory_space<vmem>>
      %dma_start3A_144 = tpu.memref_squeeze %dma_start3A_143 : memref<1x128x128xf32, #tpu.memory_space<vmem>> -> memref<128x128xf32, #tpu.memory_space<vmem>>
      %dma_start3A_145 = arith.constant 0 : i32
      %dma_start3A_146 = arith.constant 0 : i32
      %dma_start3A_147 = tpu.memref_slice %arg8[%dma_start3A_138, %dma_start3A_145, %dma_start3A_146] : memref<2x8x128xi32, #tpu.memory_space<vmem>> -> memref<1x8x128xi32, #tpu.memory_space<vmem>>
      %dma_start3A_148 = tpu.memref_squeeze %dma_start3A_147 : memref<1x8x128xi32, #tpu.memory_space<vmem>> -> memref<8x128xi32, #tpu.memory_space<vmem>>
      %dma_start3A_149 = arith.constant 0 : i32
      %dma_start3A_150 = tpu.memref_slice %dma_start3A_148[%dma_start3A_139, %dma_start3A_149] : memref<8x128xi32, #tpu.memory_space<vmem>> -> memref<1x128xi32, #tpu.memory_space<vmem>>
      %dma_start3A_151 = tpu.memref_squeeze %dma_start3A_150 : memref<1x128xi32, #tpu.memory_space<vmem>> -> memref<128xi32, #tpu.memory_space<vmem>>
      %dma_start3A_152 = arith.constant 0 : i32
      %dma_start3A_153 = arith.constant 0 : i32
      %dma_start3A_154 = tpu.memref_slice %arg2[%dma_start3A_152, %dma_start3A_153] : memref<10240x128xf32, #tpu.memory_space<hbm>> -> memref<10240x128xf32, #tpu.memory_space<hbm>>
      tpu.enqueue_indirect_dma source(%dma_start3A_154 : memref<10240x128xf32, #tpu.memory_space<hbm>>) target(%dma_start3A_144 : memref<128x128xf32, #tpu.memory_space<vmem>>) offsets(%dma_start3A_151 : memref<128xi32, #tpu.memory_space<vmem>>) semaphore(%arg13 : memref<!tpu.dma_semaphore, #tpu.memory_space<semaphore_mem>>)
      %dma_wait3A_155 = arith.constant 0 : i32
      %dma_wait3A_156 = arith.constant 0 : i32
      %dma_wait3A_157 = arith.constant 0 : i32
      %dma_wait3A_158 = arith.constant 0 : i32
      %dma_wait3A_159 = arith.constant 0 : i32
      %dma_wait3A_160 = tpu.memref_slice %arg10[%dma_wait3A_157, %dma_wait3A_158, %dma_wait3A_159] : memref<2x128x128xf32, #tpu.memory_space<vmem>> -> memref<1x128x128xf32, #tpu.memory_space<vmem>>
      %dma_wait3A_161 = tpu.memref_squeeze %dma_wait3A_160 : memref<1x128x128xf32, #tpu.memory_space<vmem>> -> memref<128x128xf32, #tpu.memory_space<vmem>>
      %dma_wait3A_162 = arith.constant 0 : i32
      %dma_wait3A_163 = arith.constant 0 : i32
      %dma_wait3A_164 = tpu.memref_slice %arg8[%dma_wait3A_155, %dma_wait3A_162, %dma_wait3A_163] : memref<2x8x128xi32, #tpu.memory_space<vmem>> -> memref<1x8x128xi32, #tpu.memory_space<vmem>>
      %dma_wait3A_165 = tpu.memref_squeeze %dma_wait3A_164 : memref<1x8x128xi32, #tpu.memory_space<vmem>> -> memref<8x128xi32, #tpu.memory_space<vmem>>
      %dma_wait3A_166 = arith.constant 0 : i32
      %dma_wait3A_167 = tpu.memref_slice %dma_wait3A_165[%dma_wait3A_156, %dma_wait3A_166] : memref<8x128xi32, #tpu.memory_space<vmem>> -> memref<1x128xi32, #tpu.memory_space<vmem>>
      %dma_wait3A_168 = tpu.memref_squeeze %dma_wait3A_167 : memref<1x128xi32, #tpu.memory_space<vmem>> -> memref<128xi32, #tpu.memory_space<vmem>>
      %dma_wait3A_169 = arith.constant 0 : i32
      %dma_wait3A_170 = arith.constant 0 : i32
      %dma_wait3A_171 = tpu.memref_slice %arg2[%dma_wait3A_169, %dma_wait3A_170] : memref<10240x128xf32, #tpu.memory_space<hbm>> -> memref<10240x128xf32, #tpu.memory_space<hbm>>
      tpu.wait_indirect_dma semaphore(%arg12 : memref<!tpu.dma_semaphore, #tpu.memory_space<semaphore_mem>>) src(%dma_wait3A_171 : memref<10240x128xf32, #tpu.memory_space<hbm>>) dst(%dma_wait3A_161 : memref<128x128xf32, #tpu.memory_space<vmem>>)
      %run_scoped3A = arith.constant 0 : i32
      %run_scoped3A_172 = arith.constant 0 : i32
      %run_scoped3A_173 = arith.constant 0 : i32
      "tpu.region"() ({
        %run_scoped3A_1568 = tpu.sem_alloc : memref<!tpu.dma_semaphore, #tpu.memory_space<semaphore_mem>>
        %dma_start3A_1569 = arith.constant 0 : i32
        %dma_start3A_1570 = arith.constant 0 : i32
        %dma_start3A_1571 = tpu.memref_slice %arg10[%run_scoped3A, %dma_start3A_1569, %dma_start3A_1570] : memref<2x128x128xf32, #tpu.memory_space<vmem>> -> memref<1x128x128xf32, #tpu.memory_space<vmem>>
        %dma_start3A_1572 = tpu.memref_squeeze %dma_start3A_1571 : memref<1x128x128xf32, #tpu.memory_space<vmem>> -> memref<128x128xf32, #tpu.memory_space<vmem>>
        %dma_start3A_1573 = arith.constant 0 : i32
        %dma_start3A_1574 = arith.constant 0 : i32
        %dma_start3A_1575 = tpu.memref_slice %arg9[%run_scoped3A_172, %dma_start3A_1573, %dma_start3A_1574] : memref<2x8x128xi32, #tpu.memory_space<vmem>> -> memref<1x8x128xi32, #tpu.memory_space<vmem>>
        %dma_start3A_1576 = tpu.memref_squeeze %dma_start3A_1575 : memref<1x8x128xi32, #tpu.memory_space<vmem>> -> memref<8x128xi32, #tpu.memory_space<vmem>>
        %dma_start3A_1577 = arith.constant 0 : i32
        %dma_start3A_1578 = tpu.memref_slice %dma_start3A_1576[%run_scoped3A_173, %dma_start3A_1577] : memref<8x128xi32, #tpu.memory_space<vmem>> -> memref<1x128xi32, #tpu.memory_space<vmem>>
        %dma_start3A_1579 = tpu.memref_squeeze %dma_start3A_1578 : memref<1x128xi32, #tpu.memory_space<vmem>> -> memref<128xi32, #tpu.memory_space<vmem>>
        %dma_start3A_1580 = arith.constant 0 : i32
        %dma_start3A_1581 = arith.constant 0 : i32
        %dma_start3A_1582 = tpu.memref_slice %arg11[%dma_start3A_1580, %dma_start3A_1581] : memref<10240x128xf32, #tpu.memory_space<vmem_shared>> -> memref<10240x128xf32, #tpu.memory_space<vmem_shared>>
        tpu.enqueue_indirect_dma source(%dma_start3A_1572 : memref<128x128xf32, #tpu.memory_space<vmem>>) target(%dma_start3A_1582 : memref<10240x128xf32, #tpu.memory_space<vmem_shared>>) offsets(%dma_start3A_1579 : memref<128xi32, #tpu.memory_space<vmem>>) semaphore(%run_scoped3A_1568 : memref<!tpu.dma_semaphore, #tpu.memory_space<semaphore_mem>>) {add = true}
        %dma_wait3A_1583 = arith.constant 0 : i32
        %dma_wait3A_1584 = arith.constant 0 : i32
        %dma_wait3A_1585 = tpu.memref_slice %arg10[%run_scoped3A, %dma_wait3A_1583, %dma_wait3A_1584] : memref<2x128x128xf32, #tpu.memory_space<vmem>> -> memref<1x128x128xf32, #tpu.memory_space<vmem>>
        %dma_wait3A_1586 = tpu.memref_squeeze %dma_wait3A_1585 : memref<1x128x128xf32, #tpu.memory_space<vmem>> -> memref<128x128xf32, #tpu.memory_space<vmem>>
        %dma_wait3A_1587 = arith.constant 0 : i32
        %dma_wait3A_1588 = arith.constant 0 : i32
        %dma_wait3A_1589 = tpu.memref_slice %arg9[%run_scoped3A_172, %dma_wait3A_1587, %dma_wait3A_1588] : memref<2x8x128xi32, #tpu.memory_space<vmem>> -> memref<1x8x128xi32, #tpu.memory_space<vmem>>
        %dma_wait3A_1590 = tpu.memref_squeeze %dma_wait3A_1589 : memref<1x8x128xi32, #tpu.memory_space<vmem>> -> memref<8x128xi32, #tpu.memory_space<vmem>>
        %dma_wait3A_1591 = arith.constant 0 : i32
        %dma_wait3A_1592 = tpu.memref_slice %dma_wait3A_1590[%run_scoped3A_173, %dma_wait3A_1591] : memref<8x128xi32, #tpu.memory_space<vmem>> -> memref<1x128xi32, #tpu.memory_space<vmem>>
        %dma_wait3A_1593 = tpu.memref_squeeze %dma_wait3A_1592 : memref<1x128xi32, #tpu.memory_space<vmem>> -> memref<128xi32, #tpu.memory_space<vmem>>
        %dma_wait3A_1594 = arith.constant 0 : i32
        %dma_wait3A_1595 = arith.constant 0 : i32
        %dma_wait3A_1596 = tpu.memref_slice %arg11[%dma_wait3A_1594, %dma_wait3A_1595] : memref<10240x128xf32, #tpu.memory_space<vmem_shared>> -> memref<10240x128xf32, #tpu.memory_space<vmem_shared>>
        tpu.wait_indirect_dma semaphore(%run_scoped3A_1568 : memref<!tpu.dma_semaphore, #tpu.memory_space<semaphore_mem>>) src(%dma_wait3A_1586 : memref<128x128xf32, #tpu.memory_space<vmem>>) dst(%dma_wait3A_1596 : memref<10240x128xf32, #tpu.memory_space<vmem_shared>>)
        tpu.yield
      }) : () -> ()
      %dma_start3A_174 = arith.constant 0 : i32
      %dma_start3A_175 = arith.constant 2 : i32
      %dma_start3A_176 = arith.constant 0 : i32
      %dma_start3A_177 = arith.constant 0 : i32
      %dma_start3A_178 = arith.constant 0 : i32
      %dma_start3A_179 = tpu.memref_slice %arg10[%dma_start3A_176, %dma_start3A_177, %dma_start3A_178] : memref<2x128x128xf32, #tpu.memory_space<vmem>> -> memref<1x128x128xf32, #tpu.memory_space<vmem>>
      %dma_start3A_180 = tpu.memref_squeeze %dma_start3A_179 : memref<1x128x128xf32, #tpu.memory_space<vmem>> -> memref<128x128xf32, #tpu.memory_space<vmem>>
      %dma_start3A_181 = arith.constant 0 : i32
      %dma_start3A_182 = arith.constant 0 : i32
      %dma_start3A_183 = tpu.memref_slice %arg8[%dma_start3A_174, %dma_start3A_181, %dma_start3A_182] : memref<2x8x128xi32, #tpu.memory_space<vmem>> -> memref<1x8x128xi32, #tpu.memory_space<vmem>>
      %dma_start3A_184 = tpu.memref_squeeze %dma_start3A_183 : memref<1x8x128xi32, #tpu.memory_space<vmem>> -> memref<8x128xi32, #tpu.memory_space<vmem>>
      %dma_start3A_185 = arith.constant 0 : i32
      %dma_start3A_186 = tpu.memref_slice %dma_start3A_184[%dma_start3A_175, %dma_start3A_185] : memref<8x128xi32, #tpu.memory_space<vmem>> -> memref<1x128xi32, #tpu.memory_space<vmem>>
      %dma_start3A_187 = tpu.memref_squeeze %dma_start3A_186 : memref<1x128xi32, #tpu.memory_space<vmem>> -> memref<128xi32, #tpu.memory_space<vmem>>
      %dma_start3A_188 = arith.constant 0 : i32
      %dma_start3A_189 = arith.constant 0 : i32
      %dma_start3A_190 = tpu.memref_slice %arg2[%dma_start3A_188, %dma_start3A_189] : memref<10240x128xf32, #tpu.memory_space<hbm>> -> memref<10240x128xf32, #tpu.memory_space<hbm>>
      tpu.enqueue_indirect_dma source(%dma_start3A_190 : memref<10240x128xf32, #tpu.memory_space<hbm>>) target(%dma_start3A_180 : memref<128x128xf32, #tpu.memory_space<vmem>>) offsets(%dma_start3A_187 : memref<128xi32, #tpu.memory_space<vmem>>) semaphore(%arg12 : memref<!tpu.dma_semaphore, #tpu.memory_space<semaphore_mem>>)
      %broadcast_in_dim3A_191 = arith.constant 1.000000e+00 : f32
      %broadcast_in_dim3A_192 = vector.broadcast %broadcast_in_dim3A_191 : f32 to vector<16xf32>
      %get3A = arith.constant 0 : i32
      %get3A_193 = arith.constant 0 : i32
      %get3A_194 = arith.index_cast %get3A : i32 to index
      %get3A_195 = arith.index_cast %get3A_193 : i32 to index
      %get3A_196 = arith.constant 0 : index
      %get3A_197 = tpu.vector_load %arg9[%get3A_194, %get3A_195, %get3A_196] {strides = array<i32>} : memref<2x8x128xi32, #tpu.memory_space<vmem>>, vector<16xi32>,
      tpu.vector_store_idx %arg18[%get3A_197], %broadcast_in_dim3A_192 {add = true} : memref<10240xf32, #tpu.memory_space<vmem>>[vector<16xi32>], vector<16xf32>,
      %get3A_198 = arith.constant 0 : i32
      %get3A_199 = arith.constant 0 : i32
      %get3A_200 = arith.index_cast %get3A_198 : i32 to index
      %get3A_201 = arith.index_cast %get3A_199 : i32 to index
      %get3A_202 = arith.constant 16 : index
      %get3A_203 = tpu.vector_load %arg9[%get3A_200, %get3A_201, %get3A_202] {strides = array<i32>} : memref<2x8x128xi32, #tpu.memory_space<vmem>>, vector<16xi32>,
      tpu.vector_store_idx %arg18[%get3A_203], %broadcast_in_dim3A_192 {add = true} : memref<10240xf32, #tpu.memory_space<vmem>>[vector<16xi32>], vector<16xf32>,
      %get3A_204 = arith.constant 0 : i32
      %get3A_205 = arith.constant 0 : i32
      %get3A_206 = arith.index_cast %get3A_204 : i32 to index
      %get3A_207 = arith.index_cast %get3A_205 : i32 to index
      %get3A_208 = arith.constant 32 : index
      %get3A_209 = tpu.vector_load %arg9[%get3A_206, %get3A_207, %get3A_208] {strides = array<i32>} : memref<2x8x128xi32, #tpu.memory_space<vmem>>, vector<16xi32>,
      tpu.vector_store_idx %arg18[%get3A_209], %broadcast_in_dim3A_192 {add = true} : memref<10240xf32, #tpu.memory_space<vmem>>[vector<16xi32>], vector<16xf32>,
      %get3A_210 = arith.constant 0 : i32
      %get3A_211 = arith.constant 0 : i32
      %get3A_212 = arith.index_cast %get3A_210 : i32 to index
      %get3A_213 = arith.index_cast %get3A_211 : i32 to index
      %get3A_214 = arith.constant 48 : index
      %get3A_215 = tpu.vector_load %arg9[%get3A_212, %get3A_213, %get3A_214] {strides = array<i32>} : memref<2x8x128xi32, #tpu.memory_space<vmem>>, vector<16xi32>,
      tpu.vector_store_idx %arg18[%get3A_215], %broadcast_in_dim3A_192 {add = true} : memref<10240xf32, #tpu.memory_space<vmem>>[vector<16xi32>], vector<16xf32>,
      %get3A_216 = arith.constant 0 : i32
      %get3A_217 = arith.constant 0 : i32
      %get3A_218 = arith.index_cast %get3A_216 : i32 to index
      %get3A_219 = arith.index_cast %get3A_217 : i32 to index
      %get3A_220 = arith.constant 64 : index
      %get3A_221 = tpu.vector_load %arg9[%get3A_218, %get3A_219, %get3A_220] {strides = array<i32>} : memref<2x8x128xi32, #tpu.memory_space<vmem>>, vector<16xi32>,
      tpu.vector_store_idx %arg18[%get3A_221], %broadcast_in_dim3A_192 {add = true} : memref<10240xf32, #tpu.memory_space<vmem>>[vector<16xi32>], vector<16xf32>,
      %get3A_222 = arith.constant 0 : i32
      %get3A_223 = arith.constant 0 : i32
      %get3A_224 = arith.index_cast %get3A_222 : i32 to index
      %get3A_225 = arith.index_cast %get3A_223 : i32 to index
      %get3A_226 = arith.constant 80 : index
      %get3A_227 = tpu.vector_load %arg9[%get3A_224, %get3A_225, %get3A_226] {strides = array<i32>} : memref<2x8x128xi32, #tpu.memory_space<vmem>>, vector<16xi32>,
      tpu.vector_store_idx %arg18[%get3A_227], %broadcast_in_dim3A_192 {add = true} : memref<10240xf32, #tpu.memory_space<vmem>>[vector<16xi32>], vector<16xf32>,
      %get3A_228 = arith.constant 0 : i32
      %get3A_229 = arith.constant 0 : i32
      %get3A_230 = arith.index_cast %get3A_228 : i32 to index
      %get3A_231 = arith.index_cast %get3A_229 : i32 to index
      %get3A_232 = arith.constant 96 : index
      %get3A_233 = tpu.vector_load %arg9[%get3A_230, %get3A_231, %get3A_232] {strides = array<i32>} : memref<2x8x128xi32, #tpu.memory_space<vmem>>, vector<16xi32>,
      tpu.vector_store_idx %arg18[%get3A_233], %broadcast_in_dim3A_192 {add = true} : memref<10240xf32, #tpu.memory_space<vmem>>[vector<16xi32>], vector<16xf32>,
      %get3A_234 = arith.constant 0 : i32
      %get3A_235 = arith.constant 0 : i32
      %get3A_236 = arith.index_cast %get3A_234 : i32 to index
      %get3A_237 = arith.index_cast %get3A_235 : i32 to index
      %get3A_238 = arith.constant 112 : index
      %get3A_239 = tpu.vector_load %arg9[%get3A_236, %get3A_237, %get3A_238] {strides = array<i32>} : memref<2x8x128xi32, #tpu.memory_space<vmem>>, vector<16xi32>,
      tpu.vector_store_idx %arg18[%get3A_239], %broadcast_in_dim3A_192 {add = true} : memref<10240xf32, #tpu.memory_space<vmem>>[vector<16xi32>], vector<16xf32>,
      %dma_wait3A_240 = arith.constant 0 : i32
      %dma_wait3A_241 = arith.constant 1 : i32
      %dma_wait3A_242 = arith.constant 1 : i32
      %dma_wait3A_243 = arith.constant 0 : i32
      %dma_wait3A_244 = arith.constant 0 : i32
      %dma_wait3A_245 = tpu.memref_slice %arg10[%dma_wait3A_242, %dma_wait3A_243, %dma_wait3A_244] : memref<2x128x128xf32, #tpu.memory_space<vmem>> -> memref<1x128x128xf32, #tpu.memory_space<vmem>>
      %dma_wait3A_246 = tpu.memref_squeeze %dma_wait3A_245 : memref<1x128x128xf32, #tpu.memory_space<vmem>> -> memref<128x128xf32, #tpu.memory_space<vmem>>
      %dma_wait3A_247 = arith.constant 0 : i32
      %dma_wait3A_248 = arith.constant 0 : i32
      %dma_wait3A_249 = tpu.memref_slice %arg8[%dma_wait3A_240, %dma_wait3A_247, %dma_wait3A_248] : memref<2x8x128xi32, #tpu.memory_space<vmem>> -> memref<1x8x128xi32, #tpu.memory_space<vmem>>
      %dma_wait3A_250 = tpu.memref_squeeze %dma_wait3A_249 : memref<1x8x128xi32, #tpu.memory_space<vmem>> -> memref<8x128xi32, #tpu.memory_space<vmem>>
      %dma_wait3A_251 = arith.constant 0 : i32
      %dma_wait3A_252 = tpu.memref_slice %dma_wait3A_250[%dma_wait3A_241, %dma_wait3A_251] : memref<8x128xi32, #tpu.memory_space<vmem>> -> memref<1x128xi32, #tpu.memory_space<vmem>>
      %dma_wait3A_253 = tpu.memref_squeeze %dma_wait3A_252 : memref<1x128xi32, #tpu.memory_space<vmem>> -> memref<128xi32, #tpu.memory_space<vmem>>
      %dma_wait3A_254 = arith.constant 0 : i32
      %dma_wait3A_255 = arith.constant 0 : i32
      %dma_wait3A_256 = tpu.memref_slice %arg2[%dma_wait3A_254, %dma_wait3A_255] : memref<10240x128xf32, #tpu.memory_space<hbm>> -> memref<10240x128xf32, #tpu.memory_space<hbm>>
      tpu.wait_indirect_dma semaphore(%arg13 : memref<!tpu.dma_semaphore, #tpu.memory_space<semaphore_mem>>) src(%dma_wait3A_256 : memref<10240x128xf32, #tpu.memory_space<hbm>>) dst(%dma_wait3A_246 : memref<128x128xf32, #tpu.memory_space<vmem>>)
      %run_scoped3A_257 = arith.constant 1 : i32
      %run_scoped3A_258 = arith.constant 0 : i32
      %run_scoped3A_259 = arith.constant 1 : i32
      "tpu.region"() ({
        %run_scoped3A_1568 = tpu.sem_alloc : memref<!tpu.dma_semaphore, #tpu.memory_space<semaphore_mem>>
        %dma_start3A_1569 = arith.constant 0 : i32
        %dma_start3A_1570 = arith.constant 0 : i32
        %dma_start3A_1571 = tpu.memref_slice %arg10[%run_scoped3A_257, %dma_start3A_1569, %dma_start3A_1570] : memref<2x128x128xf32, #tpu.memory_space<vmem>> -> memref<1x128x128xf32, #tpu.memory_space<vmem>>
        %dma_start3A_1572 = tpu.memref_squeeze %dma_start3A_1571 : memref<1x128x128xf32, #tpu.memory_space<vmem>> -> memref<128x128xf32, #tpu.memory_space<vmem>>
        %dma_start3A_1573 = arith.constant 0 : i32
        %dma_start3A_1574 = arith.constant 0 : i32
        %dma_start3A_1575 = tpu.memref_slice %arg9[%run_scoped3A_258, %dma_start3A_1573, %dma_start3A_1574] : memref<2x8x128xi32, #tpu.memory_space<vmem>> -> memref<1x8x128xi32, #tpu.memory_space<vmem>>
        %dma_start3A_1576 = tpu.memref_squeeze %dma_start3A_1575 : memref<1x8x128xi32, #tpu.memory_space<vmem>> -> memref<8x128xi32, #tpu.memory_space<vmem>>
        %dma_start3A_1577 = arith.constant 0 : i32
        %dma_start3A_1578 = tpu.memref_slice %dma_start3A_1576[%run_scoped3A_259, %dma_start3A_1577] : memref<8x128xi32, #tpu.memory_space<vmem>> -> memref<1x128xi32, #tpu.memory_space<vmem>>
        %dma_start3A_1579 = tpu.memref_squeeze %dma_start3A_1578 : memref<1x128xi32, #tpu.memory_space<vmem>> -> memref<128xi32, #tpu.memory_space<vmem>>
        %dma_start3A_1580 = arith.constant 0 : i32
        %dma_start3A_1581 = arith.constant 0 : i32
        %dma_start3A_1582 = tpu.memref_slice %arg11[%dma_start3A_1580, %dma_start3A_1581] : memref<10240x128xf32, #tpu.memory_space<vmem_shared>> -> memref<10240x128xf32, #tpu.memory_space<vmem_shared>>
        tpu.enqueue_indirect_dma source(%dma_start3A_1572 : memref<128x128xf32, #tpu.memory_space<vmem>>) target(%dma_start3A_1582 : memref<10240x128xf32, #tpu.memory_space<vmem_shared>>) offsets(%dma_start3A_1579 : memref<128xi32, #tpu.memory_space<vmem>>) semaphore(%run_scoped3A_1568 : memref<!tpu.dma_semaphore, #tpu.memory_space<semaphore_mem>>) {add = true}
        %dma_wait3A_1583 = arith.constant 0 : i32
        %dma_wait3A_1584 = arith.constant 0 : i32
        %dma_wait3A_1585 = tpu.memref_slice %arg10[%run_scoped3A_257, %dma_wait3A_1583, %dma_wait3A_1584] : memref<2x128x128xf32, #tpu.memory_space<vmem>> -> memref<1x128x128xf32, #tpu.memory_space<vmem>>
        %dma_wait3A_1586 = tpu.memref_squeeze %dma_wait3A_1585 : memref<1x128x128xf32, #tpu.memory_space<vmem>> -> memref<128x128xf32, #tpu.memory_space<vmem>>
        %dma_wait3A_1587 = arith.constant 0 : i32
        %dma_wait3A_1588 = arith.constant 0 : i32
        %dma_wait3A_1589 = tpu.memref_slice %arg9[%run_scoped3A_258, %dma_wait3A_1587, %dma_wait3A_1588] : memref<2x8x128xi32, #tpu.memory_space<vmem>> -> memref<1x8x128xi32, #tpu.memory_space<vmem>>
        %dma_wait3A_1590 = tpu.memref_squeeze %dma_wait3A_1589 : memref<1x8x128xi32, #tpu.memory_space<vmem>> -> memref<8x128xi32, #tpu.memory_space<vmem>>
        %dma_wait3A_1591 = arith.constant 0 : i32
        %dma_wait3A_1592 = tpu.memref_slice %dma_wait3A_1590[%run_scoped3A_259, %dma_wait3A_1591] : memref<8x128xi32, #tpu.memory_space<vmem>> -> memref<1x128xi32, #tpu.memory_space<vmem>>
        %dma_wait3A_1593 = tpu.memref_squeeze %dma_wait3A_1592 : memref<1x128xi32, #tpu.memory_space<vmem>> -> memref<128xi32, #tpu.memory_space<vmem>>
        %dma_wait3A_1594 = arith.constant 0 : i32
        %dma_wait3A_1595 = arith.constant 0 : i32
        %dma_wait3A_1596 = tpu.memref_slice %arg11[%dma_wait3A_1594, %dma_wait3A_1595] : memref<10240x128xf32, #tpu.memory_space<vmem_shared>> -> memref<10240x128xf32, #tpu.memory_space<vmem_shared>>
        tpu.wait_indirect_dma semaphore(%run_scoped3A_1568 : memref<!tpu.dma_semaphore, #tpu.memory_space<semaphore_mem>>) src(%dma_wait3A_1586 : memref<128x128xf32, #tpu.memory_space<vmem>>) dst(%dma_wait3A_1596 : memref<10240x128xf32, #tpu.memory_space<vmem_shared>>)
        tpu.yield
      }) : () -> ()
      %dma_start3A_260 = arith.constant 0 : i32
      %dma_start3A_261 = arith.constant 3 : i32
      %dma_start3A_262 = arith.constant 1 : i32
      %dma_start3A_263 = arith.constant 0 : i32
      %dma_start3A_264 = arith.constant 0 : i32
      %dma_start3A_265 = tpu.memref_slice %arg10[%dma_start3A_262, %dma_start3A_263, %dma_start3A_264] : memref<2x128x128xf32, #tpu.memory_space<vmem>> -> memref<1x128x128xf32, #tpu.memory_space<vmem>>
      %dma_start3A_266 = tpu.memref_squeeze %dma_start3A_265 : memref<1x128x128xf32, #tpu.memory_space<vmem>> -> memref<128x128xf32, #tpu.memory_space<vmem>>
      %dma_start3A_267 = arith.constant 0 : i32
      %dma_start3A_268 = arith.constant 0 : i32
      %dma_start3A_269 = tpu.memref_slice %arg8[%dma_start3A_260, %dma_start3A_267, %dma_start3A_268] : memref<2x8x128xi32, #tpu.memory_space<vmem>> -> memref<1x8x128xi32, #tpu.memory_space<vmem>>
      %dma_start3A_270 = tpu.memref_squeeze %dma_start3A_269 : memref<1x8x128xi32, #tpu.memory_space<vmem>> -> memref<8x128xi32, #tpu.memory_space<vmem>>
      %dma_start3A_271 = arith.constant 0 : i32
      %dma_start3A_272 = tpu.memref_slice %dma_start3A_270[%dma_start3A_261, %dma_start3A_271] : memref<8x128xi32, #tpu.memory_space<vmem>> -> memref<1x128xi32, #tpu.memory_space<vmem>>
      %dma_start3A_273 = tpu.memref_squeeze %dma_start3A_272 : memref<1x128xi32, #tpu.memory_space<vmem>> -> memref<128xi32, #tpu.memory_space<vmem>>
      %dma_start3A_274 = arith.constant 0 : i32
      %dma_start3A_275 = arith.constant 0 : i32
      %dma_start3A_276 = tpu.memref_slice %arg2[%dma_start3A_274, %dma_start3A_275] : memref<10240x128xf32, #tpu.memory_space<hbm>> -> memref<10240x128xf32, #tpu.memory_space<hbm>>
      tpu.enqueue_indirect_dma source(%dma_start3A_276 : memref<10240x128xf32, #tpu.memory_space<hbm>>) target(%dma_start3A_266 : memref<128x128xf32, #tpu.memory_space<vmem>>) offsets(%dma_start3A_273 : memref<128xi32, #tpu.memory_space<vmem>>) semaphore(%arg13 : memref<!tpu.dma_semaphore, #tpu.memory_space<semaphore_mem>>)
      %broadcast_in_dim3A_277 = arith.constant 1.000000e+00 : f32
      %broadcast_in_dim3A_278 = vector.broadcast %broadcast_in_dim3A_277 : f32 to vector<16xf32>
      %get3A_279 = arith.constant 0 : i32
      %get3A_280 = arith.constant 1 : i32
      %get3A_281 = arith.index_cast %get3A_279 : i32 to index
      %get3A_282 = arith.index_cast %get3A_280 : i32 to index
      %get3A_283 = arith.constant 0 : index
      %get3A_284 = tpu.vector_load %arg9[%get3A_281, %get3A_282, %get3A_283] {strides = array<i32>} : memref<2x8x128xi32, #tpu.memory_space<vmem>>, vector<16xi32>,
      tpu.vector_store_idx %arg18[%get3A_284], %broadcast_in_dim3A_278 {add = true} : memref<10240xf32, #tpu.memory_space<vmem>>[vector<16xi32>], vector<16xf32>,
      %get3A_285 = arith.constant 0 : i32
      %get3A_286 = arith.constant 1 : i32
      %get3A_287 = arith.index_cast %get3A_285 : i32 to index
      %get3A_288 = arith.index_cast %get3A_286 : i32 to index
      %get3A_289 = arith.constant 16 : index
      %get3A_290 = tpu.vector_load %arg9[%get3A_287, %get3A_288, %get3A_289] {strides = array<i32>} : memref<2x8x128xi32, #tpu.memory_space<vmem>>, vector<16xi32>,
      tpu.vector_store_idx %arg18[%get3A_290], %broadcast_in_dim3A_278 {add = true} : memref<10240xf32, #tpu.memory_space<vmem>>[vector<16xi32>], vector<16xf32>,
      %get3A_291 = arith.constant 0 : i32
      %get3A_292 = arith.constant 1 : i32
      %get3A_293 = arith.index_cast %get3A_291 : i32 to index
      %get3A_294 = arith.index_cast %get3A_292 : i32 to index
      %get3A_295 = arith.constant 32 : index
      %get3A_296 = tpu.vector_load %arg9[%get3A_293, %get3A_294, %get3A_295] {strides = array<i32>} : memref<2x8x128xi32, #tpu.memory_space<vmem>>, vector<16xi32>,
      tpu.vector_store_idx %arg18[%get3A_296], %broadcast_in_dim3A_278 {add = true} : memref<10240xf32, #tpu.memory_space<vmem>>[vector<16xi32>], vector<16xf32>,
      %get3A_297 = arith.constant 0 : i32
      %get3A_298 = arith.constant 1 : i32
      %get3A_299 = arith.index_cast %get3A_297 : i32 to index
      %get3A_300 = arith.index_cast %get3A_298 : i32 to index
      %get3A_301 = arith.constant 48 : index
      %get3A_302 = tpu.vector_load %arg9[%get3A_299, %get3A_300, %get3A_301] {strides = array<i32>} : memref<2x8x128xi32, #tpu.memory_space<vmem>>, vector<16xi32>,
      tpu.vector_store_idx %arg18[%get3A_302], %broadcast_in_dim3A_278 {add = true} : memref<10240xf32, #tpu.memory_space<vmem>>[vector<16xi32>], vector<16xf32>,
      %get3A_303 = arith.constant 0 : i32
      %get3A_304 = arith.constant 1 : i32
      %get3A_305 = arith.index_cast %get3A_303 : i32 to index
      %get3A_306 = arith.index_cast %get3A_304 : i32 to index
      %get3A_307 = arith.constant 64 : index
      %get3A_308 = tpu.vector_load %arg9[%get3A_305, %get3A_306, %get3A_307] {strides = array<i32>} : memref<2x8x128xi32, #tpu.memory_space<vmem>>, vector<16xi32>,
      tpu.vector_store_idx %arg18[%get3A_308], %broadcast_in_dim3A_278 {add = true} : memref<10240xf32, #tpu.memory_space<vmem>>[vector<16xi32>], vector<16xf32>,
      %get3A_309 = arith.constant 0 : i32
      %get3A_310 = arith.constant 1 : i32
      %get3A_311 = arith.index_cast %get3A_309 : i32 to index
      %get3A_312 = arith.index_cast %get3A_310 : i32 to index
      %get3A_313 = arith.constant 80 : index
      %get3A_314 = tpu.vector_load %arg9[%get3A_311, %get3A_312, %get3A_313] {strides = array<i32>} : memref<2x8x128xi32, #tpu.memory_space<vmem>>, vector<16xi32>,
      tpu.vector_store_idx %arg18[%get3A_314], %broadcast_in_dim3A_278 {add = true} : memref<10240xf32, #tpu.memory_space<vmem>>[vector<16xi32>], vector<16xf32>,
      %get3A_315 = arith.constant 0 : i32
      %get3A_316 = arith.constant 1 : i32
      %get3A_317 = arith.index_cast %get3A_315 : i32 to index
      %get3A_318 = arith.index_cast %get3A_316 : i32 to index
      %get3A_319 = arith.constant 96 : index
      %get3A_320 = tpu.vector_load %arg9[%get3A_317, %get3A_318, %get3A_319] {strides = array<i32>} : memref<2x8x128xi32, #tpu.memory_space<vmem>>, vector<16xi32>,
      tpu.vector_store_idx %arg18[%get3A_320], %broadcast_in_dim3A_278 {add = true} : memref<10240xf32, #tpu.memory_space<vmem>>[vector<16xi32>], vector<16xf32>,
      %get3A_321 = arith.constant 0 : i32
      %get3A_322 = arith.constant 1 : i32
      %get3A_323 = arith.index_cast %get3A_321 : i32 to index
      %get3A_324 = arith.index_cast %get3A_322 : i32 to index
      %get3A_325 = arith.constant 112 : index
      %get3A_326 = tpu.vector_load %arg9[%get3A_323, %get3A_324, %get3A_325] {strides = array<i32>} : memref<2x8x128xi32, #tpu.memory_space<vmem>>, vector<16xi32>,
      tpu.vector_store_idx %arg18[%get3A_326], %broadcast_in_dim3A_278 {add = true} : memref<10240xf32, #tpu.memory_space<vmem>>[vector<16xi32>], vector<16xf32>,
      %dma_wait3A_327 = arith.constant 0 : i32
      %dma_wait3A_328 = arith.constant 2 : i32
      %dma_wait3A_329 = arith.constant 0 : i32
      %dma_wait3A_330 = arith.constant 0 : i32
      %dma_wait3A_331 = arith.constant 0 : i32
      %dma_wait3A_332 = tpu.memref_slice %arg10[%dma_wait3A_329, %dma_wait3A_330, %dma_wait3A_331] : memref<2x128x128xf32, #tpu.memory_space<vmem>> -> memref<1x128x128xf32, #tpu.memory_space<vmem>>
      %dma_wait3A_333 = tpu.memref_squeeze %dma_wait3A_332 : memref<1x128x128xf32, #tpu.memory_space<vmem>> -> memref<128x128xf32, #tpu.memory_space<vmem>>
      %dma_wait3A_334 = arith.constant 0 : i32
      %dma_wait3A_335 = arith.constant 0 : i32
      %dma_wait3A_336 = tpu.memref_slice %arg8[%dma_wait3A_327, %dma_wait3A_334, %dma_wait3A_335] : memref<2x8x128xi32, #tpu.memory_space<vmem>> -> memref<1x8x128xi32, #tpu.memory_space<vmem>>
      %dma_wait3A_337 = tpu.memref_squeeze %dma_wait3A_336 : memref<1x8x128xi32, #tpu.memory_space<vmem>> -> memref<8x128xi32, #tpu.memory_space<vmem>>
      %dma_wait3A_338 = arith.constant 0 : i32
      %dma_wait3A_339 = tpu.memref_slice %dma_wait3A_337[%dma_wait3A_328, %dma_wait3A_338] : memref<8x128xi32, #tpu.memory_space<vmem>> -> memref<1x128xi32, #tpu.memory_space<vmem>>
      %dma_wait3A_340 = tpu.memref_squeeze %dma_wait3A_339 : memref<1x128xi32, #tpu.memory_space<vmem>> -> memref<128xi32, #tpu.memory_space<vmem>>
      %dma_wait3A_341 = arith.constant 0 : i32
      %dma_wait3A_342 = arith.constant 0 : i32
      %dma_wait3A_343 = tpu.memref_slice %arg2[%dma_wait3A_341, %dma_wait3A_342] : memref<10240x128xf32, #tpu.memory_space<hbm>> -> memref<10240x128xf32, #tpu.memory_space<hbm>>
      tpu.wait_indirect_dma semaphore(%arg12 : memref<!tpu.dma_semaphore, #tpu.memory_space<semaphore_mem>>) src(%dma_wait3A_343 : memref<10240x128xf32, #tpu.memory_space<hbm>>) dst(%dma_wait3A_333 : memref<128x128xf32, #tpu.memory_space<vmem>>)
      %run_scoped3A_344 = arith.constant 0 : i32
      %run_scoped3A_345 = arith.constant 0 : i32
      %run_scoped3A_346 = arith.constant 2 : i32
      "tpu.region"() ({
        %run_scoped3A_1568 = tpu.sem_alloc : memref<!tpu.dma_semaphore, #tpu.memory_space<semaphore_mem>>
        %dma_start3A_1569 = arith.constant 0 : i32
        %dma_start3A_1570 = arith.constant 0 : i32
        %dma_start3A_1571 = tpu.memref_slice %arg10[%run_scoped3A_344, %dma_start3A_1569, %dma_start3A_1570] : memref<2x128x128xf32, #tpu.memory_space<vmem>> -> memref<1x128x128xf32, #tpu.memory_space<vmem>>
        %dma_start3A_1572 = tpu.memref_squeeze %dma_start3A_1571 : memref<1x128x128xf32, #tpu.memory_space<vmem>> -> memref<128x128xf32, #tpu.memory_space<vmem>>
        %dma_start3A_1573 = arith.constant 0 : i32
        %dma_start3A_1574 = arith.constant 0 : i32
        %dma_start3A_1575 = tpu.memref_slice %arg9[%run_scoped3A_345, %dma_start3A_1573, %dma_start3A_1574] : memref<2x8x128xi32, #tpu.memory_space<vmem>> -> memref<1x8x128xi32, #tpu.memory_space<vmem>>
        %dma_start3A_1576 = tpu.memref_squeeze %dma_start3A_1575 : memref<1x8x128xi32, #tpu.memory_space<vmem>> -> memref<8x128xi32, #tpu.memory_space<vmem>>
        %dma_start3A_1577 = arith.constant 0 : i32
        %dma_start3A_1578 = tpu.memref_slice %dma_start3A_1576[%run_scoped3A_346, %dma_start3A_1577] : memref<8x128xi32, #tpu.memory_space<vmem>> -> memref<1x128xi32, #tpu.memory_space<vmem>>
        %dma_start3A_1579 = tpu.memref_squeeze %dma_start3A_1578 : memref<1x128xi32, #tpu.memory_space<vmem>> -> memref<128xi32, #tpu.memory_space<vmem>>
        %dma_start3A_1580 = arith.constant 0 : i32
        %dma_start3A_1581 = arith.constant 0 : i32
        %dma_start3A_1582 = tpu.memref_slice %arg11[%dma_start3A_1580, %dma_start3A_1581] : memref<10240x128xf32, #tpu.memory_space<vmem_shared>> -> memref<10240x128xf32, #tpu.memory_space<vmem_shared>>
        tpu.enqueue_indirect_dma source(%dma_start3A_1572 : memref<128x128xf32, #tpu.memory_space<vmem>>) target(%dma_start3A_1582 : memref<10240x128xf32, #tpu.memory_space<vmem_shared>>) offsets(%dma_start3A_1579 : memref<128xi32, #tpu.memory_space<vmem>>) semaphore(%run_scoped3A_1568 : memref<!tpu.dma_semaphore, #tpu.memory_space<semaphore_mem>>) {add = true}
        %dma_wait3A_1583 = arith.constant 0 : i32
        %dma_wait3A_1584 = arith.constant 0 : i32
        %dma_wait3A_1585 = tpu.memref_slice %arg10[%run_scoped3A_344, %dma_wait3A_1583, %dma_wait3A_1584] : memref<2x128x128xf32, #tpu.memory_space<vmem>> -> memref<1x128x128xf32, #tpu.memory_space<vmem>>
        %dma_wait3A_1586 = tpu.memref_squeeze %dma_wait3A_1585 : memref<1x128x128xf32, #tpu.memory_space<vmem>> -> memref<128x128xf32, #tpu.memory_space<vmem>>
        %dma_wait3A_1587 = arith.constant 0 : i32
        %dma_wait3A_1588 = arith.constant 0 : i32
        %dma_wait3A_1589 = tpu.memref_slice %arg9[%run_scoped3A_345, %dma_wait3A_1587, %dma_wait3A_1588] : memref<2x8x128xi32, #tpu.memory_space<vmem>> -> memref<1x8x128xi32, #tpu.memory_space<vmem>>
        %dma_wait3A_1590 = tpu.memref_squeeze %dma_wait3A_1589 : memref<1x8x128xi32, #tpu.memory_space<vmem>> -> memref<8x128xi32, #tpu.memory_space<vmem>>
        %dma_wait3A_1591 = arith.constant 0 : i32
        %dma_wait3A_1592 = tpu.memref_slice %dma_wait3A_1590[%run_scoped3A_346, %dma_wait3A_1591] : memref<8x128xi32, #tpu.memory_space<vmem>> -> memref<1x128xi32, #tpu.memory_space<vmem>>
        %dma_wait3A_1593 = tpu.memref_squeeze %dma_wait3A_1592 : memref<1x128xi32, #tpu.memory_space<vmem>> -> memref<128xi32, #tpu.memory_space<vmem>>
        %dma_wait3A_1594 = arith.constant 0 : i32
        %dma_wait3A_1595 = arith.constant 0 : i32
        %dma_wait3A_1596 = tpu.memref_slice %arg11[%dma_wait3A_1594, %dma_wait3A_1595] : memref<10240x128xf32, #tpu.memory_space<vmem_shared>> -> memref<10240x128xf32, #tpu.memory_space<vmem_shared>>
        tpu.wait_indirect_dma semaphore(%run_scoped3A_1568 : memref<!tpu.dma_semaphore, #tpu.memory_space<semaphore_mem>>) src(%dma_wait3A_1586 : memref<128x128xf32, #tpu.memory_space<vmem>>) dst(%dma_wait3A_1596 : memref<10240x128xf32, #tpu.memory_space<vmem_shared>>)
        tpu.yield
      }) : () -> ()
      %dma_start3A_347 = arith.constant 0 : i32
      %dma_start3A_348 = arith.constant 4 : i32
      %dma_start3A_349 = arith.constant 0 : i32
      %dma_start3A_350 = arith.constant 0 : i32
      %dma_start3A_351 = arith.constant 0 : i32
      %dma_start3A_352 = tpu.memref_slice %arg10[%dma_start3A_349, %dma_start3A_350, %dma_start3A_351] : memref<2x128x128xf32, #tpu.memory_space<vmem>> -> memref<1x128x128xf32, #tpu.memory_space<vmem>>
      %dma_start3A_353 = tpu.memref_squeeze %dma_start3A_352 : memref<1x128x128xf32, #tpu.memory_space<vmem>> -> memref<128x128xf32, #tpu.memory_space<vmem>>
      %dma_start3A_354 = arith.constant 0 : i32
      %dma_start3A_355 = arith.constant 0 : i32
      %dma_start3A_356 = tpu.memref_slice %arg8[%dma_start3A_347, %dma_start3A_354, %dma_start3A_355] : memref<2x8x128xi32, #tpu.memory_space<vmem>> -> memref<1x8x128xi32, #tpu.memory_space<vmem>>
      %dma_start3A_357 = tpu.memref_squeeze %dma_start3A_356 : memref<1x8x128xi32, #tpu.memory_space<vmem>> -> memref<8x128xi32, #tpu.memory_space<vmem>>
      %dma_start3A_358 = arith.constant 0 : i32
      %dma_start3A_359 = tpu.memref_slice %dma_start3A_357[%dma_start3A_348, %dma_start3A_358] : memref<8x128xi32, #tpu.memory_space<vmem>> -> memref<1x128xi32, #tpu.memory_space<vmem>>
      %dma_start3A_360 = tpu.memref_squeeze %dma_start3A_359 : memref<1x128xi32, #tpu.memory_space<vmem>> -> memref<128xi32, #tpu.memory_space<vmem>>
      %dma_start3A_361 = arith.constant 0 : i32
      %dma_start3A_362 = arith.constant 0 : i32
      %dma_start3A_363 = tpu.memref_slice %arg2[%dma_start3A_361, %dma_start3A_362] : memref<10240x128xf32, #tpu.memory_space<hbm>> -> memref<10240x128xf32, #tpu.memory_space<hbm>>
      tpu.enqueue_indirect_dma source(%dma_start3A_363 : memref<10240x128xf32, #tpu.memory_space<hbm>>) target(%dma_start3A_353 : memref<128x128xf32, #tpu.memory_space<vmem>>) offsets(%dma_start3A_360 : memref<128xi32, #tpu.memory_space<vmem>>) semaphore(%arg12 : memref<!tpu.dma_semaphore, #tpu.memory_space<semaphore_mem>>)
      %broadcast_in_dim3A_364 = arith.constant 1.000000e+00 : f32
      %broadcast_in_dim3A_365 = vector.broadcast %broadcast_in_dim3A_364 : f32 to vector<16xf32>
      %get3A_366 = arith.constant 0 : i32
      %get3A_367 = arith.constant 2 : i32
      %get3A_368 = arith.index_cast %get3A_366 : i32 to index
      %get3A_369 = arith.index_cast %get3A_367 : i32 to index
      %get3A_370 = arith.constant 0 : index
      %get3A_371 = tpu.vector_load %arg9[%get3A_368, %get3A_369, %get3A_370] {strides = array<i32>} : memref<2x8x128xi32, #tpu.memory_space<vmem>>, vector<16xi32>,
      tpu.vector_store_idx %arg18[%get3A_371], %broadcast_in_dim3A_365 {add = true} : memref<10240xf32, #tpu.memory_space<vmem>>[vector<16xi32>], vector<16xf32>,
      %get3A_372 = arith.constant 0 : i32
      %get3A_373 = arith.constant 2 : i32
      %get3A_374 = arith.index_cast %get3A_372 : i32 to index
      %get3A_375 = arith.index_cast %get3A_373 : i32 to index
      %get3A_376 = arith.constant 16 : index
      %get3A_377 = tpu.vector_load %arg9[%get3A_374, %get3A_375, %get3A_376] {strides = array<i32>} : memref<2x8x128xi32, #tpu.memory_space<vmem>>, vector<16xi32>,
      tpu.vector_store_idx %arg18[%get3A_377], %broadcast_in_dim3A_365 {add = true} : memref<10240xf32, #tpu.memory_space<vmem>>[vector<16xi32>], vector<16xf32>,
      %get3A_378 = arith.constant 0 : i32
      %get3A_379 = arith.constant 2 : i32
      %get3A_380 = arith.index_cast %get3A_378 : i32 to index
      %get3A_381 = arith.index_cast %get3A_379 : i32 to index
      %get3A_382 = arith.constant 32 : index
      %get3A_383 = tpu.vector_load %arg9[%get3A_380, %get3A_381, %get3A_382] {strides = array<i32>} : memref<2x8x128xi32, #tpu.memory_space<vmem>>, vector<16xi32>,
      tpu.vector_store_idx %arg18[%get3A_383], %broadcast_in_dim3A_365 {add = true} : memref<10240xf32, #tpu.memory_space<vmem>>[vector<16xi32>], vector<16xf32>,
      %get3A_384 = arith.constant 0 : i32
      %get3A_385 = arith.constant 2 : i32
      %get3A_386 = arith.index_cast %get3A_384 : i32 to index
      %get3A_387 = arith.index_cast %get3A_385 : i32 to index
      %get3A_388 = arith.constant 48 : index
      %get3A_389 = tpu.vector_load %arg9[%get3A_386, %get3A_387, %get3A_388] {strides = array<i32>} : memref<2x8x128xi32, #tpu.memory_space<vmem>>, vector<16xi32>,
      tpu.vector_store_idx %arg18[%get3A_389], %broadcast_in_dim3A_365 {add = true} : memref<10240xf32, #tpu.memory_space<vmem>>[vector<16xi32>], vector<16xf32>,
      %get3A_390 = arith.constant 0 : i32
      %get3A_391 = arith.constant 2 : i32
      %get3A_392 = arith.index_cast %get3A_390 : i32 to index
      %get3A_393 = arith.index_cast %get3A_391 : i32 to index
      %get3A_394 = arith.constant 64 : index
      %get3A_395 = tpu.vector_load %arg9[%get3A_392, %get3A_393, %get3A_394] {strides = array<i32>} : memref<2x8x128xi32, #tpu.memory_space<vmem>>, vector<16xi32>,
      tpu.vector_store_idx %arg18[%get3A_395], %broadcast_in_dim3A_365 {add = true} : memref<10240xf32, #tpu.memory_space<vmem>>[vector<16xi32>], vector<16xf32>,
      %get3A_396 = arith.constant 0 : i32
      %get3A_397 = arith.constant 2 : i32
      %get3A_398 = arith.index_cast %get3A_396 : i32 to index
      %get3A_399 = arith.index_cast %get3A_397 : i32 to index
      %get3A_400 = arith.constant 80 : index
      %get3A_401 = tpu.vector_load %arg9[%get3A_398, %get3A_399, %get3A_400] {strides = array<i32>} : memref<2x8x128xi32, #tpu.memory_space<vmem>>, vector<16xi32>,
      tpu.vector_store_idx %arg18[%get3A_401], %broadcast_in_dim3A_365 {add = true} : memref<10240xf32, #tpu.memory_space<vmem>>[vector<16xi32>], vector<16xf32>,
      %get3A_402 = arith.constant 0 : i32
      %get3A_403 = arith.constant 2 : i32
      %get3A_404 = arith.index_cast %get3A_402 : i32 to index
      %get3A_405 = arith.index_cast %get3A_403 : i32 to index
      %get3A_406 = arith.constant 96 : index
      %get3A_407 = tpu.vector_load %arg9[%get3A_404, %get3A_405, %get3A_406] {strides = array<i32>} : memref<2x8x128xi32, #tpu.memory_space<vmem>>, vector<16xi32>,
      tpu.vector_store_idx %arg18[%get3A_407], %broadcast_in_dim3A_365 {add = true} : memref<10240xf32, #tpu.memory_space<vmem>>[vector<16xi32>], vector<16xf32>,
      %get3A_408 = arith.constant 0 : i32
      %get3A_409 = arith.constant 2 : i32
      %get3A_410 = arith.index_cast %get3A_408 : i32 to index
      %get3A_411 = arith.index_cast %get3A_409 : i32 to index
      %get3A_412 = arith.constant 112 : index
      %get3A_413 = tpu.vector_load %arg9[%get3A_410, %get3A_411, %get3A_412] {strides = array<i32>} : memref<2x8x128xi32, #tpu.memory_space<vmem>>, vector<16xi32>,
      tpu.vector_store_idx %arg18[%get3A_413], %broadcast_in_dim3A_365 {add = true} : memref<10240xf32, #tpu.memory_space<vmem>>[vector<16xi32>], vector<16xf32>,
      %dma_wait3A_414 = arith.constant 0 : i32
      %dma_wait3A_415 = arith.constant 3 : i32
      %dma_wait3A_416 = arith.constant 1 : i32
      %dma_wait3A_417 = arith.constant 0 : i32
      %dma_wait3A_418 = arith.constant 0 : i32
      %dma_wait3A_419 = tpu.memref_slice %arg10[%dma_wait3A_416, %dma_wait3A_417, %dma_wait3A_418] : memref<2x128x128xf32, #tpu.memory_space<vmem>> -> memref<1x128x128xf32, #tpu.memory_space<vmem>>
      %dma_wait3A_420 = tpu.memref_squeeze %dma_wait3A_419 : memref<1x128x128xf32, #tpu.memory_space<vmem>> -> memref<128x128xf32, #tpu.memory_space<vmem>>
      %dma_wait3A_421 = arith.constant 0 : i32
      %dma_wait3A_422 = arith.constant 0 : i32
      %dma_wait3A_423 = tpu.memref_slice %arg8[%dma_wait3A_414, %dma_wait3A_421, %dma_wait3A_422] : memref<2x8x128xi32, #tpu.memory_space<vmem>> -> memref<1x8x128xi32, #tpu.memory_space<vmem>>
      %dma_wait3A_424 = tpu.memref_squeeze %dma_wait3A_423 : memref<1x8x128xi32, #tpu.memory_space<vmem>> -> memref<8x128xi32, #tpu.memory_space<vmem>>
      %dma_wait3A_425 = arith.constant 0 : i32
      %dma_wait3A_426 = tpu.memref_slice %dma_wait3A_424[%dma_wait3A_415, %dma_wait3A_425] : memref<8x128xi32, #tpu.memory_space<vmem>> -> memref<1x128xi32, #tpu.memory_space<vmem>>
      %dma_wait3A_427 = tpu.memref_squeeze %dma_wait3A_426 : memref<1x128xi32, #tpu.memory_space<vmem>> -> memref<128xi32, #tpu.memory_space<vmem>>
      %dma_wait3A_428 = arith.constant 0 : i32
      %dma_wait3A_429 = arith.constant 0 : i32
      %dma_wait3A_430 = tpu.memref_slice %arg2[%dma_wait3A_428, %dma_wait3A_429] : memref<10240x128xf32, #tpu.memory_space<hbm>> -> memref<10240x128xf32, #tpu.memory_space<hbm>>
      tpu.wait_indirect_dma semaphore(%arg13 : memref<!tpu.dma_semaphore, #tpu.memory_space<semaphore_mem>>) src(%dma_wait3A_430 : memref<10240x128xf32, #tpu.memory_space<hbm>>) dst(%dma_wait3A_420 : memref<128x128xf32, #tpu.memory_space<vmem>>)
      %run_scoped3A_431 = arith.constant 1 : i32
      %run_scoped3A_432 = arith.constant 0 : i32
      %run_scoped3A_433 = arith.constant 3 : i32
      "tpu.region"() ({
        %run_scoped3A_1568 = tpu.sem_alloc : memref<!tpu.dma_semaphore, #tpu.memory_space<semaphore_mem>>
        %dma_start3A_1569 = arith.constant 0 : i32
        %dma_start3A_1570 = arith.constant 0 : i32
        %dma_start3A_1571 = tpu.memref_slice %arg10[%run_scoped3A_431, %dma_start3A_1569, %dma_start3A_1570] : memref<2x128x128xf32, #tpu.memory_space<vmem>> -> memref<1x128x128xf32, #tpu.memory_space<vmem>>
        %dma_start3A_1572 = tpu.memref_squeeze %dma_start3A_1571 : memref<1x128x128xf32, #tpu.memory_space<vmem>> -> memref<128x128xf32, #tpu.memory_space<vmem>>
        %dma_start3A_1573 = arith.constant 0 : i32
        %dma_start3A_1574 = arith.constant 0 : i32
        %dma_start3A_1575 = tpu.memref_slice %arg9[%run_scoped3A_432, %dma_start3A_1573, %dma_start3A_1574] : memref<2x8x128xi32, #tpu.memory_space<vmem>> -> memref<1x8x128xi32, #tpu.memory_space<vmem>>
        %dma_start3A_1576 = tpu.memref_squeeze %dma_start3A_1575 : memref<1x8x128xi32, #tpu.memory_space<vmem>> -> memref<8x128xi32, #tpu.memory_space<vmem>>
        %dma_start3A_1577 = arith.constant 0 : i32
        %dma_start3A_1578 = tpu.memref_slice %dma_start3A_1576[%run_scoped3A_433, %dma_start3A_1577] : memref<8x128xi32, #tpu.memory_space<vmem>> -> memref<1x128xi32, #tpu.memory_space<vmem>>
        %dma_start3A_1579 = tpu.memref_squeeze %dma_start3A_1578 : memref<1x128xi32, #tpu.memory_space<vmem>> -> memref<128xi32, #tpu.memory_space<vmem>>
        %dma_start3A_1580 = arith.constant 0 : i32
        %dma_start3A_1581 = arith.constant 0 : i32
        %dma_start3A_1582 = tpu.memref_slice %arg11[%dma_start3A_1580, %dma_start3A_1581] : memref<10240x128xf32, #tpu.memory_space<vmem_shared>> -> memref<10240x128xf32, #tpu.memory_space<vmem_shared>>
        tpu.enqueue_indirect_dma source(%dma_start3A_1572 : memref<128x128xf32, #tpu.memory_space<vmem>>) target(%dma_start3A_1582 : memref<10240x128xf32, #tpu.memory_space<vmem_shared>>) offsets(%dma_start3A_1579 : memref<128xi32, #tpu.memory_space<vmem>>) semaphore(%run_scoped3A_1568 : memref<!tpu.dma_semaphore, #tpu.memory_space<semaphore_mem>>) {add = true}
        %dma_wait3A_1583 = arith.constant 0 : i32
        %dma_wait3A_1584 = arith.constant 0 : i32
        %dma_wait3A_1585 = tpu.memref_slice %arg10[%run_scoped3A_431, %dma_wait3A_1583, %dma_wait3A_1584] : memref<2x128x128xf32, #tpu.memory_space<vmem>> -> memref<1x128x128xf32, #tpu.memory_space<vmem>>
        %dma_wait3A_1586 = tpu.memref_squeeze %dma_wait3A_1585 : memref<1x128x128xf32, #tpu.memory_space<vmem>> -> memref<128x128xf32, #tpu.memory_space<vmem>>
        %dma_wait3A_1587 = arith.constant 0 : i32
        %dma_wait3A_1588 = arith.constant 0 : i32
        %dma_wait3A_1589 = tpu.memref_slice %arg9[%run_scoped3A_432, %dma_wait3A_1587, %dma_wait3A_1588] : memref<2x8x128xi32, #tpu.memory_space<vmem>> -> memref<1x8x128xi32, #tpu.memory_space<vmem>>
        %dma_wait3A_1590 = tpu.memref_squeeze %dma_wait3A_1589 : memref<1x8x128xi32, #tpu.memory_space<vmem>> -> memref<8x128xi32, #tpu.memory_space<vmem>>
        %dma_wait3A_1591 = arith.constant 0 : i32
        %dma_wait3A_1592 = tpu.memref_slice %dma_wait3A_1590[%run_scoped3A_433, %dma_wait3A_1591] : memref<8x128xi32, #tpu.memory_space<vmem>> -> memref<1x128xi32, #tpu.memory_space<vmem>>
        %dma_wait3A_1593 = tpu.memref_squeeze %dma_wait3A_1592 : memref<1x128xi32, #tpu.memory_space<vmem>> -> memref<128xi32, #tpu.memory_space<vmem>>
        %dma_wait3A_1594 = arith.constant 0 : i32
        %dma_wait3A_1595 = arith.constant 0 : i32
        %dma_wait3A_1596 = tpu.memref_slice %arg11[%dma_wait3A_1594, %dma_wait3A_1595] : memref<10240x128xf32, #tpu.memory_space<vmem_shared>> -> memref<10240x128xf32, #tpu.memory_space<vmem_shared>>
        tpu.wait_indirect_dma semaphore(%run_scoped3A_1568 : memref<!tpu.dma_semaphore, #tpu.memory_space<semaphore_mem>>) src(%dma_wait3A_1586 : memref<128x128xf32, #tpu.memory_space<vmem>>) dst(%dma_wait3A_1596 : memref<10240x128xf32, #tpu.memory_space<vmem_shared>>)
        tpu.yield
      }) : () -> ()
      %dma_start3A_434 = arith.constant 0 : i32
      %dma_start3A_435 = arith.constant 5 : i32
      %dma_start3A_436 = arith.constant 1 : i32
      %dma_start3A_437 = arith.constant 0 : i32
      %dma_start3A_438 = arith.constant 0 : i32
      %dma_start3A_439 = tpu.memref_slice %arg10[%dma_start3A_436, %dma_start3A_437, %dma_start3A_438] : memref<2x128x128xf32, #tpu.memory_space<vmem>> -> memref<1x128x128xf32, #tpu.memory_space<vmem>>
      %dma_start3A_440 = tpu.memref_squeeze %dma_start3A_439 : memref<1x128x128xf32, #tpu.memory_space<vmem>> -> memref<128x128xf32, #tpu.memory_space<vmem>>
      %dma_start3A_441 = arith.constant 0 : i32
      %dma_start3A_442 = arith.constant 0 : i32
      %dma_start3A_443 = tpu.memref_slice %arg8[%dma_start3A_434, %dma_start3A_441, %dma_start3A_442] : memref<2x8x128xi32, #tpu.memory_space<vmem>> -> memref<1x8x128xi32, #tpu.memory_space<vmem>>
      %dma_start3A_444 = tpu.memref_squeeze %dma_start3A_443 : memref<1x8x128xi32, #tpu.memory_space<vmem>> -> memref<8x128xi32, #tpu.memory_space<vmem>>
      %dma_start3A_445 = arith.constant 0 : i32
      %dma_start3A_446 = tpu.memref_slice %dma_start3A_444[%dma_start3A_435, %dma_start3A_445] : memref<8x128xi32, #tpu.memory_space<vmem>> -> memref<1x128xi32, #tpu.memory_space<vmem>>
      %dma_start3A_447 = tpu.memref_squeeze %dma_start3A_446 : memref<1x128xi32, #tpu.memory_space<vmem>> -> memref<128xi32, #tpu.memory_space<vmem>>
      %dma_start3A_448 = arith.constant 0 : i32
      %dma_start3A_449 = arith.constant 0 : i32
      %dma_start3A_450 = tpu.memref_slice %arg2[%dma_start3A_448, %dma_start3A_449] : memref<10240x128xf32, #tpu.memory_space<hbm>> -> memref<10240x128xf32, #tpu.memory_space<hbm>>
      tpu.enqueue_indirect_dma source(%dma_start3A_450 : memref<10240x128xf32, #tpu.memory_space<hbm>>) target(%dma_start3A_440 : memref<128x128xf32, #tpu.memory_space<vmem>>) offsets(%dma_start3A_447 : memref<128xi32, #tpu.memory_space<vmem>>) semaphore(%arg13 : memref<!tpu.dma_semaphore, #tpu.memory_space<semaphore_mem>>)
      %broadcast_in_dim3A_451 = arith.constant 1.000000e+00 : f32
      %broadcast_in_dim3A_452 = vector.broadcast %broadcast_in_dim3A_451 : f32 to vector<16xf32>
      %get3A_453 = arith.constant 0 : i32
      %get3A_454 = arith.constant 3 : i32
      %get3A_455 = arith.index_cast %get3A_453 : i32 to index
      %get3A_456 = arith.index_cast %get3A_454 : i32 to index
      %get3A_457 = arith.constant 0 : index
      %get3A_458 = tpu.vector_load %arg9[%get3A_455, %get3A_456, %get3A_457] {strides = array<i32>} : memref<2x8x128xi32, #tpu.memory_space<vmem>>, vector<16xi32>,
      tpu.vector_store_idx %arg18[%get3A_458], %broadcast_in_dim3A_452 {add = true} : memref<10240xf32, #tpu.memory_space<vmem>>[vector<16xi32>], vector<16xf32>,
      %get3A_459 = arith.constant 0 : i32
      %get3A_460 = arith.constant 3 : i32
      %get3A_461 = arith.index_cast %get3A_459 : i32 to index
      %get3A_462 = arith.index_cast %get3A_460 : i32 to index
      %get3A_463 = arith.constant 16 : index
      %get3A_464 = tpu.vector_load %arg9[%get3A_461, %get3A_462, %get3A_463] {strides = array<i32>} : memref<2x8x128xi32, #tpu.memory_space<vmem>>, vector<16xi32>,
      tpu.vector_store_idx %arg18[%get3A_464], %broadcast_in_dim3A_452 {add = true} : memref<10240xf32, #tpu.memory_space<vmem>>[vector<16xi32>], vector<16xf32>,
      %get3A_465 = arith.constant 0 : i32
      %get3A_466 = arith.constant 3 : i32
      %get3A_467 = arith.index_cast %get3A_465 : i32 to index
      %get3A_468 = arith.index_cast %get3A_466 : i32 to index
      %get3A_469 = arith.constant 32 : index
      %get3A_470 = tpu.vector_load %arg9[%get3A_467, %get3A_468, %get3A_469] {strides = array<i32>} : memref<2x8x128xi32, #tpu.memory_space<vmem>>, vector<16xi32>,
      tpu.vector_store_idx %arg18[%get3A_470], %broadcast_in_dim3A_452 {add = true} : memref<10240xf32, #tpu.memory_space<vmem>>[vector<16xi32>], vector<16xf32>,
      %get3A_471 = arith.constant 0 : i32
      %get3A_472 = arith.constant 3 : i32
      %get3A_473 = arith.index_cast %get3A_471 : i32 to index
      %get3A_474 = arith.index_cast %get3A_472 : i32 to index
      %get3A_475 = arith.constant 48 : index
      %get3A_476 = tpu.vector_load %arg9[%get3A_473, %get3A_474, %get3A_475] {strides = array<i32>} : memref<2x8x128xi32, #tpu.memory_space<vmem>>, vector<16xi32>,
      tpu.vector_store_idx %arg18[%get3A_476], %broadcast_in_dim3A_452 {add = true} : memref<10240xf32, #tpu.memory_space<vmem>>[vector<16xi32>], vector<16xf32>,
      %get3A_477 = arith.constant 0 : i32
      %get3A_478 = arith.constant 3 : i32
      %get3A_479 = arith.index_cast %get3A_477 : i32 to index
      %get3A_480 = arith.index_cast %get3A_478 : i32 to index
      %get3A_481 = arith.constant 64 : index
      %get3A_482 = tpu.vector_load %arg9[%get3A_479, %get3A_480, %get3A_481] {strides = array<i32>} : memref<2x8x128xi32, #tpu.memory_space<vmem>>, vector<16xi32>,
      tpu.vector_store_idx %arg18[%get3A_482], %broadcast_in_dim3A_452 {add = true} : memref<10240xf32, #tpu.memory_space<vmem>>[vector<16xi32>], vector<16xf32>,
      %get3A_483 = arith.constant 0 : i32
      %get3A_484 = arith.constant 3 : i32
      %get3A_485 = arith.index_cast %get3A_483 : i32 to index
      %get3A_486 = arith.index_cast %get3A_484 : i32 to index
      %get3A_487 = arith.constant 80 : index
      %get3A_488 = tpu.vector_load %arg9[%get3A_485, %get3A_486, %get3A_487] {strides = array<i32>} : memref<2x8x128xi32, #tpu.memory_space<vmem>>, vector<16xi32>,
      tpu.vector_store_idx %arg18[%get3A_488], %broadcast_in_dim3A_452 {add = true} : memref<10240xf32, #tpu.memory_space<vmem>>[vector<16xi32>], vector<16xf32>,
      %get3A_489 = arith.constant 0 : i32
      %get3A_490 = arith.constant 3 : i32
      %get3A_491 = arith.index_cast %get3A_489 : i32 to index
      %get3A_492 = arith.index_cast %get3A_490 : i32 to index
      %get3A_493 = arith.constant 96 : index
      %get3A_494 = tpu.vector_load %arg9[%get3A_491, %get3A_492, %get3A_493] {strides = array<i32>} : memref<2x8x128xi32, #tpu.memory_space<vmem>>, vector<16xi32>,
      tpu.vector_store_idx %arg18[%get3A_494], %broadcast_in_dim3A_452 {add = true} : memref<10240xf32, #tpu.memory_space<vmem>>[vector<16xi32>], vector<16xf32>,
      %get3A_495 = arith.constant 0 : i32
      %get3A_496 = arith.constant 3 : i32
      %get3A_497 = arith.index_cast %get3A_495 : i32 to index
      %get3A_498 = arith.index_cast %get3A_496 : i32 to index
      %get3A_499 = arith.constant 112 : index
      %get3A_500 = tpu.vector_load %arg9[%get3A_497, %get3A_498, %get3A_499] {strides = array<i32>} : memref<2x8x128xi32, #tpu.memory_space<vmem>>, vector<16xi32>,
      tpu.vector_store_idx %arg18[%get3A_500], %broadcast_in_dim3A_452 {add = true} : memref<10240xf32, #tpu.memory_space<vmem>>[vector<16xi32>], vector<16xf32>,
      %dma_wait3A_501 = arith.constant 0 : i32
      %dma_wait3A_502 = arith.constant 4 : i32
      %dma_wait3A_503 = arith.constant 0 : i32
      %dma_wait3A_504 = arith.constant 0 : i32
      %dma_wait3A_505 = arith.constant 0 : i32
      %dma_wait3A_506 = tpu.memref_slice %arg10[%dma_wait3A_503, %dma_wait3A_504, %dma_wait3A_505] : memref<2x128x128xf32, #tpu.memory_space<vmem>> -> memref<1x128x128xf32, #tpu.memory_space<vmem>>
      %dma_wait3A_507 = tpu.memref_squeeze %dma_wait3A_506 : memref<1x128x128xf32, #tpu.memory_space<vmem>> -> memref<128x128xf32, #tpu.memory_space<vmem>>
      %dma_wait3A_508 = arith.constant 0 : i32
      %dma_wait3A_509 = arith.constant 0 : i32
      %dma_wait3A_510 = tpu.memref_slice %arg8[%dma_wait3A_501, %dma_wait3A_508, %dma_wait3A_509] : memref<2x8x128xi32, #tpu.memory_space<vmem>> -> memref<1x8x128xi32, #tpu.memory_space<vmem>>
      %dma_wait3A_511 = tpu.memref_squeeze %dma_wait3A_510 : memref<1x8x128xi32, #tpu.memory_space<vmem>> -> memref<8x128xi32, #tpu.memory_space<vmem>>
      %dma_wait3A_512 = arith.constant 0 : i32
      %dma_wait3A_513 = tpu.memref_slice %dma_wait3A_511[%dma_wait3A_502, %dma_wait3A_512] : memref<8x128xi32, #tpu.memory_space<vmem>> -> memref<1x128xi32, #tpu.memory_space<vmem>>
      %dma_wait3A_514 = tpu.memref_squeeze %dma_wait3A_513 : memref<1x128xi32, #tpu.memory_space<vmem>> -> memref<128xi32, #tpu.memory_space<vmem>>
      %dma_wait3A_515 = arith.constant 0 : i32
      %dma_wait3A_516 = arith.constant 0 : i32
      %dma_wait3A_517 = tpu.memref_slice %arg2[%dma_wait3A_515, %dma_wait3A_516] : memref<10240x128xf32, #tpu.memory_space<hbm>> -> memref<10240x128xf32, #tpu.memory_space<hbm>>
      tpu.wait_indirect_dma semaphore(%arg12 : memref<!tpu.dma_semaphore, #tpu.memory_space<semaphore_mem>>) src(%dma_wait3A_517 : memref<10240x128xf32, #tpu.memory_space<hbm>>) dst(%dma_wait3A_507 : memref<128x128xf32, #tpu.memory_space<vmem>>)
      %run_scoped3A_518 = arith.constant 0 : i32
      %run_scoped3A_519 = arith.constant 0 : i32
      %run_scoped3A_520 = arith.constant 4 : i32
      "tpu.region"() ({
        %run_scoped3A_1568 = tpu.sem_alloc : memref<!tpu.dma_semaphore, #tpu.memory_space<semaphore_mem>>
        %dma_start3A_1569 = arith.constant 0 : i32
        %dma_start3A_1570 = arith.constant 0 : i32
        %dma_start3A_1571 = tpu.memref_slice %arg10[%run_scoped3A_518, %dma_start3A_1569, %dma_start3A_1570] : memref<2x128x128xf32, #tpu.memory_space<vmem>> -> memref<1x128x128xf32, #tpu.memory_space<vmem>>
        %dma_start3A_1572 = tpu.memref_squeeze %dma_start3A_1571 : memref<1x128x128xf32, #tpu.memory_space<vmem>> -> memref<128x128xf32, #tpu.memory_space<vmem>>
        %dma_start3A_1573 = arith.constant 0 : i32
        %dma_start3A_1574 = arith.constant 0 : i32
        %dma_start3A_1575 = tpu.memref_slice %arg9[%run_scoped3A_519, %dma_start3A_1573, %dma_start3A_1574] : memref<2x8x128xi32, #tpu.memory_space<vmem>> -> memref<1x8x128xi32, #tpu.memory_space<vmem>>
        %dma_start3A_1576 = tpu.memref_squeeze %dma_start3A_1575 : memref<1x8x128xi32, #tpu.memory_space<vmem>> -> memref<8x128xi32, #tpu.memory_space<vmem>>
        %dma_start3A_1577 = arith.constant 0 : i32
        %dma_start3A_1578 = tpu.memref_slice %dma_start3A_1576[%run_scoped3A_520, %dma_start3A_1577] : memref<8x128xi32, #tpu.memory_space<vmem>> -> memref<1x128xi32, #tpu.memory_space<vmem>>
        %dma_start3A_1579 = tpu.memref_squeeze %dma_start3A_1578 : memref<1x128xi32, #tpu.memory_space<vmem>> -> memref<128xi32, #tpu.memory_space<vmem>>
        %dma_start3A_1580 = arith.constant 0 : i32
        %dma_start3A_1581 = arith.constant 0 : i32
        %dma_start3A_1582 = tpu.memref_slice %arg11[%dma_start3A_1580, %dma_start3A_1581] : memref<10240x128xf32, #tpu.memory_space<vmem_shared>> -> memref<10240x128xf32, #tpu.memory_space<vmem_shared>>
        tpu.enqueue_indirect_dma source(%dma_start3A_1572 : memref<128x128xf32, #tpu.memory_space<vmem>>) target(%dma_start3A_1582 : memref<10240x128xf32, #tpu.memory_space<vmem_shared>>) offsets(%dma_start3A_1579 : memref<128xi32, #tpu.memory_space<vmem>>) semaphore(%run_scoped3A_1568 : memref<!tpu.dma_semaphore, #tpu.memory_space<semaphore_mem>>) {add = true}
        %dma_wait3A_1583 = arith.constant 0 : i32
        %dma_wait3A_1584 = arith.constant 0 : i32
        %dma_wait3A_1585 = tpu.memref_slice %arg10[%run_scoped3A_518, %dma_wait3A_1583, %dma_wait3A_1584] : memref<2x128x128xf32, #tpu.memory_space<vmem>> -> memref<1x128x128xf32, #tpu.memory_space<vmem>>
        %dma_wait3A_1586 = tpu.memref_squeeze %dma_wait3A_1585 : memref<1x128x128xf32, #tpu.memory_space<vmem>> -> memref<128x128xf32, #tpu.memory_space<vmem>>
        %dma_wait3A_1587 = arith.constant 0 : i32
        %dma_wait3A_1588 = arith.constant 0 : i32
        %dma_wait3A_1589 = tpu.memref_slice %arg9[%run_scoped3A_519, %dma_wait3A_1587, %dma_wait3A_1588] : memref<2x8x128xi32, #tpu.memory_space<vmem>> -> memref<1x8x128xi32, #tpu.memory_space<vmem>>
        %dma_wait3A_1590 = tpu.memref_squeeze %dma_wait3A_1589 : memref<1x8x128xi32, #tpu.memory_space<vmem>> -> memref<8x128xi32, #tpu.memory_space<vmem>>
        %dma_wait3A_1591 = arith.constant 0 : i32
        %dma_wait3A_1592 = tpu.memref_slice %dma_wait3A_1590[%run_scoped3A_520, %dma_wait3A_1591] : memref<8x128xi32, #tpu.memory_space<vmem>> -> memref<1x128xi32, #tpu.memory_space<vmem>>
        %dma_wait3A_1593 = tpu.memref_squeeze %dma_wait3A_1592 : memref<1x128xi32, #tpu.memory_space<vmem>> -> memref<128xi32, #tpu.memory_space<vmem>>
        %dma_wait3A_1594 = arith.constant 0 : i32
        %dma_wait3A_1595 = arith.constant 0 : i32
        %dma_wait3A_1596 = tpu.memref_slice %arg11[%dma_wait3A_1594, %dma_wait3A_1595] : memref<10240x128xf32, #tpu.memory_space<vmem_shared>> -> memref<10240x128xf32, #tpu.memory_space<vmem_shared>>
        tpu.wait_indirect_dma semaphore(%run_scoped3A_1568 : memref<!tpu.dma_semaphore, #tpu.memory_space<semaphore_mem>>) src(%dma_wait3A_1586 : memref<128x128xf32, #tpu.memory_space<vmem>>) dst(%dma_wait3A_1596 : memref<10240x128xf32, #tpu.memory_space<vmem_shared>>)
        tpu.yield
      }) : () -> ()
      %dma_start3A_521 = arith.constant 0 : i32
      %dma_start3A_522 = arith.constant 6 : i32
      %dma_start3A_523 = arith.constant 0 : i32
      %dma_start3A_524 = arith.constant 0 : i32
      %dma_start3A_525 = arith.constant 0 : i32
      %dma_start3A_526 = tpu.memref_slice %arg10[%dma_start3A_523, %dma_start3A_524, %dma_start3A_525] : memref<2x128x128xf32, #tpu.memory_space<vmem>> -> memref<1x128x128xf32, #tpu.memory_space<vmem>>
      %dma_start3A_527 = tpu.memref_squeeze %dma_start3A_526 : memref<1x128x128xf32, #tpu.memory_space<vmem>> -> memref<128x128xf32, #tpu.memory_space<vmem>>
      %dma_start3A_528 = arith.constant 0 : i32
      %dma_start3A_529 = arith.constant 0 : i32
      %dma_start3A_530 = tpu.memref_slice %arg8[%dma_start3A_521, %dma_start3A_528, %dma_start3A_529] : memref<2x8x128xi32, #tpu.memory_space<vmem>> -> memref<1x8x128xi32, #tpu.memory_space<vmem>>
      %dma_start3A_531 = tpu.memref_squeeze %dma_start3A_530 : memref<1x8x128xi32, #tpu.memory_space<vmem>> -> memref<8x128xi32, #tpu.memory_space<vmem>>
      %dma_start3A_532 = arith.constant 0 : i32
      %dma_start3A_533 = tpu.memref_slice %dma_start3A_531[%dma_start3A_522, %dma_start3A_532] : memref<8x128xi32, #tpu.memory_space<vmem>> -> memref<1x128xi32, #tpu.memory_space<vmem>>
      %dma_start3A_534 = tpu.memref_squeeze %dma_start3A_533 : memref<1x128xi32, #tpu.memory_space<vmem>> -> memref<128xi32, #tpu.memory_space<vmem>>
      %dma_start3A_535 = arith.constant 0 : i32
      %dma_start3A_536 = arith.constant 0 : i32
      %dma_start3A_537 = tpu.memref_slice %arg2[%dma_start3A_535, %dma_start3A_536] : memref<10240x128xf32, #tpu.memory_space<hbm>> -> memref<10240x128xf32, #tpu.memory_space<hbm>>
      tpu.enqueue_indirect_dma source(%dma_start3A_537 : memref<10240x128xf32, #tpu.memory_space<hbm>>) target(%dma_start3A_527 : memref<128x128xf32, #tpu.memory_space<vmem>>) offsets(%dma_start3A_534 : memref<128xi32, #tpu.memory_space<vmem>>) semaphore(%arg12 : memref<!tpu.dma_semaphore, #tpu.memory_space<semaphore_mem>>)
      %broadcast_in_dim3A_538 = arith.constant 1.000000e+00 : f32
      %broadcast_in_dim3A_539 = vector.broadcast %broadcast_in_dim3A_538 : f32 to vector<16xf32>
      %get3A_540 = arith.constant 0 : i32
      %get3A_541 = arith.constant 4 : i32
      %get3A_542 = arith.index_cast %get3A_540 : i32 to index
      %get3A_543 = arith.index_cast %get3A_541 : i32 to index
      %get3A_544 = arith.constant 0 : index
      %get3A_545 = tpu.vector_load %arg9[%get3A_542, %get3A_543, %get3A_544] {strides = array<i32>} : memref<2x8x128xi32, #tpu.memory_space<vmem>>, vector<16xi32>,
      tpu.vector_store_idx %arg18[%get3A_545], %broadcast_in_dim3A_539 {add = true} : memref<10240xf32, #tpu.memory_space<vmem>>[vector<16xi32>], vector<16xf32>,
      %get3A_546 = arith.constant 0 : i32
      %get3A_547 = arith.constant 4 : i32
      %get3A_548 = arith.index_cast %get3A_546 : i32 to index
      %get3A_549 = arith.index_cast %get3A_547 : i32 to index
      %get3A_550 = arith.constant 16 : index
      %get3A_551 = tpu.vector_load %arg9[%get3A_548, %get3A_549, %get3A_550] {strides = array<i32>} : memref<2x8x128xi32, #tpu.memory_space<vmem>>, vector<16xi32>,
      tpu.vector_store_idx %arg18[%get3A_551], %broadcast_in_dim3A_539 {add = true} : memref<10240xf32, #tpu.memory_space<vmem>>[vector<16xi32>], vector<16xf32>,
      %get3A_552 = arith.constant 0 : i32
      %get3A_553 = arith.constant 4 : i32
      %get3A_554 = arith.index_cast %get3A_552 : i32 to index
      %get3A_555 = arith.index_cast %get3A_553 : i32 to index
      %get3A_556 = arith.constant 32 : index
      %get3A_557 = tpu.vector_load %arg9[%get3A_554, %get3A_555, %get3A_556] {strides = array<i32>} : memref<2x8x128xi32, #tpu.memory_space<vmem>>, vector<16xi32>,
      tpu.vector_store_idx %arg18[%get3A_557], %broadcast_in_dim3A_539 {add = true} : memref<10240xf32, #tpu.memory_space<vmem>>[vector<16xi32>], vector<16xf32>,
      %get3A_558 = arith.constant 0 : i32
      %get3A_559 = arith.constant 4 : i32
      %get3A_560 = arith.index_cast %get3A_558 : i32 to index
      %get3A_561 = arith.index_cast %get3A_559 : i32 to index
      %get3A_562 = arith.constant 48 : index
      %get3A_563 = tpu.vector_load %arg9[%get3A_560, %get3A_561, %get3A_562] {strides = array<i32>} : memref<2x8x128xi32, #tpu.memory_space<vmem>>, vector<16xi32>,
      tpu.vector_store_idx %arg18[%get3A_563], %broadcast_in_dim3A_539 {add = true} : memref<10240xf32, #tpu.memory_space<vmem>>[vector<16xi32>], vector<16xf32>,
      %get3A_564 = arith.constant 0 : i32
      %get3A_565 = arith.constant 4 : i32
      %get3A_566 = arith.index_cast %get3A_564 : i32 to index
      %get3A_567 = arith.index_cast %get3A_565 : i32 to index
      %get3A_568 = arith.constant 64 : index
      %get3A_569 = tpu.vector_load %arg9[%get3A_566, %get3A_567, %get3A_568] {strides = array<i32>} : memref<2x8x128xi32, #tpu.memory_space<vmem>>, vector<16xi32>,
      tpu.vector_store_idx %arg18[%get3A_569], %broadcast_in_dim3A_539 {add = true} : memref<10240xf32, #tpu.memory_space<vmem>>[vector<16xi32>], vector<16xf32>,
      %get3A_570 = arith.constant 0 : i32
      %get3A_571 = arith.constant 4 : i32
      %get3A_572 = arith.index_cast %get3A_570 : i32 to index
      %get3A_573 = arith.index_cast %get3A_571 : i32 to index
      %get3A_574 = arith.constant 80 : index
      %get3A_575 = tpu.vector_load %arg9[%get3A_572, %get3A_573, %get3A_574] {strides = array<i32>} : memref<2x8x128xi32, #tpu.memory_space<vmem>>, vector<16xi32>,
      tpu.vector_store_idx %arg18[%get3A_575], %broadcast_in_dim3A_539 {add = true} : memref<10240xf32, #tpu.memory_space<vmem>>[vector<16xi32>], vector<16xf32>,
      %get3A_576 = arith.constant 0 : i32
      %get3A_577 = arith.constant 4 : i32
      %get3A_578 = arith.index_cast %get3A_576 : i32 to index
      %get3A_579 = arith.index_cast %get3A_577 : i32 to index
      %get3A_580 = arith.constant 96 : index
      %get3A_581 = tpu.vector_load %arg9[%get3A_578, %get3A_579, %get3A_580] {strides = array<i32>} : memref<2x8x128xi32, #tpu.memory_space<vmem>>, vector<16xi32>,
      tpu.vector_store_idx %arg18[%get3A_581], %broadcast_in_dim3A_539 {add = true} : memref<10240xf32, #tpu.memory_space<vmem>>[vector<16xi32>], vector<16xf32>,
      %get3A_582 = arith.constant 0 : i32
      %get3A_583 = arith.constant 4 : i32
      %get3A_584 = arith.index_cast %get3A_582 : i32 to index
      %get3A_585 = arith.index_cast %get3A_583 : i32 to index
      %get3A_586 = arith.constant 112 : index
      %get3A_587 = tpu.vector_load %arg9[%get3A_584, %get3A_585, %get3A_586] {strides = array<i32>} : memref<2x8x128xi32, #tpu.memory_space<vmem>>, vector<16xi32>,
      tpu.vector_store_idx %arg18[%get3A_587], %broadcast_in_dim3A_539 {add = true} : memref<10240xf32, #tpu.memory_space<vmem>>[vector<16xi32>], vector<16xf32>,
      %dma_wait3A_588 = arith.constant 0 : i32
      %dma_wait3A_589 = arith.constant 5 : i32
      %dma_wait3A_590 = arith.constant 1 : i32
      %dma_wait3A_591 = arith.constant 0 : i32
      %dma_wait3A_592 = arith.constant 0 : i32
      %dma_wait3A_593 = tpu.memref_slice %arg10[%dma_wait3A_590, %dma_wait3A_591, %dma_wait3A_592] : memref<2x128x128xf32, #tpu.memory_space<vmem>> -> memref<1x128x128xf32, #tpu.memory_space<vmem>>
      %dma_wait3A_594 = tpu.memref_squeeze %dma_wait3A_593 : memref<1x128x128xf32, #tpu.memory_space<vmem>> -> memref<128x128xf32, #tpu.memory_space<vmem>>
      %dma_wait3A_595 = arith.constant 0 : i32
      %dma_wait3A_596 = arith.constant 0 : i32
      %dma_wait3A_597 = tpu.memref_slice %arg8[%dma_wait3A_588, %dma_wait3A_595, %dma_wait3A_596] : memref<2x8x128xi32, #tpu.memory_space<vmem>> -> memref<1x8x128xi32, #tpu.memory_space<vmem>>
      %dma_wait3A_598 = tpu.memref_squeeze %dma_wait3A_597 : memref<1x8x128xi32, #tpu.memory_space<vmem>> -> memref<8x128xi32, #tpu.memory_space<vmem>>
      %dma_wait3A_599 = arith.constant 0 : i32
      %dma_wait3A_600 = tpu.memref_slice %dma_wait3A_598[%dma_wait3A_589, %dma_wait3A_599] : memref<8x128xi32, #tpu.memory_space<vmem>> -> memref<1x128xi32, #tpu.memory_space<vmem>>
      %dma_wait3A_601 = tpu.memref_squeeze %dma_wait3A_600 : memref<1x128xi32, #tpu.memory_space<vmem>> -> memref<128xi32, #tpu.memory_space<vmem>>
      %dma_wait3A_602 = arith.constant 0 : i32
      %dma_wait3A_603 = arith.constant 0 : i32
      %dma_wait3A_604 = tpu.memref_slice %arg2[%dma_wait3A_602, %dma_wait3A_603] : memref<10240x128xf32, #tpu.memory_space<hbm>> -> memref<10240x128xf32, #tpu.memory_space<hbm>>
      tpu.wait_indirect_dma semaphore(%arg13 : memref<!tpu.dma_semaphore, #tpu.memory_space<semaphore_mem>>) src(%dma_wait3A_604 : memref<10240x128xf32, #tpu.memory_space<hbm>>) dst(%dma_wait3A_594 : memref<128x128xf32, #tpu.memory_space<vmem>>)
      %run_scoped3A_605 = arith.constant 1 : i32
      %run_scoped3A_606 = arith.constant 0 : i32
      %run_scoped3A_607 = arith.constant 5 : i32
      "tpu.region"() ({
        %run_scoped3A_1568 = tpu.sem_alloc : memref<!tpu.dma_semaphore, #tpu.memory_space<semaphore_mem>>
        %dma_start3A_1569 = arith.constant 0 : i32
        %dma_start3A_1570 = arith.constant 0 : i32
        %dma_start3A_1571 = tpu.memref_slice %arg10[%run_scoped3A_605, %dma_start3A_1569, %dma_start3A_1570] : memref<2x128x128xf32, #tpu.memory_space<vmem>> -> memref<1x128x128xf32, #tpu.memory_space<vmem>>
        %dma_start3A_1572 = tpu.memref_squeeze %dma_start3A_1571 : memref<1x128x128xf32, #tpu.memory_space<vmem>> -> memref<128x128xf32, #tpu.memory_space<vmem>>
        %dma_start3A_1573 = arith.constant 0 : i32
        %dma_start3A_1574 = arith.constant 0 : i32
        %dma_start3A_1575 = tpu.memref_slice %arg9[%run_scoped3A_606, %dma_start3A_1573, %dma_start3A_1574] : memref<2x8x128xi32, #tpu.memory_space<vmem>> -> memref<1x8x128xi32, #tpu.memory_space<vmem>>
        %dma_start3A_1576 = tpu.memref_squeeze %dma_start3A_1575 : memref<1x8x128xi32, #tpu.memory_space<vmem>> -> memref<8x128xi32, #tpu.memory_space<vmem>>
        %dma_start3A_1577 = arith.constant 0 : i32
        %dma_start3A_1578 = tpu.memref_slice %dma_start3A_1576[%run_scoped3A_607, %dma_start3A_1577] : memref<8x128xi32, #tpu.memory_space<vmem>> -> memref<1x128xi32, #tpu.memory_space<vmem>>
        %dma_start3A_1579 = tpu.memref_squeeze %dma_start3A_1578 : memref<1x128xi32, #tpu.memory_space<vmem>> -> memref<128xi32, #tpu.memory_space<vmem>>
        %dma_start3A_1580 = arith.constant 0 : i32
        %dma_start3A_1581 = arith.constant 0 : i32
        %dma_start3A_1582 = tpu.memref_slice %arg11[%dma_start3A_1580, %dma_start3A_1581] : memref<10240x128xf32, #tpu.memory_space<vmem_shared>> -> memref<10240x128xf32, #tpu.memory_space<vmem_shared>>
        tpu.enqueue_indirect_dma source(%dma_start3A_1572 : memref<128x128xf32, #tpu.memory_space<vmem>>) target(%dma_start3A_1582 : memref<10240x128xf32, #tpu.memory_space<vmem_shared>>) offsets(%dma_start3A_1579 : memref<128xi32, #tpu.memory_space<vmem>>) semaphore(%run_scoped3A_1568 : memref<!tpu.dma_semaphore, #tpu.memory_space<semaphore_mem>>) {add = true}
        %dma_wait3A_1583 = arith.constant 0 : i32
        %dma_wait3A_1584 = arith.constant 0 : i32
        %dma_wait3A_1585 = tpu.memref_slice %arg10[%run_scoped3A_605, %dma_wait3A_1583, %dma_wait3A_1584] : memref<2x128x128xf32, #tpu.memory_space<vmem>> -> memref<1x128x128xf32, #tpu.memory_space<vmem>>
        %dma_wait3A_1586 = tpu.memref_squeeze %dma_wait3A_1585 : memref<1x128x128xf32, #tpu.memory_space<vmem>> -> memref<128x128xf32, #tpu.memory_space<vmem>>
        %dma_wait3A_1587 = arith.constant 0 : i32
        %dma_wait3A_1588 = arith.constant 0 : i32
        %dma_wait3A_1589 = tpu.memref_slice %arg9[%run_scoped3A_606, %dma_wait3A_1587, %dma_wait3A_1588] : memref<2x8x128xi32, #tpu.memory_space<vmem>> -> memref<1x8x128xi32, #tpu.memory_space<vmem>>
        %dma_wait3A_1590 = tpu.memref_squeeze %dma_wait3A_1589 : memref<1x8x128xi32, #tpu.memory_space<vmem>> -> memref<8x128xi32, #tpu.memory_space<vmem>>
        %dma_wait3A_1591 = arith.constant 0 : i32
        %dma_wait3A_1592 = tpu.memref_slice %dma_wait3A_1590[%run_scoped3A_607, %dma_wait3A_1591] : memref<8x128xi32, #tpu.memory_space<vmem>> -> memref<1x128xi32, #tpu.memory_space<vmem>>
        %dma_wait3A_1593 = tpu.memref_squeeze %dma_wait3A_1592 : memref<1x128xi32, #tpu.memory_space<vmem>> -> memref<128xi32, #tpu.memory_space<vmem>>
        %dma_wait3A_1594 = arith.constant 0 : i32
        %dma_wait3A_1595 = arith.constant 0 : i32
        %dma_wait3A_1596 = tpu.memref_slice %arg11[%dma_wait3A_1594, %dma_wait3A_1595] : memref<10240x128xf32, #tpu.memory_space<vmem_shared>> -> memref<10240x128xf32, #tpu.memory_space<vmem_shared>>
        tpu.wait_indirect_dma semaphore(%run_scoped3A_1568 : memref<!tpu.dma_semaphore, #tpu.memory_space<semaphore_mem>>) src(%dma_wait3A_1586 : memref<128x128xf32, #tpu.memory_space<vmem>>) dst(%dma_wait3A_1596 : memref<10240x128xf32, #tpu.memory_space<vmem_shared>>)
        tpu.yield
      }) : () -> ()
      %dma_start3A_608 = arith.constant 0 : i32
      %dma_start3A_609 = arith.constant 7 : i32
      %dma_start3A_610 = arith.constant 1 : i32
      %dma_start3A_611 = arith.constant 0 : i32
      %dma_start3A_612 = arith.constant 0 : i32
      %dma_start3A_613 = tpu.memref_slice %arg10[%dma_start3A_610, %dma_start3A_611, %dma_start3A_612] : memref<2x128x128xf32, #tpu.memory_space<vmem>> -> memref<1x128x128xf32, #tpu.memory_space<vmem>>
      %dma_start3A_614 = tpu.memref_squeeze %dma_start3A_613 : memref<1x128x128xf32, #tpu.memory_space<vmem>> -> memref<128x128xf32, #tpu.memory_space<vmem>>
      %dma_start3A_615 = arith.constant 0 : i32
      %dma_start3A_616 = arith.constant 0 : i32
      %dma_start3A_617 = tpu.memref_slice %arg8[%dma_start3A_608, %dma_start3A_615, %dma_start3A_616] : memref<2x8x128xi32, #tpu.memory_space<vmem>> -> memref<1x8x128xi32, #tpu.memory_space<vmem>>
      %dma_start3A_618 = tpu.memref_squeeze %dma_start3A_617 : memref<1x8x128xi32, #tpu.memory_space<vmem>> -> memref<8x128xi32, #tpu.memory_space<vmem>>
      %dma_start3A_619 = arith.constant 0 : i32
      %dma_start3A_620 = tpu.memref_slice %dma_start3A_618[%dma_start3A_609, %dma_start3A_619] : memref<8x128xi32, #tpu.memory_space<vmem>> -> memref<1x128xi32, #tpu.memory_space<vmem>>
      %dma_start3A_621 = tpu.memref_squeeze %dma_start3A_620 : memref<1x128xi32, #tpu.memory_space<vmem>> -> memref<128xi32, #tpu.memory_space<vmem>>
      %dma_start3A_622 = arith.constant 0 : i32
      %dma_start3A_623 = arith.constant 0 : i32
      %dma_start3A_624 = tpu.memref_slice %arg2[%dma_start3A_622, %dma_start3A_623] : memref<10240x128xf32, #tpu.memory_space<hbm>> -> memref<10240x128xf32, #tpu.memory_space<hbm>>
      tpu.enqueue_indirect_dma source(%dma_start3A_624 : memref<10240x128xf32, #tpu.memory_space<hbm>>) target(%dma_start3A_614 : memref<128x128xf32, #tpu.memory_space<vmem>>) offsets(%dma_start3A_621 : memref<128xi32, #tpu.memory_space<vmem>>) semaphore(%arg13 : memref<!tpu.dma_semaphore, #tpu.memory_space<semaphore_mem>>)
      %broadcast_in_dim3A_625 = arith.constant 1.000000e+00 : f32
      %broadcast_in_dim3A_626 = vector.broadcast %broadcast_in_dim3A_625 : f32 to vector<16xf32>
      %get3A_627 = arith.constant 0 : i32
      %get3A_628 = arith.constant 5 : i32
      %get3A_629 = arith.index_cast %get3A_627 : i32 to index
      %get3A_630 = arith.index_cast %get3A_628 : i32 to index
      %get3A_631 = arith.constant 0 : index
      %get3A_632 = tpu.vector_load %arg9[%get3A_629, %get3A_630, %get3A_631] {strides = array<i32>} : memref<2x8x128xi32, #tpu.memory_space<vmem>>, vector<16xi32>,
      tpu.vector_store_idx %arg18[%get3A_632], %broadcast_in_dim3A_626 {add = true} : memref<10240xf32, #tpu.memory_space<vmem>>[vector<16xi32>], vector<16xf32>,
      %get3A_633 = arith.constant 0 : i32
      %get3A_634 = arith.constant 5 : i32
      %get3A_635 = arith.index_cast %get3A_633 : i32 to index
      %get3A_636 = arith.index_cast %get3A_634 : i32 to index
      %get3A_637 = arith.constant 16 : index
      %get3A_638 = tpu.vector_load %arg9[%get3A_635, %get3A_636, %get3A_637] {strides = array<i32>} : memref<2x8x128xi32, #tpu.memory_space<vmem>>, vector<16xi32>,
      tpu.vector_store_idx %arg18[%get3A_638], %broadcast_in_dim3A_626 {add = true} : memref<10240xf32, #tpu.memory_space<vmem>>[vector<16xi32>], vector<16xf32>,
      %get3A_639 = arith.constant 0 : i32
      %get3A_640 = arith.constant 5 : i32
      %get3A_641 = arith.index_cast %get3A_639 : i32 to index
      %get3A_642 = arith.index_cast %get3A_640 : i32 to index
      %get3A_643 = arith.constant 32 : index
      %get3A_644 = tpu.vector_load %arg9[%get3A_641, %get3A_642, %get3A_643] {strides = array<i32>} : memref<2x8x128xi32, #tpu.memory_space<vmem>>, vector<16xi32>,
      tpu.vector_store_idx %arg18[%get3A_644], %broadcast_in_dim3A_626 {add = true} : memref<10240xf32, #tpu.memory_space<vmem>>[vector<16xi32>], vector<16xf32>,
      %get3A_645 = arith.constant 0 : i32
      %get3A_646 = arith.constant 5 : i32
      %get3A_647 = arith.index_cast %get3A_645 : i32 to index
      %get3A_648 = arith.index_cast %get3A_646 : i32 to index
      %get3A_649 = arith.constant 48 : index
      %get3A_650 = tpu.vector_load %arg9[%get3A_647, %get3A_648, %get3A_649] {strides = array<i32>} : memref<2x8x128xi32, #tpu.memory_space<vmem>>, vector<16xi32>,
      tpu.vector_store_idx %arg18[%get3A_650], %broadcast_in_dim3A_626 {add = true} : memref<10240xf32, #tpu.memory_space<vmem>>[vector<16xi32>], vector<16xf32>,
      %get3A_651 = arith.constant 0 : i32
      %get3A_652 = arith.constant 5 : i32
      %get3A_653 = arith.index_cast %get3A_651 : i32 to index
      %get3A_654 = arith.index_cast %get3A_652 : i32 to index
      %get3A_655 = arith.constant 64 : index
      %get3A_656 = tpu.vector_load %arg9[%get3A_653, %get3A_654, %get3A_655] {strides = array<i32>} : memref<2x8x128xi32, #tpu.memory_space<vmem>>, vector<16xi32>,
      tpu.vector_store_idx %arg18[%get3A_656], %broadcast_in_dim3A_626 {add = true} : memref<10240xf32, #tpu.memory_space<vmem>>[vector<16xi32>], vector<16xf32>,
      %get3A_657 = arith.constant 0 : i32
      %get3A_658 = arith.constant 5 : i32
      %get3A_659 = arith.index_cast %get3A_657 : i32 to index
      %get3A_660 = arith.index_cast %get3A_658 : i32 to index
      %get3A_661 = arith.constant 80 : index
      %get3A_662 = tpu.vector_load %arg9[%get3A_659, %get3A_660, %get3A_661] {strides = array<i32>} : memref<2x8x128xi32, #tpu.memory_space<vmem>>, vector<16xi32>,
      tpu.vector_store_idx %arg18[%get3A_662], %broadcast_in_dim3A_626 {add = true} : memref<10240xf32, #tpu.memory_space<vmem>>[vector<16xi32>], vector<16xf32>,
      %get3A_663 = arith.constant 0 : i32
      %get3A_664 = arith.constant 5 : i32
      %get3A_665 = arith.index_cast %get3A_663 : i32 to index
      %get3A_666 = arith.index_cast %get3A_664 : i32 to index
      %get3A_667 = arith.constant 96 : index
      %get3A_668 = tpu.vector_load %arg9[%get3A_665, %get3A_666, %get3A_667] {strides = array<i32>} : memref<2x8x128xi32, #tpu.memory_space<vmem>>, vector<16xi32>,
      tpu.vector_store_idx %arg18[%get3A_668], %broadcast_in_dim3A_626 {add = true} : memref<10240xf32, #tpu.memory_space<vmem>>[vector<16xi32>], vector<16xf32>,
      %get3A_669 = arith.constant 0 : i32
      %get3A_670 = arith.constant 5 : i32
      %get3A_671 = arith.index_cast %get3A_669 : i32 to index
      %get3A_672 = arith.index_cast %get3A_670 : i32 to index
      %get3A_673 = arith.constant 112 : index
      %get3A_674 = tpu.vector_load %arg9[%get3A_671, %get3A_672, %get3A_673] {strides = array<i32>} : memref<2x8x128xi32, #tpu.memory_space<vmem>>, vector<16xi32>,
      tpu.vector_store_idx %arg18[%get3A_674], %broadcast_in_dim3A_626 {add = true} : memref<10240xf32, #tpu.memory_space<vmem>>[vector<16xi32>], vector<16xf32>,
      %dma_wait3A_675 = arith.constant 0 : i32
      %dma_wait3A_676 = arith.constant 6 : i32
      %dma_wait3A_677 = arith.constant 0 : i32
      %dma_wait3A_678 = arith.constant 0 : i32
      %dma_wait3A_679 = arith.constant 0 : i32
      %dma_wait3A_680 = tpu.memref_slice %arg10[%dma_wait3A_677, %dma_wait3A_678, %dma_wait3A_679] : memref<2x128x128xf32, #tpu.memory_space<vmem>> -> memref<1x128x128xf32, #tpu.memory_space<vmem>>
      %dma_wait3A_681 = tpu.memref_squeeze %dma_wait3A_680 : memref<1x128x128xf32, #tpu.memory_space<vmem>> -> memref<128x128xf32, #tpu.memory_space<vmem>>
      %dma_wait3A_682 = arith.constant 0 : i32
      %dma_wait3A_683 = arith.constant 0 : i32
      %dma_wait3A_684 = tpu.memref_slice %arg8[%dma_wait3A_675, %dma_wait3A_682, %dma_wait3A_683] : memref<2x8x128xi32, #tpu.memory_space<vmem>> -> memref<1x8x128xi32, #tpu.memory_space<vmem>>
      %dma_wait3A_685 = tpu.memref_squeeze %dma_wait3A_684 : memref<1x8x128xi32, #tpu.memory_space<vmem>> -> memref<8x128xi32, #tpu.memory_space<vmem>>
      %dma_wait3A_686 = arith.constant 0 : i32
      %dma_wait3A_687 = tpu.memref_slice %dma_wait3A_685[%dma_wait3A_676, %dma_wait3A_686] : memref<8x128xi32, #tpu.memory_space<vmem>> -> memref<1x128xi32, #tpu.memory_space<vmem>>
      %dma_wait3A_688 = tpu.memref_squeeze %dma_wait3A_687 : memref<1x128xi32, #tpu.memory_space<vmem>> -> memref<128xi32, #tpu.memory_space<vmem>>
      %dma_wait3A_689 = arith.constant 0 : i32
      %dma_wait3A_690 = arith.constant 0 : i32
      %dma_wait3A_691 = tpu.memref_slice %arg2[%dma_wait3A_689, %dma_wait3A_690] : memref<10240x128xf32, #tpu.memory_space<hbm>> -> memref<10240x128xf32, #tpu.memory_space<hbm>>
      tpu.wait_indirect_dma semaphore(%arg12 : memref<!tpu.dma_semaphore, #tpu.memory_space<semaphore_mem>>) src(%dma_wait3A_691 : memref<10240x128xf32, #tpu.memory_space<hbm>>) dst(%dma_wait3A_681 : memref<128x128xf32, #tpu.memory_space<vmem>>)
      %run_scoped3A_692 = arith.constant 0 : i32
      %run_scoped3A_693 = arith.constant 0 : i32
      %run_scoped3A_694 = arith.constant 6 : i32
      "tpu.region"() ({
        %run_scoped3A_1568 = tpu.sem_alloc : memref<!tpu.dma_semaphore, #tpu.memory_space<semaphore_mem>>
        %dma_start3A_1569 = arith.constant 0 : i32
        %dma_start3A_1570 = arith.constant 0 : i32
        %dma_start3A_1571 = tpu.memref_slice %arg10[%run_scoped3A_692, %dma_start3A_1569, %dma_start3A_1570] : memref<2x128x128xf32, #tpu.memory_space<vmem>> -> memref<1x128x128xf32, #tpu.memory_space<vmem>>
        %dma_start3A_1572 = tpu.memref_squeeze %dma_start3A_1571 : memref<1x128x128xf32, #tpu.memory_space<vmem>> -> memref<128x128xf32, #tpu.memory_space<vmem>>
        %dma_start3A_1573 = arith.constant 0 : i32
        %dma_start3A_1574 = arith.constant 0 : i32
        %dma_start3A_1575 = tpu.memref_slice %arg9[%run_scoped3A_693, %dma_start3A_1573, %dma_start3A_1574] : memref<2x8x128xi32, #tpu.memory_space<vmem>> -> memref<1x8x128xi32, #tpu.memory_space<vmem>>
        %dma_start3A_1576 = tpu.memref_squeeze %dma_start3A_1575 : memref<1x8x128xi32, #tpu.memory_space<vmem>> -> memref<8x128xi32, #tpu.memory_space<vmem>>
        %dma_start3A_1577 = arith.constant 0 : i32
        %dma_start3A_1578 = tpu.memref_slice %dma_start3A_1576[%run_scoped3A_694, %dma_start3A_1577] : memref<8x128xi32, #tpu.memory_space<vmem>> -> memref<1x128xi32, #tpu.memory_space<vmem>>
        %dma_start3A_1579 = tpu.memref_squeeze %dma_start3A_1578 : memref<1x128xi32, #tpu.memory_space<vmem>> -> memref<128xi32, #tpu.memory_space<vmem>>
        %dma_start3A_1580 = arith.constant 0 : i32
        %dma_start3A_1581 = arith.constant 0 : i32
        %dma_start3A_1582 = tpu.memref_slice %arg11[%dma_start3A_1580, %dma_start3A_1581] : memref<10240x128xf32, #tpu.memory_space<vmem_shared>> -> memref<10240x128xf32, #tpu.memory_space<vmem_shared>>
        tpu.enqueue_indirect_dma source(%dma_start3A_1572 : memref<128x128xf32, #tpu.memory_space<vmem>>) target(%dma_start3A_1582 : memref<10240x128xf32, #tpu.memory_space<vmem_shared>>) offsets(%dma_start3A_1579 : memref<128xi32, #tpu.memory_space<vmem>>) semaphore(%run_scoped3A_1568 : memref<!tpu.dma_semaphore, #tpu.memory_space<semaphore_mem>>) {add = true}
        %dma_wait3A_1583 = arith.constant 0 : i32
        %dma_wait3A_1584 = arith.constant 0 : i32
        %dma_wait3A_1585 = tpu.memref_slice %arg10[%run_scoped3A_692, %dma_wait3A_1583, %dma_wait3A_1584] : memref<2x128x128xf32, #tpu.memory_space<vmem>> -> memref<1x128x128xf32, #tpu.memory_space<vmem>>
        %dma_wait3A_1586 = tpu.memref_squeeze %dma_wait3A_1585 : memref<1x128x128xf32, #tpu.memory_space<vmem>> -> memref<128x128xf32, #tpu.memory_space<vmem>>
        %dma_wait3A_1587 = arith.constant 0 : i32
        %dma_wait3A_1588 = arith.constant 0 : i32
        %dma_wait3A_1589 = tpu.memref_slice %arg9[%run_scoped3A_693, %dma_wait3A_1587, %dma_wait3A_1588] : memref<2x8x128xi32, #tpu.memory_space<vmem>> -> memref<1x8x128xi32, #tpu.memory_space<vmem>>
        %dma_wait3A_1590 = tpu.memref_squeeze %dma_wait3A_1589 : memref<1x8x128xi32, #tpu.memory_space<vmem>> -> memref<8x128xi32, #tpu.memory_space<vmem>>
        %dma_wait3A_1591 = arith.constant 0 : i32
        %dma_wait3A_1592 = tpu.memref_slice %dma_wait3A_1590[%run_scoped3A_694, %dma_wait3A_1591] : memref<8x128xi32, #tpu.memory_space<vmem>> -> memref<1x128xi32, #tpu.memory_space<vmem>>
        %dma_wait3A_1593 = tpu.memref_squeeze %dma_wait3A_1592 : memref<1x128xi32, #tpu.memory_space<vmem>> -> memref<128xi32, #tpu.memory_space<vmem>>
        %dma_wait3A_1594 = arith.constant 0 : i32
        %dma_wait3A_1595 = arith.constant 0 : i32
        %dma_wait3A_1596 = tpu.memref_slice %arg11[%dma_wait3A_1594, %dma_wait3A_1595] : memref<10240x128xf32, #tpu.memory_space<vmem_shared>> -> memref<10240x128xf32, #tpu.memory_space<vmem_shared>>
        tpu.wait_indirect_dma semaphore(%run_scoped3A_1568 : memref<!tpu.dma_semaphore, #tpu.memory_space<semaphore_mem>>) src(%dma_wait3A_1586 : memref<128x128xf32, #tpu.memory_space<vmem>>) dst(%dma_wait3A_1596 : memref<10240x128xf32, #tpu.memory_space<vmem_shared>>)
        tpu.yield
      }) : () -> ()
      %broadcast_in_dim3A_695 = arith.constant 1.000000e+00 : f32
      %broadcast_in_dim3A_696 = vector.broadcast %broadcast_in_dim3A_695 : f32 to vector<16xf32>
      %get3A_697 = arith.constant 0 : i32
      %get3A_698 = arith.constant 6 : i32
      %get3A_699 = arith.index_cast %get3A_697 : i32 to index
      %get3A_700 = arith.index_cast %get3A_698 : i32 to index
      %get3A_701 = arith.constant 0 : index
      %get3A_702 = tpu.vector_load %arg9[%get3A_699, %get3A_700, %get3A_701] {strides = array<i32>} : memref<2x8x128xi32, #tpu.memory_space<vmem>>, vector<16xi32>,
      tpu.vector_store_idx %arg18[%get3A_702], %broadcast_in_dim3A_696 {add = true} : memref<10240xf32, #tpu.memory_space<vmem>>[vector<16xi32>], vector<16xf32>,
      %get3A_703 = arith.constant 0 : i32
      %get3A_704 = arith.constant 6 : i32
      %get3A_705 = arith.index_cast %get3A_703 : i32 to index
      %get3A_706 = arith.index_cast %get3A_704 : i32 to index
      %get3A_707 = arith.constant 16 : index
      %get3A_708 = tpu.vector_load %arg9[%get3A_705, %get3A_706, %get3A_707] {strides = array<i32>} : memref<2x8x128xi32, #tpu.memory_space<vmem>>, vector<16xi32>,
      tpu.vector_store_idx %arg18[%get3A_708], %broadcast_in_dim3A_696 {add = true} : memref<10240xf32, #tpu.memory_space<vmem>>[vector<16xi32>], vector<16xf32>,
      %get3A_709 = arith.constant 0 : i32
      %get3A_710 = arith.constant 6 : i32
      %get3A_711 = arith.index_cast %get3A_709 : i32 to index
      %get3A_712 = arith.index_cast %get3A_710 : i32 to index
      %get3A_713 = arith.constant 32 : index
      %get3A_714 = tpu.vector_load %arg9[%get3A_711, %get3A_712, %get3A_713] {strides = array<i32>} : memref<2x8x128xi32, #tpu.memory_space<vmem>>, vector<16xi32>,
      tpu.vector_store_idx %arg18[%get3A_714], %broadcast_in_dim3A_696 {add = true} : memref<10240xf32, #tpu.memory_space<vmem>>[vector<16xi32>], vector<16xf32>,
      %get3A_715 = arith.constant 0 : i32
      %get3A_716 = arith.constant 6 : i32
      %get3A_717 = arith.index_cast %get3A_715 : i32 to index
      %get3A_718 = arith.index_cast %get3A_716 : i32 to index
      %get3A_719 = arith.constant 48 : index
      %get3A_720 = tpu.vector_load %arg9[%get3A_717, %get3A_718, %get3A_719] {strides = array<i32>} : memref<2x8x128xi32, #tpu.memory_space<vmem>>, vector<16xi32>,
      tpu.vector_store_idx %arg18[%get3A_720], %broadcast_in_dim3A_696 {add = true} : memref<10240xf32, #tpu.memory_space<vmem>>[vector<16xi32>], vector<16xf32>,
      %get3A_721 = arith.constant 0 : i32
      %get3A_722 = arith.constant 6 : i32
      %get3A_723 = arith.index_cast %get3A_721 : i32 to index
      %get3A_724 = arith.index_cast %get3A_722 : i32 to index
      %get3A_725 = arith.constant 64 : index
      %get3A_726 = tpu.vector_load %arg9[%get3A_723, %get3A_724, %get3A_725] {strides = array<i32>} : memref<2x8x128xi32, #tpu.memory_space<vmem>>, vector<16xi32>,
      tpu.vector_store_idx %arg18[%get3A_726], %broadcast_in_dim3A_696 {add = true} : memref<10240xf32, #tpu.memory_space<vmem>>[vector<16xi32>], vector<16xf32>,
      %get3A_727 = arith.constant 0 : i32
      %get3A_728 = arith.constant 6 : i32
      %get3A_729 = arith.index_cast %get3A_727 : i32 to index
      %get3A_730 = arith.index_cast %get3A_728 : i32 to index
      %get3A_731 = arith.constant 80 : index
      %get3A_732 = tpu.vector_load %arg9[%get3A_729, %get3A_730, %get3A_731] {strides = array<i32>} : memref<2x8x128xi32, #tpu.memory_space<vmem>>, vector<16xi32>,
      tpu.vector_store_idx %arg18[%get3A_732], %broadcast_in_dim3A_696 {add = true} : memref<10240xf32, #tpu.memory_space<vmem>>[vector<16xi32>], vector<16xf32>,
      %get3A_733 = arith.constant 0 : i32
      %get3A_734 = arith.constant 6 : i32
      %get3A_735 = arith.index_cast %get3A_733 : i32 to index
      %get3A_736 = arith.index_cast %get3A_734 : i32 to index
      %get3A_737 = arith.constant 96 : index
      %get3A_738 = tpu.vector_load %arg9[%get3A_735, %get3A_736, %get3A_737] {strides = array<i32>} : memref<2x8x128xi32, #tpu.memory_space<vmem>>, vector<16xi32>,
      tpu.vector_store_idx %arg18[%get3A_738], %broadcast_in_dim3A_696 {add = true} : memref<10240xf32, #tpu.memory_space<vmem>>[vector<16xi32>], vector<16xf32>,
      %get3A_739 = arith.constant 0 : i32
      %get3A_740 = arith.constant 6 : i32
      %get3A_741 = arith.index_cast %get3A_739 : i32 to index
      %get3A_742 = arith.index_cast %get3A_740 : i32 to index
      %get3A_743 = arith.constant 112 : index
      %get3A_744 = tpu.vector_load %arg9[%get3A_741, %get3A_742, %get3A_743] {strides = array<i32>} : memref<2x8x128xi32, #tpu.memory_space<vmem>>, vector<16xi32>,
      tpu.vector_store_idx %arg18[%get3A_744], %broadcast_in_dim3A_696 {add = true} : memref<10240xf32, #tpu.memory_space<vmem>>[vector<16xi32>], vector<16xf32>,
      %dma_wait3A_745 = arith.constant 0 : i32
      %dma_wait3A_746 = arith.constant 7 : i32
      %dma_wait3A_747 = arith.constant 1 : i32
      %dma_wait3A_748 = arith.constant 0 : i32
      %dma_wait3A_749 = arith.constant 0 : i32
      %dma_wait3A_750 = tpu.memref_slice %arg10[%dma_wait3A_747, %dma_wait3A_748, %dma_wait3A_749] : memref<2x128x128xf32, #tpu.memory_space<vmem>> -> memref<1x128x128xf32, #tpu.memory_space<vmem>>
      %dma_wait3A_751 = tpu.memref_squeeze %dma_wait3A_750 : memref<1x128x128xf32, #tpu.memory_space<vmem>> -> memref<128x128xf32, #tpu.memory_space<vmem>>
      %dma_wait3A_752 = arith.constant 0 : i32
      %dma_wait3A_753 = arith.constant 0 : i32
      %dma_wait3A_754 = tpu.memref_slice %arg8[%dma_wait3A_745, %dma_wait3A_752, %dma_wait3A_753] : memref<2x8x128xi32, #tpu.memory_space<vmem>> -> memref<1x8x128xi32, #tpu.memory_space<vmem>>
      %dma_wait3A_755 = tpu.memref_squeeze %dma_wait3A_754 : memref<1x8x128xi32, #tpu.memory_space<vmem>> -> memref<8x128xi32, #tpu.memory_space<vmem>>
      %dma_wait3A_756 = arith.constant 0 : i32
      %dma_wait3A_757 = tpu.memref_slice %dma_wait3A_755[%dma_wait3A_746, %dma_wait3A_756] : memref<8x128xi32, #tpu.memory_space<vmem>> -> memref<1x128xi32, #tpu.memory_space<vmem>>
      %dma_wait3A_758 = tpu.memref_squeeze %dma_wait3A_757 : memref<1x128xi32, #tpu.memory_space<vmem>> -> memref<128xi32, #tpu.memory_space<vmem>>
      %dma_wait3A_759 = arith.constant 0 : i32
      %dma_wait3A_760 = arith.constant 0 : i32
      %dma_wait3A_761 = tpu.memref_slice %arg2[%dma_wait3A_759, %dma_wait3A_760] : memref<10240x128xf32, #tpu.memory_space<hbm>> -> memref<10240x128xf32, #tpu.memory_space<hbm>>
      tpu.wait_indirect_dma semaphore(%arg13 : memref<!tpu.dma_semaphore, #tpu.memory_space<semaphore_mem>>) src(%dma_wait3A_761 : memref<10240x128xf32, #tpu.memory_space<hbm>>) dst(%dma_wait3A_751 : memref<128x128xf32, #tpu.memory_space<vmem>>)
      %run_scoped3A_762 = arith.constant 1 : i32
      %run_scoped3A_763 = arith.constant 0 : i32
      %run_scoped3A_764 = arith.constant 7 : i32
      "tpu.region"() ({
        %run_scoped3A_1568 = tpu.sem_alloc : memref<!tpu.dma_semaphore, #tpu.memory_space<semaphore_mem>>
        %dma_start3A_1569 = arith.constant 0 : i32
        %dma_start3A_1570 = arith.constant 0 : i32
        %dma_start3A_1571 = tpu.memref_slice %arg10[%run_scoped3A_762, %dma_start3A_1569, %dma_start3A_1570] : memref<2x128x128xf32, #tpu.memory_space<vmem>> -> memref<1x128x128xf32, #tpu.memory_space<vmem>>
        %dma_start3A_1572 = tpu.memref_squeeze %dma_start3A_1571 : memref<1x128x128xf32, #tpu.memory_space<vmem>> -> memref<128x128xf32, #tpu.memory_space<vmem>>
        %dma_start3A_1573 = arith.constant 0 : i32
        %dma_start3A_1574 = arith.constant 0 : i32
        %dma_start3A_1575 = tpu.memref_slice %arg9[%run_scoped3A_763, %dma_start3A_1573, %dma_start3A_1574] : memref<2x8x128xi32, #tpu.memory_space<vmem>> -> memref<1x8x128xi32, #tpu.memory_space<vmem>>
        %dma_start3A_1576 = tpu.memref_squeeze %dma_start3A_1575 : memref<1x8x128xi32, #tpu.memory_space<vmem>> -> memref<8x128xi32, #tpu.memory_space<vmem>>
        %dma_start3A_1577 = arith.constant 0 : i32
        %dma_start3A_1578 = tpu.memref_slice %dma_start3A_1576[%run_scoped3A_764, %dma_start3A_1577] : memref<8x128xi32, #tpu.memory_space<vmem>> -> memref<1x128xi32, #tpu.memory_space<vmem>>
        %dma_start3A_1579 = tpu.memref_squeeze %dma_start3A_1578 : memref<1x128xi32, #tpu.memory_space<vmem>> -> memref<128xi32, #tpu.memory_space<vmem>>
        %dma_start3A_1580 = arith.constant 0 : i32
        %dma_start3A_1581 = arith.constant 0 : i32
        %dma_start3A_1582 = tpu.memref_slice %arg11[%dma_start3A_1580, %dma_start3A_1581] : memref<10240x128xf32, #tpu.memory_space<vmem_shared>> -> memref<10240x128xf32, #tpu.memory_space<vmem_shared>>
        tpu.enqueue_indirect_dma source(%dma_start3A_1572 : memref<128x128xf32, #tpu.memory_space<vmem>>) target(%dma_start3A_1582 : memref<10240x128xf32, #tpu.memory_space<vmem_shared>>) offsets(%dma_start3A_1579 : memref<128xi32, #tpu.memory_space<vmem>>) semaphore(%run_scoped3A_1568 : memref<!tpu.dma_semaphore, #tpu.memory_space<semaphore_mem>>) {add = true}
        %dma_wait3A_1583 = arith.constant 0 : i32
        %dma_wait3A_1584 = arith.constant 0 : i32
        %dma_wait3A_1585 = tpu.memref_slice %arg10[%run_scoped3A_762, %dma_wait3A_1583, %dma_wait3A_1584] : memref<2x128x128xf32, #tpu.memory_space<vmem>> -> memref<1x128x128xf32, #tpu.memory_space<vmem>>
        %dma_wait3A_1586 = tpu.memref_squeeze %dma_wait3A_1585 : memref<1x128x128xf32, #tpu.memory_space<vmem>> -> memref<128x128xf32, #tpu.memory_space<vmem>>
        %dma_wait3A_1587 = arith.constant 0 : i32
        %dma_wait3A_1588 = arith.constant 0 : i32
        %dma_wait3A_1589 = tpu.memref_slice %arg9[%run_scoped3A_763, %dma_wait3A_1587, %dma_wait3A_1588] : memref<2x8x128xi32, #tpu.memory_space<vmem>> -> memref<1x8x128xi32, #tpu.memory_space<vmem>>
        %dma_wait3A_1590 = tpu.memref_squeeze %dma_wait3A_1589 : memref<1x8x128xi32, #tpu.memory_space<vmem>> -> memref<8x128xi32, #tpu.memory_space<vmem>>
        %dma_wait3A_1591 = arith.constant 0 : i32
        %dma_wait3A_1592 = tpu.memref_slice %dma_wait3A_1590[%run_scoped3A_764, %dma_wait3A_1591] : memref<8x128xi32, #tpu.memory_space<vmem>> -> memref<1x128xi32, #tpu.memory_space<vmem>>
        %dma_wait3A_1593 = tpu.memref_squeeze %dma_wait3A_1592 : memref<1x128xi32, #tpu.memory_space<vmem>> -> memref<128xi32, #tpu.memory_space<vmem>>
        %dma_wait3A_1594 = arith.constant 0 : i32
        %dma_wait3A_1595 = arith.constant 0 : i32
        %dma_wait3A_1596 = tpu.memref_slice %arg11[%dma_wait3A_1594, %dma_wait3A_1595] : memref<10240x128xf32, #tpu.memory_space<vmem_shared>> -> memref<10240x128xf32, #tpu.memory_space<vmem_shared>>
        tpu.wait_indirect_dma semaphore(%run_scoped3A_1568 : memref<!tpu.dma_semaphore, #tpu.memory_space<semaphore_mem>>) src(%dma_wait3A_1586 : memref<128x128xf32, #tpu.memory_space<vmem>>) dst(%dma_wait3A_1596 : memref<10240x128xf32, #tpu.memory_space<vmem_shared>>)
        tpu.yield
      }) : () -> ()
      %broadcast_in_dim3A_765 = arith.constant 1.000000e+00 : f32
      %broadcast_in_dim3A_766 = vector.broadcast %broadcast_in_dim3A_765 : f32 to vector<16xf32>
      %get3A_767 = arith.constant 0 : i32
      %get3A_768 = arith.constant 7 : i32
      %get3A_769 = arith.index_cast %get3A_767 : i32 to index
      %get3A_770 = arith.index_cast %get3A_768 : i32 to index
      %get3A_771 = arith.constant 0 : index
      %get3A_772 = tpu.vector_load %arg9[%get3A_769, %get3A_770, %get3A_771] {strides = array<i32>} : memref<2x8x128xi32, #tpu.memory_space<vmem>>, vector<16xi32>,
      tpu.vector_store_idx %arg18[%get3A_772], %broadcast_in_dim3A_766 {add = true} : memref<10240xf32, #tpu.memory_space<vmem>>[vector<16xi32>], vector<16xf32>,
      %get3A_773 = arith.constant 0 : i32
      %get3A_774 = arith.constant 7 : i32
      %get3A_775 = arith.index_cast %get3A_773 : i32 to index
      %get3A_776 = arith.index_cast %get3A_774 : i32 to index
      %get3A_777 = arith.constant 16 : index
      %get3A_778 = tpu.vector_load %arg9[%get3A_775, %get3A_776, %get3A_777] {strides = array<i32>} : memref<2x8x128xi32, #tpu.memory_space<vmem>>, vector<16xi32>,
      tpu.vector_store_idx %arg18[%get3A_778], %broadcast_in_dim3A_766 {add = true} : memref<10240xf32, #tpu.memory_space<vmem>>[vector<16xi32>], vector<16xf32>,
      %get3A_779 = arith.constant 0 : i32
      %get3A_780 = arith.constant 7 : i32
      %get3A_781 = arith.index_cast %get3A_779 : i32 to index
      %get3A_782 = arith.index_cast %get3A_780 : i32 to index
      %get3A_783 = arith.constant 32 : index
      %get3A_784 = tpu.vector_load %arg9[%get3A_781, %get3A_782, %get3A_783] {strides = array<i32>} : memref<2x8x128xi32, #tpu.memory_space<vmem>>, vector<16xi32>,
      tpu.vector_store_idx %arg18[%get3A_784], %broadcast_in_dim3A_766 {add = true} : memref<10240xf32, #tpu.memory_space<vmem>>[vector<16xi32>], vector<16xf32>,
      %get3A_785 = arith.constant 0 : i32
      %get3A_786 = arith.constant 7 : i32
      %get3A_787 = arith.index_cast %get3A_785 : i32 to index
      %get3A_788 = arith.index_cast %get3A_786 : i32 to index
      %get3A_789 = arith.constant 48 : index
      %get3A_790 = tpu.vector_load %arg9[%get3A_787, %get3A_788, %get3A_789] {strides = array<i32>} : memref<2x8x128xi32, #tpu.memory_space<vmem>>, vector<16xi32>,
      tpu.vector_store_idx %arg18[%get3A_790], %broadcast_in_dim3A_766 {add = true} : memref<10240xf32, #tpu.memory_space<vmem>>[vector<16xi32>], vector<16xf32>,
      %get3A_791 = arith.constant 0 : i32
      %get3A_792 = arith.constant 7 : i32
      %get3A_793 = arith.index_cast %get3A_791 : i32 to index
      %get3A_794 = arith.index_cast %get3A_792 : i32 to index
      %get3A_795 = arith.constant 64 : index
      %get3A_796 = tpu.vector_load %arg9[%get3A_793, %get3A_794, %get3A_795] {strides = array<i32>} : memref<2x8x128xi32, #tpu.memory_space<vmem>>, vector<16xi32>,
      tpu.vector_store_idx %arg18[%get3A_796], %broadcast_in_dim3A_766 {add = true} : memref<10240xf32, #tpu.memory_space<vmem>>[vector<16xi32>], vector<16xf32>,
      %get3A_797 = arith.constant 0 : i32
      %get3A_798 = arith.constant 7 : i32
      %get3A_799 = arith.index_cast %get3A_797 : i32 to index
      %get3A_800 = arith.index_cast %get3A_798 : i32 to index
      %get3A_801 = arith.constant 80 : index
      %get3A_802 = tpu.vector_load %arg9[%get3A_799, %get3A_800, %get3A_801] {strides = array<i32>} : memref<2x8x128xi32, #tpu.memory_space<vmem>>, vector<16xi32>,
      tpu.vector_store_idx %arg18[%get3A_802], %broadcast_in_dim3A_766 {add = true} : memref<10240xf32, #tpu.memory_space<vmem>>[vector<16xi32>], vector<16xf32>,
      %get3A_803 = arith.constant 0 : i32
      %get3A_804 = arith.constant 7 : i32
      %get3A_805 = arith.index_cast %get3A_803 : i32 to index
      %get3A_806 = arith.index_cast %get3A_804 : i32 to index
      %get3A_807 = arith.constant 96 : index
      %get3A_808 = tpu.vector_load %arg9[%get3A_805, %get3A_806, %get3A_807] {strides = array<i32>} : memref<2x8x128xi32, #tpu.memory_space<vmem>>, vector<16xi32>,
      tpu.vector_store_idx %arg18[%get3A_808], %broadcast_in_dim3A_766 {add = true} : memref<10240xf32, #tpu.memory_space<vmem>>[vector<16xi32>], vector<16xf32>,
      %get3A_809 = arith.constant 0 : i32
      %get3A_810 = arith.constant 7 : i32
      %get3A_811 = arith.index_cast %get3A_809 : i32 to index
      %get3A_812 = arith.index_cast %get3A_810 : i32 to index
      %get3A_813 = arith.constant 112 : index
      %get3A_814 = tpu.vector_load %arg9[%get3A_811, %get3A_812, %get3A_813] {strides = array<i32>} : memref<2x8x128xi32, #tpu.memory_space<vmem>>, vector<16xi32>,
      tpu.vector_store_idx %arg18[%get3A_814], %broadcast_in_dim3A_766 {add = true} : memref<10240xf32, #tpu.memory_space<vmem>>[vector<16xi32>], vector<16xf32>,
      %mul3A_815 = arith.constant 2 : i32
      %mul3A_816 = arith.muli %mul3A_815, %add3A_67 : i32
      %add3A_817 = arith.constant 1 : i32
      %add3A_818 = arith.addi %mul3A_816, %add3A_817 : i32
      %mul3A_819 = arith.constant 8 : i32
      %mul3A_820 = arith.muli %add3A_818, %mul3A_819 : i32
      %dma_wait3A_821 = arith.constant 1 : i32
      %dma_wait3A_822 = arith.constant 0 : i32
      %dma_wait3A_823 = arith.constant 0 : i32
      %dma_wait3A_824 = tpu.memref_slice %arg8[%dma_wait3A_821, %dma_wait3A_822, %dma_wait3A_823] : memref<2x8x128xi32, #tpu.memory_space<vmem>> -> memref<1x8x128xi32, #tpu.memory_space<vmem>>
      %dma_wait3A_825 = tpu.memref_squeeze %dma_wait3A_824 : memref<1x8x128xi32, #tpu.memory_space<vmem>> -> memref<8x128xi32, #tpu.memory_space<vmem>>
      %dma_wait3A_826 = arith.constant 0 : i32
      %dma_wait3A_827 = arith.constant 0 : i32
      %dma_wait3A_828 = tpu.memref_slice %arg3[%add3A, %dma_wait3A_826, %dma_wait3A_827] : memref<32x80x128xi32, #tpu.memory_space<hbm>> -> memref<1x80x128xi32, #tpu.memory_space<hbm>>
      %dma_wait3A_829 = tpu.memref_squeeze %dma_wait3A_828 : memref<1x80x128xi32, #tpu.memory_space<hbm>> -> memref<80x128xi32, #tpu.memory_space<hbm>>
      %dma_wait3A_830 = arith.constant 0 : i32
      %dma_wait3A_831 = tpu.memref_slice %dma_wait3A_829[%mul3A_820, %dma_wait3A_830] : memref<80x128xi32, #tpu.memory_space<hbm>> -> memref<8x128xi32, #tpu.memory_space<hbm>>
      %dma_wait3A_832 = arith.constant 0 : i32
      %dma_wait3A_833 = arith.constant 0 : i32
      %dma_wait3A_834 = tpu.memref_slice %arg8[%dma_wait3A_821, %dma_wait3A_832, %dma_wait3A_833] : memref<2x8x128xi32, #tpu.memory_space<vmem>> -> memref<1x8x128xi32, #tpu.memory_space<vmem>>
      %dma_wait3A_835 = tpu.memref_squeeze %dma_wait3A_834 : memref<1x8x128xi32, #tpu.memory_space<vmem>> -> memref<8x128xi32, #tpu.memory_space<vmem>>
      %dma_wait3A_836 = arith.constant 0 : i32
      %dma_wait3A_837 = arith.constant 0 : i32
      %dma_wait3A_838 = tpu.memref_slice %arg3[%add3A, %dma_wait3A_836, %dma_wait3A_837] : memref<32x80x128xi32, #tpu.memory_space<hbm>> -> memref<1x80x128xi32, #tpu.memory_space<hbm>>
      %dma_wait3A_839 = tpu.memref_squeeze %dma_wait3A_838 : memref<1x80x128xi32, #tpu.memory_space<hbm>> -> memref<80x128xi32, #tpu.memory_space<hbm>>
      %dma_wait3A_840 = arith.constant 0 : i32
      %dma_wait3A_841 = tpu.memref_slice %dma_wait3A_839[%mul3A_820, %dma_wait3A_840] : memref<80x128xi32, #tpu.memory_space<hbm>> -> memref<8x128xi32, #tpu.memory_space<hbm>>
      tpu.wait_dma2 semaphore(%arg15 : memref<!tpu.dma_semaphore, #tpu.memory_space<semaphore_mem>>) src(%dma_wait3A_841 : memref<8x128xi32, #tpu.memory_space<hbm>>) dst(%dma_wait3A_835 : memref<8x128xi32, #tpu.memory_space<vmem>>)
      %mul3A_842 = arith.constant 8 : i32
      %mul3A_843 = arith.muli %add3A_818, %mul3A_842 : i32
      %dma_wait3A_844 = arith.constant 1 : i32
      %dma_wait3A_845 = arith.constant 0 : i32
      %dma_wait3A_846 = arith.constant 0 : i32
      %dma_wait3A_847 = tpu.memref_slice %arg9[%dma_wait3A_844, %dma_wait3A_845, %dma_wait3A_846] : memref<2x8x128xi32, #tpu.memory_space<vmem>> -> memref<1x8x128xi32, #tpu.memory_space<vmem>>
      %dma_wait3A_848 = tpu.memref_squeeze %dma_wait3A_847 : memref<1x8x128xi32, #tpu.memory_space<vmem>> -> memref<8x128xi32, #tpu.memory_space<vmem>>
      %dma_wait3A_849 = arith.constant 0 : i32
      %dma_wait3A_850 = arith.constant 0 : i32
      %dma_wait3A_851 = tpu.memref_slice %arg4[%add3A, %dma_wait3A_849, %dma_wait3A_850] : memref<32x80x128xi32, #tpu.memory_space<hbm>> -> memref<1x80x128xi32, #tpu.memory_space<hbm>>
      %dma_wait3A_852 = tpu.memref_squeeze %dma_wait3A_851 : memref<1x80x128xi32, #tpu.memory_space<hbm>> -> memref<80x128xi32, #tpu.memory_space<hbm>>
      %dma_wait3A_853 = arith.constant 0 : i32
      %dma_wait3A_854 = tpu.memref_slice %dma_wait3A_852[%mul3A_843, %dma_wait3A_853] : memref<80x128xi32, #tpu.memory_space<hbm>> -> memref<8x128xi32, #tpu.memory_space<hbm>>
      %dma_wait3A_855 = arith.constant 0 : i32
      %dma_wait3A_856 = arith.constant 0 : i32
      %dma_wait3A_857 = tpu.memref_slice %arg9[%dma_wait3A_844, %dma_wait3A_855, %dma_wait3A_856] : memref<2x8x128xi32, #tpu.memory_space<vmem>> -> memref<1x8x128xi32, #tpu.memory_space<vmem>>
      %dma_wait3A_858 = tpu.memref_squeeze %dma_wait3A_857 : memref<1x8x128xi32, #tpu.memory_space<vmem>> -> memref<8x128xi32, #tpu.memory_space<vmem>>
      %dma_wait3A_859 = arith.constant 0 : i32
      %dma_wait3A_860 = arith.constant 0 : i32
      %dma_wait3A_861 = tpu.memref_slice %arg4[%add3A, %dma_wait3A_859, %dma_wait3A_860] : memref<32x80x128xi32, #tpu.memory_space<hbm>> -> memref<1x80x128xi32, #tpu.memory_space<hbm>>
      %dma_wait3A_862 = tpu.memref_squeeze %dma_wait3A_861 : memref<1x80x128xi32, #tpu.memory_space<hbm>> -> memref<80x128xi32, #tpu.memory_space<hbm>>
      %dma_wait3A_863 = arith.constant 0 : i32
      %dma_wait3A_864 = tpu.memref_slice %dma_wait3A_862[%mul3A_843, %dma_wait3A_863] : memref<80x128xi32, #tpu.memory_space<hbm>> -> memref<8x128xi32, #tpu.memory_space<hbm>>
      tpu.wait_dma2 semaphore(%arg17 : memref<!tpu.dma_semaphore, #tpu.memory_space<semaphore_mem>>) src(%dma_wait3A_864 : memref<8x128xi32, #tpu.memory_space<hbm>>) dst(%dma_wait3A_858 : memref<8x128xi32, #tpu.memory_space<vmem>>)
      %add3A_865 = arith.constant 1 : i32
      %add3A_866 = arith.addi %add3A_818, %add3A_865 : i32
      %lt3A_867 = arith.constant 10 : i32
      %lt3A_868 = arith.cmpi slt, %add3A_866, %lt3A_867 : i32
      %convert_element_type3A_869 = arith.extui %lt3A_868 : i1 to i32
      %cond3A_870 = arith.constant 0 : i32
      %cond3A_871 = arith.cmpi ne, %convert_element_type3A_869, %cond3A_870 : i32
      scf.if %cond3A_871 {
        %add3A_1568 = arith.constant 1 : i32
        %add3A_1569 = arith.addi %add3A_818, %add3A_1568 : i32
        %mul3A_1570 = arith.constant 8 : i32
        %mul3A_1571 = arith.muli %add3A_1569, %mul3A_1570 : i32
        %dma_start3A_1572 = arith.constant 0 : i32
        %dma_start3A_1573 = arith.constant 0 : i32
        %dma_start3A_1574 = arith.constant 0 : i32
        %dma_start3A_1575 = tpu.memref_slice %arg8[%dma_start3A_1572, %dma_start3A_1573, %dma_start3A_1574] : memref<2x8x128xi32, #tpu.memory_space<vmem>> -> memref<1x8x128xi32, #tpu.memory_space<vmem>>
        %dma_start3A_1576 = tpu.memref_squeeze %dma_start3A_1575 : memref<1x8x128xi32, #tpu.memory_space<vmem>> -> memref<8x128xi32, #tpu.memory_space<vmem>>
        %dma_start3A_1577 = arith.constant 0 : i32
        %dma_start3A_1578 = arith.constant 0 : i32
        %dma_start3A_1579 = tpu.memref_slice %arg3[%add3A, %dma_start3A_1577, %dma_start3A_1578] : memref<32x80x128xi32, #tpu.memory_space<hbm>> -> memref<1x80x128xi32, #tpu.memory_space<hbm>>
        %dma_start3A_1580 = tpu.memref_squeeze %dma_start3A_1579 : memref<1x80x128xi32, #tpu.memory_space<hbm>> -> memref<80x128xi32, #tpu.memory_space<hbm>>
        %dma_start3A_1581 = arith.constant 0 : i32
        %dma_start3A_1582 = tpu.memref_slice %dma_start3A_1580[%mul3A_1571, %dma_start3A_1581] : memref<80x128xi32, #tpu.memory_space<hbm>> -> memref<8x128xi32, #tpu.memory_space<hbm>>
        %dma_start3A_1583 = arith.constant 0 : i32
        %dma_start3A_1584 = arith.constant 0 : i32
        %dma_start3A_1585 = tpu.memref_slice %arg8[%dma_start3A_1572, %dma_start3A_1583, %dma_start3A_1584] : memref<2x8x128xi32, #tpu.memory_space<vmem>> -> memref<1x8x128xi32, #tpu.memory_space<vmem>>
        %dma_start3A_1586 = tpu.memref_squeeze %dma_start3A_1585 : memref<1x8x128xi32, #tpu.memory_space<vmem>> -> memref<8x128xi32, #tpu.memory_space<vmem>>
        %dma_start3A_1587 = arith.constant 0 : i32
        %dma_start3A_1588 = arith.constant 0 : i32
        %dma_start3A_1589 = tpu.memref_slice %arg3[%add3A, %dma_start3A_1587, %dma_start3A_1588] : memref<32x80x128xi32, #tpu.memory_space<hbm>> -> memref<1x80x128xi32, #tpu.memory_space<hbm>>
        %dma_start3A_1590 = tpu.memref_squeeze %dma_start3A_1589 : memref<1x80x128xi32, #tpu.memory_space<hbm>> -> memref<80x128xi32, #tpu.memory_space<hbm>>
        %dma_start3A_1591 = arith.constant 0 : i32
        %dma_start3A_1592 = tpu.memref_slice %dma_start3A_1590[%mul3A_1571, %dma_start3A_1591] : memref<80x128xi32, #tpu.memory_space<hbm>> -> memref<8x128xi32, #tpu.memory_space<hbm>>
        tpu.enqueue_dma source(%dma_start3A_1592 : memref<8x128xi32, #tpu.memory_space<hbm>>) target(%dma_start3A_1586 : memref<8x128xi32, #tpu.memory_space<vmem>>) target_semaphore(%arg14 : memref<!tpu.dma_semaphore, #tpu.memory_space<semaphore_mem>>)
        %add3A_1593 = arith.constant 1 : i32
        %add3A_1594 = arith.addi %add3A_818, %add3A_1593 : i32
        %mul3A_1595 = arith.constant 8 : i32
        %mul3A_1596 = arith.muli %add3A_1594, %mul3A_1595 : i32
        %dma_start3A_1597 = arith.constant 0 : i32
        %dma_start3A_1598 = arith.constant 0 : i32
        %dma_start3A_1599 = arith.constant 0 : i32
        %dma_start3A_1600 = tpu.memref_slice %arg9[%dma_start3A_1597, %dma_start3A_1598, %dma_start3A_1599] : memref<2x8x128xi32, #tpu.memory_space<vmem>> -> memref<1x8x128xi32, #tpu.memory_space<vmem>>
        %dma_start3A_1601 = tpu.memref_squeeze %dma_start3A_1600 : memref<1x8x128xi32, #tpu.memory_space<vmem>> -> memref<8x128xi32, #tpu.memory_space<vmem>>
        %dma_start3A_1602 = arith.constant 0 : i32
        %dma_start3A_1603 = arith.constant 0 : i32
        %dma_start3A_1604 = tpu.memref_slice %arg4[%add3A, %dma_start3A_1602, %dma_start3A_1603] : memref<32x80x128xi32, #tpu.memory_space<hbm>> -> memref<1x80x128xi32, #tpu.memory_space<hbm>>
        %dma_start3A_1605 = tpu.memref_squeeze %dma_start3A_1604 : memref<1x80x128xi32, #tpu.memory_space<hbm>> -> memref<80x128xi32, #tpu.memory_space<hbm>>
        %dma_start3A_1606 = arith.constant 0 : i32
        %dma_start3A_1607 = tpu.memref_slice %dma_start3A_1605[%mul3A_1596, %dma_start3A_1606] : memref<80x128xi32, #tpu.memory_space<hbm>> -> memref<8x128xi32, #tpu.memory_space<hbm>>
        %dma_start3A_1608 = arith.constant 0 : i32
        %dma_start3A_1609 = arith.constant 0 : i32
        %dma_start3A_1610 = tpu.memref_slice %arg9[%dma_start3A_1597, %dma_start3A_1608, %dma_start3A_1609] : memref<2x8x128xi32, #tpu.memory_space<vmem>> -> memref<1x8x128xi32, #tpu.memory_space<vmem>>
        %dma_start3A_1611 = tpu.memref_squeeze %dma_start3A_1610 : memref<1x8x128xi32, #tpu.memory_space<vmem>> -> memref<8x128xi32, #tpu.memory_space<vmem>>
        %dma_start3A_1612 = arith.constant 0 : i32
        %dma_start3A_1613 = arith.constant 0 : i32
        %dma_start3A_1614 = tpu.memref_slice %arg4[%add3A, %dma_start3A_1612, %dma_start3A_1613] : memref<32x80x128xi32, #tpu.memory_space<hbm>> -> memref<1x80x128xi32, #tpu.memory_space<hbm>>
        %dma_start3A_1615 = tpu.memref_squeeze %dma_start3A_1614 : memref<1x80x128xi32, #tpu.memory_space<hbm>> -> memref<80x128xi32, #tpu.memory_space<hbm>>
        %dma_start3A_1616 = arith.constant 0 : i32
        %dma_start3A_1617 = tpu.memref_slice %dma_start3A_1615[%mul3A_1596, %dma_start3A_1616] : memref<80x128xi32, #tpu.memory_space<hbm>> -> memref<8x128xi32, #tpu.memory_space<hbm>>
        tpu.enqueue_dma source(%dma_start3A_1617 : memref<8x128xi32, #tpu.memory_space<hbm>>) target(%dma_start3A_1611 : memref<8x128xi32, #tpu.memory_space<vmem>>) target_semaphore(%arg16 : memref<!tpu.dma_semaphore, #tpu.memory_space<semaphore_mem>>)
      } else {
      }
      %dma_start3A_872 = arith.constant 1 : i32
      %dma_start3A_873 = arith.constant 0 : i32
      %dma_start3A_874 = arith.constant 0 : i32
      %dma_start3A_875 = arith.constant 0 : i32
      %dma_start3A_876 = arith.constant 0 : i32
      %dma_start3A_877 = tpu.memref_slice %arg10[%dma_start3A_874, %dma_start3A_875, %dma_start3A_876] : memref<2x128x128xf32, #tpu.memory_space<vmem>> -> memref<1x128x128xf32, #tpu.memory_space<vmem>>
      %dma_start3A_878 = tpu.memref_squeeze %dma_start3A_877 : memref<1x128x128xf32, #tpu.memory_space<vmem>> -> memref<128x128xf32, #tpu.memory_space<vmem>>
      %dma_start3A_879 = arith.constant 0 : i32
      %dma_start3A_880 = arith.constant 0 : i32
      %dma_start3A_881 = tpu.memref_slice %arg8[%dma_start3A_872, %dma_start3A_879, %dma_start3A_880] : memref<2x8x128xi32, #tpu.memory_space<vmem>> -> memref<1x8x128xi32, #tpu.memory_space<vmem>>
      %dma_start3A_882 = tpu.memref_squeeze %dma_start3A_881 : memref<1x8x128xi32, #tpu.memory_space<vmem>> -> memref<8x128xi32, #tpu.memory_space<vmem>>
      %dma_start3A_883 = arith.constant 0 : i32
      %dma_start3A_884 = tpu.memref_slice %dma_start3A_882[%dma_start3A_873, %dma_start3A_883] : memref<8x128xi32, #tpu.memory_space<vmem>> -> memref<1x128xi32, #tpu.memory_space<vmem>>
      %dma_start3A_885 = tpu.memref_squeeze %dma_start3A_884 : memref<1x128xi32, #tpu.memory_space<vmem>> -> memref<128xi32, #tpu.memory_space<vmem>>
      %dma_start3A_886 = arith.constant 0 : i32
      %dma_start3A_887 = arith.constant 0 : i32
      %dma_start3A_888 = tpu.memref_slice %arg2[%dma_start3A_886, %dma_start3A_887] : memref<10240x128xf32, #tpu.memory_space<hbm>> -> memref<10240x128xf32, #tpu.memory_space<hbm>>
      tpu.enqueue_indirect_dma source(%dma_start3A_888 : memref<10240x128xf32, #tpu.memory_space<hbm>>) target(%dma_start3A_878 : memref<128x128xf32, #tpu.memory_space<vmem>>) offsets(%dma_start3A_885 : memref<128xi32, #tpu.memory_space<vmem>>) semaphore(%arg12 : memref<!tpu.dma_semaphore, #tpu.memory_space<semaphore_mem>>)
      %dma_start3A_889 = arith.constant 1 : i32
      %dma_start3A_890 = arith.constant 1 : i32
      %dma_start3A_891 = arith.constant 1 : i32
      %dma_start3A_892 = arith.constant 0 : i32
      %dma_start3A_893 = arith.constant 0 : i32
      %dma_start3A_894 = tpu.memref_slice %arg10[%dma_start3A_891, %dma_start3A_892, %dma_start3A_893] : memref<2x128x128xf32, #tpu.memory_space<vmem>> -> memref<1x128x128xf32, #tpu.memory_space<vmem>>
      %dma_start3A_895 = tpu.memref_squeeze %dma_start3A_894 : memref<1x128x128xf32, #tpu.memory_space<vmem>> -> memref<128x128xf32, #tpu.memory_space<vmem>>
      %dma_start3A_896 = arith.constant 0 : i32
      %dma_start3A_897 = arith.constant 0 : i32
      %dma_start3A_898 = tpu.memref_slice %arg8[%dma_start3A_889, %dma_start3A_896, %dma_start3A_897] : memref<2x8x128xi32, #tpu.memory_space<vmem>> -> memref<1x8x128xi32, #tpu.memory_space<vmem>>
      %dma_start3A_899 = tpu.memref_squeeze %dma_start3A_898 : memref<1x8x128xi32, #tpu.memory_space<vmem>> -> memref<8x128xi32, #tpu.memory_space<vmem>>
      %dma_start3A_900 = arith.constant 0 : i32
      %dma_start3A_901 = tpu.memref_slice %dma_start3A_899[%dma_start3A_890, %dma_start3A_900] : memref<8x128xi32, #tpu.memory_space<vmem>> -> memref<1x128xi32, #tpu.memory_space<vmem>>
      %dma_start3A_902 = tpu.memref_squeeze %dma_start3A_901 : memref<1x128xi32, #tpu.memory_space<vmem>> -> memref<128xi32, #tpu.memory_space<vmem>>
      %dma_start3A_903 = arith.constant 0 : i32
      %dma_start3A_904 = arith.constant 0 : i32
      %dma_start3A_905 = tpu.memref_slice %arg2[%dma_start3A_903, %dma_start3A_904] : memref<10240x128xf32, #tpu.memory_space<hbm>> -> memref<10240x128xf32, #tpu.memory_space<hbm>>
      tpu.enqueue_indirect_dma source(%dma_start3A_905 : memref<10240x128xf32, #tpu.memory_space<hbm>>) target(%dma_start3A_895 : memref<128x128xf32, #tpu.memory_space<vmem>>) offsets(%dma_start3A_902 : memref<128xi32, #tpu.memory_space<vmem>>) semaphore(%arg13 : memref<!tpu.dma_semaphore, #tpu.memory_space<semaphore_mem>>)
      %dma_wait3A_906 = arith.constant 1 : i32
      %dma_wait3A_907 = arith.constant 0 : i32
      %dma_wait3A_908 = arith.constant 0 : i32
      %dma_wait3A_909 = arith.constant 0 : i32
      %dma_wait3A_910 = arith.constant 0 : i32
      %dma_wait3A_911 = tpu.memref_slice %arg10[%dma_wait3A_908, %dma_wait3A_909, %dma_wait3A_910] : memref<2x128x128xf32, #tpu.memory_space<vmem>> -> memref<1x128x128xf32, #tpu.memory_space<vmem>>
      %dma_wait3A_912 = tpu.memref_squeeze %dma_wait3A_911 : memref<1x128x128xf32, #tpu.memory_space<vmem>> -> memref<128x128xf32, #tpu.memory_space<vmem>>
      %dma_wait3A_913 = arith.constant 0 : i32
      %dma_wait3A_914 = arith.constant 0 : i32
      %dma_wait3A_915 = tpu.memref_slice %arg8[%dma_wait3A_906, %dma_wait3A_913, %dma_wait3A_914] : memref<2x8x128xi32, #tpu.memory_space<vmem>> -> memref<1x8x128xi32, #tpu.memory_space<vmem>>
      %dma_wait3A_916 = tpu.memref_squeeze %dma_wait3A_915 : memref<1x8x128xi32, #tpu.memory_space<vmem>> -> memref<8x128xi32, #tpu.memory_space<vmem>>
      %dma_wait3A_917 = arith.constant 0 : i32
      %dma_wait3A_918 = tpu.memref_slice %dma_wait3A_916[%dma_wait3A_907, %dma_wait3A_917] : memref<8x128xi32, #tpu.memory_space<vmem>> -> memref<1x128xi32, #tpu.memory_space<vmem>>
      %dma_wait3A_919 = tpu.memref_squeeze %dma_wait3A_918 : memref<1x128xi32, #tpu.memory_space<vmem>> -> memref<128xi32, #tpu.memory_space<vmem>>
      %dma_wait3A_920 = arith.constant 0 : i32
      %dma_wait3A_921 = arith.constant 0 : i32
      %dma_wait3A_922 = tpu.memref_slice %arg2[%dma_wait3A_920, %dma_wait3A_921] : memref<10240x128xf32, #tpu.memory_space<hbm>> -> memref<10240x128xf32, #tpu.memory_space<hbm>>
      tpu.wait_indirect_dma semaphore(%arg12 : memref<!tpu.dma_semaphore, #tpu.memory_space<semaphore_mem>>) src(%dma_wait3A_922 : memref<10240x128xf32, #tpu.memory_space<hbm>>) dst(%dma_wait3A_912 : memref<128x128xf32, #tpu.memory_space<vmem>>)
      %run_scoped3A_923 = arith.constant 0 : i32
      %run_scoped3A_924 = arith.constant 1 : i32
      %run_scoped3A_925 = arith.constant 0 : i32
      "tpu.region"() ({
        %run_scoped3A_1568 = tpu.sem_alloc : memref<!tpu.dma_semaphore, #tpu.memory_space<semaphore_mem>>
        %dma_start3A_1569 = arith.constant 0 : i32
        %dma_start3A_1570 = arith.constant 0 : i32
        %dma_start3A_1571 = tpu.memref_slice %arg10[%run_scoped3A_923, %dma_start3A_1569, %dma_start3A_1570] : memref<2x128x128xf32, #tpu.memory_space<vmem>> -> memref<1x128x128xf32, #tpu.memory_space<vmem>>
        %dma_start3A_1572 = tpu.memref_squeeze %dma_start3A_1571 : memref<1x128x128xf32, #tpu.memory_space<vmem>> -> memref<128x128xf32, #tpu.memory_space<vmem>>
        %dma_start3A_1573 = arith.constant 0 : i32
        %dma_start3A_1574 = arith.constant 0 : i32
        %dma_start3A_1575 = tpu.memref_slice %arg9[%run_scoped3A_924, %dma_start3A_1573, %dma_start3A_1574] : memref<2x8x128xi32, #tpu.memory_space<vmem>> -> memref<1x8x128xi32, #tpu.memory_space<vmem>>
        %dma_start3A_1576 = tpu.memref_squeeze %dma_start3A_1575 : memref<1x8x128xi32, #tpu.memory_space<vmem>> -> memref<8x128xi32, #tpu.memory_space<vmem>>
        %dma_start3A_1577 = arith.constant 0 : i32
        %dma_start3A_1578 = tpu.memref_slice %dma_start3A_1576[%run_scoped3A_925, %dma_start3A_1577] : memref<8x128xi32, #tpu.memory_space<vmem>> -> memref<1x128xi32, #tpu.memory_space<vmem>>
        %dma_start3A_1579 = tpu.memref_squeeze %dma_start3A_1578 : memref<1x128xi32, #tpu.memory_space<vmem>> -> memref<128xi32, #tpu.memory_space<vmem>>
        %dma_start3A_1580 = arith.constant 0 : i32
        %dma_start3A_1581 = arith.constant 0 : i32
        %dma_start3A_1582 = tpu.memref_slice %arg11[%dma_start3A_1580, %dma_start3A_1581] : memref<10240x128xf32, #tpu.memory_space<vmem_shared>> -> memref<10240x128xf32, #tpu.memory_space<vmem_shared>>
        tpu.enqueue_indirect_dma source(%dma_start3A_1572 : memref<128x128xf32, #tpu.memory_space<vmem>>) target(%dma_start3A_1582 : memref<10240x128xf32, #tpu.memory_space<vmem_shared>>) offsets(%dma_start3A_1579 : memref<128xi32, #tpu.memory_space<vmem>>) semaphore(%run_scoped3A_1568 : memref<!tpu.dma_semaphore, #tpu.memory_space<semaphore_mem>>) {add = true}
        %dma_wait3A_1583 = arith.constant 0 : i32
        %dma_wait3A_1584 = arith.constant 0 : i32
        %dma_wait3A_1585 = tpu.memref_slice %arg10[%run_scoped3A_923, %dma_wait3A_1583, %dma_wait3A_1584] : memref<2x128x128xf32, #tpu.memory_space<vmem>> -> memref<1x128x128xf32, #tpu.memory_space<vmem>>
        %dma_wait3A_1586 = tpu.memref_squeeze %dma_wait3A_1585 : memref<1x128x128xf32, #tpu.memory_space<vmem>> -> memref<128x128xf32, #tpu.memory_space<vmem>>
        %dma_wait3A_1587 = arith.constant 0 : i32
        %dma_wait3A_1588 = arith.constant 0 : i32
        %dma_wait3A_1589 = tpu.memref_slice %arg9[%run_scoped3A_924, %dma_wait3A_1587, %dma_wait3A_1588] : memref<2x8x128xi32, #tpu.memory_space<vmem>> -> memref<1x8x128xi32, #tpu.memory_space<vmem>>
        %dma_wait3A_1590 = tpu.memref_squeeze %dma_wait3A_1589 : memref<1x8x128xi32, #tpu.memory_space<vmem>> -> memref<8x128xi32, #tpu.memory_space<vmem>>
        %dma_wait3A_1591 = arith.constant 0 : i32
        %dma_wait3A_1592 = tpu.memref_slice %dma_wait3A_1590[%run_scoped3A_925, %dma_wait3A_1591] : memref<8x128xi32, #tpu.memory_space<vmem>> -> memref<1x128xi32, #tpu.memory_space<vmem>>
        %dma_wait3A_1593 = tpu.memref_squeeze %dma_wait3A_1592 : memref<1x128xi32, #tpu.memory_space<vmem>> -> memref<128xi32, #tpu.memory_space<vmem>>
        %dma_wait3A_1594 = arith.constant 0 : i32
        %dma_wait3A_1595 = arith.constant 0 : i32
        %dma_wait3A_1596 = tpu.memref_slice %arg11[%dma_wait3A_1594, %dma_wait3A_1595] : memref<10240x128xf32, #tpu.memory_space<vmem_shared>> -> memref<10240x128xf32, #tpu.memory_space<vmem_shared>>
        tpu.wait_indirect_dma semaphore(%run_scoped3A_1568 : memref<!tpu.dma_semaphore, #tpu.memory_space<semaphore_mem>>) src(%dma_wait3A_1586 : memref<128x128xf32, #tpu.memory_space<vmem>>) dst(%dma_wait3A_1596 : memref<10240x128xf32, #tpu.memory_space<vmem_shared>>)
        tpu.yield
      }) : () -> ()
      %dma_start3A_926 = arith.constant 1 : i32
      %dma_start3A_927 = arith.constant 2 : i32
      %dma_start3A_928 = arith.constant 0 : i32
      %dma_start3A_929 = arith.constant 0 : i32
      %dma_start3A_930 = arith.constant 0 : i32
      %dma_start3A_931 = tpu.memref_slice %arg10[%dma_start3A_928, %dma_start3A_929, %dma_start3A_930] : memref<2x128x128xf32, #tpu.memory_space<vmem>> -> memref<1x128x128xf32, #tpu.memory_space<vmem>>
      %dma_start3A_932 = tpu.memref_squeeze %dma_start3A_931 : memref<1x128x128xf32, #tpu.memory_space<vmem>> -> memref<128x128xf32, #tpu.memory_space<vmem>>
      %dma_start3A_933 = arith.constant 0 : i32
      %dma_start3A_934 = arith.constant 0 : i32
      %dma_start3A_935 = tpu.memref_slice %arg8[%dma_start3A_926, %dma_start3A_933, %dma_start3A_934] : memref<2x8x128xi32, #tpu.memory_space<vmem>> -> memref<1x8x128xi32, #tpu.memory_space<vmem>>
      %dma_start3A_936 = tpu.memref_squeeze %dma_start3A_935 : memref<1x8x128xi32, #tpu.memory_space<vmem>> -> memref<8x128xi32, #tpu.memory_space<vmem>>
      %dma_start3A_937 = arith.constant 0 : i32
      %dma_start3A_938 = tpu.memref_slice %dma_start3A_936[%dma_start3A_927, %dma_start3A_937] : memref<8x128xi32, #tpu.memory_space<vmem>> -> memref<1x128xi32, #tpu.memory_space<vmem>>
      %dma_start3A_939 = tpu.memref_squeeze %dma_start3A_938 : memref<1x128xi32, #tpu.memory_space<vmem>> -> memref<128xi32, #tpu.memory_space<vmem>>
      %dma_start3A_940 = arith.constant 0 : i32
      %dma_start3A_941 = arith.constant 0 : i32
      %dma_start3A_942 = tpu.memref_slice %arg2[%dma_start3A_940, %dma_start3A_941] : memref<10240x128xf32, #tpu.memory_space<hbm>> -> memref<10240x128xf32, #tpu.memory_space<hbm>>
      tpu.enqueue_indirect_dma source(%dma_start3A_942 : memref<10240x128xf32, #tpu.memory_space<hbm>>) target(%dma_start3A_932 : memref<128x128xf32, #tpu.memory_space<vmem>>) offsets(%dma_start3A_939 : memref<128xi32, #tpu.memory_space<vmem>>) semaphore(%arg12 : memref<!tpu.dma_semaphore, #tpu.memory_space<semaphore_mem>>)
      %broadcast_in_dim3A_943 = arith.constant 1.000000e+00 : f32
      %broadcast_in_dim3A_944 = vector.broadcast %broadcast_in_dim3A_943 : f32 to vector<16xf32>
      %get3A_945 = arith.constant 1 : i32
      %get3A_946 = arith.constant 0 : i32
      %get3A_947 = arith.index_cast %get3A_945 : i32 to index
      %get3A_948 = arith.index_cast %get3A_946 : i32 to index
      %get3A_949 = arith.constant 0 : index
      %get3A_950 = tpu.vector_load %arg9[%get3A_947, %get3A_948, %get3A_949] {strides = array<i32>} : memref<2x8x128xi32, #tpu.memory_space<vmem>>, vector<16xi32>,
      tpu.vector_store_idx %arg18[%get3A_950], %broadcast_in_dim3A_944 {add = true} : memref<10240xf32, #tpu.memory_space<vmem>>[vector<16xi32>], vector<16xf32>,
      %get3A_951 = arith.constant 1 : i32
      %get3A_952 = arith.constant 0 : i32
      %get3A_953 = arith.index_cast %get3A_951 : i32 to index
      %get3A_954 = arith.index_cast %get3A_952 : i32 to index
      %get3A_955 = arith.constant 16 : index
      %get3A_956 = tpu.vector_load %arg9[%get3A_953, %get3A_954, %get3A_955] {strides = array<i32>} : memref<2x8x128xi32, #tpu.memory_space<vmem>>, vector<16xi32>,
      tpu.vector_store_idx %arg18[%get3A_956], %broadcast_in_dim3A_944 {add = true} : memref<10240xf32, #tpu.memory_space<vmem>>[vector<16xi32>], vector<16xf32>,
      %get3A_957 = arith.constant 1 : i32
      %get3A_958 = arith.constant 0 : i32
      %get3A_959 = arith.index_cast %get3A_957 : i32 to index
      %get3A_960 = arith.index_cast %get3A_958 : i32 to index
      %get3A_961 = arith.constant 32 : index
      %get3A_962 = tpu.vector_load %arg9[%get3A_959, %get3A_960, %get3A_961] {strides = array<i32>} : memref<2x8x128xi32, #tpu.memory_space<vmem>>, vector<16xi32>,
      tpu.vector_store_idx %arg18[%get3A_962], %broadcast_in_dim3A_944 {add = true} : memref<10240xf32, #tpu.memory_space<vmem>>[vector<16xi32>], vector<16xf32>,
      %get3A_963 = arith.constant 1 : i32
      %get3A_964 = arith.constant 0 : i32
      %get3A_965 = arith.index_cast %get3A_963 : i32 to index
      %get3A_966 = arith.index_cast %get3A_964 : i32 to index
      %get3A_967 = arith.constant 48 : index
      %get3A_968 = tpu.vector_load %arg9[%get3A_965, %get3A_966, %get3A_967] {strides = array<i32>} : memref<2x8x128xi32, #tpu.memory_space<vmem>>, vector<16xi32>,
      tpu.vector_store_idx %arg18[%get3A_968], %broadcast_in_dim3A_944 {add = true} : memref<10240xf32, #tpu.memory_space<vmem>>[vector<16xi32>], vector<16xf32>,
      %get3A_969 = arith.constant 1 : i32
      %get3A_970 = arith.constant 0 : i32
      %get3A_971 = arith.index_cast %get3A_969 : i32 to index
      %get3A_972 = arith.index_cast %get3A_970 : i32 to index
      %get3A_973 = arith.constant 64 : index
      %get3A_974 = tpu.vector_load %arg9[%get3A_971, %get3A_972, %get3A_973] {strides = array<i32>} : memref<2x8x128xi32, #tpu.memory_space<vmem>>, vector<16xi32>,
      tpu.vector_store_idx %arg18[%get3A_974], %broadcast_in_dim3A_944 {add = true} : memref<10240xf32, #tpu.memory_space<vmem>>[vector<16xi32>], vector<16xf32>,
      %get3A_975 = arith.constant 1 : i32
      %get3A_976 = arith.constant 0 : i32
      %get3A_977 = arith.index_cast %get3A_975 : i32 to index
      %get3A_978 = arith.index_cast %get3A_976 : i32 to index
      %get3A_979 = arith.constant 80 : index
      %get3A_980 = tpu.vector_load %arg9[%get3A_977, %get3A_978, %get3A_979] {strides = array<i32>} : memref<2x8x128xi32, #tpu.memory_space<vmem>>, vector<16xi32>,
      tpu.vector_store_idx %arg18[%get3A_980], %broadcast_in_dim3A_944 {add = true} : memref<10240xf32, #tpu.memory_space<vmem>>[vector<16xi32>], vector<16xf32>,
      %get3A_981 = arith.constant 1 : i32
      %get3A_982 = arith.constant 0 : i32
      %get3A_983 = arith.index_cast %get3A_981 : i32 to index
      %get3A_984 = arith.index_cast %get3A_982 : i32 to index
      %get3A_985 = arith.constant 96 : index
      %get3A_986 = tpu.vector_load %arg9[%get3A_983, %get3A_984, %get3A_985] {strides = array<i32>} : memref<2x8x128xi32, #tpu.memory_space<vmem>>, vector<16xi32>,
      tpu.vector_store_idx %arg18[%get3A_986], %broadcast_in_dim3A_944 {add = true} : memref<10240xf32, #tpu.memory_space<vmem>>[vector<16xi32>], vector<16xf32>,
      %get3A_987 = arith.constant 1 : i32
      %get3A_988 = arith.constant 0 : i32
      %get3A_989 = arith.index_cast %get3A_987 : i32 to index
      %get3A_990 = arith.index_cast %get3A_988 : i32 to index
      %get3A_991 = arith.constant 112 : index
      %get3A_992 = tpu.vector_load %arg9[%get3A_989, %get3A_990, %get3A_991] {strides = array<i32>} : memref<2x8x128xi32, #tpu.memory_space<vmem>>, vector<16xi32>,
      tpu.vector_store_idx %arg18[%get3A_992], %broadcast_in_dim3A_944 {add = true} : memref<10240xf32, #tpu.memory_space<vmem>>[vector<16xi32>], vector<16xf32>,
      %dma_wait3A_993 = arith.constant 1 : i32
      %dma_wait3A_994 = arith.constant 1 : i32
      %dma_wait3A_995 = arith.constant 1 : i32
      %dma_wait3A_996 = arith.constant 0 : i32
      %dma_wait3A_997 = arith.constant 0 : i32
      %dma_wait3A_998 = tpu.memref_slice %arg10[%dma_wait3A_995, %dma_wait3A_996, %dma_wait3A_997] : memref<2x128x128xf32, #tpu.memory_space<vmem>> -> memref<1x128x128xf32, #tpu.memory_space<vmem>>
      %dma_wait3A_999 = tpu.memref_squeeze %dma_wait3A_998 : memref<1x128x128xf32, #tpu.memory_space<vmem>> -> memref<128x128xf32, #tpu.memory_space<vmem>>
      %dma_wait3A_1000 = arith.constant 0 : i32
      %dma_wait3A_1001 = arith.constant 0 : i32
      %dma_wait3A_1002 = tpu.memref_slice %arg8[%dma_wait3A_993, %dma_wait3A_1000, %dma_wait3A_1001] : memref<2x8x128xi32, #tpu.memory_space<vmem>> -> memref<1x8x128xi32, #tpu.memory_space<vmem>>
      %dma_wait3A_1003 = tpu.memref_squeeze %dma_wait3A_1002 : memref<1x8x128xi32, #tpu.memory_space<vmem>> -> memref<8x128xi32, #tpu.memory_space<vmem>>
      %dma_wait3A_1004 = arith.constant 0 : i32
      %dma_wait3A_1005 = tpu.memref_slice %dma_wait3A_1003[%dma_wait3A_994, %dma_wait3A_1004] : memref<8x128xi32, #tpu.memory_space<vmem>> -> memref<1x128xi32, #tpu.memory_space<vmem>>
      %dma_wait3A_1006 = tpu.memref_squeeze %dma_wait3A_1005 : memref<1x128xi32, #tpu.memory_space<vmem>> -> memref<128xi32, #tpu.memory_space<vmem>>
      %dma_wait3A_1007 = arith.constant 0 : i32
      %dma_wait3A_1008 = arith.constant 0 : i32
      %dma_wait3A_1009 = tpu.memref_slice %arg2[%dma_wait3A_1007, %dma_wait3A_1008] : memref<10240x128xf32, #tpu.memory_space<hbm>> -> memref<10240x128xf32, #tpu.memory_space<hbm>>
      tpu.wait_indirect_dma semaphore(%arg13 : memref<!tpu.dma_semaphore, #tpu.memory_space<semaphore_mem>>) src(%dma_wait3A_1009 : memref<10240x128xf32, #tpu.memory_space<hbm>>) dst(%dma_wait3A_999 : memref<128x128xf32, #tpu.memory_space<vmem>>)
      %run_scoped3A_1010 = arith.constant 1 : i32
      %run_scoped3A_1011 = arith.constant 1 : i32
      %run_scoped3A_1012 = arith.constant 1 : i32
      "tpu.region"() ({
        %run_scoped3A_1568 = tpu.sem_alloc : memref<!tpu.dma_semaphore, #tpu.memory_space<semaphore_mem>>
        %dma_start3A_1569 = arith.constant 0 : i32
        %dma_start3A_1570 = arith.constant 0 : i32
        %dma_start3A_1571 = tpu.memref_slice %arg10[%run_scoped3A_1010, %dma_start3A_1569, %dma_start3A_1570] : memref<2x128x128xf32, #tpu.memory_space<vmem>> -> memref<1x128x128xf32, #tpu.memory_space<vmem>>
        %dma_start3A_1572 = tpu.memref_squeeze %dma_start3A_1571 : memref<1x128x128xf32, #tpu.memory_space<vmem>> -> memref<128x128xf32, #tpu.memory_space<vmem>>
        %dma_start3A_1573 = arith.constant 0 : i32
        %dma_start3A_1574 = arith.constant 0 : i32
        %dma_start3A_1575 = tpu.memref_slice %arg9[%run_scoped3A_1011, %dma_start3A_1573, %dma_start3A_1574] : memref<2x8x128xi32, #tpu.memory_space<vmem>> -> memref<1x8x128xi32, #tpu.memory_space<vmem>>
        %dma_start3A_1576 = tpu.memref_squeeze %dma_start3A_1575 : memref<1x8x128xi32, #tpu.memory_space<vmem>> -> memref<8x128xi32, #tpu.memory_space<vmem>>
        %dma_start3A_1577 = arith.constant 0 : i32
        %dma_start3A_1578 = tpu.memref_slice %dma_start3A_1576[%run_scoped3A_1012, %dma_start3A_1577] : memref<8x128xi32, #tpu.memory_space<vmem>> -> memref<1x128xi32, #tpu.memory_space<vmem>>
        %dma_start3A_1579 = tpu.memref_squeeze %dma_start3A_1578 : memref<1x128xi32, #tpu.memory_space<vmem>> -> memref<128xi32, #tpu.memory_space<vmem>>
        %dma_start3A_1580 = arith.constant 0 : i32
        %dma_start3A_1581 = arith.constant 0 : i32
        %dma_start3A_1582 = tpu.memref_slice %arg11[%dma_start3A_1580, %dma_start3A_1581] : memref<10240x128xf32, #tpu.memory_space<vmem_shared>> -> memref<10240x128xf32, #tpu.memory_space<vmem_shared>>
        tpu.enqueue_indirect_dma source(%dma_start3A_1572 : memref<128x128xf32, #tpu.memory_space<vmem>>) target(%dma_start3A_1582 : memref<10240x128xf32, #tpu.memory_space<vmem_shared>>) offsets(%dma_start3A_1579 : memref<128xi32, #tpu.memory_space<vmem>>) semaphore(%run_scoped3A_1568 : memref<!tpu.dma_semaphore, #tpu.memory_space<semaphore_mem>>) {add = true}
        %dma_wait3A_1583 = arith.constant 0 : i32
        %dma_wait3A_1584 = arith.constant 0 : i32
        %dma_wait3A_1585 = tpu.memref_slice %arg10[%run_scoped3A_1010, %dma_wait3A_1583, %dma_wait3A_1584] : memref<2x128x128xf32, #tpu.memory_space<vmem>> -> memref<1x128x128xf32, #tpu.memory_space<vmem>>
        %dma_wait3A_1586 = tpu.memref_squeeze %dma_wait3A_1585 : memref<1x128x128xf32, #tpu.memory_space<vmem>> -> memref<128x128xf32, #tpu.memory_space<vmem>>
        %dma_wait3A_1587 = arith.constant 0 : i32
        %dma_wait3A_1588 = arith.constant 0 : i32
        %dma_wait3A_1589 = tpu.memref_slice %arg9[%run_scoped3A_1011, %dma_wait3A_1587, %dma_wait3A_1588] : memref<2x8x128xi32, #tpu.memory_space<vmem>> -> memref<1x8x128xi32, #tpu.memory_space<vmem>>
        %dma_wait3A_1590 = tpu.memref_squeeze %dma_wait3A_1589 : memref<1x8x128xi32, #tpu.memory_space<vmem>> -> memref<8x128xi32, #tpu.memory_space<vmem>>
        %dma_wait3A_1591 = arith.constant 0 : i32
        %dma_wait3A_1592 = tpu.memref_slice %dma_wait3A_1590[%run_scoped3A_1012, %dma_wait3A_1591] : memref<8x128xi32, #tpu.memory_space<vmem>> -> memref<1x128xi32, #tpu.memory_space<vmem>>
        %dma_wait3A_1593 = tpu.memref_squeeze %dma_wait3A_1592 : memref<1x128xi32, #tpu.memory_space<vmem>> -> memref<128xi32, #tpu.memory_space<vmem>>
        %dma_wait3A_1594 = arith.constant 0 : i32
        %dma_wait3A_1595 = arith.constant 0 : i32
        %dma_wait3A_1596 = tpu.memref_slice %arg11[%dma_wait3A_1594, %dma_wait3A_1595] : memref<10240x128xf32, #tpu.memory_space<vmem_shared>> -> memref<10240x128xf32, #tpu.memory_space<vmem_shared>>
        tpu.wait_indirect_dma semaphore(%run_scoped3A_1568 : memref<!tpu.dma_semaphore, #tpu.memory_space<semaphore_mem>>) src(%dma_wait3A_1586 : memref<128x128xf32, #tpu.memory_space<vmem>>) dst(%dma_wait3A_1596 : memref<10240x128xf32, #tpu.memory_space<vmem_shared>>)
        tpu.yield
      }) : () -> ()
      %dma_start3A_1013 = arith.constant 1 : i32
      %dma_start3A_1014 = arith.constant 3 : i32
      %dma_start3A_1015 = arith.constant 1 : i32
      %dma_start3A_1016 = arith.constant 0 : i32
      %dma_start3A_1017 = arith.constant 0 : i32
      %dma_start3A_1018 = tpu.memref_slice %arg10[%dma_start3A_1015, %dma_start3A_1016, %dma_start3A_1017] : memref<2x128x128xf32, #tpu.memory_space<vmem>> -> memref<1x128x128xf32, #tpu.memory_space<vmem>>
      %dma_start3A_1019 = tpu.memref_squeeze %dma_start3A_1018 : memref<1x128x128xf32, #tpu.memory_space<vmem>> -> memref<128x128xf32, #tpu.memory_space<vmem>>
      %dma_start3A_1020 = arith.constant 0 : i32
      %dma_start3A_1021 = arith.constant 0 : i32
      %dma_start3A_1022 = tpu.memref_slice %arg8[%dma_start3A_1013, %dma_start3A_1020, %dma_start3A_1021] : memref<2x8x128xi32, #tpu.memory_space<vmem>> -> memref<1x8x128xi32, #tpu.memory_space<vmem>>
      %dma_start3A_1023 = tpu.memref_squeeze %dma_start3A_1022 : memref<1x8x128xi32, #tpu.memory_space<vmem>> -> memref<8x128xi32, #tpu.memory_space<vmem>>
      %dma_start3A_1024 = arith.constant 0 : i32
      %dma_start3A_1025 = tpu.memref_slice %dma_start3A_1023[%dma_start3A_1014, %dma_start3A_1024] : memref<8x128xi32, #tpu.memory_space<vmem>> -> memref<1x128xi32, #tpu.memory_space<vmem>>
      %dma_start3A_1026 = tpu.memref_squeeze %dma_start3A_1025 : memref<1x128xi32, #tpu.memory_space<vmem>> -> memref<128xi32, #tpu.memory_space<vmem>>
      %dma_start3A_1027 = arith.constant 0 : i32
      %dma_start3A_1028 = arith.constant 0 : i32
      %dma_start3A_1029 = tpu.memref_slice %arg2[%dma_start3A_1027, %dma_start3A_1028] : memref<10240x128xf32, #tpu.memory_space<hbm>> -> memref<10240x128xf32, #tpu.memory_space<hbm>>
      tpu.enqueue_indirect_dma source(%dma_start3A_1029 : memref<10240x128xf32, #tpu.memory_space<hbm>>) target(%dma_start3A_1019 : memref<128x128xf32, #tpu.memory_space<vmem>>) offsets(%dma_start3A_1026 : memref<128xi32, #tpu.memory_space<vmem>>) semaphore(%arg13 : memref<!tpu.dma_semaphore, #tpu.memory_space<semaphore_mem>>)
      %broadcast_in_dim3A_1030 = arith.constant 1.000000e+00 : f32
      %broadcast_in_dim3A_1031 = vector.broadcast %broadcast_in_dim3A_1030 : f32 to vector<16xf32>
      %get3A_1032 = arith.constant 1 : i32
      %get3A_1033 = arith.constant 1 : i32
      %get3A_1034 = arith.index_cast %get3A_1032 : i32 to index
      %get3A_1035 = arith.index_cast %get3A_1033 : i32 to index
      %get3A_1036 = arith.constant 0 : index
      %get3A_1037 = tpu.vector_load %arg9[%get3A_1034, %get3A_1035, %get3A_1036] {strides = array<i32>} : memref<2x8x128xi32, #tpu.memory_space<vmem>>, vector<16xi32>,
      tpu.vector_store_idx %arg18[%get3A_1037], %broadcast_in_dim3A_1031 {add = true} : memref<10240xf32, #tpu.memory_space<vmem>>[vector<16xi32>], vector<16xf32>,
      %get3A_1038 = arith.constant 1 : i32
      %get3A_1039 = arith.constant 1 : i32
      %get3A_1040 = arith.index_cast %get3A_1038 : i32 to index
      %get3A_1041 = arith.index_cast %get3A_1039 : i32 to index
      %get3A_1042 = arith.constant 16 : index
      %get3A_1043 = tpu.vector_load %arg9[%get3A_1040, %get3A_1041, %get3A_1042] {strides = array<i32>} : memref<2x8x128xi32, #tpu.memory_space<vmem>>, vector<16xi32>,
      tpu.vector_store_idx %arg18[%get3A_1043], %broadcast_in_dim3A_1031 {add = true} : memref<10240xf32, #tpu.memory_space<vmem>>[vector<16xi32>], vector<16xf32>,
      %get3A_1044 = arith.constant 1 : i32
      %get3A_1045 = arith.constant 1 : i32
      %get3A_1046 = arith.index_cast %get3A_1044 : i32 to index
      %get3A_1047 = arith.index_cast %get3A_1045 : i32 to index
      %get3A_1048 = arith.constant 32 : index
      %get3A_1049 = tpu.vector_load %arg9[%get3A_1046, %get3A_1047, %get3A_1048] {strides = array<i32>} : memref<2x8x128xi32, #tpu.memory_space<vmem>>, vector<16xi32>,
      tpu.vector_store_idx %arg18[%get3A_1049], %broadcast_in_dim3A_1031 {add = true} : memref<10240xf32, #tpu.memory_space<vmem>>[vector<16xi32>], vector<16xf32>,
      %get3A_1050 = arith.constant 1 : i32
      %get3A_1051 = arith.constant 1 : i32
      %get3A_1052 = arith.index_cast %get3A_1050 : i32 to index
      %get3A_1053 = arith.index_cast %get3A_1051 : i32 to index
      %get3A_1054 = arith.constant 48 : index
      %get3A_1055 = tpu.vector_load %arg9[%get3A_1052, %get3A_1053, %get3A_1054] {strides = array<i32>} : memref<2x8x128xi32, #tpu.memory_space<vmem>>, vector<16xi32>,
      tpu.vector_store_idx %arg18[%get3A_1055], %broadcast_in_dim3A_1031 {add = true} : memref<10240xf32, #tpu.memory_space<vmem>>[vector<16xi32>], vector<16xf32>,
      %get3A_1056 = arith.constant 1 : i32
      %get3A_1057 = arith.constant 1 : i32
      %get3A_1058 = arith.index_cast %get3A_1056 : i32 to index
      %get3A_1059 = arith.index_cast %get3A_1057 : i32 to index
      %get3A_1060 = arith.constant 64 : index
      %get3A_1061 = tpu.vector_load %arg9[%get3A_1058, %get3A_1059, %get3A_1060] {strides = array<i32>} : memref<2x8x128xi32, #tpu.memory_space<vmem>>, vector<16xi32>,
      tpu.vector_store_idx %arg18[%get3A_1061], %broadcast_in_dim3A_1031 {add = true} : memref<10240xf32, #tpu.memory_space<vmem>>[vector<16xi32>], vector<16xf32>,
      %get3A_1062 = arith.constant 1 : i32
      %get3A_1063 = arith.constant 1 : i32
      %get3A_1064 = arith.index_cast %get3A_1062 : i32 to index
      %get3A_1065 = arith.index_cast %get3A_1063 : i32 to index
      %get3A_1066 = arith.constant 80 : index
      %get3A_1067 = tpu.vector_load %arg9[%get3A_1064, %get3A_1065, %get3A_1066] {strides = array<i32>} : memref<2x8x128xi32, #tpu.memory_space<vmem>>, vector<16xi32>,
      tpu.vector_store_idx %arg18[%get3A_1067], %broadcast_in_dim3A_1031 {add = true} : memref<10240xf32, #tpu.memory_space<vmem>>[vector<16xi32>], vector<16xf32>,
      %get3A_1068 = arith.constant 1 : i32
      %get3A_1069 = arith.constant 1 : i32
      %get3A_1070 = arith.index_cast %get3A_1068 : i32 to index
      %get3A_1071 = arith.index_cast %get3A_1069 : i32 to index
      %get3A_1072 = arith.constant 96 : index
      %get3A_1073 = tpu.vector_load %arg9[%get3A_1070, %get3A_1071, %get3A_1072] {strides = array<i32>} : memref<2x8x128xi32, #tpu.memory_space<vmem>>, vector<16xi32>,
      tpu.vector_store_idx %arg18[%get3A_1073], %broadcast_in_dim3A_1031 {add = true} : memref<10240xf32, #tpu.memory_space<vmem>>[vector<16xi32>], vector<16xf32>,
      %get3A_1074 = arith.constant 1 : i32
      %get3A_1075 = arith.constant 1 : i32
      %get3A_1076 = arith.index_cast %get3A_1074 : i32 to index
      %get3A_1077 = arith.index_cast %get3A_1075 : i32 to index
      %get3A_1078 = arith.constant 112 : index
      %get3A_1079 = tpu.vector_load %arg9[%get3A_1076, %get3A_1077, %get3A_1078] {strides = array<i32>} : memref<2x8x128xi32, #tpu.memory_space<vmem>>, vector<16xi32>,
      tpu.vector_store_idx %arg18[%get3A_1079], %broadcast_in_dim3A_1031 {add = true} : memref<10240xf32, #tpu.memory_space<vmem>>[vector<16xi32>], vector<16xf32>,
      %dma_wait3A_1080 = arith.constant 1 : i32
      %dma_wait3A_1081 = arith.constant 2 : i32
      %dma_wait3A_1082 = arith.constant 0 : i32
      %dma_wait3A_1083 = arith.constant 0 : i32
      %dma_wait3A_1084 = arith.constant 0 : i32
      %dma_wait3A_1085 = tpu.memref_slice %arg10[%dma_wait3A_1082, %dma_wait3A_1083, %dma_wait3A_1084] : memref<2x128x128xf32, #tpu.memory_space<vmem>> -> memref<1x128x128xf32, #tpu.memory_space<vmem>>
      %dma_wait3A_1086 = tpu.memref_squeeze %dma_wait3A_1085 : memref<1x128x128xf32, #tpu.memory_space<vmem>> -> memref<128x128xf32, #tpu.memory_space<vmem>>
      %dma_wait3A_1087 = arith.constant 0 : i32
      %dma_wait3A_1088 = arith.constant 0 : i32
      %dma_wait3A_1089 = tpu.memref_slice %arg8[%dma_wait3A_1080, %dma_wait3A_1087, %dma_wait3A_1088] : memref<2x8x128xi32, #tpu.memory_space<vmem>> -> memref<1x8x128xi32, #tpu.memory_space<vmem>>
      %dma_wait3A_1090 = tpu.memref_squeeze %dma_wait3A_1089 : memref<1x8x128xi32, #tpu.memory_space<vmem>> -> memref<8x128xi32, #tpu.memory_space<vmem>>
      %dma_wait3A_1091 = arith.constant 0 : i32
      %dma_wait3A_1092 = tpu.memref_slice %dma_wait3A_1090[%dma_wait3A_1081, %dma_wait3A_1091] : memref<8x128xi32, #tpu.memory_space<vmem>> -> memref<1x128xi32, #tpu.memory_space<vmem>>
      %dma_wait3A_1093 = tpu.memref_squeeze %dma_wait3A_1092 : memref<1x128xi32, #tpu.memory_space<vmem>> -> memref<128xi32, #tpu.memory_space<vmem>>
      %dma_wait3A_1094 = arith.constant 0 : i32
      %dma_wait3A_1095 = arith.constant 0 : i32
      %dma_wait3A_1096 = tpu.memref_slice %arg2[%dma_wait3A_1094, %dma_wait3A_1095] : memref<10240x128xf32, #tpu.memory_space<hbm>> -> memref<10240x128xf32, #tpu.memory_space<hbm>>
      tpu.wait_indirect_dma semaphore(%arg12 : memref<!tpu.dma_semaphore, #tpu.memory_space<semaphore_mem>>) src(%dma_wait3A_1096 : memref<10240x128xf32, #tpu.memory_space<hbm>>) dst(%dma_wait3A_1086 : memref<128x128xf32, #tpu.memory_space<vmem>>)
      %run_scoped3A_1097 = arith.constant 0 : i32
      %run_scoped3A_1098 = arith.constant 1 : i32
      %run_scoped3A_1099 = arith.constant 2 : i32
      "tpu.region"() ({
        %run_scoped3A_1568 = tpu.sem_alloc : memref<!tpu.dma_semaphore, #tpu.memory_space<semaphore_mem>>
        %dma_start3A_1569 = arith.constant 0 : i32
        %dma_start3A_1570 = arith.constant 0 : i32
        %dma_start3A_1571 = tpu.memref_slice %arg10[%run_scoped3A_1097, %dma_start3A_1569, %dma_start3A_1570] : memref<2x128x128xf32, #tpu.memory_space<vmem>> -> memref<1x128x128xf32, #tpu.memory_space<vmem>>
        %dma_start3A_1572 = tpu.memref_squeeze %dma_start3A_1571 : memref<1x128x128xf32, #tpu.memory_space<vmem>> -> memref<128x128xf32, #tpu.memory_space<vmem>>
        %dma_start3A_1573 = arith.constant 0 : i32
        %dma_start3A_1574 = arith.constant 0 : i32
        %dma_start3A_1575 = tpu.memref_slice %arg9[%run_scoped3A_1098, %dma_start3A_1573, %dma_start3A_1574] : memref<2x8x128xi32, #tpu.memory_space<vmem>> -> memref<1x8x128xi32, #tpu.memory_space<vmem>>
        %dma_start3A_1576 = tpu.memref_squeeze %dma_start3A_1575 : memref<1x8x128xi32, #tpu.memory_space<vmem>> -> memref<8x128xi32, #tpu.memory_space<vmem>>
        %dma_start3A_1577 = arith.constant 0 : i32
        %dma_start3A_1578 = tpu.memref_slice %dma_start3A_1576[%run_scoped3A_1099, %dma_start3A_1577] : memref<8x128xi32, #tpu.memory_space<vmem>> -> memref<1x128xi32, #tpu.memory_space<vmem>>
        %dma_start3A_1579 = tpu.memref_squeeze %dma_start3A_1578 : memref<1x128xi32, #tpu.memory_space<vmem>> -> memref<128xi32, #tpu.memory_space<vmem>>
        %dma_start3A_1580 = arith.constant 0 : i32
        %dma_start3A_1581 = arith.constant 0 : i32
        %dma_start3A_1582 = tpu.memref_slice %arg11[%dma_start3A_1580, %dma_start3A_1581] : memref<10240x128xf32, #tpu.memory_space<vmem_shared>> -> memref<10240x128xf32, #tpu.memory_space<vmem_shared>>
        tpu.enqueue_indirect_dma source(%dma_start3A_1572 : memref<128x128xf32, #tpu.memory_space<vmem>>) target(%dma_start3A_1582 : memref<10240x128xf32, #tpu.memory_space<vmem_shared>>) offsets(%dma_start3A_1579 : memref<128xi32, #tpu.memory_space<vmem>>) semaphore(%run_scoped3A_1568 : memref<!tpu.dma_semaphore, #tpu.memory_space<semaphore_mem>>) {add = true}
        %dma_wait3A_1583 = arith.constant 0 : i32
        %dma_wait3A_1584 = arith.constant 0 : i32
        %dma_wait3A_1585 = tpu.memref_slice %arg10[%run_scoped3A_1097, %dma_wait3A_1583, %dma_wait3A_1584] : memref<2x128x128xf32, #tpu.memory_space<vmem>> -> memref<1x128x128xf32, #tpu.memory_space<vmem>>
        %dma_wait3A_1586 = tpu.memref_squeeze %dma_wait3A_1585 : memref<1x128x128xf32, #tpu.memory_space<vmem>> -> memref<128x128xf32, #tpu.memory_space<vmem>>
        %dma_wait3A_1587 = arith.constant 0 : i32
        %dma_wait3A_1588 = arith.constant 0 : i32
        %dma_wait3A_1589 = tpu.memref_slice %arg9[%run_scoped3A_1098, %dma_wait3A_1587, %dma_wait3A_1588] : memref<2x8x128xi32, #tpu.memory_space<vmem>> -> memref<1x8x128xi32, #tpu.memory_space<vmem>>
        %dma_wait3A_1590 = tpu.memref_squeeze %dma_wait3A_1589 : memref<1x8x128xi32, #tpu.memory_space<vmem>> -> memref<8x128xi32, #tpu.memory_space<vmem>>
        %dma_wait3A_1591 = arith.constant 0 : i32
        %dma_wait3A_1592 = tpu.memref_slice %dma_wait3A_1590[%run_scoped3A_1099, %dma_wait3A_1591] : memref<8x128xi32, #tpu.memory_space<vmem>> -> memref<1x128xi32, #tpu.memory_space<vmem>>
        %dma_wait3A_1593 = tpu.memref_squeeze %dma_wait3A_1592 : memref<1x128xi32, #tpu.memory_space<vmem>> -> memref<128xi32, #tpu.memory_space<vmem>>
        %dma_wait3A_1594 = arith.constant 0 : i32
        %dma_wait3A_1595 = arith.constant 0 : i32
        %dma_wait3A_1596 = tpu.memref_slice %arg11[%dma_wait3A_1594, %dma_wait3A_1595] : memref<10240x128xf32, #tpu.memory_space<vmem_shared>> -> memref<10240x128xf32, #tpu.memory_space<vmem_shared>>
        tpu.wait_indirect_dma semaphore(%run_scoped3A_1568 : memref<!tpu.dma_semaphore, #tpu.memory_space<semaphore_mem>>) src(%dma_wait3A_1586 : memref<128x128xf32, #tpu.memory_space<vmem>>) dst(%dma_wait3A_1596 : memref<10240x128xf32, #tpu.memory_space<vmem_shared>>)
        tpu.yield
      }) : () -> ()
      %dma_start3A_1100 = arith.constant 1 : i32
      %dma_start3A_1101 = arith.constant 4 : i32
      %dma_start3A_1102 = arith.constant 0 : i32
      %dma_start3A_1103 = arith.constant 0 : i32
      %dma_start3A_1104 = arith.constant 0 : i32
      %dma_start3A_1105 = tpu.memref_slice %arg10[%dma_start3A_1102, %dma_start3A_1103, %dma_start3A_1104] : memref<2x128x128xf32, #tpu.memory_space<vmem>> -> memref<1x128x128xf32, #tpu.memory_space<vmem>>
      %dma_start3A_1106 = tpu.memref_squeeze %dma_start3A_1105 : memref<1x128x128xf32, #tpu.memory_space<vmem>> -> memref<128x128xf32, #tpu.memory_space<vmem>>
      %dma_start3A_1107 = arith.constant 0 : i32
      %dma_start3A_1108 = arith.constant 0 : i32
      %dma_start3A_1109 = tpu.memref_slice %arg8[%dma_start3A_1100, %dma_start3A_1107, %dma_start3A_1108] : memref<2x8x128xi32, #tpu.memory_space<vmem>> -> memref<1x8x128xi32, #tpu.memory_space<vmem>>
      %dma_start3A_1110 = tpu.memref_squeeze %dma_start3A_1109 : memref<1x8x128xi32, #tpu.memory_space<vmem>> -> memref<8x128xi32, #tpu.memory_space<vmem>>
      %dma_start3A_1111 = arith.constant 0 : i32
      %dma_start3A_1112 = tpu.memref_slice %dma_start3A_1110[%dma_start3A_1101, %dma_start3A_1111] : memref<8x128xi32, #tpu.memory_space<vmem>> -> memref<1x128xi32, #tpu.memory_space<vmem>>
      %dma_start3A_1113 = tpu.memref_squeeze %dma_start3A_1112 : memref<1x128xi32, #tpu.memory_space<vmem>> -> memref<128xi32, #tpu.memory_space<vmem>>
      %dma_start3A_1114 = arith.constant 0 : i32
      %dma_start3A_1115 = arith.constant 0 : i32
      %dma_start3A_1116 = tpu.memref_slice %arg2[%dma_start3A_1114, %dma_start3A_1115] : memref<10240x128xf32, #tpu.memory_space<hbm>> -> memref<10240x128xf32, #tpu.memory_space<hbm>>
      tpu.enqueue_indirect_dma source(%dma_start3A_1116 : memref<10240x128xf32, #tpu.memory_space<hbm>>) target(%dma_start3A_1106 : memref<128x128xf32, #tpu.memory_space<vmem>>) offsets(%dma_start3A_1113 : memref<128xi32, #tpu.memory_space<vmem>>) semaphore(%arg12 : memref<!tpu.dma_semaphore, #tpu.memory_space<semaphore_mem>>)
      %broadcast_in_dim3A_1117 = arith.constant 1.000000e+00 : f32
      %broadcast_in_dim3A_1118 = vector.broadcast %broadcast_in_dim3A_1117 : f32 to vector<16xf32>
      %get3A_1119 = arith.constant 1 : i32
      %get3A_1120 = arith.constant 2 : i32
      %get3A_1121 = arith.index_cast %get3A_1119 : i32 to index
      %get3A_1122 = arith.index_cast %get3A_1120 : i32 to index
      %get3A_1123 = arith.constant 0 : index
      %get3A_1124 = tpu.vector_load %arg9[%get3A_1121, %get3A_1122, %get3A_1123] {strides = array<i32>} : memref<2x8x128xi32, #tpu.memory_space<vmem>>, vector<16xi32>,
      tpu.vector_store_idx %arg18[%get3A_1124], %broadcast_in_dim3A_1118 {add = true} : memref<10240xf32, #tpu.memory_space<vmem>>[vector<16xi32>], vector<16xf32>,
      %get3A_1125 = arith.constant 1 : i32
      %get3A_1126 = arith.constant 2 : i32
      %get3A_1127 = arith.index_cast %get3A_1125 : i32 to index
      %get3A_1128 = arith.index_cast %get3A_1126 : i32 to index
      %get3A_1129 = arith.constant 16 : index
      %get3A_1130 = tpu.vector_load %arg9[%get3A_1127, %get3A_1128, %get3A_1129] {strides = array<i32>} : memref<2x8x128xi32, #tpu.memory_space<vmem>>, vector<16xi32>,
      tpu.vector_store_idx %arg18[%get3A_1130], %broadcast_in_dim3A_1118 {add = true} : memref<10240xf32, #tpu.memory_space<vmem>>[vector<16xi32>], vector<16xf32>,
      %get3A_1131 = arith.constant 1 : i32
      %get3A_1132 = arith.constant 2 : i32
      %get3A_1133 = arith.index_cast %get3A_1131 : i32 to index
      %get3A_1134 = arith.index_cast %get3A_1132 : i32 to index
      %get3A_1135 = arith.constant 32 : index
      %get3A_1136 = tpu.vector_load %arg9[%get3A_1133, %get3A_1134, %get3A_1135] {strides = array<i32>} : memref<2x8x128xi32, #tpu.memory_space<vmem>>, vector<16xi32>,
      tpu.vector_store_idx %arg18[%get3A_1136], %broadcast_in_dim3A_1118 {add = true} : memref<10240xf32, #tpu.memory_space<vmem>>[vector<16xi32>], vector<16xf32>,
      %get3A_1137 = arith.constant 1 : i32
      %get3A_1138 = arith.constant 2 : i32
      %get3A_1139 = arith.index_cast %get3A_1137 : i32 to index
      %get3A_1140 = arith.index_cast %get3A_1138 : i32 to index
      %get3A_1141 = arith.constant 48 : index
      %get3A_1142 = tpu.vector_load %arg9[%get3A_1139, %get3A_1140, %get3A_1141] {strides = array<i32>} : memref<2x8x128xi32, #tpu.memory_space<vmem>>, vector<16xi32>,
      tpu.vector_store_idx %arg18[%get3A_1142], %broadcast_in_dim3A_1118 {add = true} : memref<10240xf32, #tpu.memory_space<vmem>>[vector<16xi32>], vector<16xf32>,
      %get3A_1143 = arith.constant 1 : i32
      %get3A_1144 = arith.constant 2 : i32
      %get3A_1145 = arith.index_cast %get3A_1143 : i32 to index
      %get3A_1146 = arith.index_cast %get3A_1144 : i32 to index
      %get3A_1147 = arith.constant 64 : index
      %get3A_1148 = tpu.vector_load %arg9[%get3A_1145, %get3A_1146, %get3A_1147] {strides = array<i32>} : memref<2x8x128xi32, #tpu.memory_space<vmem>>, vector<16xi32>,
      tpu.vector_store_idx %arg18[%get3A_1148], %broadcast_in_dim3A_1118 {add = true} : memref<10240xf32, #tpu.memory_space<vmem>>[vector<16xi32>], vector<16xf32>,
      %get3A_1149 = arith.constant 1 : i32
      %get3A_1150 = arith.constant 2 : i32
      %get3A_1151 = arith.index_cast %get3A_1149 : i32 to index
      %get3A_1152 = arith.index_cast %get3A_1150 : i32 to index
      %get3A_1153 = arith.constant 80 : index
      %get3A_1154 = tpu.vector_load %arg9[%get3A_1151, %get3A_1152, %get3A_1153] {strides = array<i32>} : memref<2x8x128xi32, #tpu.memory_space<vmem>>, vector<16xi32>,
      tpu.vector_store_idx %arg18[%get3A_1154], %broadcast_in_dim3A_1118 {add = true} : memref<10240xf32, #tpu.memory_space<vmem>>[vector<16xi32>], vector<16xf32>,
      %get3A_1155 = arith.constant 1 : i32
      %get3A_1156 = arith.constant 2 : i32
      %get3A_1157 = arith.index_cast %get3A_1155 : i32 to index
      %get3A_1158 = arith.index_cast %get3A_1156 : i32 to index
      %get3A_1159 = arith.constant 96 : index
      %get3A_1160 = tpu.vector_load %arg9[%get3A_1157, %get3A_1158, %get3A_1159] {strides = array<i32>} : memref<2x8x128xi32, #tpu.memory_space<vmem>>, vector<16xi32>,
      tpu.vector_store_idx %arg18[%get3A_1160], %broadcast_in_dim3A_1118 {add = true} : memref<10240xf32, #tpu.memory_space<vmem>>[vector<16xi32>], vector<16xf32>,
      %get3A_1161 = arith.constant 1 : i32
      %get3A_1162 = arith.constant 2 : i32
      %get3A_1163 = arith.index_cast %get3A_1161 : i32 to index
      %get3A_1164 = arith.index_cast %get3A_1162 : i32 to index
      %get3A_1165 = arith.constant 112 : index
      %get3A_1166 = tpu.vector_load %arg9[%get3A_1163, %get3A_1164, %get3A_1165] {strides = array<i32>} : memref<2x8x128xi32, #tpu.memory_space<vmem>>, vector<16xi32>,
      tpu.vector_store_idx %arg18[%get3A_1166], %broadcast_in_dim3A_1118 {add = true} : memref<10240xf32, #tpu.memory_space<vmem>>[vector<16xi32>], vector<16xf32>,
      %dma_wait3A_1167 = arith.constant 1 : i32
      %dma_wait3A_1168 = arith.constant 3 : i32
      %dma_wait3A_1169 = arith.constant 1 : i32
      %dma_wait3A_1170 = arith.constant 0 : i32
      %dma_wait3A_1171 = arith.constant 0 : i32
      %dma_wait3A_1172 = tpu.memref_slice %arg10[%dma_wait3A_1169, %dma_wait3A_1170, %dma_wait3A_1171] : memref<2x128x128xf32, #tpu.memory_space<vmem>> -> memref<1x128x128xf32, #tpu.memory_space<vmem>>
      %dma_wait3A_1173 = tpu.memref_squeeze %dma_wait3A_1172 : memref<1x128x128xf32, #tpu.memory_space<vmem>> -> memref<128x128xf32, #tpu.memory_space<vmem>>
      %dma_wait3A_1174 = arith.constant 0 : i32
      %dma_wait3A_1175 = arith.constant 0 : i32
      %dma_wait3A_1176 = tpu.memref_slice %arg8[%dma_wait3A_1167, %dma_wait3A_1174, %dma_wait3A_1175] : memref<2x8x128xi32, #tpu.memory_space<vmem>> -> memref<1x8x128xi32, #tpu.memory_space<vmem>>
      %dma_wait3A_1177 = tpu.memref_squeeze %dma_wait3A_1176 : memref<1x8x128xi32, #tpu.memory_space<vmem>> -> memref<8x128xi32, #tpu.memory_space<vmem>>
      %dma_wait3A_1178 = arith.constant 0 : i32
      %dma_wait3A_1179 = tpu.memref_slice %dma_wait3A_1177[%dma_wait3A_1168, %dma_wait3A_1178] : memref<8x128xi32, #tpu.memory_space<vmem>> -> memref<1x128xi32, #tpu.memory_space<vmem>>
      %dma_wait3A_1180 = tpu.memref_squeeze %dma_wait3A_1179 : memref<1x128xi32, #tpu.memory_space<vmem>> -> memref<128xi32, #tpu.memory_space<vmem>>
      %dma_wait3A_1181 = arith.constant 0 : i32
      %dma_wait3A_1182 = arith.constant 0 : i32
      %dma_wait3A_1183 = tpu.memref_slice %arg2[%dma_wait3A_1181, %dma_wait3A_1182] : memref<10240x128xf32, #tpu.memory_space<hbm>> -> memref<10240x128xf32, #tpu.memory_space<hbm>>
      tpu.wait_indirect_dma semaphore(%arg13 : memref<!tpu.dma_semaphore, #tpu.memory_space<semaphore_mem>>) src(%dma_wait3A_1183 : memref<10240x128xf32, #tpu.memory_space<hbm>>) dst(%dma_wait3A_1173 : memref<128x128xf32, #tpu.memory_space<vmem>>)
      %run_scoped3A_1184 = arith.constant 1 : i32
      %run_scoped3A_1185 = arith.constant 1 : i32
      %run_scoped3A_1186 = arith.constant 3 : i32
      "tpu.region"() ({
        %run_scoped3A_1568 = tpu.sem_alloc : memref<!tpu.dma_semaphore, #tpu.memory_space<semaphore_mem>>
        %dma_start3A_1569 = arith.constant 0 : i32
        %dma_start3A_1570 = arith.constant 0 : i32
        %dma_start3A_1571 = tpu.memref_slice %arg10[%run_scoped3A_1184, %dma_start3A_1569, %dma_start3A_1570] : memref<2x128x128xf32, #tpu.memory_space<vmem>> -> memref<1x128x128xf32, #tpu.memory_space<vmem>>
        %dma_start3A_1572 = tpu.memref_squeeze %dma_start3A_1571 : memref<1x128x128xf32, #tpu.memory_space<vmem>> -> memref<128x128xf32, #tpu.memory_space<vmem>>
        %dma_start3A_1573 = arith.constant 0 : i32
        %dma_start3A_1574 = arith.constant 0 : i32
        %dma_start3A_1575 = tpu.memref_slice %arg9[%run_scoped3A_1185, %dma_start3A_1573, %dma_start3A_1574] : memref<2x8x128xi32, #tpu.memory_space<vmem>> -> memref<1x8x128xi32, #tpu.memory_space<vmem>>
        %dma_start3A_1576 = tpu.memref_squeeze %dma_start3A_1575 : memref<1x8x128xi32, #tpu.memory_space<vmem>> -> memref<8x128xi32, #tpu.memory_space<vmem>>
        %dma_start3A_1577 = arith.constant 0 : i32
        %dma_start3A_1578 = tpu.memref_slice %dma_start3A_1576[%run_scoped3A_1186, %dma_start3A_1577] : memref<8x128xi32, #tpu.memory_space<vmem>> -> memref<1x128xi32, #tpu.memory_space<vmem>>
        %dma_start3A_1579 = tpu.memref_squeeze %dma_start3A_1578 : memref<1x128xi32, #tpu.memory_space<vmem>> -> memref<128xi32, #tpu.memory_space<vmem>>
        %dma_start3A_1580 = arith.constant 0 : i32
        %dma_start3A_1581 = arith.constant 0 : i32
        %dma_start3A_1582 = tpu.memref_slice %arg11[%dma_start3A_1580, %dma_start3A_1581] : memref<10240x128xf32, #tpu.memory_space<vmem_shared>> -> memref<10240x128xf32, #tpu.memory_space<vmem_shared>>
        tpu.enqueue_indirect_dma source(%dma_start3A_1572 : memref<128x128xf32, #tpu.memory_space<vmem>>) target(%dma_start3A_1582 : memref<10240x128xf32, #tpu.memory_space<vmem_shared>>) offsets(%dma_start3A_1579 : memref<128xi32, #tpu.memory_space<vmem>>) semaphore(%run_scoped3A_1568 : memref<!tpu.dma_semaphore, #tpu.memory_space<semaphore_mem>>) {add = true}
        %dma_wait3A_1583 = arith.constant 0 : i32
        %dma_wait3A_1584 = arith.constant 0 : i32
        %dma_wait3A_1585 = tpu.memref_slice %arg10[%run_scoped3A_1184, %dma_wait3A_1583, %dma_wait3A_1584] : memref<2x128x128xf32, #tpu.memory_space<vmem>> -> memref<1x128x128xf32, #tpu.memory_space<vmem>>
        %dma_wait3A_1586 = tpu.memref_squeeze %dma_wait3A_1585 : memref<1x128x128xf32, #tpu.memory_space<vmem>> -> memref<128x128xf32, #tpu.memory_space<vmem>>
        %dma_wait3A_1587 = arith.constant 0 : i32
        %dma_wait3A_1588 = arith.constant 0 : i32
        %dma_wait3A_1589 = tpu.memref_slice %arg9[%run_scoped3A_1185, %dma_wait3A_1587, %dma_wait3A_1588] : memref<2x8x128xi32, #tpu.memory_space<vmem>> -> memref<1x8x128xi32, #tpu.memory_space<vmem>>
        %dma_wait3A_1590 = tpu.memref_squeeze %dma_wait3A_1589 : memref<1x8x128xi32, #tpu.memory_space<vmem>> -> memref<8x128xi32, #tpu.memory_space<vmem>>
        %dma_wait3A_1591 = arith.constant 0 : i32
        %dma_wait3A_1592 = tpu.memref_slice %dma_wait3A_1590[%run_scoped3A_1186, %dma_wait3A_1591] : memref<8x128xi32, #tpu.memory_space<vmem>> -> memref<1x128xi32, #tpu.memory_space<vmem>>
        %dma_wait3A_1593 = tpu.memref_squeeze %dma_wait3A_1592 : memref<1x128xi32, #tpu.memory_space<vmem>> -> memref<128xi32, #tpu.memory_space<vmem>>
        %dma_wait3A_1594 = arith.constant 0 : i32
        %dma_wait3A_1595 = arith.constant 0 : i32
        %dma_wait3A_1596 = tpu.memref_slice %arg11[%dma_wait3A_1594, %dma_wait3A_1595] : memref<10240x128xf32, #tpu.memory_space<vmem_shared>> -> memref<10240x128xf32, #tpu.memory_space<vmem_shared>>
        tpu.wait_indirect_dma semaphore(%run_scoped3A_1568 : memref<!tpu.dma_semaphore, #tpu.memory_space<semaphore_mem>>) src(%dma_wait3A_1586 : memref<128x128xf32, #tpu.memory_space<vmem>>) dst(%dma_wait3A_1596 : memref<10240x128xf32, #tpu.memory_space<vmem_shared>>)
        tpu.yield
      }) : () -> ()
      %dma_start3A_1187 = arith.constant 1 : i32
      %dma_start3A_1188 = arith.constant 5 : i32
      %dma_start3A_1189 = arith.constant 1 : i32
      %dma_start3A_1190 = arith.constant 0 : i32
      %dma_start3A_1191 = arith.constant 0 : i32
      %dma_start3A_1192 = tpu.memref_slice %arg10[%dma_start3A_1189, %dma_start3A_1190, %dma_start3A_1191] : memref<2x128x128xf32, #tpu.memory_space<vmem>> -> memref<1x128x128xf32, #tpu.memory_space<vmem>>
      %dma_start3A_1193 = tpu.memref_squeeze %dma_start3A_1192 : memref<1x128x128xf32, #tpu.memory_space<vmem>> -> memref<128x128xf32, #tpu.memory_space<vmem>>
      %dma_start3A_1194 = arith.constant 0 : i32
      %dma_start3A_1195 = arith.constant 0 : i32
      %dma_start3A_1196 = tpu.memref_slice %arg8[%dma_start3A_1187, %dma_start3A_1194, %dma_start3A_1195] : memref<2x8x128xi32, #tpu.memory_space<vmem>> -> memref<1x8x128xi32, #tpu.memory_space<vmem>>
      %dma_start3A_1197 = tpu.memref_squeeze %dma_start3A_1196 : memref<1x8x128xi32, #tpu.memory_space<vmem>> -> memref<8x128xi32, #tpu.memory_space<vmem>>
      %dma_start3A_1198 = arith.constant 0 : i32
      %dma_start3A_1199 = tpu.memref_slice %dma_start3A_1197[%dma_start3A_1188, %dma_start3A_1198] : memref<8x128xi32, #tpu.memory_space<vmem>> -> memref<1x128xi32, #tpu.memory_space<vmem>>
      %dma_start3A_1200 = tpu.memref_squeeze %dma_start3A_1199 : memref<1x128xi32, #tpu.memory_space<vmem>> -> memref<128xi32, #tpu.memory_space<vmem>>
      %dma_start3A_1201 = arith.constant 0 : i32
      %dma_start3A_1202 = arith.constant 0 : i32
      %dma_start3A_1203 = tpu.memref_slice %arg2[%dma_start3A_1201, %dma_start3A_1202] : memref<10240x128xf32, #tpu.memory_space<hbm>> -> memref<10240x128xf32, #tpu.memory_space<hbm>>
      tpu.enqueue_indirect_dma source(%dma_start3A_1203 : memref<10240x128xf32, #tpu.memory_space<hbm>>) target(%dma_start3A_1193 : memref<128x128xf32, #tpu.memory_space<vmem>>) offsets(%dma_start3A_1200 : memref<128xi32, #tpu.memory_space<vmem>>) semaphore(%arg13 : memref<!tpu.dma_semaphore, #tpu.memory_space<semaphore_mem>>)
      %broadcast_in_dim3A_1204 = arith.constant 1.000000e+00 : f32
      %broadcast_in_dim3A_1205 = vector.broadcast %broadcast_in_dim3A_1204 : f32 to vector<16xf32>
      %get3A_1206 = arith.constant 1 : i32
      %get3A_1207 = arith.constant 3 : i32
      %get3A_1208 = arith.index_cast %get3A_1206 : i32 to index
      %get3A_1209 = arith.index_cast %get3A_1207 : i32 to index
      %get3A_1210 = arith.constant 0 : index
      %get3A_1211 = tpu.vector_load %arg9[%get3A_1208, %get3A_1209, %get3A_1210] {strides = array<i32>} : memref<2x8x128xi32, #tpu.memory_space<vmem>>, vector<16xi32>,
      tpu.vector_store_idx %arg18[%get3A_1211], %broadcast_in_dim3A_1205 {add = true} : memref<10240xf32, #tpu.memory_space<vmem>>[vector<16xi32>], vector<16xf32>,
      %get3A_1212 = arith.constant 1 : i32
      %get3A_1213 = arith.constant 3 : i32
      %get3A_1214 = arith.index_cast %get3A_1212 : i32 to index
      %get3A_1215 = arith.index_cast %get3A_1213 : i32 to index
      %get3A_1216 = arith.constant 16 : index
      %get3A_1217 = tpu.vector_load %arg9[%get3A_1214, %get3A_1215, %get3A_1216] {strides = array<i32>} : memref<2x8x128xi32, #tpu.memory_space<vmem>>, vector<16xi32>,
      tpu.vector_store_idx %arg18[%get3A_1217], %broadcast_in_dim3A_1205 {add = true} : memref<10240xf32, #tpu.memory_space<vmem>>[vector<16xi32>], vector<16xf32>,
      %get3A_1218 = arith.constant 1 : i32
      %get3A_1219 = arith.constant 3 : i32
      %get3A_1220 = arith.index_cast %get3A_1218 : i32 to index
      %get3A_1221 = arith.index_cast %get3A_1219 : i32 to index
      %get3A_1222 = arith.constant 32 : index
      %get3A_1223 = tpu.vector_load %arg9[%get3A_1220, %get3A_1221, %get3A_1222] {strides = array<i32>} : memref<2x8x128xi32, #tpu.memory_space<vmem>>, vector<16xi32>,
      tpu.vector_store_idx %arg18[%get3A_1223], %broadcast_in_dim3A_1205 {add = true} : memref<10240xf32, #tpu.memory_space<vmem>>[vector<16xi32>], vector<16xf32>,
      %get3A_1224 = arith.constant 1 : i32
      %get3A_1225 = arith.constant 3 : i32
      %get3A_1226 = arith.index_cast %get3A_1224 : i32 to index
      %get3A_1227 = arith.index_cast %get3A_1225 : i32 to index
      %get3A_1228 = arith.constant 48 : index
      %get3A_1229 = tpu.vector_load %arg9[%get3A_1226, %get3A_1227, %get3A_1228] {strides = array<i32>} : memref<2x8x128xi32, #tpu.memory_space<vmem>>, vector<16xi32>,
      tpu.vector_store_idx %arg18[%get3A_1229], %broadcast_in_dim3A_1205 {add = true} : memref<10240xf32, #tpu.memory_space<vmem>>[vector<16xi32>], vector<16xf32>,
      %get3A_1230 = arith.constant 1 : i32
      %get3A_1231 = arith.constant 3 : i32
      %get3A_1232 = arith.index_cast %get3A_1230 : i32 to index
      %get3A_1233 = arith.index_cast %get3A_1231 : i32 to index
      %get3A_1234 = arith.constant 64 : index
      %get3A_1235 = tpu.vector_load %arg9[%get3A_1232, %get3A_1233, %get3A_1234] {strides = array<i32>} : memref<2x8x128xi32, #tpu.memory_space<vmem>>, vector<16xi32>,
      tpu.vector_store_idx %arg18[%get3A_1235], %broadcast_in_dim3A_1205 {add = true} : memref<10240xf32, #tpu.memory_space<vmem>>[vector<16xi32>], vector<16xf32>,
      %get3A_1236 = arith.constant 1 : i32
      %get3A_1237 = arith.constant 3 : i32
      %get3A_1238 = arith.index_cast %get3A_1236 : i32 to index
      %get3A_1239 = arith.index_cast %get3A_1237 : i32 to index
      %get3A_1240 = arith.constant 80 : index
      %get3A_1241 = tpu.vector_load %arg9[%get3A_1238, %get3A_1239, %get3A_1240] {strides = array<i32>} : memref<2x8x128xi32, #tpu.memory_space<vmem>>, vector<16xi32>,
      tpu.vector_store_idx %arg18[%get3A_1241], %broadcast_in_dim3A_1205 {add = true} : memref<10240xf32, #tpu.memory_space<vmem>>[vector<16xi32>], vector<16xf32>,
      %get3A_1242 = arith.constant 1 : i32
      %get3A_1243 = arith.constant 3 : i32
      %get3A_1244 = arith.index_cast %get3A_1242 : i32 to index
      %get3A_1245 = arith.index_cast %get3A_1243 : i32 to index
      %get3A_1246 = arith.constant 96 : index
      %get3A_1247 = tpu.vector_load %arg9[%get3A_1244, %get3A_1245, %get3A_1246] {strides = array<i32>} : memref<2x8x128xi32, #tpu.memory_space<vmem>>, vector<16xi32>,
      tpu.vector_store_idx %arg18[%get3A_1247], %broadcast_in_dim3A_1205 {add = true} : memref<10240xf32, #tpu.memory_space<vmem>>[vector<16xi32>], vector<16xf32>,
      %get3A_1248 = arith.constant 1 : i32
      %get3A_1249 = arith.constant 3 : i32
      %get3A_1250 = arith.index_cast %get3A_1248 : i32 to index
      %get3A_1251 = arith.index_cast %get3A_1249 : i32 to index
      %get3A_1252 = arith.constant 112 : index
      %get3A_1253 = tpu.vector_load %arg9[%get3A_1250, %get3A_1251, %get3A_1252] {strides = array<i32>} : memref<2x8x128xi32, #tpu.memory_space<vmem>>, vector<16xi32>,
      tpu.vector_store_idx %arg18[%get3A_1253], %broadcast_in_dim3A_1205 {add = true} : memref<10240xf32, #tpu.memory_space<vmem>>[vector<16xi32>], vector<16xf32>,
      %dma_wait3A_1254 = arith.constant 1 : i32
      %dma_wait3A_1255 = arith.constant 4 : i32
      %dma_wait3A_1256 = arith.constant 0 : i32
      %dma_wait3A_1257 = arith.constant 0 : i32
      %dma_wait3A_1258 = arith.constant 0 : i32
      %dma_wait3A_1259 = tpu.memref_slice %arg10[%dma_wait3A_1256, %dma_wait3A_1257, %dma_wait3A_1258] : memref<2x128x128xf32, #tpu.memory_space<vmem>> -> memref<1x128x128xf32, #tpu.memory_space<vmem>>
      %dma_wait3A_1260 = tpu.memref_squeeze %dma_wait3A_1259 : memref<1x128x128xf32, #tpu.memory_space<vmem>> -> memref<128x128xf32, #tpu.memory_space<vmem>>
      %dma_wait3A_1261 = arith.constant 0 : i32
      %dma_wait3A_1262 = arith.constant 0 : i32
      %dma_wait3A_1263 = tpu.memref_slice %arg8[%dma_wait3A_1254, %dma_wait3A_1261, %dma_wait3A_1262] : memref<2x8x128xi32, #tpu.memory_space<vmem>> -> memref<1x8x128xi32, #tpu.memory_space<vmem>>
      %dma_wait3A_1264 = tpu.memref_squeeze %dma_wait3A_1263 : memref<1x8x128xi32, #tpu.memory_space<vmem>> -> memref<8x128xi32, #tpu.memory_space<vmem>>
      %dma_wait3A_1265 = arith.constant 0 : i32
      %dma_wait3A_1266 = tpu.memref_slice %dma_wait3A_1264[%dma_wait3A_1255, %dma_wait3A_1265] : memref<8x128xi32, #tpu.memory_space<vmem>> -> memref<1x128xi32, #tpu.memory_space<vmem>>
      %dma_wait3A_1267 = tpu.memref_squeeze %dma_wait3A_1266 : memref<1x128xi32, #tpu.memory_space<vmem>> -> memref<128xi32, #tpu.memory_space<vmem>>
      %dma_wait3A_1268 = arith.constant 0 : i32
      %dma_wait3A_1269 = arith.constant 0 : i32
      %dma_wait3A_1270 = tpu.memref_slice %arg2[%dma_wait3A_1268, %dma_wait3A_1269] : memref<10240x128xf32, #tpu.memory_space<hbm>> -> memref<10240x128xf32, #tpu.memory_space<hbm>>
      tpu.wait_indirect_dma semaphore(%arg12 : memref<!tpu.dma_semaphore, #tpu.memory_space<semaphore_mem>>) src(%dma_wait3A_1270 : memref<10240x128xf32, #tpu.memory_space<hbm>>) dst(%dma_wait3A_1260 : memref<128x128xf32, #tpu.memory_space<vmem>>)
      %run_scoped3A_1271 = arith.constant 0 : i32
      %run_scoped3A_1272 = arith.constant 1 : i32
      %run_scoped3A_1273 = arith.constant 4 : i32
      "tpu.region"() ({
        %run_scoped3A_1568 = tpu.sem_alloc : memref<!tpu.dma_semaphore, #tpu.memory_space<semaphore_mem>>
        %dma_start3A_1569 = arith.constant 0 : i32
        %dma_start3A_1570 = arith.constant 0 : i32
        %dma_start3A_1571 = tpu.memref_slice %arg10[%run_scoped3A_1271, %dma_start3A_1569, %dma_start3A_1570] : memref<2x128x128xf32, #tpu.memory_space<vmem>> -> memref<1x128x128xf32, #tpu.memory_space<vmem>>
        %dma_start3A_1572 = tpu.memref_squeeze %dma_start3A_1571 : memref<1x128x128xf32, #tpu.memory_space<vmem>> -> memref<128x128xf32, #tpu.memory_space<vmem>>
        %dma_start3A_1573 = arith.constant 0 : i32
        %dma_start3A_1574 = arith.constant 0 : i32
        %dma_start3A_1575 = tpu.memref_slice %arg9[%run_scoped3A_1272, %dma_start3A_1573, %dma_start3A_1574] : memref<2x8x128xi32, #tpu.memory_space<vmem>> -> memref<1x8x128xi32, #tpu.memory_space<vmem>>
        %dma_start3A_1576 = tpu.memref_squeeze %dma_start3A_1575 : memref<1x8x128xi32, #tpu.memory_space<vmem>> -> memref<8x128xi32, #tpu.memory_space<vmem>>
        %dma_start3A_1577 = arith.constant 0 : i32
        %dma_start3A_1578 = tpu.memref_slice %dma_start3A_1576[%run_scoped3A_1273, %dma_start3A_1577] : memref<8x128xi32, #tpu.memory_space<vmem>> -> memref<1x128xi32, #tpu.memory_space<vmem>>
        %dma_start3A_1579 = tpu.memref_squeeze %dma_start3A_1578 : memref<1x128xi32, #tpu.memory_space<vmem>> -> memref<128xi32, #tpu.memory_space<vmem>>
        %dma_start3A_1580 = arith.constant 0 : i32
        %dma_start3A_1581 = arith.constant 0 : i32
        %dma_start3A_1582 = tpu.memref_slice %arg11[%dma_start3A_1580, %dma_start3A_1581] : memref<10240x128xf32, #tpu.memory_space<vmem_shared>> -> memref<10240x128xf32, #tpu.memory_space<vmem_shared>>
        tpu.enqueue_indirect_dma source(%dma_start3A_1572 : memref<128x128xf32, #tpu.memory_space<vmem>>) target(%dma_start3A_1582 : memref<10240x128xf32, #tpu.memory_space<vmem_shared>>) offsets(%dma_start3A_1579 : memref<128xi32, #tpu.memory_space<vmem>>) semaphore(%run_scoped3A_1568 : memref<!tpu.dma_semaphore, #tpu.memory_space<semaphore_mem>>) {add = true}
        %dma_wait3A_1583 = arith.constant 0 : i32
        %dma_wait3A_1584 = arith.constant 0 : i32
        %dma_wait3A_1585 = tpu.memref_slice %arg10[%run_scoped3A_1271, %dma_wait3A_1583, %dma_wait3A_1584] : memref<2x128x128xf32, #tpu.memory_space<vmem>> -> memref<1x128x128xf32, #tpu.memory_space<vmem>>
        %dma_wait3A_1586 = tpu.memref_squeeze %dma_wait3A_1585 : memref<1x128x128xf32, #tpu.memory_space<vmem>> -> memref<128x128xf32, #tpu.memory_space<vmem>>
        %dma_wait3A_1587 = arith.constant 0 : i32
        %dma_wait3A_1588 = arith.constant 0 : i32
        %dma_wait3A_1589 = tpu.memref_slice %arg9[%run_scoped3A_1272, %dma_wait3A_1587, %dma_wait3A_1588] : memref<2x8x128xi32, #tpu.memory_space<vmem>> -> memref<1x8x128xi32, #tpu.memory_space<vmem>>
        %dma_wait3A_1590 = tpu.memref_squeeze %dma_wait3A_1589 : memref<1x8x128xi32, #tpu.memory_space<vmem>> -> memref<8x128xi32, #tpu.memory_space<vmem>>
        %dma_wait3A_1591 = arith.constant 0 : i32
        %dma_wait3A_1592 = tpu.memref_slice %dma_wait3A_1590[%run_scoped3A_1273, %dma_wait3A_1591] : memref<8x128xi32, #tpu.memory_space<vmem>> -> memref<1x128xi32, #tpu.memory_space<vmem>>
        %dma_wait3A_1593 = tpu.memref_squeeze %dma_wait3A_1592 : memref<1x128xi32, #tpu.memory_space<vmem>> -> memref<128xi32, #tpu.memory_space<vmem>>
        %dma_wait3A_1594 = arith.constant 0 : i32
        %dma_wait3A_1595 = arith.constant 0 : i32
        %dma_wait3A_1596 = tpu.memref_slice %arg11[%dma_wait3A_1594, %dma_wait3A_1595] : memref<10240x128xf32, #tpu.memory_space<vmem_shared>> -> memref<10240x128xf32, #tpu.memory_space<vmem_shared>>
        tpu.wait_indirect_dma semaphore(%run_scoped3A_1568 : memref<!tpu.dma_semaphore, #tpu.memory_space<semaphore_mem>>) src(%dma_wait3A_1586 : memref<128x128xf32, #tpu.memory_space<vmem>>) dst(%dma_wait3A_1596 : memref<10240x128xf32, #tpu.memory_space<vmem_shared>>)
        tpu.yield
      }) : () -> ()
      %dma_start3A_1274 = arith.constant 1 : i32
      %dma_start3A_1275 = arith.constant 6 : i32
      %dma_start3A_1276 = arith.constant 0 : i32
      %dma_start3A_1277 = arith.constant 0 : i32
      %dma_start3A_1278 = arith.constant 0 : i32
      %dma_start3A_1279 = tpu.memref_slice %arg10[%dma_start3A_1276, %dma_start3A_1277, %dma_start3A_1278] : memref<2x128x128xf32, #tpu.memory_space<vmem>> -> memref<1x128x128xf32, #tpu.memory_space<vmem>>
      %dma_start3A_1280 = tpu.memref_squeeze %dma_start3A_1279 : memref<1x128x128xf32, #tpu.memory_space<vmem>> -> memref<128x128xf32, #tpu.memory_space<vmem>>
      %dma_start3A_1281 = arith.constant 0 : i32
      %dma_start3A_1282 = arith.constant 0 : i32
      %dma_start3A_1283 = tpu.memref_slice %arg8[%dma_start3A_1274, %dma_start3A_1281, %dma_start3A_1282] : memref<2x8x128xi32, #tpu.memory_space<vmem>> -> memref<1x8x128xi32, #tpu.memory_space<vmem>>
      %dma_start3A_1284 = tpu.memref_squeeze %dma_start3A_1283 : memref<1x8x128xi32, #tpu.memory_space<vmem>> -> memref<8x128xi32, #tpu.memory_space<vmem>>
      %dma_start3A_1285 = arith.constant 0 : i32
      %dma_start3A_1286 = tpu.memref_slice %dma_start3A_1284[%dma_start3A_1275, %dma_start3A_1285] : memref<8x128xi32, #tpu.memory_space<vmem>> -> memref<1x128xi32, #tpu.memory_space<vmem>>
      %dma_start3A_1287 = tpu.memref_squeeze %dma_start3A_1286 : memref<1x128xi32, #tpu.memory_space<vmem>> -> memref<128xi32, #tpu.memory_space<vmem>>
      %dma_start3A_1288 = arith.constant 0 : i32
      %dma_start3A_1289 = arith.constant 0 : i32
      %dma_start3A_1290 = tpu.memref_slice %arg2[%dma_start3A_1288, %dma_start3A_1289] : memref<10240x128xf32, #tpu.memory_space<hbm>> -> memref<10240x128xf32, #tpu.memory_space<hbm>>
      tpu.enqueue_indirect_dma source(%dma_start3A_1290 : memref<10240x128xf32, #tpu.memory_space<hbm>>) target(%dma_start3A_1280 : memref<128x128xf32, #tpu.memory_space<vmem>>) offsets(%dma_start3A_1287 : memref<128xi32, #tpu.memory_space<vmem>>) semaphore(%arg12 : memref<!tpu.dma_semaphore, #tpu.memory_space<semaphore_mem>>)
      %broadcast_in_dim3A_1291 = arith.constant 1.000000e+00 : f32
      %broadcast_in_dim3A_1292 = vector.broadcast %broadcast_in_dim3A_1291 : f32 to vector<16xf32>
      %get3A_1293 = arith.constant 1 : i32
      %get3A_1294 = arith.constant 4 : i32
      %get3A_1295 = arith.index_cast %get3A_1293 : i32 to index
      %get3A_1296 = arith.index_cast %get3A_1294 : i32 to index
      %get3A_1297 = arith.constant 0 : index
      %get3A_1298 = tpu.vector_load %arg9[%get3A_1295, %get3A_1296, %get3A_1297] {strides = array<i32>} : memref<2x8x128xi32, #tpu.memory_space<vmem>>, vector<16xi32>,
      tpu.vector_store_idx %arg18[%get3A_1298], %broadcast_in_dim3A_1292 {add = true} : memref<10240xf32, #tpu.memory_space<vmem>>[vector<16xi32>], vector<16xf32>,
      %get3A_1299 = arith.constant 1 : i32
      %get3A_1300 = arith.constant 4 : i32
      %get3A_1301 = arith.index_cast %get3A_1299 : i32 to index
      %get3A_1302 = arith.index_cast %get3A_1300 : i32 to index
      %get3A_1303 = arith.constant 16 : index
      %get3A_1304 = tpu.vector_load %arg9[%get3A_1301, %get3A_1302, %get3A_1303] {strides = array<i32>} : memref<2x8x128xi32, #tpu.memory_space<vmem>>, vector<16xi32>,
      tpu.vector_store_idx %arg18[%get3A_1304], %broadcast_in_dim3A_1292 {add = true} : memref<10240xf32, #tpu.memory_space<vmem>>[vector<16xi32>], vector<16xf32>,
      %get3A_1305 = arith.constant 1 : i32
      %get3A_1306 = arith.constant 4 : i32
      %get3A_1307 = arith.index_cast %get3A_1305 : i32 to index
      %get3A_1308 = arith.index_cast %get3A_1306 : i32 to index
      %get3A_1309 = arith.constant 32 : index
      %get3A_1310 = tpu.vector_load %arg9[%get3A_1307, %get3A_1308, %get3A_1309] {strides = array<i32>} : memref<2x8x128xi32, #tpu.memory_space<vmem>>, vector<16xi32>,
      tpu.vector_store_idx %arg18[%get3A_1310], %broadcast_in_dim3A_1292 {add = true} : memref<10240xf32, #tpu.memory_space<vmem>>[vector<16xi32>], vector<16xf32>,
      %get3A_1311 = arith.constant 1 : i32
      %get3A_1312 = arith.constant 4 : i32
      %get3A_1313 = arith.index_cast %get3A_1311 : i32 to index
      %get3A_1314 = arith.index_cast %get3A_1312 : i32 to index
      %get3A_1315 = arith.constant 48 : index
      %get3A_1316 = tpu.vector_load %arg9[%get3A_1313, %get3A_1314, %get3A_1315] {strides = array<i32>} : memref<2x8x128xi32, #tpu.memory_space<vmem>>, vector<16xi32>,
      tpu.vector_store_idx %arg18[%get3A_1316], %broadcast_in_dim3A_1292 {add = true} : memref<10240xf32, #tpu.memory_space<vmem>>[vector<16xi32>], vector<16xf32>,
      %get3A_1317 = arith.constant 1 : i32
      %get3A_1318 = arith.constant 4 : i32
      %get3A_1319 = arith.index_cast %get3A_1317 : i32 to index
      %get3A_1320 = arith.index_cast %get3A_1318 : i32 to index
      %get3A_1321 = arith.constant 64 : index
      %get3A_1322 = tpu.vector_load %arg9[%get3A_1319, %get3A_1320, %get3A_1321] {strides = array<i32>} : memref<2x8x128xi32, #tpu.memory_space<vmem>>, vector<16xi32>,
      tpu.vector_store_idx %arg18[%get3A_1322], %broadcast_in_dim3A_1292 {add = true} : memref<10240xf32, #tpu.memory_space<vmem>>[vector<16xi32>], vector<16xf32>,
      %get3A_1323 = arith.constant 1 : i32
      %get3A_1324 = arith.constant 4 : i32
      %get3A_1325 = arith.index_cast %get3A_1323 : i32 to index
      %get3A_1326 = arith.index_cast %get3A_1324 : i32 to index
      %get3A_1327 = arith.constant 80 : index
      %get3A_1328 = tpu.vector_load %arg9[%get3A_1325, %get3A_1326, %get3A_1327] {strides = array<i32>} : memref<2x8x128xi32, #tpu.memory_space<vmem>>, vector<16xi32>,
      tpu.vector_store_idx %arg18[%get3A_1328], %broadcast_in_dim3A_1292 {add = true} : memref<10240xf32, #tpu.memory_space<vmem>>[vector<16xi32>], vector<16xf32>,
      %get3A_1329 = arith.constant 1 : i32
      %get3A_1330 = arith.constant 4 : i32
      %get3A_1331 = arith.index_cast %get3A_1329 : i32 to index
      %get3A_1332 = arith.index_cast %get3A_1330 : i32 to index
      %get3A_1333 = arith.constant 96 : index
      %get3A_1334 = tpu.vector_load %arg9[%get3A_1331, %get3A_1332, %get3A_1333] {strides = array<i32>} : memref<2x8x128xi32, #tpu.memory_space<vmem>>, vector<16xi32>,
      tpu.vector_store_idx %arg18[%get3A_1334], %broadcast_in_dim3A_1292 {add = true} : memref<10240xf32, #tpu.memory_space<vmem>>[vector<16xi32>], vector<16xf32>,
      %get3A_1335 = arith.constant 1 : i32
      %get3A_1336 = arith.constant 4 : i32
      %get3A_1337 = arith.index_cast %get3A_1335 : i32 to index
      %get3A_1338 = arith.index_cast %get3A_1336 : i32 to index
      %get3A_1339 = arith.constant 112 : index
      %get3A_1340 = tpu.vector_load %arg9[%get3A_1337, %get3A_1338, %get3A_1339] {strides = array<i32>} : memref<2x8x128xi32, #tpu.memory_space<vmem>>, vector<16xi32>,
      tpu.vector_store_idx %arg18[%get3A_1340], %broadcast_in_dim3A_1292 {add = true} : memref<10240xf32, #tpu.memory_space<vmem>>[vector<16xi32>], vector<16xf32>,
      %dma_wait3A_1341 = arith.constant 1 : i32
      %dma_wait3A_1342 = arith.constant 5 : i32
      %dma_wait3A_1343 = arith.constant 1 : i32
      %dma_wait3A_1344 = arith.constant 0 : i32
      %dma_wait3A_1345 = arith.constant 0 : i32
      %dma_wait3A_1346 = tpu.memref_slice %arg10[%dma_wait3A_1343, %dma_wait3A_1344, %dma_wait3A_1345] : memref<2x128x128xf32, #tpu.memory_space<vmem>> -> memref<1x128x128xf32, #tpu.memory_space<vmem>>
      %dma_wait3A_1347 = tpu.memref_squeeze %dma_wait3A_1346 : memref<1x128x128xf32, #tpu.memory_space<vmem>> -> memref<128x128xf32, #tpu.memory_space<vmem>>
      %dma_wait3A_1348 = arith.constant 0 : i32
      %dma_wait3A_1349 = arith.constant 0 : i32
      %dma_wait3A_1350 = tpu.memref_slice %arg8[%dma_wait3A_1341, %dma_wait3A_1348, %dma_wait3A_1349] : memref<2x8x128xi32, #tpu.memory_space<vmem>> -> memref<1x8x128xi32, #tpu.memory_space<vmem>>
      %dma_wait3A_1351 = tpu.memref_squeeze %dma_wait3A_1350 : memref<1x8x128xi32, #tpu.memory_space<vmem>> -> memref<8x128xi32, #tpu.memory_space<vmem>>
      %dma_wait3A_1352 = arith.constant 0 : i32
      %dma_wait3A_1353 = tpu.memref_slice %dma_wait3A_1351[%dma_wait3A_1342, %dma_wait3A_1352] : memref<8x128xi32, #tpu.memory_space<vmem>> -> memref<1x128xi32, #tpu.memory_space<vmem>>
      %dma_wait3A_1354 = tpu.memref_squeeze %dma_wait3A_1353 : memref<1x128xi32, #tpu.memory_space<vmem>> -> memref<128xi32, #tpu.memory_space<vmem>>
      %dma_wait3A_1355 = arith.constant 0 : i32
      %dma_wait3A_1356 = arith.constant 0 : i32
      %dma_wait3A_1357 = tpu.memref_slice %arg2[%dma_wait3A_1355, %dma_wait3A_1356] : memref<10240x128xf32, #tpu.memory_space<hbm>> -> memref<10240x128xf32, #tpu.memory_space<hbm>>
      tpu.wait_indirect_dma semaphore(%arg13 : memref<!tpu.dma_semaphore, #tpu.memory_space<semaphore_mem>>) src(%dma_wait3A_1357 : memref<10240x128xf32, #tpu.memory_space<hbm>>) dst(%dma_wait3A_1347 : memref<128x128xf32, #tpu.memory_space<vmem>>)
      %run_scoped3A_1358 = arith.constant 1 : i32
      %run_scoped3A_1359 = arith.constant 1 : i32
      %run_scoped3A_1360 = arith.constant 5 : i32
      "tpu.region"() ({
        %run_scoped3A_1568 = tpu.sem_alloc : memref<!tpu.dma_semaphore, #tpu.memory_space<semaphore_mem>>
        %dma_start3A_1569 = arith.constant 0 : i32
        %dma_start3A_1570 = arith.constant 0 : i32
        %dma_start3A_1571 = tpu.memref_slice %arg10[%run_scoped3A_1358, %dma_start3A_1569, %dma_start3A_1570] : memref<2x128x128xf32, #tpu.memory_space<vmem>> -> memref<1x128x128xf32, #tpu.memory_space<vmem>>
        %dma_start3A_1572 = tpu.memref_squeeze %dma_start3A_1571 : memref<1x128x128xf32, #tpu.memory_space<vmem>> -> memref<128x128xf32, #tpu.memory_space<vmem>>
        %dma_start3A_1573 = arith.constant 0 : i32
        %dma_start3A_1574 = arith.constant 0 : i32
        %dma_start3A_1575 = tpu.memref_slice %arg9[%run_scoped3A_1359, %dma_start3A_1573, %dma_start3A_1574] : memref<2x8x128xi32, #tpu.memory_space<vmem>> -> memref<1x8x128xi32, #tpu.memory_space<vmem>>
        %dma_start3A_1576 = tpu.memref_squeeze %dma_start3A_1575 : memref<1x8x128xi32, #tpu.memory_space<vmem>> -> memref<8x128xi32, #tpu.memory_space<vmem>>
        %dma_start3A_1577 = arith.constant 0 : i32
        %dma_start3A_1578 = tpu.memref_slice %dma_start3A_1576[%run_scoped3A_1360, %dma_start3A_1577] : memref<8x128xi32, #tpu.memory_space<vmem>> -> memref<1x128xi32, #tpu.memory_space<vmem>>
        %dma_start3A_1579 = tpu.memref_squeeze %dma_start3A_1578 : memref<1x128xi32, #tpu.memory_space<vmem>> -> memref<128xi32, #tpu.memory_space<vmem>>
        %dma_start3A_1580 = arith.constant 0 : i32
        %dma_start3A_1581 = arith.constant 0 : i32
        %dma_start3A_1582 = tpu.memref_slice %arg11[%dma_start3A_1580, %dma_start3A_1581] : memref<10240x128xf32, #tpu.memory_space<vmem_shared>> -> memref<10240x128xf32, #tpu.memory_space<vmem_shared>>
        tpu.enqueue_indirect_dma source(%dma_start3A_1572 : memref<128x128xf32, #tpu.memory_space<vmem>>) target(%dma_start3A_1582 : memref<10240x128xf32, #tpu.memory_space<vmem_shared>>) offsets(%dma_start3A_1579 : memref<128xi32, #tpu.memory_space<vmem>>) semaphore(%run_scoped3A_1568 : memref<!tpu.dma_semaphore, #tpu.memory_space<semaphore_mem>>) {add = true}
        %dma_wait3A_1583 = arith.constant 0 : i32
        %dma_wait3A_1584 = arith.constant 0 : i32
        %dma_wait3A_1585 = tpu.memref_slice %arg10[%run_scoped3A_1358, %dma_wait3A_1583, %dma_wait3A_1584] : memref<2x128x128xf32, #tpu.memory_space<vmem>> -> memref<1x128x128xf32, #tpu.memory_space<vmem>>
        %dma_wait3A_1586 = tpu.memref_squeeze %dma_wait3A_1585 : memref<1x128x128xf32, #tpu.memory_space<vmem>> -> memref<128x128xf32, #tpu.memory_space<vmem>>
        %dma_wait3A_1587 = arith.constant 0 : i32
        %dma_wait3A_1588 = arith.constant 0 : i32
        %dma_wait3A_1589 = tpu.memref_slice %arg9[%run_scoped3A_1359, %dma_wait3A_1587, %dma_wait3A_1588] : memref<2x8x128xi32, #tpu.memory_space<vmem>> -> memref<1x8x128xi32, #tpu.memory_space<vmem>>
        %dma_wait3A_1590 = tpu.memref_squeeze %dma_wait3A_1589 : memref<1x8x128xi32, #tpu.memory_space<vmem>> -> memref<8x128xi32, #tpu.memory_space<vmem>>
        %dma_wait3A_1591 = arith.constant 0 : i32
        %dma_wait3A_1592 = tpu.memref_slice %dma_wait3A_1590[%run_scoped3A_1360, %dma_wait3A_1591] : memref<8x128xi32, #tpu.memory_space<vmem>> -> memref<1x128xi32, #tpu.memory_space<vmem>>
        %dma_wait3A_1593 = tpu.memref_squeeze %dma_wait3A_1592 : memref<1x128xi32, #tpu.memory_space<vmem>> -> memref<128xi32, #tpu.memory_space<vmem>>
        %dma_wait3A_1594 = arith.constant 0 : i32
        %dma_wait3A_1595 = arith.constant 0 : i32
        %dma_wait3A_1596 = tpu.memref_slice %arg11[%dma_wait3A_1594, %dma_wait3A_1595] : memref<10240x128xf32, #tpu.memory_space<vmem_shared>> -> memref<10240x128xf32, #tpu.memory_space<vmem_shared>>
        tpu.wait_indirect_dma semaphore(%run_scoped3A_1568 : memref<!tpu.dma_semaphore, #tpu.memory_space<semaphore_mem>>) src(%dma_wait3A_1586 : memref<128x128xf32, #tpu.memory_space<vmem>>) dst(%dma_wait3A_1596 : memref<10240x128xf32, #tpu.memory_space<vmem_shared>>)
        tpu.yield
      }) : () -> ()
      %dma_start3A_1361 = arith.constant 1 : i32
      %dma_start3A_1362 = arith.constant 7 : i32
      %dma_start3A_1363 = arith.constant 1 : i32
      %dma_start3A_1364 = arith.constant 0 : i32
      %dma_start3A_1365 = arith.constant 0 : i32
      %dma_start3A_1366 = tpu.memref_slice %arg10[%dma_start3A_1363, %dma_start3A_1364, %dma_start3A_1365] : memref<2x128x128xf32, #tpu.memory_space<vmem>> -> memref<1x128x128xf32, #tpu.memory_space<vmem>>
      %dma_start3A_1367 = tpu.memref_squeeze %dma_start3A_1366 : memref<1x128x128xf32, #tpu.memory_space<vmem>> -> memref<128x128xf32, #tpu.memory_space<vmem>>
      %dma_start3A_1368 = arith.constant 0 : i32
      %dma_start3A_1369 = arith.constant 0 : i32
      %dma_start3A_1370 = tpu.memref_slice %arg8[%dma_start3A_1361, %dma_start3A_1368, %dma_start3A_1369] : memref<2x8x128xi32, #tpu.memory_space<vmem>> -> memref<1x8x128xi32, #tpu.memory_space<vmem>>
      %dma_start3A_1371 = tpu.memref_squeeze %dma_start3A_1370 : memref<1x8x128xi32, #tpu.memory_space<vmem>> -> memref<8x128xi32, #tpu.memory_space<vmem>>
      %dma_start3A_1372 = arith.constant 0 : i32
      %dma_start3A_1373 = tpu.memref_slice %dma_start3A_1371[%dma_start3A_1362, %dma_start3A_1372] : memref<8x128xi32, #tpu.memory_space<vmem>> -> memref<1x128xi32, #tpu.memory_space<vmem>>
      %dma_start3A_1374 = tpu.memref_squeeze %dma_start3A_1373 : memref<1x128xi32, #tpu.memory_space<vmem>> -> memref<128xi32, #tpu.memory_space<vmem>>
      %dma_start3A_1375 = arith.constant 0 : i32
      %dma_start3A_1376 = arith.constant 0 : i32
      %dma_start3A_1377 = tpu.memref_slice %arg2[%dma_start3A_1375, %dma_start3A_1376] : memref<10240x128xf32, #tpu.memory_space<hbm>> -> memref<10240x128xf32, #tpu.memory_space<hbm>>
      tpu.enqueue_indirect_dma source(%dma_start3A_1377 : memref<10240x128xf32, #tpu.memory_space<hbm>>) target(%dma_start3A_1367 : memref<128x128xf32, #tpu.memory_space<vmem>>) offsets(%dma_start3A_1374 : memref<128xi32, #tpu.memory_space<vmem>>) semaphore(%arg13 : memref<!tpu.dma_semaphore, #tpu.memory_space<semaphore_mem>>)
      %broadcast_in_dim3A_1378 = arith.constant 1.000000e+00 : f32
      %broadcast_in_dim3A_1379 = vector.broadcast %broadcast_in_dim3A_1378 : f32 to vector<16xf32>
      %get3A_1380 = arith.constant 1 : i32
      %get3A_1381 = arith.constant 5 : i32
      %get3A_1382 = arith.index_cast %get3A_1380 : i32 to index
      %get3A_1383 = arith.index_cast %get3A_1381 : i32 to index
      %get3A_1384 = arith.constant 0 : index
      %get3A_1385 = tpu.vector_load %arg9[%get3A_1382, %get3A_1383, %get3A_1384] {strides = array<i32>} : memref<2x8x128xi32, #tpu.memory_space<vmem>>, vector<16xi32>,
      tpu.vector_store_idx %arg18[%get3A_1385], %broadcast_in_dim3A_1379 {add = true} : memref<10240xf32, #tpu.memory_space<vmem>>[vector<16xi32>], vector<16xf32>,
      %get3A_1386 = arith.constant 1 : i32
      %get3A_1387 = arith.constant 5 : i32
      %get3A_1388 = arith.index_cast %get3A_1386 : i32 to index
      %get3A_1389 = arith.index_cast %get3A_1387 : i32 to index
      %get3A_1390 = arith.constant 16 : index
      %get3A_1391 = tpu.vector_load %arg9[%get3A_1388, %get3A_1389, %get3A_1390] {strides = array<i32>} : memref<2x8x128xi32, #tpu.memory_space<vmem>>, vector<16xi32>,
      tpu.vector_store_idx %arg18[%get3A_1391], %broadcast_in_dim3A_1379 {add = true} : memref<10240xf32, #tpu.memory_space<vmem>>[vector<16xi32>], vector<16xf32>,
      %get3A_1392 = arith.constant 1 : i32
      %get3A_1393 = arith.constant 5 : i32
      %get3A_1394 = arith.index_cast %get3A_1392 : i32 to index
      %get3A_1395 = arith.index_cast %get3A_1393 : i32 to index
      %get3A_1396 = arith.constant 32 : index
      %get3A_1397 = tpu.vector_load %arg9[%get3A_1394, %get3A_1395, %get3A_1396] {strides = array<i32>} : memref<2x8x128xi32, #tpu.memory_space<vmem>>, vector<16xi32>,
      tpu.vector_store_idx %arg18[%get3A_1397], %broadcast_in_dim3A_1379 {add = true} : memref<10240xf32, #tpu.memory_space<vmem>>[vector<16xi32>], vector<16xf32>,
      %get3A_1398 = arith.constant 1 : i32
      %get3A_1399 = arith.constant 5 : i32
      %get3A_1400 = arith.index_cast %get3A_1398 : i32 to index
      %get3A_1401 = arith.index_cast %get3A_1399 : i32 to index
      %get3A_1402 = arith.constant 48 : index
      %get3A_1403 = tpu.vector_load %arg9[%get3A_1400, %get3A_1401, %get3A_1402] {strides = array<i32>} : memref<2x8x128xi32, #tpu.memory_space<vmem>>, vector<16xi32>,
      tpu.vector_store_idx %arg18[%get3A_1403], %broadcast_in_dim3A_1379 {add = true} : memref<10240xf32, #tpu.memory_space<vmem>>[vector<16xi32>], vector<16xf32>,
      %get3A_1404 = arith.constant 1 : i32
      %get3A_1405 = arith.constant 5 : i32
      %get3A_1406 = arith.index_cast %get3A_1404 : i32 to index
      %get3A_1407 = arith.index_cast %get3A_1405 : i32 to index
      %get3A_1408 = arith.constant 64 : index
      %get3A_1409 = tpu.vector_load %arg9[%get3A_1406, %get3A_1407, %get3A_1408] {strides = array<i32>} : memref<2x8x128xi32, #tpu.memory_space<vmem>>, vector<16xi32>,
      tpu.vector_store_idx %arg18[%get3A_1409], %broadcast_in_dim3A_1379 {add = true} : memref<10240xf32, #tpu.memory_space<vmem>>[vector<16xi32>], vector<16xf32>,
      %get3A_1410 = arith.constant 1 : i32
      %get3A_1411 = arith.constant 5 : i32
      %get3A_1412 = arith.index_cast %get3A_1410 : i32 to index
      %get3A_1413 = arith.index_cast %get3A_1411 : i32 to index
      %get3A_1414 = arith.constant 80 : index
      %get3A_1415 = tpu.vector_load %arg9[%get3A_1412, %get3A_1413, %get3A_1414] {strides = array<i32>} : memref<2x8x128xi32, #tpu.memory_space<vmem>>, vector<16xi32>,
      tpu.vector_store_idx %arg18[%get3A_1415], %broadcast_in_dim3A_1379 {add = true} : memref<10240xf32, #tpu.memory_space<vmem>>[vector<16xi32>], vector<16xf32>,
      %get3A_1416 = arith.constant 1 : i32
      %get3A_1417 = arith.constant 5 : i32
      %get3A_1418 = arith.index_cast %get3A_1416 : i32 to index
      %get3A_1419 = arith.index_cast %get3A_1417 : i32 to index
      %get3A_1420 = arith.constant 96 : index
      %get3A_1421 = tpu.vector_load %arg9[%get3A_1418, %get3A_1419, %get3A_1420] {strides = array<i32>} : memref<2x8x128xi32, #tpu.memory_space<vmem>>, vector<16xi32>,
      tpu.vector_store_idx %arg18[%get3A_1421], %broadcast_in_dim3A_1379 {add = true} : memref<10240xf32, #tpu.memory_space<vmem>>[vector<16xi32>], vector<16xf32>,
      %get3A_1422 = arith.constant 1 : i32
      %get3A_1423 = arith.constant 5 : i32
      %get3A_1424 = arith.index_cast %get3A_1422 : i32 to index
      %get3A_1425 = arith.index_cast %get3A_1423 : i32 to index
      %get3A_1426 = arith.constant 112 : index
      %get3A_1427 = tpu.vector_load %arg9[%get3A_1424, %get3A_1425, %get3A_1426] {strides = array<i32>} : memref<2x8x128xi32, #tpu.memory_space<vmem>>, vector<16xi32>,
      tpu.vector_store_idx %arg18[%get3A_1427], %broadcast_in_dim3A_1379 {add = true} : memref<10240xf32, #tpu.memory_space<vmem>>[vector<16xi32>], vector<16xf32>,
      %dma_wait3A_1428 = arith.constant 1 : i32
      %dma_wait3A_1429 = arith.constant 6 : i32
      %dma_wait3A_1430 = arith.constant 0 : i32
      %dma_wait3A_1431 = arith.constant 0 : i32
      %dma_wait3A_1432 = arith.constant 0 : i32
      %dma_wait3A_1433 = tpu.memref_slice %arg10[%dma_wait3A_1430, %dma_wait3A_1431, %dma_wait3A_1432] : memref<2x128x128xf32, #tpu.memory_space<vmem>> -> memref<1x128x128xf32, #tpu.memory_space<vmem>>
      %dma_wait3A_1434 = tpu.memref_squeeze %dma_wait3A_1433 : memref<1x128x128xf32, #tpu.memory_space<vmem>> -> memref<128x128xf32, #tpu.memory_space<vmem>>
      %dma_wait3A_1435 = arith.constant 0 : i32
      %dma_wait3A_1436 = arith.constant 0 : i32
      %dma_wait3A_1437 = tpu.memref_slice %arg8[%dma_wait3A_1428, %dma_wait3A_1435, %dma_wait3A_1436] : memref<2x8x128xi32, #tpu.memory_space<vmem>> -> memref<1x8x128xi32, #tpu.memory_space<vmem>>
      %dma_wait3A_1438 = tpu.memref_squeeze %dma_wait3A_1437 : memref<1x8x128xi32, #tpu.memory_space<vmem>> -> memref<8x128xi32, #tpu.memory_space<vmem>>
      %dma_wait3A_1439 = arith.constant 0 : i32
      %dma_wait3A_1440 = tpu.memref_slice %dma_wait3A_1438[%dma_wait3A_1429, %dma_wait3A_1439] : memref<8x128xi32, #tpu.memory_space<vmem>> -> memref<1x128xi32, #tpu.memory_space<vmem>>
      %dma_wait3A_1441 = tpu.memref_squeeze %dma_wait3A_1440 : memref<1x128xi32, #tpu.memory_space<vmem>> -> memref<128xi32, #tpu.memory_space<vmem>>
      %dma_wait3A_1442 = arith.constant 0 : i32
      %dma_wait3A_1443 = arith.constant 0 : i32
      %dma_wait3A_1444 = tpu.memref_slice %arg2[%dma_wait3A_1442, %dma_wait3A_1443] : memref<10240x128xf32, #tpu.memory_space<hbm>> -> memref<10240x128xf32, #tpu.memory_space<hbm>>
      tpu.wait_indirect_dma semaphore(%arg12 : memref<!tpu.dma_semaphore, #tpu.memory_space<semaphore_mem>>) src(%dma_wait3A_1444 : memref<10240x128xf32, #tpu.memory_space<hbm>>) dst(%dma_wait3A_1434 : memref<128x128xf32, #tpu.memory_space<vmem>>)
      %run_scoped3A_1445 = arith.constant 0 : i32
      %run_scoped3A_1446 = arith.constant 1 : i32
      %run_scoped3A_1447 = arith.constant 6 : i32
      "tpu.region"() ({
        %run_scoped3A_1568 = tpu.sem_alloc : memref<!tpu.dma_semaphore, #tpu.memory_space<semaphore_mem>>
        %dma_start3A_1569 = arith.constant 0 : i32
        %dma_start3A_1570 = arith.constant 0 : i32
        %dma_start3A_1571 = tpu.memref_slice %arg10[%run_scoped3A_1445, %dma_start3A_1569, %dma_start3A_1570] : memref<2x128x128xf32, #tpu.memory_space<vmem>> -> memref<1x128x128xf32, #tpu.memory_space<vmem>>
        %dma_start3A_1572 = tpu.memref_squeeze %dma_start3A_1571 : memref<1x128x128xf32, #tpu.memory_space<vmem>> -> memref<128x128xf32, #tpu.memory_space<vmem>>
        %dma_start3A_1573 = arith.constant 0 : i32
        %dma_start3A_1574 = arith.constant 0 : i32
        %dma_start3A_1575 = tpu.memref_slice %arg9[%run_scoped3A_1446, %dma_start3A_1573, %dma_start3A_1574] : memref<2x8x128xi32, #tpu.memory_space<vmem>> -> memref<1x8x128xi32, #tpu.memory_space<vmem>>
        %dma_start3A_1576 = tpu.memref_squeeze %dma_start3A_1575 : memref<1x8x128xi32, #tpu.memory_space<vmem>> -> memref<8x128xi32, #tpu.memory_space<vmem>>
        %dma_start3A_1577 = arith.constant 0 : i32
        %dma_start3A_1578 = tpu.memref_slice %dma_start3A_1576[%run_scoped3A_1447, %dma_start3A_1577] : memref<8x128xi32, #tpu.memory_space<vmem>> -> memref<1x128xi32, #tpu.memory_space<vmem>>
        %dma_start3A_1579 = tpu.memref_squeeze %dma_start3A_1578 : memref<1x128xi32, #tpu.memory_space<vmem>> -> memref<128xi32, #tpu.memory_space<vmem>>
        %dma_start3A_1580 = arith.constant 0 : i32
        %dma_start3A_1581 = arith.constant 0 : i32
        %dma_start3A_1582 = tpu.memref_slice %arg11[%dma_start3A_1580, %dma_start3A_1581] : memref<10240x128xf32, #tpu.memory_space<vmem_shared>> -> memref<10240x128xf32, #tpu.memory_space<vmem_shared>>
        tpu.enqueue_indirect_dma source(%dma_start3A_1572 : memref<128x128xf32, #tpu.memory_space<vmem>>) target(%dma_start3A_1582 : memref<10240x128xf32, #tpu.memory_space<vmem_shared>>) offsets(%dma_start3A_1579 : memref<128xi32, #tpu.memory_space<vmem>>) semaphore(%run_scoped3A_1568 : memref<!tpu.dma_semaphore, #tpu.memory_space<semaphore_mem>>) {add = true}
        %dma_wait3A_1583 = arith.constant 0 : i32
        %dma_wait3A_1584 = arith.constant 0 : i32
        %dma_wait3A_1585 = tpu.memref_slice %arg10[%run_scoped3A_1445, %dma_wait3A_1583, %dma_wait3A_1584] : memref<2x128x128xf32, #tpu.memory_space<vmem>> -> memref<1x128x128xf32, #tpu.memory_space<vmem>>
        %dma_wait3A_1586 = tpu.memref_squeeze %dma_wait3A_1585 : memref<1x128x128xf32, #tpu.memory_space<vmem>> -> memref<128x128xf32, #tpu.memory_space<vmem>>
        %dma_wait3A_1587 = arith.constant 0 : i32
        %dma_wait3A_1588 = arith.constant 0 : i32
        %dma_wait3A_1589 = tpu.memref_slice %arg9[%run_scoped3A_1446, %dma_wait3A_1587, %dma_wait3A_1588] : memref<2x8x128xi32, #tpu.memory_space<vmem>> -> memref<1x8x128xi32, #tpu.memory_space<vmem>>
        %dma_wait3A_1590 = tpu.memref_squeeze %dma_wait3A_1589 : memref<1x8x128xi32, #tpu.memory_space<vmem>> -> memref<8x128xi32, #tpu.memory_space<vmem>>
        %dma_wait3A_1591 = arith.constant 0 : i32
        %dma_wait3A_1592 = tpu.memref_slice %dma_wait3A_1590[%run_scoped3A_1447, %dma_wait3A_1591] : memref<8x128xi32, #tpu.memory_space<vmem>> -> memref<1x128xi32, #tpu.memory_space<vmem>>
        %dma_wait3A_1593 = tpu.memref_squeeze %dma_wait3A_1592 : memref<1x128xi32, #tpu.memory_space<vmem>> -> memref<128xi32, #tpu.memory_space<vmem>>
        %dma_wait3A_1594 = arith.constant 0 : i32
        %dma_wait3A_1595 = arith.constant 0 : i32
        %dma_wait3A_1596 = tpu.memref_slice %arg11[%dma_wait3A_1594, %dma_wait3A_1595] : memref<10240x128xf32, #tpu.memory_space<vmem_shared>> -> memref<10240x128xf32, #tpu.memory_space<vmem_shared>>
        tpu.wait_indirect_dma semaphore(%run_scoped3A_1568 : memref<!tpu.dma_semaphore, #tpu.memory_space<semaphore_mem>>) src(%dma_wait3A_1586 : memref<128x128xf32, #tpu.memory_space<vmem>>) dst(%dma_wait3A_1596 : memref<10240x128xf32, #tpu.memory_space<vmem_shared>>)
        tpu.yield
      }) : () -> ()
      %broadcast_in_dim3A_1448 = arith.constant 1.000000e+00 : f32
      %broadcast_in_dim3A_1449 = vector.broadcast %broadcast_in_dim3A_1448 : f32 to vector<16xf32>
      %get3A_1450 = arith.constant 1 : i32
      %get3A_1451 = arith.constant 6 : i32
      %get3A_1452 = arith.index_cast %get3A_1450 : i32 to index
      %get3A_1453 = arith.index_cast %get3A_1451 : i32 to index
      %get3A_1454 = arith.constant 0 : index
      %get3A_1455 = tpu.vector_load %arg9[%get3A_1452, %get3A_1453, %get3A_1454] {strides = array<i32>} : memref<2x8x128xi32, #tpu.memory_space<vmem>>, vector<16xi32>,
      tpu.vector_store_idx %arg18[%get3A_1455], %broadcast_in_dim3A_1449 {add = true} : memref<10240xf32, #tpu.memory_space<vmem>>[vector<16xi32>], vector<16xf32>,
      %get3A_1456 = arith.constant 1 : i32
      %get3A_1457 = arith.constant 6 : i32
      %get3A_1458 = arith.index_cast %get3A_1456 : i32 to index
      %get3A_1459 = arith.index_cast %get3A_1457 : i32 to index
      %get3A_1460 = arith.constant 16 : index
      %get3A_1461 = tpu.vector_load %arg9[%get3A_1458, %get3A_1459, %get3A_1460] {strides = array<i32>} : memref<2x8x128xi32, #tpu.memory_space<vmem>>, vector<16xi32>,
      tpu.vector_store_idx %arg18[%get3A_1461], %broadcast_in_dim3A_1449 {add = true} : memref<10240xf32, #tpu.memory_space<vmem>>[vector<16xi32>], vector<16xf32>,
      %get3A_1462 = arith.constant 1 : i32
      %get3A_1463 = arith.constant 6 : i32
      %get3A_1464 = arith.index_cast %get3A_1462 : i32 to index
      %get3A_1465 = arith.index_cast %get3A_1463 : i32 to index
      %get3A_1466 = arith.constant 32 : index
      %get3A_1467 = tpu.vector_load %arg9[%get3A_1464, %get3A_1465, %get3A_1466] {strides = array<i32>} : memref<2x8x128xi32, #tpu.memory_space<vmem>>, vector<16xi32>,
      tpu.vector_store_idx %arg18[%get3A_1467], %broadcast_in_dim3A_1449 {add = true} : memref<10240xf32, #tpu.memory_space<vmem>>[vector<16xi32>], vector<16xf32>,
      %get3A_1468 = arith.constant 1 : i32
      %get3A_1469 = arith.constant 6 : i32
      %get3A_1470 = arith.index_cast %get3A_1468 : i32 to index
      %get3A_1471 = arith.index_cast %get3A_1469 : i32 to index
      %get3A_1472 = arith.constant 48 : index
      %get3A_1473 = tpu.vector_load %arg9[%get3A_1470, %get3A_1471, %get3A_1472] {strides = array<i32>} : memref<2x8x128xi32, #tpu.memory_space<vmem>>, vector<16xi32>,
      tpu.vector_store_idx %arg18[%get3A_1473], %broadcast_in_dim3A_1449 {add = true} : memref<10240xf32, #tpu.memory_space<vmem>>[vector<16xi32>], vector<16xf32>,
      %get3A_1474 = arith.constant 1 : i32
      %get3A_1475 = arith.constant 6 : i32
      %get3A_1476 = arith.index_cast %get3A_1474 : i32 to index
      %get3A_1477 = arith.index_cast %get3A_1475 : i32 to index
      %get3A_1478 = arith.constant 64 : index
      %get3A_1479 = tpu.vector_load %arg9[%get3A_1476, %get3A_1477, %get3A_1478] {strides = array<i32>} : memref<2x8x128xi32, #tpu.memory_space<vmem>>, vector<16xi32>,
      tpu.vector_store_idx %arg18[%get3A_1479], %broadcast_in_dim3A_1449 {add = true} : memref<10240xf32, #tpu.memory_space<vmem>>[vector<16xi32>], vector<16xf32>,
      %get3A_1480 = arith.constant 1 : i32
      %get3A_1481 = arith.constant 6 : i32
      %get3A_1482 = arith.index_cast %get3A_1480 : i32 to index
      %get3A_1483 = arith.index_cast %get3A_1481 : i32 to index
      %get3A_1484 = arith.constant 80 : index
      %get3A_1485 = tpu.vector_load %arg9[%get3A_1482, %get3A_1483, %get3A_1484] {strides = array<i32>} : memref<2x8x128xi32, #tpu.memory_space<vmem>>, vector<16xi32>,
      tpu.vector_store_idx %arg18[%get3A_1485], %broadcast_in_dim3A_1449 {add = true} : memref<10240xf32, #tpu.memory_space<vmem>>[vector<16xi32>], vector<16xf32>,
      %get3A_1486 = arith.constant 1 : i32
      %get3A_1487 = arith.constant 6 : i32
      %get3A_1488 = arith.index_cast %get3A_1486 : i32 to index
      %get3A_1489 = arith.index_cast %get3A_1487 : i32 to index
      %get3A_1490 = arith.constant 96 : index
      %get3A_1491 = tpu.vector_load %arg9[%get3A_1488, %get3A_1489, %get3A_1490] {strides = array<i32>} : memref<2x8x128xi32, #tpu.memory_space<vmem>>, vector<16xi32>,
      tpu.vector_store_idx %arg18[%get3A_1491], %broadcast_in_dim3A_1449 {add = true} : memref<10240xf32, #tpu.memory_space<vmem>>[vector<16xi32>], vector<16xf32>,
      %get3A_1492 = arith.constant 1 : i32
      %get3A_1493 = arith.constant 6 : i32
      %get3A_1494 = arith.index_cast %get3A_1492 : i32 to index
      %get3A_1495 = arith.index_cast %get3A_1493 : i32 to index
      %get3A_1496 = arith.constant 112 : index
      %get3A_1497 = tpu.vector_load %arg9[%get3A_1494, %get3A_1495, %get3A_1496] {strides = array<i32>} : memref<2x8x128xi32, #tpu.memory_space<vmem>>, vector<16xi32>,
      tpu.vector_store_idx %arg18[%get3A_1497], %broadcast_in_dim3A_1449 {add = true} : memref<10240xf32, #tpu.memory_space<vmem>>[vector<16xi32>], vector<16xf32>,
      %dma_wait3A_1498 = arith.constant 1 : i32
      %dma_wait3A_1499 = arith.constant 7 : i32
      %dma_wait3A_1500 = arith.constant 1 : i32
      %dma_wait3A_1501 = arith.constant 0 : i32
      %dma_wait3A_1502 = arith.constant 0 : i32
      %dma_wait3A_1503 = tpu.memref_slice %arg10[%dma_wait3A_1500, %dma_wait3A_1501, %dma_wait3A_1502] : memref<2x128x128xf32, #tpu.memory_space<vmem>> -> memref<1x128x128xf32, #tpu.memory_space<vmem>>
      %dma_wait3A_1504 = tpu.memref_squeeze %dma_wait3A_1503 : memref<1x128x128xf32, #tpu.memory_space<vmem>> -> memref<128x128xf32, #tpu.memory_space<vmem>>
      %dma_wait3A_1505 = arith.constant 0 : i32
      %dma_wait3A_1506 = arith.constant 0 : i32
      %dma_wait3A_1507 = tpu.memref_slice %arg8[%dma_wait3A_1498, %dma_wait3A_1505, %dma_wait3A_1506] : memref<2x8x128xi32, #tpu.memory_space<vmem>> -> memref<1x8x128xi32, #tpu.memory_space<vmem>>
      %dma_wait3A_1508 = tpu.memref_squeeze %dma_wait3A_1507 : memref<1x8x128xi32, #tpu.memory_space<vmem>> -> memref<8x128xi32, #tpu.memory_space<vmem>>
      %dma_wait3A_1509 = arith.constant 0 : i32
      %dma_wait3A_1510 = tpu.memref_slice %dma_wait3A_1508[%dma_wait3A_1499, %dma_wait3A_1509] : memref<8x128xi32, #tpu.memory_space<vmem>> -> memref<1x128xi32, #tpu.memory_space<vmem>>
      %dma_wait3A_1511 = tpu.memref_squeeze %dma_wait3A_1510 : memref<1x128xi32, #tpu.memory_space<vmem>> -> memref<128xi32, #tpu.memory_space<vmem>>
      %dma_wait3A_1512 = arith.constant 0 : i32
      %dma_wait3A_1513 = arith.constant 0 : i32
      %dma_wait3A_1514 = tpu.memref_slice %arg2[%dma_wait3A_1512, %dma_wait3A_1513] : memref<10240x128xf32, #tpu.memory_space<hbm>> -> memref<10240x128xf32, #tpu.memory_space<hbm>>
      tpu.wait_indirect_dma semaphore(%arg13 : memref<!tpu.dma_semaphore, #tpu.memory_space<semaphore_mem>>) src(%dma_wait3A_1514 : memref<10240x128xf32, #tpu.memory_space<hbm>>) dst(%dma_wait3A_1504 : memref<128x128xf32, #tpu.memory_space<vmem>>)
      %run_scoped3A_1515 = arith.constant 1 : i32
      %run_scoped3A_1516 = arith.constant 1 : i32
      %run_scoped3A_1517 = arith.constant 7 : i32
      "tpu.region"() ({
        %run_scoped3A_1568 = tpu.sem_alloc : memref<!tpu.dma_semaphore, #tpu.memory_space<semaphore_mem>>
        %dma_start3A_1569 = arith.constant 0 : i32
        %dma_start3A_1570 = arith.constant 0 : i32
        %dma_start3A_1571 = tpu.memref_slice %arg10[%run_scoped3A_1515, %dma_start3A_1569, %dma_start3A_1570] : memref<2x128x128xf32, #tpu.memory_space<vmem>> -> memref<1x128x128xf32, #tpu.memory_space<vmem>>
        %dma_start3A_1572 = tpu.memref_squeeze %dma_start3A_1571 : memref<1x128x128xf32, #tpu.memory_space<vmem>> -> memref<128x128xf32, #tpu.memory_space<vmem>>
        %dma_start3A_1573 = arith.constant 0 : i32
        %dma_start3A_1574 = arith.constant 0 : i32
        %dma_start3A_1575 = tpu.memref_slice %arg9[%run_scoped3A_1516, %dma_start3A_1573, %dma_start3A_1574] : memref<2x8x128xi32, #tpu.memory_space<vmem>> -> memref<1x8x128xi32, #tpu.memory_space<vmem>>
        %dma_start3A_1576 = tpu.memref_squeeze %dma_start3A_1575 : memref<1x8x128xi32, #tpu.memory_space<vmem>> -> memref<8x128xi32, #tpu.memory_space<vmem>>
        %dma_start3A_1577 = arith.constant 0 : i32
        %dma_start3A_1578 = tpu.memref_slice %dma_start3A_1576[%run_scoped3A_1517, %dma_start3A_1577] : memref<8x128xi32, #tpu.memory_space<vmem>> -> memref<1x128xi32, #tpu.memory_space<vmem>>
        %dma_start3A_1579 = tpu.memref_squeeze %dma_start3A_1578 : memref<1x128xi32, #tpu.memory_space<vmem>> -> memref<128xi32, #tpu.memory_space<vmem>>
        %dma_start3A_1580 = arith.constant 0 : i32
        %dma_start3A_1581 = arith.constant 0 : i32
        %dma_start3A_1582 = tpu.memref_slice %arg11[%dma_start3A_1580, %dma_start3A_1581] : memref<10240x128xf32, #tpu.memory_space<vmem_shared>> -> memref<10240x128xf32, #tpu.memory_space<vmem_shared>>
        tpu.enqueue_indirect_dma source(%dma_start3A_1572 : memref<128x128xf32, #tpu.memory_space<vmem>>) target(%dma_start3A_1582 : memref<10240x128xf32, #tpu.memory_space<vmem_shared>>) offsets(%dma_start3A_1579 : memref<128xi32, #tpu.memory_space<vmem>>) semaphore(%run_scoped3A_1568 : memref<!tpu.dma_semaphore, #tpu.memory_space<semaphore_mem>>) {add = true}
        %dma_wait3A_1583 = arith.constant 0 : i32
        %dma_wait3A_1584 = arith.constant 0 : i32
        %dma_wait3A_1585 = tpu.memref_slice %arg10[%run_scoped3A_1515, %dma_wait3A_1583, %dma_wait3A_1584] : memref<2x128x128xf32, #tpu.memory_space<vmem>> -> memref<1x128x128xf32, #tpu.memory_space<vmem>>
        %dma_wait3A_1586 = tpu.memref_squeeze %dma_wait3A_1585 : memref<1x128x128xf32, #tpu.memory_space<vmem>> -> memref<128x128xf32, #tpu.memory_space<vmem>>
        %dma_wait3A_1587 = arith.constant 0 : i32
        %dma_wait3A_1588 = arith.constant 0 : i32
        %dma_wait3A_1589 = tpu.memref_slice %arg9[%run_scoped3A_1516, %dma_wait3A_1587, %dma_wait3A_1588] : memref<2x8x128xi32, #tpu.memory_space<vmem>> -> memref<1x8x128xi32, #tpu.memory_space<vmem>>
        %dma_wait3A_1590 = tpu.memref_squeeze %dma_wait3A_1589 : memref<1x8x128xi32, #tpu.memory_space<vmem>> -> memref<8x128xi32, #tpu.memory_space<vmem>>
        %dma_wait3A_1591 = arith.constant 0 : i32
        %dma_wait3A_1592 = tpu.memref_slice %dma_wait3A_1590[%run_scoped3A_1517, %dma_wait3A_1591] : memref<8x128xi32, #tpu.memory_space<vmem>> -> memref<1x128xi32, #tpu.memory_space<vmem>>
        %dma_wait3A_1593 = tpu.memref_squeeze %dma_wait3A_1592 : memref<1x128xi32, #tpu.memory_space<vmem>> -> memref<128xi32, #tpu.memory_space<vmem>>
        %dma_wait3A_1594 = arith.constant 0 : i32
        %dma_wait3A_1595 = arith.constant 0 : i32
        %dma_wait3A_1596 = tpu.memref_slice %arg11[%dma_wait3A_1594, %dma_wait3A_1595] : memref<10240x128xf32, #tpu.memory_space<vmem_shared>> -> memref<10240x128xf32, #tpu.memory_space<vmem_shared>>
        tpu.wait_indirect_dma semaphore(%run_scoped3A_1568 : memref<!tpu.dma_semaphore, #tpu.memory_space<semaphore_mem>>) src(%dma_wait3A_1586 : memref<128x128xf32, #tpu.memory_space<vmem>>) dst(%dma_wait3A_1596 : memref<10240x128xf32, #tpu.memory_space<vmem_shared>>)
        tpu.yield
      }) : () -> ()
      %broadcast_in_dim3A_1518 = arith.constant 1.000000e+00 : f32
      %broadcast_in_dim3A_1519 = vector.broadcast %broadcast_in_dim3A_1518 : f32 to vector<16xf32>
      %get3A_1520 = arith.constant 1 : i32
      %get3A_1521 = arith.constant 7 : i32
      %get3A_1522 = arith.index_cast %get3A_1520 : i32 to index
      %get3A_1523 = arith.index_cast %get3A_1521 : i32 to index
      %get3A_1524 = arith.constant 0 : index
      %get3A_1525 = tpu.vector_load %arg9[%get3A_1522, %get3A_1523, %get3A_1524] {strides = array<i32>} : memref<2x8x128xi32, #tpu.memory_space<vmem>>, vector<16xi32>,
      tpu.vector_store_idx %arg18[%get3A_1525], %broadcast_in_dim3A_1519 {add = true} : memref<10240xf32, #tpu.memory_space<vmem>>[vector<16xi32>], vector<16xf32>,
      %get3A_1526 = arith.constant 1 : i32
      %get3A_1527 = arith.constant 7 : i32
      %get3A_1528 = arith.index_cast %get3A_1526 : i32 to index
      %get3A_1529 = arith.index_cast %get3A_1527 : i32 to index
      %get3A_1530 = arith.constant 16 : index
      %get3A_1531 = tpu.vector_load %arg9[%get3A_1528, %get3A_1529, %get3A_1530] {strides = array<i32>} : memref<2x8x128xi32, #tpu.memory_space<vmem>>, vector<16xi32>,
      tpu.vector_store_idx %arg18[%get3A_1531], %broadcast_in_dim3A_1519 {add = true} : memref<10240xf32, #tpu.memory_space<vmem>>[vector<16xi32>], vector<16xf32>,
      %get3A_1532 = arith.constant 1 : i32
      %get3A_1533 = arith.constant 7 : i32
      %get3A_1534 = arith.index_cast %get3A_1532 : i32 to index
      %get3A_1535 = arith.index_cast %get3A_1533 : i32 to index
      %get3A_1536 = arith.constant 32 : index
      %get3A_1537 = tpu.vector_load %arg9[%get3A_1534, %get3A_1535, %get3A_1536] {strides = array<i32>} : memref<2x8x128xi32, #tpu.memory_space<vmem>>, vector<16xi32>,
      tpu.vector_store_idx %arg18[%get3A_1537], %broadcast_in_dim3A_1519 {add = true} : memref<10240xf32, #tpu.memory_space<vmem>>[vector<16xi32>], vector<16xf32>,
      %get3A_1538 = arith.constant 1 : i32
      %get3A_1539 = arith.constant 7 : i32
      %get3A_1540 = arith.index_cast %get3A_1538 : i32 to index
      %get3A_1541 = arith.index_cast %get3A_1539 : i32 to index
      %get3A_1542 = arith.constant 48 : index
      %get3A_1543 = tpu.vector_load %arg9[%get3A_1540, %get3A_1541, %get3A_1542] {strides = array<i32>} : memref<2x8x128xi32, #tpu.memory_space<vmem>>, vector<16xi32>,
      tpu.vector_store_idx %arg18[%get3A_1543], %broadcast_in_dim3A_1519 {add = true} : memref<10240xf32, #tpu.memory_space<vmem>>[vector<16xi32>], vector<16xf32>,
      %get3A_1544 = arith.constant 1 : i32
      %get3A_1545 = arith.constant 7 : i32
      %get3A_1546 = arith.index_cast %get3A_1544 : i32 to index
      %get3A_1547 = arith.index_cast %get3A_1545 : i32 to index
      %get3A_1548 = arith.constant 64 : index
      %get3A_1549 = tpu.vector_load %arg9[%get3A_1546, %get3A_1547, %get3A_1548] {strides = array<i32>} : memref<2x8x128xi32, #tpu.memory_space<vmem>>, vector<16xi32>,
      tpu.vector_store_idx %arg18[%get3A_1549], %broadcast_in_dim3A_1519 {add = true} : memref<10240xf32, #tpu.memory_space<vmem>>[vector<16xi32>], vector<16xf32>,
      %get3A_1550 = arith.constant 1 : i32
      %get3A_1551 = arith.constant 7 : i32
      %get3A_1552 = arith.index_cast %get3A_1550 : i32 to index
      %get3A_1553 = arith.index_cast %get3A_1551 : i32 to index
      %get3A_1554 = arith.constant 80 : index
      %get3A_1555 = tpu.vector_load %arg9[%get3A_1552, %get3A_1553, %get3A_1554] {strides = array<i32>} : memref<2x8x128xi32, #tpu.memory_space<vmem>>, vector<16xi32>,
      tpu.vector_store_idx %arg18[%get3A_1555], %broadcast_in_dim3A_1519 {add = true} : memref<10240xf32, #tpu.memory_space<vmem>>[vector<16xi32>], vector<16xf32>,
      %get3A_1556 = arith.constant 1 : i32
      %get3A_1557 = arith.constant 7 : i32
      %get3A_1558 = arith.index_cast %get3A_1556 : i32 to index
      %get3A_1559 = arith.index_cast %get3A_1557 : i32 to index
      %get3A_1560 = arith.constant 96 : index
      %get3A_1561 = tpu.vector_load %arg9[%get3A_1558, %get3A_1559, %get3A_1560] {strides = array<i32>} : memref<2x8x128xi32, #tpu.memory_space<vmem>>, vector<16xi32>,
      tpu.vector_store_idx %arg18[%get3A_1561], %broadcast_in_dim3A_1519 {add = true} : memref<10240xf32, #tpu.memory_space<vmem>>[vector<16xi32>], vector<16xf32>,
      %get3A_1562 = arith.constant 1 : i32
      %get3A_1563 = arith.constant 7 : i32
      %get3A_1564 = arith.index_cast %get3A_1562 : i32 to index
      %get3A_1565 = arith.index_cast %get3A_1563 : i32 to index
      %get3A_1566 = arith.constant 112 : index
      %get3A_1567 = tpu.vector_load %arg9[%get3A_1564, %get3A_1565, %get3A_1566] {strides = array<i32>} : memref<2x8x128xi32, #tpu.memory_space<vmem>>, vector<16xi32>,
      tpu.vector_store_idx %arg18[%get3A_1567], %broadcast_in_dim3A_1519 {add = true} : memref<10240xf32, #tpu.memory_space<vmem>>[vector<16xi32>], vector<16xf32>,
    }
    %scan3A_57 = arith.constant 5 : i32
    %barrier3A_58 = arith.constant 0 : index
    tpu.barrier barrier_id(%barrier3A_58)
    %mul3A_59 = arith.constant 640 : i32
    %mul3A_60 = arith.muli %arg1, %mul3A_59 : i32
    %mul3A_61 = arith.constant 640 : i32
    %mul3A_62 = arith.muli %arg1, %mul3A_61 : i32
    "tpu.region"() ({
      %run_scoped3A = tpu.sem_alloc : memref<!tpu.dma_semaphore, #tpu.memory_space<semaphore_mem>>
      %dma_start3A_63 = arith.constant 0 : i32
      %dma_start3A_64 = arith.constant 0 : i32
      %dma_start3A_65 = tpu.memref_slice %arg6[%arg0, %dma_start3A_63, %dma_start3A_64] : memref<2x10240x128xf32, #tpu.memory_space<hbm>> -> memref<1x10240x128xf32, #tpu.memory_space<hbm>>
      %dma_start3A_66 = tpu.memref_squeeze %dma_start3A_65 : memref<1x10240x128xf32, #tpu.memory_space<hbm>> -> memref<10240x128xf32, #tpu.memory_space<hbm>>
      %dma_start3A_67 = arith.constant 0 : i32
      %dma_start3A_68 = tpu.memref_slice %dma_start3A_66[%mul3A_62, %dma_start3A_67] : memref<10240x128xf32, #tpu.memory_space<hbm>> -> memref<640x128xf32, #tpu.memory_space<hbm>>
      %dma_start3A_69 = arith.constant 0 : i32
      %dma_start3A_70 = tpu.memref_slice %arg11[%mul3A_60, %dma_start3A_69] : memref<10240x128xf32, #tpu.memory_space<vmem_shared>> -> memref<640x128xf32, #tpu.memory_space<vmem_shared>>
      tpu.enqueue_dma source(%dma_start3A_70 : memref<640x128xf32, #tpu.memory_space<vmem_shared>>) target(%dma_start3A_68 : memref<640x128xf32, #tpu.memory_space<hbm>>) target_semaphore(%run_scoped3A : memref<!tpu.dma_semaphore, #tpu.memory_space<semaphore_mem>>)
      %dma_wait3A = arith.constant 0 : i32
      %dma_wait3A_71 = arith.constant 0 : i32
      %dma_wait3A_72 = tpu.memref_slice %arg6[%arg0, %dma_wait3A, %dma_wait3A_71] : memref<2x10240x128xf32, #tpu.memory_space<hbm>> -> memref<1x10240x128xf32, #tpu.memory_space<hbm>>
      %dma_wait3A_73 = tpu.memref_squeeze %dma_wait3A_72 : memref<1x10240x128xf32, #tpu.memory_space<hbm>> -> memref<10240x128xf32, #tpu.memory_space<hbm>>
      %dma_wait3A_74 = arith.constant 0 : i32
      %dma_wait3A_75 = tpu.memref_slice %dma_wait3A_73[%mul3A_62, %dma_wait3A_74] : memref<10240x128xf32, #tpu.memory_space<hbm>> -> memref<640x128xf32, #tpu.memory_space<hbm>>
      %dma_wait3A_76 = arith.constant 0 : i32
      %dma_wait3A_77 = tpu.memref_slice %arg11[%mul3A_60, %dma_wait3A_76] : memref<10240x128xf32, #tpu.memory_space<vmem_shared>> -> memref<640x128xf32, #tpu.memory_space<vmem_shared>>
      tpu.wait_dma2 semaphore(%run_scoped3A : memref<!tpu.dma_semaphore, #tpu.memory_space<semaphore_mem>>) src(%dma_wait3A_77 : memref<640x128xf32, #tpu.memory_space<vmem_shared>>) dst(%dma_wait3A_75 : memref<640x128xf32, #tpu.memory_space<hbm>>)
      tpu.yield
    }) : () -> ()
    "tpu.region"() ({
      %run_scoped3A = tpu.sem_alloc : memref<!tpu.dma_semaphore, #tpu.memory_space<semaphore_mem>>
      %dma_start3A_63 = arith.constant 0 : i32
      %dma_start3A_64 = arith.constant 0 : i32
      %dma_start3A_65 = tpu.memref_slice %arg7[%arg0, %dma_start3A_63, %dma_start3A_64] : memref<2x16x10240xf32, #tpu.memory_space<hbm>> -> memref<1x16x10240xf32, #tpu.memory_space<hbm>>
      %dma_start3A_66 = tpu.memref_squeeze %dma_start3A_65 : memref<1x16x10240xf32, #tpu.memory_space<hbm>> -> memref<16x10240xf32, #tpu.memory_space<hbm>>
      %dma_start3A_67 = arith.constant 0 : i32
      %dma_start3A_68 = tpu.memref_slice %dma_start3A_66[%arg1, %dma_start3A_67] : memref<16x10240xf32, #tpu.memory_space<hbm>> -> memref<1x10240xf32, #tpu.memory_space<hbm>>
      %dma_start3A_69 = tpu.memref_squeeze %dma_start3A_68 : memref<1x10240xf32, #tpu.memory_space<hbm>> -> memref<10240xf32, #tpu.memory_space<hbm>>
      %dma_start3A_70 = arith.constant 0 : i32
      %dma_start3A_71 = arith.constant 0 : i32
      %dma_start3A_72 = tpu.memref_slice %arg7[%arg0, %dma_start3A_70, %dma_start3A_71] : memref<2x16x10240xf32, #tpu.memory_space<hbm>> -> memref<1x16x10240xf32, #tpu.memory_space<hbm>>
      %dma_start3A_73 = tpu.memref_squeeze %dma_start3A_72 : memref<1x16x10240xf32, #tpu.memory_space<hbm>> -> memref<16x10240xf32, #tpu.memory_space<hbm>>
      %dma_start3A_74 = arith.constant 0 : i32
      %dma_start3A_75 = tpu.memref_slice %dma_start3A_73[%arg1, %dma_start3A_74] : memref<16x10240xf32, #tpu.memory_space<hbm>> -> memref<1x10240xf32, #tpu.memory_space<hbm>>
      %dma_start3A_76 = tpu.memref_squeeze %dma_start3A_75 : memref<1x10240xf32, #tpu.memory_space<hbm>> -> memref<10240xf32, #tpu.memory_space<hbm>>
      tpu.enqueue_dma source(%arg18 : memref<10240xf32, #tpu.memory_space<vmem>>) target(%dma_start3A_76 : memref<10240xf32, #tpu.memory_space<hbm>>) target_semaphore(%run_scoped3A : memref<!tpu.dma_semaphore, #tpu.memory_space<semaphore_mem>>)
      %dma_wait3A = arith.constant 0 : i32
      %dma_wait3A_77 = arith.constant 0 : i32
      %dma_wait3A_78 = tpu.memref_slice %arg7[%arg0, %dma_wait3A, %dma_wait3A_77] : memref<2x16x10240xf32, #tpu.memory_space<hbm>> -> memref<1x16x10240xf32, #tpu.memory_space<hbm>>
      %dma_wait3A_79 = tpu.memref_squeeze %dma_wait3A_78 : memref<1x16x10240xf32, #tpu.memory_space<hbm>> -> memref<16x10240xf32, #tpu.memory_space<hbm>>
      %dma_wait3A_80 = arith.constant 0 : i32
      %dma_wait3A_81 = tpu.memref_slice %dma_wait3A_79[%arg1, %dma_wait3A_80] : memref<16x10240xf32, #tpu.memory_space<hbm>> -> memref<1x10240xf32, #tpu.memory_space<hbm>>
      %dma_wait3A_82 = tpu.memref_squeeze %dma_wait3A_81 : memref<1x10240xf32, #tpu.memory_space<hbm>> -> memref<10240xf32, #tpu.memory_space<hbm>>
      %dma_wait3A_83 = arith.constant 0 : i32
      %dma_wait3A_84 = arith.constant 0 : i32
      %dma_wait3A_85 = tpu.memref_slice %arg7[%arg0, %dma_wait3A_83, %dma_wait3A_84] : memref<2x16x10240xf32, #tpu.memory_space<hbm>> -> memref<1x16x10240xf32, #tpu.memory_space<hbm>>
      %dma_wait3A_86 = tpu.memref_squeeze %dma_wait3A_85 : memref<1x16x10240xf32, #tpu.memory_space<hbm>> -> memref<16x10240xf32, #tpu.memory_space<hbm>>
      %dma_wait3A_87 = arith.constant 0 : i32
      %dma_wait3A_88 = tpu.memref_slice %dma_wait3A_86[%arg1, %dma_wait3A_87] : memref<16x10240xf32, #tpu.memory_space<hbm>> -> memref<1x10240xf32, #tpu.memory_space<hbm>>
      %dma_wait3A_89 = tpu.memref_squeeze %dma_wait3A_88 : memref<1x10240xf32, #tpu.memory_space<hbm>> -> memref<10240xf32, #tpu.memory_space<hbm>>
      tpu.wait_dma2 semaphore(%run_scoped3A : memref<!tpu.dma_semaphore, #tpu.memory_space<semaphore_mem>>) src(%arg18 : memref<10240xf32, #tpu.memory_space<vmem>>) dst(%dma_wait3A_89 : memref<10240xf32, #tpu.memory_space<hbm>>)
      tpu.yield
    }) : () -> ()
    return
  }
}

#map = affine_map<(d0, d1) -> (0, 0)>
#map1 = affine_map<(d0, d1) -> (0, 0, 0)>
module attributes {stable_mosaic.version = 14 : i64} {
  func.func @k(%arg0: i32, %arg1: i32, %arg2: memref<10240x128xf32, #tpu.memory_space<hbm>>, %arg3: memref<32x80x128xi32, #tpu.memory_space<hbm>>, %arg4: memref<32x80x128xi32, #tpu.memory_space<hbm>>, %arg5: memref<640x128xf32, #tpu.memory_space<hbm>>, %arg6: memref<2x10240x128xf32, #tpu.memory_space<hbm>>, %arg7: memref<2x8x128xi32, #tpu.memory_space<vmem>>, %arg8: memref<2x8x128xi32, #tpu.memory_space<vmem>>, %arg9: memref<2x128x128xf32, #tpu.memory_space<vmem>>, %arg10: memref<10240x128xf32, #tpu.memory_space<vmem_shared>>, %arg11: memref<!tpu.dma_semaphore, #tpu.memory_space<semaphore_mem>>, %arg12: memref<!tpu.dma_semaphore, #tpu.memory_space<semaphore_mem>>, %arg13: memref<!tpu.dma_semaphore, #tpu.memory_space<semaphore_mem>>, %arg14: memref<!tpu.dma_semaphore, #tpu.memory_space<semaphore_mem>>, %arg15: memref<!tpu.dma_semaphore, #tpu.memory_space<semaphore_mem>>, %arg16: memref<!tpu.dma_semaphore, #tpu.memory_space<semaphore_mem>>) attributes {dimension_semantics = [#tpu.dimension_semantics<core_parallel>, #tpu.dimension_semantics<subcore_parallel>], iteration_bounds = array<i64: 2, 16>, scalar_prefetch = 0 : i64, scratch_operands = 10 : i64, tpu.core_type = #tpu.core_type<sc_vector_subcore>, window_params = [{transform_indices = #map}, {transform_indices = #map1}, {transform_indices = #map1}, {transform_indices = #map}, {transform_indices = #map1}]} {
    %mul3A = arith.constant 2 : i32
    %mul3A_0 = arith.muli %arg1, %mul3A : i32
    %add3A = arith.addi %mul3A_0, %arg0 : i32
    %mul3A_1 = arith.constant 640 : i32
    %mul3A_2 = arith.muli %arg1, %mul3A_1 : i32
    "tpu.region"() ({
      %run_scoped3A = tpu.sem_alloc : memref<!tpu.dma_semaphore, #tpu.memory_space<semaphore_mem>>
      %dma_start3A_57 = arith.constant 0 : i32
      %dma_start3A_58 = tpu.memref_slice %arg10[%mul3A_2, %dma_start3A_57] : memref<10240x128xf32, #tpu.memory_space<vmem_shared>> -> memref<640x128xf32, #tpu.memory_space<vmem_shared>>
      tpu.enqueue_dma source(%arg5 : memref<640x128xf32, #tpu.memory_space<hbm>>) target(%dma_start3A_58 : memref<640x128xf32, #tpu.memory_space<vmem_shared>>) target_semaphore(%run_scoped3A : memref<!tpu.dma_semaphore, #tpu.memory_space<semaphore_mem>>)
      %dma_wait3A = arith.constant 0 : i32
      %dma_wait3A_59 = tpu.memref_slice %arg10[%mul3A_2, %dma_wait3A] : memref<10240x128xf32, #tpu.memory_space<vmem_shared>> -> memref<640x128xf32, #tpu.memory_space<vmem_shared>>
      tpu.wait_dma2 semaphore(%run_scoped3A : memref<!tpu.dma_semaphore, #tpu.memory_space<semaphore_mem>>) src(%arg5 : memref<640x128xf32, #tpu.memory_space<hbm>>) dst(%dma_wait3A_59 : memref<640x128xf32, #tpu.memory_space<vmem_shared>>)
      tpu.yield
    }) : () -> ()
    %dma_start3A = arith.constant 0 : i32
    %dma_start3A_3 = arith.constant 0 : i32
    %dma_start3A_4 = arith.constant 0 : i32
    %dma_start3A_5 = tpu.memref_slice %arg7[%dma_start3A, %dma_start3A_3, %dma_start3A_4] : memref<2x8x128xi32, #tpu.memory_space<vmem>> -> memref<1x8x128xi32, #tpu.memory_space<vmem>>
    %dma_start3A_6 = tpu.memref_squeeze %dma_start3A_5 : memref<1x8x128xi32, #tpu.memory_space<vmem>> -> memref<8x128xi32, #tpu.memory_space<vmem>>
    %dma_start3A_7 = arith.constant 0 : i32
    %dma_start3A_8 = arith.constant 0 : i32
    %dma_start3A_9 = tpu.memref_slice %arg3[%add3A, %dma_start3A_7, %dma_start3A_8] : memref<32x80x128xi32, #tpu.memory_space<hbm>> -> memref<1x80x128xi32, #tpu.memory_space<hbm>>
    %dma_start3A_10 = tpu.memref_squeeze %dma_start3A_9 : memref<1x80x128xi32, #tpu.memory_space<hbm>> -> memref<80x128xi32, #tpu.memory_space<hbm>>
    %dma_start3A_11 = arith.constant 0 : i32
    %dma_start3A_12 = arith.constant 0 : i32
    %dma_start3A_13 = tpu.memref_slice %dma_start3A_10[%dma_start3A_11, %dma_start3A_12] : memref<80x128xi32, #tpu.memory_space<hbm>> -> memref<8x128xi32, #tpu.memory_space<hbm>>
    %dma_start3A_14 = arith.constant 0 : i32
    %dma_start3A_15 = arith.constant 0 : i32
    %dma_start3A_16 = tpu.memref_slice %arg7[%dma_start3A, %dma_start3A_14, %dma_start3A_15] : memref<2x8x128xi32, #tpu.memory_space<vmem>> -> memref<1x8x128xi32, #tpu.memory_space<vmem>>
    %dma_start3A_17 = tpu.memref_squeeze %dma_start3A_16 : memref<1x8x128xi32, #tpu.memory_space<vmem>> -> memref<8x128xi32, #tpu.memory_space<vmem>>
    %dma_start3A_18 = arith.constant 0 : i32
    %dma_start3A_19 = arith.constant 0 : i32
    %dma_start3A_20 = tpu.memref_slice %arg3[%add3A, %dma_start3A_18, %dma_start3A_19] : memref<32x80x128xi32, #tpu.memory_space<hbm>> -> memref<1x80x128xi32, #tpu.memory_space<hbm>>
    %dma_start3A_21 = tpu.memref_squeeze %dma_start3A_20 : memref<1x80x128xi32, #tpu.memory_space<hbm>> -> memref<80x128xi32, #tpu.memory_space<hbm>>
    %dma_start3A_22 = arith.constant 0 : i32
    %dma_start3A_23 = arith.constant 0 : i32
    %dma_start3A_24 = tpu.memref_slice %dma_start3A_21[%dma_start3A_22, %dma_start3A_23] : memref<80x128xi32, #tpu.memory_space<hbm>> -> memref<8x128xi32, #tpu.memory_space<hbm>>
    tpu.enqueue_dma source(%dma_start3A_24 : memref<8x128xi32, #tpu.memory_space<hbm>>) target(%dma_start3A_17 : memref<8x128xi32, #tpu.memory_space<vmem>>) target_semaphore(%arg13 : memref<!tpu.dma_semaphore, #tpu.memory_space<semaphore_mem>>)
    %dma_start3A_25 = arith.constant 0 : i32
    %dma_start3A_26 = arith.constant 0 : i32
    %dma_start3A_27 = arith.constant 0 : i32
    %dma_start3A_28 = tpu.memref_slice %arg8[%dma_start3A_25, %dma_start3A_26, %dma_start3A_27] : memref<2x8x128xi32, #tpu.memory_space<vmem>> -> memref<1x8x128xi32, #tpu.memory_space<vmem>>
    %dma_start3A_29 = tpu.memref_squeeze %dma_start3A_28 : memref<1x8x128xi32, #tpu.memory_space<vmem>> -> memref<8x128xi32, #tpu.memory_space<vmem>>
    %dma_start3A_30 = arith.constant 0 : i32
    %dma_start3A_31 = arith.constant 0 : i32
    %dma_start3A_32 = tpu.memref_slice %arg4[%add3A, %dma_start3A_30, %dma_start3A_31] : memref<32x80x128xi32, #tpu.memory_space<hbm>> -> memref<1x80x128xi32, #tpu.memory_space<hbm>>
    %dma_start3A_33 = tpu.memref_squeeze %dma_start3A_32 : memref<1x80x128xi32, #tpu.memory_space<hbm>> -> memref<80x128xi32, #tpu.memory_space<hbm>>
    %dma_start3A_34 = arith.constant 0 : i32
    %dma_start3A_35 = arith.constant 0 : i32
    %dma_start3A_36 = tpu.memref_slice %dma_start3A_33[%dma_start3A_34, %dma_start3A_35] : memref<80x128xi32, #tpu.memory_space<hbm>> -> memref<8x128xi32, #tpu.memory_space<hbm>>
    %dma_start3A_37 = arith.constant 0 : i32
    %dma_start3A_38 = arith.constant 0 : i32
    %dma_start3A_39 = tpu.memref_slice %arg8[%dma_start3A_25, %dma_start3A_37, %dma_start3A_38] : memref<2x8x128xi32, #tpu.memory_space<vmem>> -> memref<1x8x128xi32, #tpu.memory_space<vmem>>
    %dma_start3A_40 = tpu.memref_squeeze %dma_start3A_39 : memref<1x8x128xi32, #tpu.memory_space<vmem>> -> memref<8x128xi32, #tpu.memory_space<vmem>>
    %dma_start3A_41 = arith.constant 0 : i32
    %dma_start3A_42 = arith.constant 0 : i32
    %dma_start3A_43 = tpu.memref_slice %arg4[%add3A, %dma_start3A_41, %dma_start3A_42] : memref<32x80x128xi32, #tpu.memory_space<hbm>> -> memref<1x80x128xi32, #tpu.memory_space<hbm>>
    %dma_start3A_44 = tpu.memref_squeeze %dma_start3A_43 : memref<1x80x128xi32, #tpu.memory_space<hbm>> -> memref<80x128xi32, #tpu.memory_space<hbm>>
    %dma_start3A_45 = arith.constant 0 : i32
    %dma_start3A_46 = arith.constant 0 : i32
    %dma_start3A_47 = tpu.memref_slice %dma_start3A_44[%dma_start3A_45, %dma_start3A_46] : memref<80x128xi32, #tpu.memory_space<hbm>> -> memref<8x128xi32, #tpu.memory_space<hbm>>
    tpu.enqueue_dma source(%dma_start3A_47 : memref<8x128xi32, #tpu.memory_space<hbm>>) target(%dma_start3A_40 : memref<8x128xi32, #tpu.memory_space<vmem>>) target_semaphore(%arg15 : memref<!tpu.dma_semaphore, #tpu.memory_space<semaphore_mem>>)
    %barrier3A = arith.constant 0 : index
    tpu.barrier barrier_id(%barrier3A)
    %scan3A = arith.constant 0 : i32
    %scan3A_48 = arith.constant 5 : i32
    %scan3A_49 = arith.addi %scan3A, %scan3A_48 : i32
    %scan3A_50 = arith.constant 1 : i32
    scf.for %scan3A_57 = %scan3A to %scan3A_49 step %scan3A_50  : i32 {
      %mul3A_58 = arith.constant 1 : i32
      %mul3A_59 = arith.muli %scan3A_57, %mul3A_58 : i32
      %add3A_60 = arith.constant 0 : i32
      %add3A_61 = arith.addi %add3A_60, %mul3A_59 : i32
      %mul3A_62 = arith.constant 2 : i32
      %mul3A_63 = arith.muli %mul3A_62, %add3A_61 : i32
      %add3A_64 = arith.constant 0 : i32
      %add3A_65 = arith.addi %mul3A_63, %add3A_64 : i32
      %mul3A_66 = arith.constant 8 : i32
      %mul3A_67 = arith.muli %add3A_65, %mul3A_66 : i32
      %dma_wait3A = arith.constant 0 : i32
      %dma_wait3A_68 = arith.constant 0 : i32
      %dma_wait3A_69 = arith.constant 0 : i32
      %dma_wait3A_70 = tpu.memref_slice %arg7[%dma_wait3A, %dma_wait3A_68, %dma_wait3A_69] : memref<2x8x128xi32, #tpu.memory_space<vmem>> -> memref<1x8x128xi32, #tpu.memory_space<vmem>>
      %dma_wait3A_71 = tpu.memref_squeeze %dma_wait3A_70 : memref<1x8x128xi32, #tpu.memory_space<vmem>> -> memref<8x128xi32, #tpu.memory_space<vmem>>
      %dma_wait3A_72 = arith.constant 0 : i32
      %dma_wait3A_73 = arith.constant 0 : i32
      %dma_wait3A_74 = tpu.memref_slice %arg3[%add3A, %dma_wait3A_72, %dma_wait3A_73] : memref<32x80x128xi32, #tpu.memory_space<hbm>> -> memref<1x80x128xi32, #tpu.memory_space<hbm>>
      %dma_wait3A_75 = tpu.memref_squeeze %dma_wait3A_74 : memref<1x80x128xi32, #tpu.memory_space<hbm>> -> memref<80x128xi32, #tpu.memory_space<hbm>>
      %dma_wait3A_76 = arith.constant 0 : i32
      %dma_wait3A_77 = tpu.memref_slice %dma_wait3A_75[%mul3A_67, %dma_wait3A_76] : memref<80x128xi32, #tpu.memory_space<hbm>> -> memref<8x128xi32, #tpu.memory_space<hbm>>
      %dma_wait3A_78 = arith.constant 0 : i32
      %dma_wait3A_79 = arith.constant 0 : i32
      %dma_wait3A_80 = tpu.memref_slice %arg7[%dma_wait3A, %dma_wait3A_78, %dma_wait3A_79] : memref<2x8x128xi32, #tpu.memory_space<vmem>> -> memref<1x8x128xi32, #tpu.memory_space<vmem>>
      %dma_wait3A_81 = tpu.memref_squeeze %dma_wait3A_80 : memref<1x8x128xi32, #tpu.memory_space<vmem>> -> memref<8x128xi32, #tpu.memory_space<vmem>>
      %dma_wait3A_82 = arith.constant 0 : i32
      %dma_wait3A_83 = arith.constant 0 : i32
      %dma_wait3A_84 = tpu.memref_slice %arg3[%add3A, %dma_wait3A_82, %dma_wait3A_83] : memref<32x80x128xi32, #tpu.memory_space<hbm>> -> memref<1x80x128xi32, #tpu.memory_space<hbm>>
      %dma_wait3A_85 = tpu.memref_squeeze %dma_wait3A_84 : memref<1x80x128xi32, #tpu.memory_space<hbm>> -> memref<80x128xi32, #tpu.memory_space<hbm>>
      %dma_wait3A_86 = arith.constant 0 : i32
      %dma_wait3A_87 = tpu.memref_slice %dma_wait3A_85[%mul3A_67, %dma_wait3A_86] : memref<80x128xi32, #tpu.memory_space<hbm>> -> memref<8x128xi32, #tpu.memory_space<hbm>>
      tpu.wait_dma2 semaphore(%arg13 : memref<!tpu.dma_semaphore, #tpu.memory_space<semaphore_mem>>) src(%dma_wait3A_87 : memref<8x128xi32, #tpu.memory_space<hbm>>) dst(%dma_wait3A_81 : memref<8x128xi32, #tpu.memory_space<vmem>>)
      %mul3A_88 = arith.constant 8 : i32
      %mul3A_89 = arith.muli %add3A_65, %mul3A_88 : i32
      %dma_wait3A_90 = arith.constant 0 : i32
      %dma_wait3A_91 = arith.constant 0 : i32
      %dma_wait3A_92 = arith.constant 0 : i32
      %dma_wait3A_93 = tpu.memref_slice %arg8[%dma_wait3A_90, %dma_wait3A_91, %dma_wait3A_92] : memref<2x8x128xi32, #tpu.memory_space<vmem>> -> memref<1x8x128xi32, #tpu.memory_space<vmem>>
      %dma_wait3A_94 = tpu.memref_squeeze %dma_wait3A_93 : memref<1x8x128xi32, #tpu.memory_space<vmem>> -> memref<8x128xi32, #tpu.memory_space<vmem>>
      %dma_wait3A_95 = arith.constant 0 : i32
      %dma_wait3A_96 = arith.constant 0 : i32
      %dma_wait3A_97 = tpu.memref_slice %arg4[%add3A, %dma_wait3A_95, %dma_wait3A_96] : memref<32x80x128xi32, #tpu.memory_space<hbm>> -> memref<1x80x128xi32, #tpu.memory_space<hbm>>
      %dma_wait3A_98 = tpu.memref_squeeze %dma_wait3A_97 : memref<1x80x128xi32, #tpu.memory_space<hbm>> -> memref<80x128xi32, #tpu.memory_space<hbm>>
      %dma_wait3A_99 = arith.constant 0 : i32
      %dma_wait3A_100 = tpu.memref_slice %dma_wait3A_98[%mul3A_89, %dma_wait3A_99] : memref<80x128xi32, #tpu.memory_space<hbm>> -> memref<8x128xi32, #tpu.memory_space<hbm>>
      %dma_wait3A_101 = arith.constant 0 : i32
      %dma_wait3A_102 = arith.constant 0 : i32
      %dma_wait3A_103 = tpu.memref_slice %arg8[%dma_wait3A_90, %dma_wait3A_101, %dma_wait3A_102] : memref<2x8x128xi32, #tpu.memory_space<vmem>> -> memref<1x8x128xi32, #tpu.memory_space<vmem>>
      %dma_wait3A_104 = tpu.memref_squeeze %dma_wait3A_103 : memref<1x8x128xi32, #tpu.memory_space<vmem>> -> memref<8x128xi32, #tpu.memory_space<vmem>>
      %dma_wait3A_105 = arith.constant 0 : i32
      %dma_wait3A_106 = arith.constant 0 : i32
      %dma_wait3A_107 = tpu.memref_slice %arg4[%add3A, %dma_wait3A_105, %dma_wait3A_106] : memref<32x80x128xi32, #tpu.memory_space<hbm>> -> memref<1x80x128xi32, #tpu.memory_space<hbm>>
      %dma_wait3A_108 = tpu.memref_squeeze %dma_wait3A_107 : memref<1x80x128xi32, #tpu.memory_space<hbm>> -> memref<80x128xi32, #tpu.memory_space<hbm>>
      %dma_wait3A_109 = arith.constant 0 : i32
      %dma_wait3A_110 = tpu.memref_slice %dma_wait3A_108[%mul3A_89, %dma_wait3A_109] : memref<80x128xi32, #tpu.memory_space<hbm>> -> memref<8x128xi32, #tpu.memory_space<hbm>>
      tpu.wait_dma2 semaphore(%arg15 : memref<!tpu.dma_semaphore, #tpu.memory_space<semaphore_mem>>) src(%dma_wait3A_110 : memref<8x128xi32, #tpu.memory_space<hbm>>) dst(%dma_wait3A_104 : memref<8x128xi32, #tpu.memory_space<vmem>>)
      %add3A_111 = arith.constant 1 : i32
      %add3A_112 = arith.addi %add3A_65, %add3A_111 : i32
      %lt3A = arith.constant 10 : i32
      %lt3A_113 = arith.cmpi slt, %add3A_112, %lt3A : i32
      %convert_element_type3A = arith.extui %lt3A_113 : i1 to i32
      %cond3A = arith.constant 0 : i32
      %cond3A_114 = arith.cmpi ne, %convert_element_type3A, %cond3A : i32
      scf.if %cond3A_114 {
        %add3A_763 = arith.constant 1 : i32
        %add3A_764 = arith.addi %add3A_65, %add3A_763 : i32
        %mul3A_765 = arith.constant 8 : i32
        %mul3A_766 = arith.muli %add3A_764, %mul3A_765 : i32
        %dma_start3A_767 = arith.constant 1 : i32
        %dma_start3A_768 = arith.constant 0 : i32
        %dma_start3A_769 = arith.constant 0 : i32
        %dma_start3A_770 = tpu.memref_slice %arg7[%dma_start3A_767, %dma_start3A_768, %dma_start3A_769] : memref<2x8x128xi32, #tpu.memory_space<vmem>> -> memref<1x8x128xi32, #tpu.memory_space<vmem>>
        %dma_start3A_771 = tpu.memref_squeeze %dma_start3A_770 : memref<1x8x128xi32, #tpu.memory_space<vmem>> -> memref<8x128xi32, #tpu.memory_space<vmem>>
        %dma_start3A_772 = arith.constant 0 : i32
        %dma_start3A_773 = arith.constant 0 : i32
        %dma_start3A_774 = tpu.memref_slice %arg3[%add3A, %dma_start3A_772, %dma_start3A_773] : memref<32x80x128xi32, #tpu.memory_space<hbm>> -> memref<1x80x128xi32, #tpu.memory_space<hbm>>
        %dma_start3A_775 = tpu.memref_squeeze %dma_start3A_774 : memref<1x80x128xi32, #tpu.memory_space<hbm>> -> memref<80x128xi32, #tpu.memory_space<hbm>>
        %dma_start3A_776 = arith.constant 0 : i32
        %dma_start3A_777 = tpu.memref_slice %dma_start3A_775[%mul3A_766, %dma_start3A_776] : memref<80x128xi32, #tpu.memory_space<hbm>> -> memref<8x128xi32, #tpu.memory_space<hbm>>
        %dma_start3A_778 = arith.constant 0 : i32
        %dma_start3A_779 = arith.constant 0 : i32
        %dma_start3A_780 = tpu.memref_slice %arg7[%dma_start3A_767, %dma_start3A_778, %dma_start3A_779] : memref<2x8x128xi32, #tpu.memory_space<vmem>> -> memref<1x8x128xi32, #tpu.memory_space<vmem>>
        %dma_start3A_781 = tpu.memref_squeeze %dma_start3A_780 : memref<1x8x128xi32, #tpu.memory_space<vmem>> -> memref<8x128xi32, #tpu.memory_space<vmem>>
        %dma_start3A_782 = arith.constant 0 : i32
        %dma_start3A_783 = arith.constant 0 : i32
        %dma_start3A_784 = tpu.memref_slice %arg3[%add3A, %dma_start3A_782, %dma_start3A_783] : memref<32x80x128xi32, #tpu.memory_space<hbm>> -> memref<1x80x128xi32, #tpu.memory_space<hbm>>
        %dma_start3A_785 = tpu.memref_squeeze %dma_start3A_784 : memref<1x80x128xi32, #tpu.memory_space<hbm>> -> memref<80x128xi32, #tpu.memory_space<hbm>>
        %dma_start3A_786 = arith.constant 0 : i32
        %dma_start3A_787 = tpu.memref_slice %dma_start3A_785[%mul3A_766, %dma_start3A_786] : memref<80x128xi32, #tpu.memory_space<hbm>> -> memref<8x128xi32, #tpu.memory_space<hbm>>
        tpu.enqueue_dma source(%dma_start3A_787 : memref<8x128xi32, #tpu.memory_space<hbm>>) target(%dma_start3A_781 : memref<8x128xi32, #tpu.memory_space<vmem>>) target_semaphore(%arg14 : memref<!tpu.dma_semaphore, #tpu.memory_space<semaphore_mem>>)
        %add3A_788 = arith.constant 1 : i32
        %add3A_789 = arith.addi %add3A_65, %add3A_788 : i32
        %mul3A_790 = arith.constant 8 : i32
        %mul3A_791 = arith.muli %add3A_789, %mul3A_790 : i32
        %dma_start3A_792 = arith.constant 1 : i32
        %dma_start3A_793 = arith.constant 0 : i32
        %dma_start3A_794 = arith.constant 0 : i32
        %dma_start3A_795 = tpu.memref_slice %arg8[%dma_start3A_792, %dma_start3A_793, %dma_start3A_794] : memref<2x8x128xi32, #tpu.memory_space<vmem>> -> memref<1x8x128xi32, #tpu.memory_space<vmem>>
        %dma_start3A_796 = tpu.memref_squeeze %dma_start3A_795 : memref<1x8x128xi32, #tpu.memory_space<vmem>> -> memref<8x128xi32, #tpu.memory_space<vmem>>
        %dma_start3A_797 = arith.constant 0 : i32
        %dma_start3A_798 = arith.constant 0 : i32
        %dma_start3A_799 = tpu.memref_slice %arg4[%add3A, %dma_start3A_797, %dma_start3A_798] : memref<32x80x128xi32, #tpu.memory_space<hbm>> -> memref<1x80x128xi32, #tpu.memory_space<hbm>>
        %dma_start3A_800 = tpu.memref_squeeze %dma_start3A_799 : memref<1x80x128xi32, #tpu.memory_space<hbm>> -> memref<80x128xi32, #tpu.memory_space<hbm>>
        %dma_start3A_801 = arith.constant 0 : i32
        %dma_start3A_802 = tpu.memref_slice %dma_start3A_800[%mul3A_791, %dma_start3A_801] : memref<80x128xi32, #tpu.memory_space<hbm>> -> memref<8x128xi32, #tpu.memory_space<hbm>>
        %dma_start3A_803 = arith.constant 0 : i32
        %dma_start3A_804 = arith.constant 0 : i32
        %dma_start3A_805 = tpu.memref_slice %arg8[%dma_start3A_792, %dma_start3A_803, %dma_start3A_804] : memref<2x8x128xi32, #tpu.memory_space<vmem>> -> memref<1x8x128xi32, #tpu.memory_space<vmem>>
        %dma_start3A_806 = tpu.memref_squeeze %dma_start3A_805 : memref<1x8x128xi32, #tpu.memory_space<vmem>> -> memref<8x128xi32, #tpu.memory_space<vmem>>
        %dma_start3A_807 = arith.constant 0 : i32
        %dma_start3A_808 = arith.constant 0 : i32
        %dma_start3A_809 = tpu.memref_slice %arg4[%add3A, %dma_start3A_807, %dma_start3A_808] : memref<32x80x128xi32, #tpu.memory_space<hbm>> -> memref<1x80x128xi32, #tpu.memory_space<hbm>>
        %dma_start3A_810 = tpu.memref_squeeze %dma_start3A_809 : memref<1x80x128xi32, #tpu.memory_space<hbm>> -> memref<80x128xi32, #tpu.memory_space<hbm>>
        %dma_start3A_811 = arith.constant 0 : i32
        %dma_start3A_812 = tpu.memref_slice %dma_start3A_810[%mul3A_791, %dma_start3A_811] : memref<80x128xi32, #tpu.memory_space<hbm>> -> memref<8x128xi32, #tpu.memory_space<hbm>>
        tpu.enqueue_dma source(%dma_start3A_812 : memref<8x128xi32, #tpu.memory_space<hbm>>) target(%dma_start3A_806 : memref<8x128xi32, #tpu.memory_space<vmem>>) target_semaphore(%arg16 : memref<!tpu.dma_semaphore, #tpu.memory_space<semaphore_mem>>)
      } else {
      }
      %dma_start3A_115 = arith.constant 0 : i32
      %dma_start3A_116 = arith.constant 0 : i32
      %dma_start3A_117 = arith.constant 0 : i32
      %dma_start3A_118 = arith.constant 0 : i32
      %dma_start3A_119 = arith.constant 0 : i32
      %dma_start3A_120 = tpu.memref_slice %arg9[%dma_start3A_117, %dma_start3A_118, %dma_start3A_119] : memref<2x128x128xf32, #tpu.memory_space<vmem>> -> memref<1x128x128xf32, #tpu.memory_space<vmem>>
      %dma_start3A_121 = tpu.memref_squeeze %dma_start3A_120 : memref<1x128x128xf32, #tpu.memory_space<vmem>> -> memref<128x128xf32, #tpu.memory_space<vmem>>
      %dma_start3A_122 = arith.constant 0 : i32
      %dma_start3A_123 = arith.constant 0 : i32
      %dma_start3A_124 = tpu.memref_slice %arg7[%dma_start3A_115, %dma_start3A_122, %dma_start3A_123] : memref<2x8x128xi32, #tpu.memory_space<vmem>> -> memref<1x8x128xi32, #tpu.memory_space<vmem>>
      %dma_start3A_125 = tpu.memref_squeeze %dma_start3A_124 : memref<1x8x128xi32, #tpu.memory_space<vmem>> -> memref<8x128xi32, #tpu.memory_space<vmem>>
      %dma_start3A_126 = arith.constant 0 : i32
      %dma_start3A_127 = tpu.memref_slice %dma_start3A_125[%dma_start3A_116, %dma_start3A_126] : memref<8x128xi32, #tpu.memory_space<vmem>> -> memref<1x128xi32, #tpu.memory_space<vmem>>
      %dma_start3A_128 = tpu.memref_squeeze %dma_start3A_127 : memref<1x128xi32, #tpu.memory_space<vmem>> -> memref<128xi32, #tpu.memory_space<vmem>>
      %dma_start3A_129 = arith.constant 0 : i32
      %dma_start3A_130 = arith.constant 0 : i32
      %dma_start3A_131 = tpu.memref_slice %arg2[%dma_start3A_129, %dma_start3A_130] : memref<10240x128xf32, #tpu.memory_space<hbm>> -> memref<10240x128xf32, #tpu.memory_space<hbm>>
      tpu.enqueue_indirect_dma source(%dma_start3A_131 : memref<10240x128xf32, #tpu.memory_space<hbm>>) target(%dma_start3A_121 : memref<128x128xf32, #tpu.memory_space<vmem>>) offsets(%dma_start3A_128 : memref<128xi32, #tpu.memory_space<vmem>>) semaphore(%arg11 : memref<!tpu.dma_semaphore, #tpu.memory_space<semaphore_mem>>)
      %dma_start3A_132 = arith.constant 0 : i32
      %dma_start3A_133 = arith.constant 1 : i32
      %dma_start3A_134 = arith.constant 1 : i32
      %dma_start3A_135 = arith.constant 0 : i32
      %dma_start3A_136 = arith.constant 0 : i32
      %dma_start3A_137 = tpu.memref_slice %arg9[%dma_start3A_134, %dma_start3A_135, %dma_start3A_136] : memref<2x128x128xf32, #tpu.memory_space<vmem>> -> memref<1x128x128xf32, #tpu.memory_space<vmem>>
      %dma_start3A_138 = tpu.memref_squeeze %dma_start3A_137 : memref<1x128x128xf32, #tpu.memory_space<vmem>> -> memref<128x128xf32, #tpu.memory_space<vmem>>
      %dma_start3A_139 = arith.constant 0 : i32
      %dma_start3A_140 = arith.constant 0 : i32
      %dma_start3A_141 = tpu.memref_slice %arg7[%dma_start3A_132, %dma_start3A_139, %dma_start3A_140] : memref<2x8x128xi32, #tpu.memory_space<vmem>> -> memref<1x8x128xi32, #tpu.memory_space<vmem>>
      %dma_start3A_142 = tpu.memref_squeeze %dma_start3A_141 : memref<1x8x128xi32, #tpu.memory_space<vmem>> -> memref<8x128xi32, #tpu.memory_space<vmem>>
      %dma_start3A_143 = arith.constant 0 : i32
      %dma_start3A_144 = tpu.memref_slice %dma_start3A_142[%dma_start3A_133, %dma_start3A_143] : memref<8x128xi32, #tpu.memory_space<vmem>> -> memref<1x128xi32, #tpu.memory_space<vmem>>
      %dma_start3A_145 = tpu.memref_squeeze %dma_start3A_144 : memref<1x128xi32, #tpu.memory_space<vmem>> -> memref<128xi32, #tpu.memory_space<vmem>>
      %dma_start3A_146 = arith.constant 0 : i32
      %dma_start3A_147 = arith.constant 0 : i32
      %dma_start3A_148 = tpu.memref_slice %arg2[%dma_start3A_146, %dma_start3A_147] : memref<10240x128xf32, #tpu.memory_space<hbm>> -> memref<10240x128xf32, #tpu.memory_space<hbm>>
      tpu.enqueue_indirect_dma source(%dma_start3A_148 : memref<10240x128xf32, #tpu.memory_space<hbm>>) target(%dma_start3A_138 : memref<128x128xf32, #tpu.memory_space<vmem>>) offsets(%dma_start3A_145 : memref<128xi32, #tpu.memory_space<vmem>>) semaphore(%arg12 : memref<!tpu.dma_semaphore, #tpu.memory_space<semaphore_mem>>)
      %dma_wait3A_149 = arith.constant 0 : i32
      %dma_wait3A_150 = arith.constant 0 : i32
      %dma_wait3A_151 = arith.constant 0 : i32
      %dma_wait3A_152 = arith.constant 0 : i32
      %dma_wait3A_153 = arith.constant 0 : i32
      %dma_wait3A_154 = tpu.memref_slice %arg9[%dma_wait3A_151, %dma_wait3A_152, %dma_wait3A_153] : memref<2x128x128xf32, #tpu.memory_space<vmem>> -> memref<1x128x128xf32, #tpu.memory_space<vmem>>
      %dma_wait3A_155 = tpu.memref_squeeze %dma_wait3A_154 : memref<1x128x128xf32, #tpu.memory_space<vmem>> -> memref<128x128xf32, #tpu.memory_space<vmem>>
      %dma_wait3A_156 = arith.constant 0 : i32
      %dma_wait3A_157 = arith.constant 0 : i32
      %dma_wait3A_158 = tpu.memref_slice %arg7[%dma_wait3A_149, %dma_wait3A_156, %dma_wait3A_157] : memref<2x8x128xi32, #tpu.memory_space<vmem>> -> memref<1x8x128xi32, #tpu.memory_space<vmem>>
      %dma_wait3A_159 = tpu.memref_squeeze %dma_wait3A_158 : memref<1x8x128xi32, #tpu.memory_space<vmem>> -> memref<8x128xi32, #tpu.memory_space<vmem>>
      %dma_wait3A_160 = arith.constant 0 : i32
      %dma_wait3A_161 = tpu.memref_slice %dma_wait3A_159[%dma_wait3A_150, %dma_wait3A_160] : memref<8x128xi32, #tpu.memory_space<vmem>> -> memref<1x128xi32, #tpu.memory_space<vmem>>
      %dma_wait3A_162 = tpu.memref_squeeze %dma_wait3A_161 : memref<1x128xi32, #tpu.memory_space<vmem>> -> memref<128xi32, #tpu.memory_space<vmem>>
      %dma_wait3A_163 = arith.constant 0 : i32
      %dma_wait3A_164 = arith.constant 0 : i32
      %dma_wait3A_165 = tpu.memref_slice %arg2[%dma_wait3A_163, %dma_wait3A_164] : memref<10240x128xf32, #tpu.memory_space<hbm>> -> memref<10240x128xf32, #tpu.memory_space<hbm>>
      tpu.wait_indirect_dma semaphore(%arg11 : memref<!tpu.dma_semaphore, #tpu.memory_space<semaphore_mem>>) src(%dma_wait3A_165 : memref<10240x128xf32, #tpu.memory_space<hbm>>) dst(%dma_wait3A_155 : memref<128x128xf32, #tpu.memory_space<vmem>>)
      %run_scoped3A = arith.constant 0 : i32
      %run_scoped3A_166 = arith.constant 0 : i32
      %run_scoped3A_167 = arith.constant 0 : i32
      "tpu.region"() ({
        %run_scoped3A_763 = tpu.sem_alloc : memref<!tpu.dma_semaphore, #tpu.memory_space<semaphore_mem>>
        %dma_start3A_764 = arith.constant 0 : i32
        %dma_start3A_765 = arith.constant 0 : i32
        %dma_start3A_766 = tpu.memref_slice %arg9[%run_scoped3A, %dma_start3A_764, %dma_start3A_765] : memref<2x128x128xf32, #tpu.memory_space<vmem>> -> memref<1x128x128xf32, #tpu.memory_space<vmem>>
        %dma_start3A_767 = tpu.memref_squeeze %dma_start3A_766 : memref<1x128x128xf32, #tpu.memory_space<vmem>> -> memref<128x128xf32, #tpu.memory_space<vmem>>
        %dma_start3A_768 = arith.constant 0 : i32
        %dma_start3A_769 = arith.constant 0 : i32
        %dma_start3A_770 = tpu.memref_slice %arg8[%run_scoped3A_166, %dma_start3A_768, %dma_start3A_769] : memref<2x8x128xi32, #tpu.memory_space<vmem>> -> memref<1x8x128xi32, #tpu.memory_space<vmem>>
        %dma_start3A_771 = tpu.memref_squeeze %dma_start3A_770 : memref<1x8x128xi32, #tpu.memory_space<vmem>> -> memref<8x128xi32, #tpu.memory_space<vmem>>
        %dma_start3A_772 = arith.constant 0 : i32
        %dma_start3A_773 = tpu.memref_slice %dma_start3A_771[%run_scoped3A_167, %dma_start3A_772] : memref<8x128xi32, #tpu.memory_space<vmem>> -> memref<1x128xi32, #tpu.memory_space<vmem>>
        %dma_start3A_774 = tpu.memref_squeeze %dma_start3A_773 : memref<1x128xi32, #tpu.memory_space<vmem>> -> memref<128xi32, #tpu.memory_space<vmem>>
        %dma_start3A_775 = arith.constant 0 : i32
        %dma_start3A_776 = arith.constant 0 : i32
        %dma_start3A_777 = tpu.memref_slice %arg10[%dma_start3A_775, %dma_start3A_776] : memref<10240x128xf32, #tpu.memory_space<vmem_shared>> -> memref<10240x128xf32, #tpu.memory_space<vmem_shared>>
        tpu.enqueue_indirect_dma source(%dma_start3A_767 : memref<128x128xf32, #tpu.memory_space<vmem>>) target(%dma_start3A_777 : memref<10240x128xf32, #tpu.memory_space<vmem_shared>>) offsets(%dma_start3A_774 : memref<128xi32, #tpu.memory_space<vmem>>) semaphore(%run_scoped3A_763 : memref<!tpu.dma_semaphore, #tpu.memory_space<semaphore_mem>>) {add = true}
        %dma_wait3A_778 = arith.constant 0 : i32
        %dma_wait3A_779 = arith.constant 0 : i32
        %dma_wait3A_780 = tpu.memref_slice %arg9[%run_scoped3A, %dma_wait3A_778, %dma_wait3A_779] : memref<2x128x128xf32, #tpu.memory_space<vmem>> -> memref<1x128x128xf32, #tpu.memory_space<vmem>>
        %dma_wait3A_781 = tpu.memref_squeeze %dma_wait3A_780 : memref<1x128x128xf32, #tpu.memory_space<vmem>> -> memref<128x128xf32, #tpu.memory_space<vmem>>
        %dma_wait3A_782 = arith.constant 0 : i32
        %dma_wait3A_783 = arith.constant 0 : i32
        %dma_wait3A_784 = tpu.memref_slice %arg8[%run_scoped3A_166, %dma_wait3A_782, %dma_wait3A_783] : memref<2x8x128xi32, #tpu.memory_space<vmem>> -> memref<1x8x128xi32, #tpu.memory_space<vmem>>
        %dma_wait3A_785 = tpu.memref_squeeze %dma_wait3A_784 : memref<1x8x128xi32, #tpu.memory_space<vmem>> -> memref<8x128xi32, #tpu.memory_space<vmem>>
        %dma_wait3A_786 = arith.constant 0 : i32
        %dma_wait3A_787 = tpu.memref_slice %dma_wait3A_785[%run_scoped3A_167, %dma_wait3A_786] : memref<8x128xi32, #tpu.memory_space<vmem>> -> memref<1x128xi32, #tpu.memory_space<vmem>>
        %dma_wait3A_788 = tpu.memref_squeeze %dma_wait3A_787 : memref<1x128xi32, #tpu.memory_space<vmem>> -> memref<128xi32, #tpu.memory_space<vmem>>
        %dma_wait3A_789 = arith.constant 0 : i32
        %dma_wait3A_790 = arith.constant 0 : i32
        %dma_wait3A_791 = tpu.memref_slice %arg10[%dma_wait3A_789, %dma_wait3A_790] : memref<10240x128xf32, #tpu.memory_space<vmem_shared>> -> memref<10240x128xf32, #tpu.memory_space<vmem_shared>>
        tpu.wait_indirect_dma semaphore(%run_scoped3A_763 : memref<!tpu.dma_semaphore, #tpu.memory_space<semaphore_mem>>) src(%dma_wait3A_781 : memref<128x128xf32, #tpu.memory_space<vmem>>) dst(%dma_wait3A_791 : memref<10240x128xf32, #tpu.memory_space<vmem_shared>>)
        tpu.yield
      }) : () -> ()
      %dma_start3A_168 = arith.constant 0 : i32
      %dma_start3A_169 = arith.constant 2 : i32
      %dma_start3A_170 = arith.constant 0 : i32
      %dma_start3A_171 = arith.constant 0 : i32
      %dma_start3A_172 = arith.constant 0 : i32
      %dma_start3A_173 = tpu.memref_slice %arg9[%dma_start3A_170, %dma_start3A_171, %dma_start3A_172] : memref<2x128x128xf32, #tpu.memory_space<vmem>> -> memref<1x128x128xf32, #tpu.memory_space<vmem>>
      %dma_start3A_174 = tpu.memref_squeeze %dma_start3A_173 : memref<1x128x128xf32, #tpu.memory_space<vmem>> -> memref<128x128xf32, #tpu.memory_space<vmem>>
      %dma_start3A_175 = arith.constant 0 : i32
      %dma_start3A_176 = arith.constant 0 : i32
      %dma_start3A_177 = tpu.memref_slice %arg7[%dma_start3A_168, %dma_start3A_175, %dma_start3A_176] : memref<2x8x128xi32, #tpu.memory_space<vmem>> -> memref<1x8x128xi32, #tpu.memory_space<vmem>>
      %dma_start3A_178 = tpu.memref_squeeze %dma_start3A_177 : memref<1x8x128xi32, #tpu.memory_space<vmem>> -> memref<8x128xi32, #tpu.memory_space<vmem>>
      %dma_start3A_179 = arith.constant 0 : i32
      %dma_start3A_180 = tpu.memref_slice %dma_start3A_178[%dma_start3A_169, %dma_start3A_179] : memref<8x128xi32, #tpu.memory_space<vmem>> -> memref<1x128xi32, #tpu.memory_space<vmem>>
      %dma_start3A_181 = tpu.memref_squeeze %dma_start3A_180 : memref<1x128xi32, #tpu.memory_space<vmem>> -> memref<128xi32, #tpu.memory_space<vmem>>
      %dma_start3A_182 = arith.constant 0 : i32
      %dma_start3A_183 = arith.constant 0 : i32
      %dma_start3A_184 = tpu.memref_slice %arg2[%dma_start3A_182, %dma_start3A_183] : memref<10240x128xf32, #tpu.memory_space<hbm>> -> memref<10240x128xf32, #tpu.memory_space<hbm>>
      tpu.enqueue_indirect_dma source(%dma_start3A_184 : memref<10240x128xf32, #tpu.memory_space<hbm>>) target(%dma_start3A_174 : memref<128x128xf32, #tpu.memory_space<vmem>>) offsets(%dma_start3A_181 : memref<128xi32, #tpu.memory_space<vmem>>) semaphore(%arg11 : memref<!tpu.dma_semaphore, #tpu.memory_space<semaphore_mem>>)
      %dma_wait3A_185 = arith.constant 0 : i32
      %dma_wait3A_186 = arith.constant 1 : i32
      %dma_wait3A_187 = arith.constant 1 : i32
      %dma_wait3A_188 = arith.constant 0 : i32
      %dma_wait3A_189 = arith.constant 0 : i32
      %dma_wait3A_190 = tpu.memref_slice %arg9[%dma_wait3A_187, %dma_wait3A_188, %dma_wait3A_189] : memref<2x128x128xf32, #tpu.memory_space<vmem>> -> memref<1x128x128xf32, #tpu.memory_space<vmem>>
      %dma_wait3A_191 = tpu.memref_squeeze %dma_wait3A_190 : memref<1x128x128xf32, #tpu.memory_space<vmem>> -> memref<128x128xf32, #tpu.memory_space<vmem>>
      %dma_wait3A_192 = arith.constant 0 : i32
      %dma_wait3A_193 = arith.constant 0 : i32
      %dma_wait3A_194 = tpu.memref_slice %arg7[%dma_wait3A_185, %dma_wait3A_192, %dma_wait3A_193] : memref<2x8x128xi32, #tpu.memory_space<vmem>> -> memref<1x8x128xi32, #tpu.memory_space<vmem>>
      %dma_wait3A_195 = tpu.memref_squeeze %dma_wait3A_194 : memref<1x8x128xi32, #tpu.memory_space<vmem>> -> memref<8x128xi32, #tpu.memory_space<vmem>>
      %dma_wait3A_196 = arith.constant 0 : i32
      %dma_wait3A_197 = tpu.memref_slice %dma_wait3A_195[%dma_wait3A_186, %dma_wait3A_196] : memref<8x128xi32, #tpu.memory_space<vmem>> -> memref<1x128xi32, #tpu.memory_space<vmem>>
      %dma_wait3A_198 = tpu.memref_squeeze %dma_wait3A_197 : memref<1x128xi32, #tpu.memory_space<vmem>> -> memref<128xi32, #tpu.memory_space<vmem>>
      %dma_wait3A_199 = arith.constant 0 : i32
      %dma_wait3A_200 = arith.constant 0 : i32
      %dma_wait3A_201 = tpu.memref_slice %arg2[%dma_wait3A_199, %dma_wait3A_200] : memref<10240x128xf32, #tpu.memory_space<hbm>> -> memref<10240x128xf32, #tpu.memory_space<hbm>>
      tpu.wait_indirect_dma semaphore(%arg12 : memref<!tpu.dma_semaphore, #tpu.memory_space<semaphore_mem>>) src(%dma_wait3A_201 : memref<10240x128xf32, #tpu.memory_space<hbm>>) dst(%dma_wait3A_191 : memref<128x128xf32, #tpu.memory_space<vmem>>)
      %run_scoped3A_202 = arith.constant 1 : i32
      %run_scoped3A_203 = arith.constant 0 : i32
      %run_scoped3A_204 = arith.constant 1 : i32
      "tpu.region"() ({
        %run_scoped3A_763 = tpu.sem_alloc : memref<!tpu.dma_semaphore, #tpu.memory_space<semaphore_mem>>
        %dma_start3A_764 = arith.constant 0 : i32
        %dma_start3A_765 = arith.constant 0 : i32
        %dma_start3A_766 = tpu.memref_slice %arg9[%run_scoped3A_202, %dma_start3A_764, %dma_start3A_765] : memref<2x128x128xf32, #tpu.memory_space<vmem>> -> memref<1x128x128xf32, #tpu.memory_space<vmem>>
        %dma_start3A_767 = tpu.memref_squeeze %dma_start3A_766 : memref<1x128x128xf32, #tpu.memory_space<vmem>> -> memref<128x128xf32, #tpu.memory_space<vmem>>
        %dma_start3A_768 = arith.constant 0 : i32
        %dma_start3A_769 = arith.constant 0 : i32
        %dma_start3A_770 = tpu.memref_slice %arg8[%run_scoped3A_203, %dma_start3A_768, %dma_start3A_769] : memref<2x8x128xi32, #tpu.memory_space<vmem>> -> memref<1x8x128xi32, #tpu.memory_space<vmem>>
        %dma_start3A_771 = tpu.memref_squeeze %dma_start3A_770 : memref<1x8x128xi32, #tpu.memory_space<vmem>> -> memref<8x128xi32, #tpu.memory_space<vmem>>
        %dma_start3A_772 = arith.constant 0 : i32
        %dma_start3A_773 = tpu.memref_slice %dma_start3A_771[%run_scoped3A_204, %dma_start3A_772] : memref<8x128xi32, #tpu.memory_space<vmem>> -> memref<1x128xi32, #tpu.memory_space<vmem>>
        %dma_start3A_774 = tpu.memref_squeeze %dma_start3A_773 : memref<1x128xi32, #tpu.memory_space<vmem>> -> memref<128xi32, #tpu.memory_space<vmem>>
        %dma_start3A_775 = arith.constant 0 : i32
        %dma_start3A_776 = arith.constant 0 : i32
        %dma_start3A_777 = tpu.memref_slice %arg10[%dma_start3A_775, %dma_start3A_776] : memref<10240x128xf32, #tpu.memory_space<vmem_shared>> -> memref<10240x128xf32, #tpu.memory_space<vmem_shared>>
        tpu.enqueue_indirect_dma source(%dma_start3A_767 : memref<128x128xf32, #tpu.memory_space<vmem>>) target(%dma_start3A_777 : memref<10240x128xf32, #tpu.memory_space<vmem_shared>>) offsets(%dma_start3A_774 : memref<128xi32, #tpu.memory_space<vmem>>) semaphore(%run_scoped3A_763 : memref<!tpu.dma_semaphore, #tpu.memory_space<semaphore_mem>>) {add = true}
        %dma_wait3A_778 = arith.constant 0 : i32
        %dma_wait3A_779 = arith.constant 0 : i32
        %dma_wait3A_780 = tpu.memref_slice %arg9[%run_scoped3A_202, %dma_wait3A_778, %dma_wait3A_779] : memref<2x128x128xf32, #tpu.memory_space<vmem>> -> memref<1x128x128xf32, #tpu.memory_space<vmem>>
        %dma_wait3A_781 = tpu.memref_squeeze %dma_wait3A_780 : memref<1x128x128xf32, #tpu.memory_space<vmem>> -> memref<128x128xf32, #tpu.memory_space<vmem>>
        %dma_wait3A_782 = arith.constant 0 : i32
        %dma_wait3A_783 = arith.constant 0 : i32
        %dma_wait3A_784 = tpu.memref_slice %arg8[%run_scoped3A_203, %dma_wait3A_782, %dma_wait3A_783] : memref<2x8x128xi32, #tpu.memory_space<vmem>> -> memref<1x8x128xi32, #tpu.memory_space<vmem>>
        %dma_wait3A_785 = tpu.memref_squeeze %dma_wait3A_784 : memref<1x8x128xi32, #tpu.memory_space<vmem>> -> memref<8x128xi32, #tpu.memory_space<vmem>>
        %dma_wait3A_786 = arith.constant 0 : i32
        %dma_wait3A_787 = tpu.memref_slice %dma_wait3A_785[%run_scoped3A_204, %dma_wait3A_786] : memref<8x128xi32, #tpu.memory_space<vmem>> -> memref<1x128xi32, #tpu.memory_space<vmem>>
        %dma_wait3A_788 = tpu.memref_squeeze %dma_wait3A_787 : memref<1x128xi32, #tpu.memory_space<vmem>> -> memref<128xi32, #tpu.memory_space<vmem>>
        %dma_wait3A_789 = arith.constant 0 : i32
        %dma_wait3A_790 = arith.constant 0 : i32
        %dma_wait3A_791 = tpu.memref_slice %arg10[%dma_wait3A_789, %dma_wait3A_790] : memref<10240x128xf32, #tpu.memory_space<vmem_shared>> -> memref<10240x128xf32, #tpu.memory_space<vmem_shared>>
        tpu.wait_indirect_dma semaphore(%run_scoped3A_763 : memref<!tpu.dma_semaphore, #tpu.memory_space<semaphore_mem>>) src(%dma_wait3A_781 : memref<128x128xf32, #tpu.memory_space<vmem>>) dst(%dma_wait3A_791 : memref<10240x128xf32, #tpu.memory_space<vmem_shared>>)
        tpu.yield
      }) : () -> ()
      %dma_start3A_205 = arith.constant 0 : i32
      %dma_start3A_206 = arith.constant 3 : i32
      %dma_start3A_207 = arith.constant 1 : i32
      %dma_start3A_208 = arith.constant 0 : i32
      %dma_start3A_209 = arith.constant 0 : i32
      %dma_start3A_210 = tpu.memref_slice %arg9[%dma_start3A_207, %dma_start3A_208, %dma_start3A_209] : memref<2x128x128xf32, #tpu.memory_space<vmem>> -> memref<1x128x128xf32, #tpu.memory_space<vmem>>
      %dma_start3A_211 = tpu.memref_squeeze %dma_start3A_210 : memref<1x128x128xf32, #tpu.memory_space<vmem>> -> memref<128x128xf32, #tpu.memory_space<vmem>>
      %dma_start3A_212 = arith.constant 0 : i32
      %dma_start3A_213 = arith.constant 0 : i32
      %dma_start3A_214 = tpu.memref_slice %arg7[%dma_start3A_205, %dma_start3A_212, %dma_start3A_213] : memref<2x8x128xi32, #tpu.memory_space<vmem>> -> memref<1x8x128xi32, #tpu.memory_space<vmem>>
      %dma_start3A_215 = tpu.memref_squeeze %dma_start3A_214 : memref<1x8x128xi32, #tpu.memory_space<vmem>> -> memref<8x128xi32, #tpu.memory_space<vmem>>
      %dma_start3A_216 = arith.constant 0 : i32
      %dma_start3A_217 = tpu.memref_slice %dma_start3A_215[%dma_start3A_206, %dma_start3A_216] : memref<8x128xi32, #tpu.memory_space<vmem>> -> memref<1x128xi32, #tpu.memory_space<vmem>>
      %dma_start3A_218 = tpu.memref_squeeze %dma_start3A_217 : memref<1x128xi32, #tpu.memory_space<vmem>> -> memref<128xi32, #tpu.memory_space<vmem>>
      %dma_start3A_219 = arith.constant 0 : i32
      %dma_start3A_220 = arith.constant 0 : i32
      %dma_start3A_221 = tpu.memref_slice %arg2[%dma_start3A_219, %dma_start3A_220] : memref<10240x128xf32, #tpu.memory_space<hbm>> -> memref<10240x128xf32, #tpu.memory_space<hbm>>
      tpu.enqueue_indirect_dma source(%dma_start3A_221 : memref<10240x128xf32, #tpu.memory_space<hbm>>) target(%dma_start3A_211 : memref<128x128xf32, #tpu.memory_space<vmem>>) offsets(%dma_start3A_218 : memref<128xi32, #tpu.memory_space<vmem>>) semaphore(%arg12 : memref<!tpu.dma_semaphore, #tpu.memory_space<semaphore_mem>>)
      %dma_wait3A_222 = arith.constant 0 : i32
      %dma_wait3A_223 = arith.constant 2 : i32
      %dma_wait3A_224 = arith.constant 0 : i32
      %dma_wait3A_225 = arith.constant 0 : i32
      %dma_wait3A_226 = arith.constant 0 : i32
      %dma_wait3A_227 = tpu.memref_slice %arg9[%dma_wait3A_224, %dma_wait3A_225, %dma_wait3A_226] : memref<2x128x128xf32, #tpu.memory_space<vmem>> -> memref<1x128x128xf32, #tpu.memory_space<vmem>>
      %dma_wait3A_228 = tpu.memref_squeeze %dma_wait3A_227 : memref<1x128x128xf32, #tpu.memory_space<vmem>> -> memref<128x128xf32, #tpu.memory_space<vmem>>
      %dma_wait3A_229 = arith.constant 0 : i32
      %dma_wait3A_230 = arith.constant 0 : i32
      %dma_wait3A_231 = tpu.memref_slice %arg7[%dma_wait3A_222, %dma_wait3A_229, %dma_wait3A_230] : memref<2x8x128xi32, #tpu.memory_space<vmem>> -> memref<1x8x128xi32, #tpu.memory_space<vmem>>
      %dma_wait3A_232 = tpu.memref_squeeze %dma_wait3A_231 : memref<1x8x128xi32, #tpu.memory_space<vmem>> -> memref<8x128xi32, #tpu.memory_space<vmem>>
      %dma_wait3A_233 = arith.constant 0 : i32
      %dma_wait3A_234 = tpu.memref_slice %dma_wait3A_232[%dma_wait3A_223, %dma_wait3A_233] : memref<8x128xi32, #tpu.memory_space<vmem>> -> memref<1x128xi32, #tpu.memory_space<vmem>>
      %dma_wait3A_235 = tpu.memref_squeeze %dma_wait3A_234 : memref<1x128xi32, #tpu.memory_space<vmem>> -> memref<128xi32, #tpu.memory_space<vmem>>
      %dma_wait3A_236 = arith.constant 0 : i32
      %dma_wait3A_237 = arith.constant 0 : i32
      %dma_wait3A_238 = tpu.memref_slice %arg2[%dma_wait3A_236, %dma_wait3A_237] : memref<10240x128xf32, #tpu.memory_space<hbm>> -> memref<10240x128xf32, #tpu.memory_space<hbm>>
      tpu.wait_indirect_dma semaphore(%arg11 : memref<!tpu.dma_semaphore, #tpu.memory_space<semaphore_mem>>) src(%dma_wait3A_238 : memref<10240x128xf32, #tpu.memory_space<hbm>>) dst(%dma_wait3A_228 : memref<128x128xf32, #tpu.memory_space<vmem>>)
      %run_scoped3A_239 = arith.constant 0 : i32
      %run_scoped3A_240 = arith.constant 0 : i32
      %run_scoped3A_241 = arith.constant 2 : i32
      "tpu.region"() ({
        %run_scoped3A_763 = tpu.sem_alloc : memref<!tpu.dma_semaphore, #tpu.memory_space<semaphore_mem>>
        %dma_start3A_764 = arith.constant 0 : i32
        %dma_start3A_765 = arith.constant 0 : i32
        %dma_start3A_766 = tpu.memref_slice %arg9[%run_scoped3A_239, %dma_start3A_764, %dma_start3A_765] : memref<2x128x128xf32, #tpu.memory_space<vmem>> -> memref<1x128x128xf32, #tpu.memory_space<vmem>>
        %dma_start3A_767 = tpu.memref_squeeze %dma_start3A_766 : memref<1x128x128xf32, #tpu.memory_space<vmem>> -> memref<128x128xf32, #tpu.memory_space<vmem>>
        %dma_start3A_768 = arith.constant 0 : i32
        %dma_start3A_769 = arith.constant 0 : i32
        %dma_start3A_770 = tpu.memref_slice %arg8[%run_scoped3A_240, %dma_start3A_768, %dma_start3A_769] : memref<2x8x128xi32, #tpu.memory_space<vmem>> -> memref<1x8x128xi32, #tpu.memory_space<vmem>>
        %dma_start3A_771 = tpu.memref_squeeze %dma_start3A_770 : memref<1x8x128xi32, #tpu.memory_space<vmem>> -> memref<8x128xi32, #tpu.memory_space<vmem>>
        %dma_start3A_772 = arith.constant 0 : i32
        %dma_start3A_773 = tpu.memref_slice %dma_start3A_771[%run_scoped3A_241, %dma_start3A_772] : memref<8x128xi32, #tpu.memory_space<vmem>> -> memref<1x128xi32, #tpu.memory_space<vmem>>
        %dma_start3A_774 = tpu.memref_squeeze %dma_start3A_773 : memref<1x128xi32, #tpu.memory_space<vmem>> -> memref<128xi32, #tpu.memory_space<vmem>>
        %dma_start3A_775 = arith.constant 0 : i32
        %dma_start3A_776 = arith.constant 0 : i32
        %dma_start3A_777 = tpu.memref_slice %arg10[%dma_start3A_775, %dma_start3A_776] : memref<10240x128xf32, #tpu.memory_space<vmem_shared>> -> memref<10240x128xf32, #tpu.memory_space<vmem_shared>>
        tpu.enqueue_indirect_dma source(%dma_start3A_767 : memref<128x128xf32, #tpu.memory_space<vmem>>) target(%dma_start3A_777 : memref<10240x128xf32, #tpu.memory_space<vmem_shared>>) offsets(%dma_start3A_774 : memref<128xi32, #tpu.memory_space<vmem>>) semaphore(%run_scoped3A_763 : memref<!tpu.dma_semaphore, #tpu.memory_space<semaphore_mem>>) {add = true}
        %dma_wait3A_778 = arith.constant 0 : i32
        %dma_wait3A_779 = arith.constant 0 : i32
        %dma_wait3A_780 = tpu.memref_slice %arg9[%run_scoped3A_239, %dma_wait3A_778, %dma_wait3A_779] : memref<2x128x128xf32, #tpu.memory_space<vmem>> -> memref<1x128x128xf32, #tpu.memory_space<vmem>>
        %dma_wait3A_781 = tpu.memref_squeeze %dma_wait3A_780 : memref<1x128x128xf32, #tpu.memory_space<vmem>> -> memref<128x128xf32, #tpu.memory_space<vmem>>
        %dma_wait3A_782 = arith.constant 0 : i32
        %dma_wait3A_783 = arith.constant 0 : i32
        %dma_wait3A_784 = tpu.memref_slice %arg8[%run_scoped3A_240, %dma_wait3A_782, %dma_wait3A_783] : memref<2x8x128xi32, #tpu.memory_space<vmem>> -> memref<1x8x128xi32, #tpu.memory_space<vmem>>
        %dma_wait3A_785 = tpu.memref_squeeze %dma_wait3A_784 : memref<1x8x128xi32, #tpu.memory_space<vmem>> -> memref<8x128xi32, #tpu.memory_space<vmem>>
        %dma_wait3A_786 = arith.constant 0 : i32
        %dma_wait3A_787 = tpu.memref_slice %dma_wait3A_785[%run_scoped3A_241, %dma_wait3A_786] : memref<8x128xi32, #tpu.memory_space<vmem>> -> memref<1x128xi32, #tpu.memory_space<vmem>>
        %dma_wait3A_788 = tpu.memref_squeeze %dma_wait3A_787 : memref<1x128xi32, #tpu.memory_space<vmem>> -> memref<128xi32, #tpu.memory_space<vmem>>
        %dma_wait3A_789 = arith.constant 0 : i32
        %dma_wait3A_790 = arith.constant 0 : i32
        %dma_wait3A_791 = tpu.memref_slice %arg10[%dma_wait3A_789, %dma_wait3A_790] : memref<10240x128xf32, #tpu.memory_space<vmem_shared>> -> memref<10240x128xf32, #tpu.memory_space<vmem_shared>>
        tpu.wait_indirect_dma semaphore(%run_scoped3A_763 : memref<!tpu.dma_semaphore, #tpu.memory_space<semaphore_mem>>) src(%dma_wait3A_781 : memref<128x128xf32, #tpu.memory_space<vmem>>) dst(%dma_wait3A_791 : memref<10240x128xf32, #tpu.memory_space<vmem_shared>>)
        tpu.yield
      }) : () -> ()
      %dma_start3A_242 = arith.constant 0 : i32
      %dma_start3A_243 = arith.constant 4 : i32
      %dma_start3A_244 = arith.constant 0 : i32
      %dma_start3A_245 = arith.constant 0 : i32
      %dma_start3A_246 = arith.constant 0 : i32
      %dma_start3A_247 = tpu.memref_slice %arg9[%dma_start3A_244, %dma_start3A_245, %dma_start3A_246] : memref<2x128x128xf32, #tpu.memory_space<vmem>> -> memref<1x128x128xf32, #tpu.memory_space<vmem>>
      %dma_start3A_248 = tpu.memref_squeeze %dma_start3A_247 : memref<1x128x128xf32, #tpu.memory_space<vmem>> -> memref<128x128xf32, #tpu.memory_space<vmem>>
      %dma_start3A_249 = arith.constant 0 : i32
      %dma_start3A_250 = arith.constant 0 : i32
      %dma_start3A_251 = tpu.memref_slice %arg7[%dma_start3A_242, %dma_start3A_249, %dma_start3A_250] : memref<2x8x128xi32, #tpu.memory_space<vmem>> -> memref<1x8x128xi32, #tpu.memory_space<vmem>>
      %dma_start3A_252 = tpu.memref_squeeze %dma_start3A_251 : memref<1x8x128xi32, #tpu.memory_space<vmem>> -> memref<8x128xi32, #tpu.memory_space<vmem>>
      %dma_start3A_253 = arith.constant 0 : i32
      %dma_start3A_254 = tpu.memref_slice %dma_start3A_252[%dma_start3A_243, %dma_start3A_253] : memref<8x128xi32, #tpu.memory_space<vmem>> -> memref<1x128xi32, #tpu.memory_space<vmem>>
      %dma_start3A_255 = tpu.memref_squeeze %dma_start3A_254 : memref<1x128xi32, #tpu.memory_space<vmem>> -> memref<128xi32, #tpu.memory_space<vmem>>
      %dma_start3A_256 = arith.constant 0 : i32
      %dma_start3A_257 = arith.constant 0 : i32
      %dma_start3A_258 = tpu.memref_slice %arg2[%dma_start3A_256, %dma_start3A_257] : memref<10240x128xf32, #tpu.memory_space<hbm>> -> memref<10240x128xf32, #tpu.memory_space<hbm>>
      tpu.enqueue_indirect_dma source(%dma_start3A_258 : memref<10240x128xf32, #tpu.memory_space<hbm>>) target(%dma_start3A_248 : memref<128x128xf32, #tpu.memory_space<vmem>>) offsets(%dma_start3A_255 : memref<128xi32, #tpu.memory_space<vmem>>) semaphore(%arg11 : memref<!tpu.dma_semaphore, #tpu.memory_space<semaphore_mem>>)
      %dma_wait3A_259 = arith.constant 0 : i32
      %dma_wait3A_260 = arith.constant 3 : i32
      %dma_wait3A_261 = arith.constant 1 : i32
      %dma_wait3A_262 = arith.constant 0 : i32
      %dma_wait3A_263 = arith.constant 0 : i32
      %dma_wait3A_264 = tpu.memref_slice %arg9[%dma_wait3A_261, %dma_wait3A_262, %dma_wait3A_263] : memref<2x128x128xf32, #tpu.memory_space<vmem>> -> memref<1x128x128xf32, #tpu.memory_space<vmem>>
      %dma_wait3A_265 = tpu.memref_squeeze %dma_wait3A_264 : memref<1x128x128xf32, #tpu.memory_space<vmem>> -> memref<128x128xf32, #tpu.memory_space<vmem>>
      %dma_wait3A_266 = arith.constant 0 : i32
      %dma_wait3A_267 = arith.constant 0 : i32
      %dma_wait3A_268 = tpu.memref_slice %arg7[%dma_wait3A_259, %dma_wait3A_266, %dma_wait3A_267] : memref<2x8x128xi32, #tpu.memory_space<vmem>> -> memref<1x8x128xi32, #tpu.memory_space<vmem>>
      %dma_wait3A_269 = tpu.memref_squeeze %dma_wait3A_268 : memref<1x8x128xi32, #tpu.memory_space<vmem>> -> memref<8x128xi32, #tpu.memory_space<vmem>>
      %dma_wait3A_270 = arith.constant 0 : i32
      %dma_wait3A_271 = tpu.memref_slice %dma_wait3A_269[%dma_wait3A_260, %dma_wait3A_270] : memref<8x128xi32, #tpu.memory_space<vmem>> -> memref<1x128xi32, #tpu.memory_space<vmem>>
      %dma_wait3A_272 = tpu.memref_squeeze %dma_wait3A_271 : memref<1x128xi32, #tpu.memory_space<vmem>> -> memref<128xi32, #tpu.memory_space<vmem>>
      %dma_wait3A_273 = arith.constant 0 : i32
      %dma_wait3A_274 = arith.constant 0 : i32
      %dma_wait3A_275 = tpu.memref_slice %arg2[%dma_wait3A_273, %dma_wait3A_274] : memref<10240x128xf32, #tpu.memory_space<hbm>> -> memref<10240x128xf32, #tpu.memory_space<hbm>>
      tpu.wait_indirect_dma semaphore(%arg12 : memref<!tpu.dma_semaphore, #tpu.memory_space<semaphore_mem>>) src(%dma_wait3A_275 : memref<10240x128xf32, #tpu.memory_space<hbm>>) dst(%dma_wait3A_265 : memref<128x128xf32, #tpu.memory_space<vmem>>)
      %run_scoped3A_276 = arith.constant 1 : i32
      %run_scoped3A_277 = arith.constant 0 : i32
      %run_scoped3A_278 = arith.constant 3 : i32
      "tpu.region"() ({
        %run_scoped3A_763 = tpu.sem_alloc : memref<!tpu.dma_semaphore, #tpu.memory_space<semaphore_mem>>
        %dma_start3A_764 = arith.constant 0 : i32
        %dma_start3A_765 = arith.constant 0 : i32
        %dma_start3A_766 = tpu.memref_slice %arg9[%run_scoped3A_276, %dma_start3A_764, %dma_start3A_765] : memref<2x128x128xf32, #tpu.memory_space<vmem>> -> memref<1x128x128xf32, #tpu.memory_space<vmem>>
        %dma_start3A_767 = tpu.memref_squeeze %dma_start3A_766 : memref<1x128x128xf32, #tpu.memory_space<vmem>> -> memref<128x128xf32, #tpu.memory_space<vmem>>
        %dma_start3A_768 = arith.constant 0 : i32
        %dma_start3A_769 = arith.constant 0 : i32
        %dma_start3A_770 = tpu.memref_slice %arg8[%run_scoped3A_277, %dma_start3A_768, %dma_start3A_769] : memref<2x8x128xi32, #tpu.memory_space<vmem>> -> memref<1x8x128xi32, #tpu.memory_space<vmem>>
        %dma_start3A_771 = tpu.memref_squeeze %dma_start3A_770 : memref<1x8x128xi32, #tpu.memory_space<vmem>> -> memref<8x128xi32, #tpu.memory_space<vmem>>
        %dma_start3A_772 = arith.constant 0 : i32
        %dma_start3A_773 = tpu.memref_slice %dma_start3A_771[%run_scoped3A_278, %dma_start3A_772] : memref<8x128xi32, #tpu.memory_space<vmem>> -> memref<1x128xi32, #tpu.memory_space<vmem>>
        %dma_start3A_774 = tpu.memref_squeeze %dma_start3A_773 : memref<1x128xi32, #tpu.memory_space<vmem>> -> memref<128xi32, #tpu.memory_space<vmem>>
        %dma_start3A_775 = arith.constant 0 : i32
        %dma_start3A_776 = arith.constant 0 : i32
        %dma_start3A_777 = tpu.memref_slice %arg10[%dma_start3A_775, %dma_start3A_776] : memref<10240x128xf32, #tpu.memory_space<vmem_shared>> -> memref<10240x128xf32, #tpu.memory_space<vmem_shared>>
        tpu.enqueue_indirect_dma source(%dma_start3A_767 : memref<128x128xf32, #tpu.memory_space<vmem>>) target(%dma_start3A_777 : memref<10240x128xf32, #tpu.memory_space<vmem_shared>>) offsets(%dma_start3A_774 : memref<128xi32, #tpu.memory_space<vmem>>) semaphore(%run_scoped3A_763 : memref<!tpu.dma_semaphore, #tpu.memory_space<semaphore_mem>>) {add = true}
        %dma_wait3A_778 = arith.constant 0 : i32
        %dma_wait3A_779 = arith.constant 0 : i32
        %dma_wait3A_780 = tpu.memref_slice %arg9[%run_scoped3A_276, %dma_wait3A_778, %dma_wait3A_779] : memref<2x128x128xf32, #tpu.memory_space<vmem>> -> memref<1x128x128xf32, #tpu.memory_space<vmem>>
        %dma_wait3A_781 = tpu.memref_squeeze %dma_wait3A_780 : memref<1x128x128xf32, #tpu.memory_space<vmem>> -> memref<128x128xf32, #tpu.memory_space<vmem>>
        %dma_wait3A_782 = arith.constant 0 : i32
        %dma_wait3A_783 = arith.constant 0 : i32
        %dma_wait3A_784 = tpu.memref_slice %arg8[%run_scoped3A_277, %dma_wait3A_782, %dma_wait3A_783] : memref<2x8x128xi32, #tpu.memory_space<vmem>> -> memref<1x8x128xi32, #tpu.memory_space<vmem>>
        %dma_wait3A_785 = tpu.memref_squeeze %dma_wait3A_784 : memref<1x8x128xi32, #tpu.memory_space<vmem>> -> memref<8x128xi32, #tpu.memory_space<vmem>>
        %dma_wait3A_786 = arith.constant 0 : i32
        %dma_wait3A_787 = tpu.memref_slice %dma_wait3A_785[%run_scoped3A_278, %dma_wait3A_786] : memref<8x128xi32, #tpu.memory_space<vmem>> -> memref<1x128xi32, #tpu.memory_space<vmem>>
        %dma_wait3A_788 = tpu.memref_squeeze %dma_wait3A_787 : memref<1x128xi32, #tpu.memory_space<vmem>> -> memref<128xi32, #tpu.memory_space<vmem>>
        %dma_wait3A_789 = arith.constant 0 : i32
        %dma_wait3A_790 = arith.constant 0 : i32
        %dma_wait3A_791 = tpu.memref_slice %arg10[%dma_wait3A_789, %dma_wait3A_790] : memref<10240x128xf32, #tpu.memory_space<vmem_shared>> -> memref<10240x128xf32, #tpu.memory_space<vmem_shared>>
        tpu.wait_indirect_dma semaphore(%run_scoped3A_763 : memref<!tpu.dma_semaphore, #tpu.memory_space<semaphore_mem>>) src(%dma_wait3A_781 : memref<128x128xf32, #tpu.memory_space<vmem>>) dst(%dma_wait3A_791 : memref<10240x128xf32, #tpu.memory_space<vmem_shared>>)
        tpu.yield
      }) : () -> ()
      %dma_start3A_279 = arith.constant 0 : i32
      %dma_start3A_280 = arith.constant 5 : i32
      %dma_start3A_281 = arith.constant 1 : i32
      %dma_start3A_282 = arith.constant 0 : i32
      %dma_start3A_283 = arith.constant 0 : i32
      %dma_start3A_284 = tpu.memref_slice %arg9[%dma_start3A_281, %dma_start3A_282, %dma_start3A_283] : memref<2x128x128xf32, #tpu.memory_space<vmem>> -> memref<1x128x128xf32, #tpu.memory_space<vmem>>
      %dma_start3A_285 = tpu.memref_squeeze %dma_start3A_284 : memref<1x128x128xf32, #tpu.memory_space<vmem>> -> memref<128x128xf32, #tpu.memory_space<vmem>>
      %dma_start3A_286 = arith.constant 0 : i32
      %dma_start3A_287 = arith.constant 0 : i32
      %dma_start3A_288 = tpu.memref_slice %arg7[%dma_start3A_279, %dma_start3A_286, %dma_start3A_287] : memref<2x8x128xi32, #tpu.memory_space<vmem>> -> memref<1x8x128xi32, #tpu.memory_space<vmem>>
      %dma_start3A_289 = tpu.memref_squeeze %dma_start3A_288 : memref<1x8x128xi32, #tpu.memory_space<vmem>> -> memref<8x128xi32, #tpu.memory_space<vmem>>
      %dma_start3A_290 = arith.constant 0 : i32
      %dma_start3A_291 = tpu.memref_slice %dma_start3A_289[%dma_start3A_280, %dma_start3A_290] : memref<8x128xi32, #tpu.memory_space<vmem>> -> memref<1x128xi32, #tpu.memory_space<vmem>>
      %dma_start3A_292 = tpu.memref_squeeze %dma_start3A_291 : memref<1x128xi32, #tpu.memory_space<vmem>> -> memref<128xi32, #tpu.memory_space<vmem>>
      %dma_start3A_293 = arith.constant 0 : i32
      %dma_start3A_294 = arith.constant 0 : i32
      %dma_start3A_295 = tpu.memref_slice %arg2[%dma_start3A_293, %dma_start3A_294] : memref<10240x128xf32, #tpu.memory_space<hbm>> -> memref<10240x128xf32, #tpu.memory_space<hbm>>
      tpu.enqueue_indirect_dma source(%dma_start3A_295 : memref<10240x128xf32, #tpu.memory_space<hbm>>) target(%dma_start3A_285 : memref<128x128xf32, #tpu.memory_space<vmem>>) offsets(%dma_start3A_292 : memref<128xi32, #tpu.memory_space<vmem>>) semaphore(%arg12 : memref<!tpu.dma_semaphore, #tpu.memory_space<semaphore_mem>>)
      %dma_wait3A_296 = arith.constant 0 : i32
      %dma_wait3A_297 = arith.constant 4 : i32
      %dma_wait3A_298 = arith.constant 0 : i32
      %dma_wait3A_299 = arith.constant 0 : i32
      %dma_wait3A_300 = arith.constant 0 : i32
      %dma_wait3A_301 = tpu.memref_slice %arg9[%dma_wait3A_298, %dma_wait3A_299, %dma_wait3A_300] : memref<2x128x128xf32, #tpu.memory_space<vmem>> -> memref<1x128x128xf32, #tpu.memory_space<vmem>>
      %dma_wait3A_302 = tpu.memref_squeeze %dma_wait3A_301 : memref<1x128x128xf32, #tpu.memory_space<vmem>> -> memref<128x128xf32, #tpu.memory_space<vmem>>
      %dma_wait3A_303 = arith.constant 0 : i32
      %dma_wait3A_304 = arith.constant 0 : i32
      %dma_wait3A_305 = tpu.memref_slice %arg7[%dma_wait3A_296, %dma_wait3A_303, %dma_wait3A_304] : memref<2x8x128xi32, #tpu.memory_space<vmem>> -> memref<1x8x128xi32, #tpu.memory_space<vmem>>
      %dma_wait3A_306 = tpu.memref_squeeze %dma_wait3A_305 : memref<1x8x128xi32, #tpu.memory_space<vmem>> -> memref<8x128xi32, #tpu.memory_space<vmem>>
      %dma_wait3A_307 = arith.constant 0 : i32
      %dma_wait3A_308 = tpu.memref_slice %dma_wait3A_306[%dma_wait3A_297, %dma_wait3A_307] : memref<8x128xi32, #tpu.memory_space<vmem>> -> memref<1x128xi32, #tpu.memory_space<vmem>>
      %dma_wait3A_309 = tpu.memref_squeeze %dma_wait3A_308 : memref<1x128xi32, #tpu.memory_space<vmem>> -> memref<128xi32, #tpu.memory_space<vmem>>
      %dma_wait3A_310 = arith.constant 0 : i32
      %dma_wait3A_311 = arith.constant 0 : i32
      %dma_wait3A_312 = tpu.memref_slice %arg2[%dma_wait3A_310, %dma_wait3A_311] : memref<10240x128xf32, #tpu.memory_space<hbm>> -> memref<10240x128xf32, #tpu.memory_space<hbm>>
      tpu.wait_indirect_dma semaphore(%arg11 : memref<!tpu.dma_semaphore, #tpu.memory_space<semaphore_mem>>) src(%dma_wait3A_312 : memref<10240x128xf32, #tpu.memory_space<hbm>>) dst(%dma_wait3A_302 : memref<128x128xf32, #tpu.memory_space<vmem>>)
      %run_scoped3A_313 = arith.constant 0 : i32
      %run_scoped3A_314 = arith.constant 0 : i32
      %run_scoped3A_315 = arith.constant 4 : i32
      "tpu.region"() ({
        %run_scoped3A_763 = tpu.sem_alloc : memref<!tpu.dma_semaphore, #tpu.memory_space<semaphore_mem>>
        %dma_start3A_764 = arith.constant 0 : i32
        %dma_start3A_765 = arith.constant 0 : i32
        %dma_start3A_766 = tpu.memref_slice %arg9[%run_scoped3A_313, %dma_start3A_764, %dma_start3A_765] : memref<2x128x128xf32, #tpu.memory_space<vmem>> -> memref<1x128x128xf32, #tpu.memory_space<vmem>>
        %dma_start3A_767 = tpu.memref_squeeze %dma_start3A_766 : memref<1x128x128xf32, #tpu.memory_space<vmem>> -> memref<128x128xf32, #tpu.memory_space<vmem>>
        %dma_start3A_768 = arith.constant 0 : i32
        %dma_start3A_769 = arith.constant 0 : i32
        %dma_start3A_770 = tpu.memref_slice %arg8[%run_scoped3A_314, %dma_start3A_768, %dma_start3A_769] : memref<2x8x128xi32, #tpu.memory_space<vmem>> -> memref<1x8x128xi32, #tpu.memory_space<vmem>>
        %dma_start3A_771 = tpu.memref_squeeze %dma_start3A_770 : memref<1x8x128xi32, #tpu.memory_space<vmem>> -> memref<8x128xi32, #tpu.memory_space<vmem>>
        %dma_start3A_772 = arith.constant 0 : i32
        %dma_start3A_773 = tpu.memref_slice %dma_start3A_771[%run_scoped3A_315, %dma_start3A_772] : memref<8x128xi32, #tpu.memory_space<vmem>> -> memref<1x128xi32, #tpu.memory_space<vmem>>
        %dma_start3A_774 = tpu.memref_squeeze %dma_start3A_773 : memref<1x128xi32, #tpu.memory_space<vmem>> -> memref<128xi32, #tpu.memory_space<vmem>>
        %dma_start3A_775 = arith.constant 0 : i32
        %dma_start3A_776 = arith.constant 0 : i32
        %dma_start3A_777 = tpu.memref_slice %arg10[%dma_start3A_775, %dma_start3A_776] : memref<10240x128xf32, #tpu.memory_space<vmem_shared>> -> memref<10240x128xf32, #tpu.memory_space<vmem_shared>>
        tpu.enqueue_indirect_dma source(%dma_start3A_767 : memref<128x128xf32, #tpu.memory_space<vmem>>) target(%dma_start3A_777 : memref<10240x128xf32, #tpu.memory_space<vmem_shared>>) offsets(%dma_start3A_774 : memref<128xi32, #tpu.memory_space<vmem>>) semaphore(%run_scoped3A_763 : memref<!tpu.dma_semaphore, #tpu.memory_space<semaphore_mem>>) {add = true}
        %dma_wait3A_778 = arith.constant 0 : i32
        %dma_wait3A_779 = arith.constant 0 : i32
        %dma_wait3A_780 = tpu.memref_slice %arg9[%run_scoped3A_313, %dma_wait3A_778, %dma_wait3A_779] : memref<2x128x128xf32, #tpu.memory_space<vmem>> -> memref<1x128x128xf32, #tpu.memory_space<vmem>>
        %dma_wait3A_781 = tpu.memref_squeeze %dma_wait3A_780 : memref<1x128x128xf32, #tpu.memory_space<vmem>> -> memref<128x128xf32, #tpu.memory_space<vmem>>
        %dma_wait3A_782 = arith.constant 0 : i32
        %dma_wait3A_783 = arith.constant 0 : i32
        %dma_wait3A_784 = tpu.memref_slice %arg8[%run_scoped3A_314, %dma_wait3A_782, %dma_wait3A_783] : memref<2x8x128xi32, #tpu.memory_space<vmem>> -> memref<1x8x128xi32, #tpu.memory_space<vmem>>
        %dma_wait3A_785 = tpu.memref_squeeze %dma_wait3A_784 : memref<1x8x128xi32, #tpu.memory_space<vmem>> -> memref<8x128xi32, #tpu.memory_space<vmem>>
        %dma_wait3A_786 = arith.constant 0 : i32
        %dma_wait3A_787 = tpu.memref_slice %dma_wait3A_785[%run_scoped3A_315, %dma_wait3A_786] : memref<8x128xi32, #tpu.memory_space<vmem>> -> memref<1x128xi32, #tpu.memory_space<vmem>>
        %dma_wait3A_788 = tpu.memref_squeeze %dma_wait3A_787 : memref<1x128xi32, #tpu.memory_space<vmem>> -> memref<128xi32, #tpu.memory_space<vmem>>
        %dma_wait3A_789 = arith.constant 0 : i32
        %dma_wait3A_790 = arith.constant 0 : i32
        %dma_wait3A_791 = tpu.memref_slice %arg10[%dma_wait3A_789, %dma_wait3A_790] : memref<10240x128xf32, #tpu.memory_space<vmem_shared>> -> memref<10240x128xf32, #tpu.memory_space<vmem_shared>>
        tpu.wait_indirect_dma semaphore(%run_scoped3A_763 : memref<!tpu.dma_semaphore, #tpu.memory_space<semaphore_mem>>) src(%dma_wait3A_781 : memref<128x128xf32, #tpu.memory_space<vmem>>) dst(%dma_wait3A_791 : memref<10240x128xf32, #tpu.memory_space<vmem_shared>>)
        tpu.yield
      }) : () -> ()
      %dma_start3A_316 = arith.constant 0 : i32
      %dma_start3A_317 = arith.constant 6 : i32
      %dma_start3A_318 = arith.constant 0 : i32
      %dma_start3A_319 = arith.constant 0 : i32
      %dma_start3A_320 = arith.constant 0 : i32
      %dma_start3A_321 = tpu.memref_slice %arg9[%dma_start3A_318, %dma_start3A_319, %dma_start3A_320] : memref<2x128x128xf32, #tpu.memory_space<vmem>> -> memref<1x128x128xf32, #tpu.memory_space<vmem>>
      %dma_start3A_322 = tpu.memref_squeeze %dma_start3A_321 : memref<1x128x128xf32, #tpu.memory_space<vmem>> -> memref<128x128xf32, #tpu.memory_space<vmem>>
      %dma_start3A_323 = arith.constant 0 : i32
      %dma_start3A_324 = arith.constant 0 : i32
      %dma_start3A_325 = tpu.memref_slice %arg7[%dma_start3A_316, %dma_start3A_323, %dma_start3A_324] : memref<2x8x128xi32, #tpu.memory_space<vmem>> -> memref<1x8x128xi32, #tpu.memory_space<vmem>>
      %dma_start3A_326 = tpu.memref_squeeze %dma_start3A_325 : memref<1x8x128xi32, #tpu.memory_space<vmem>> -> memref<8x128xi32, #tpu.memory_space<vmem>>
      %dma_start3A_327 = arith.constant 0 : i32
      %dma_start3A_328 = tpu.memref_slice %dma_start3A_326[%dma_start3A_317, %dma_start3A_327] : memref<8x128xi32, #tpu.memory_space<vmem>> -> memref<1x128xi32, #tpu.memory_space<vmem>>
      %dma_start3A_329 = tpu.memref_squeeze %dma_start3A_328 : memref<1x128xi32, #tpu.memory_space<vmem>> -> memref<128xi32, #tpu.memory_space<vmem>>
      %dma_start3A_330 = arith.constant 0 : i32
      %dma_start3A_331 = arith.constant 0 : i32
      %dma_start3A_332 = tpu.memref_slice %arg2[%dma_start3A_330, %dma_start3A_331] : memref<10240x128xf32, #tpu.memory_space<hbm>> -> memref<10240x128xf32, #tpu.memory_space<hbm>>
      tpu.enqueue_indirect_dma source(%dma_start3A_332 : memref<10240x128xf32, #tpu.memory_space<hbm>>) target(%dma_start3A_322 : memref<128x128xf32, #tpu.memory_space<vmem>>) offsets(%dma_start3A_329 : memref<128xi32, #tpu.memory_space<vmem>>) semaphore(%arg11 : memref<!tpu.dma_semaphore, #tpu.memory_space<semaphore_mem>>)
      %dma_wait3A_333 = arith.constant 0 : i32
      %dma_wait3A_334 = arith.constant 5 : i32
      %dma_wait3A_335 = arith.constant 1 : i32
      %dma_wait3A_336 = arith.constant 0 : i32
      %dma_wait3A_337 = arith.constant 0 : i32
      %dma_wait3A_338 = tpu.memref_slice %arg9[%dma_wait3A_335, %dma_wait3A_336, %dma_wait3A_337] : memref<2x128x128xf32, #tpu.memory_space<vmem>> -> memref<1x128x128xf32, #tpu.memory_space<vmem>>
      %dma_wait3A_339 = tpu.memref_squeeze %dma_wait3A_338 : memref<1x128x128xf32, #tpu.memory_space<vmem>> -> memref<128x128xf32, #tpu.memory_space<vmem>>
      %dma_wait3A_340 = arith.constant 0 : i32
      %dma_wait3A_341 = arith.constant 0 : i32
      %dma_wait3A_342 = tpu.memref_slice %arg7[%dma_wait3A_333, %dma_wait3A_340, %dma_wait3A_341] : memref<2x8x128xi32, #tpu.memory_space<vmem>> -> memref<1x8x128xi32, #tpu.memory_space<vmem>>
      %dma_wait3A_343 = tpu.memref_squeeze %dma_wait3A_342 : memref<1x8x128xi32, #tpu.memory_space<vmem>> -> memref<8x128xi32, #tpu.memory_space<vmem>>
      %dma_wait3A_344 = arith.constant 0 : i32
      %dma_wait3A_345 = tpu.memref_slice %dma_wait3A_343[%dma_wait3A_334, %dma_wait3A_344] : memref<8x128xi32, #tpu.memory_space<vmem>> -> memref<1x128xi32, #tpu.memory_space<vmem>>
      %dma_wait3A_346 = tpu.memref_squeeze %dma_wait3A_345 : memref<1x128xi32, #tpu.memory_space<vmem>> -> memref<128xi32, #tpu.memory_space<vmem>>
      %dma_wait3A_347 = arith.constant 0 : i32
      %dma_wait3A_348 = arith.constant 0 : i32
      %dma_wait3A_349 = tpu.memref_slice %arg2[%dma_wait3A_347, %dma_wait3A_348] : memref<10240x128xf32, #tpu.memory_space<hbm>> -> memref<10240x128xf32, #tpu.memory_space<hbm>>
      tpu.wait_indirect_dma semaphore(%arg12 : memref<!tpu.dma_semaphore, #tpu.memory_space<semaphore_mem>>) src(%dma_wait3A_349 : memref<10240x128xf32, #tpu.memory_space<hbm>>) dst(%dma_wait3A_339 : memref<128x128xf32, #tpu.memory_space<vmem>>)
      %run_scoped3A_350 = arith.constant 1 : i32
      %run_scoped3A_351 = arith.constant 0 : i32
      %run_scoped3A_352 = arith.constant 5 : i32
      "tpu.region"() ({
        %run_scoped3A_763 = tpu.sem_alloc : memref<!tpu.dma_semaphore, #tpu.memory_space<semaphore_mem>>
        %dma_start3A_764 = arith.constant 0 : i32
        %dma_start3A_765 = arith.constant 0 : i32
        %dma_start3A_766 = tpu.memref_slice %arg9[%run_scoped3A_350, %dma_start3A_764, %dma_start3A_765] : memref<2x128x128xf32, #tpu.memory_space<vmem>> -> memref<1x128x128xf32, #tpu.memory_space<vmem>>
        %dma_start3A_767 = tpu.memref_squeeze %dma_start3A_766 : memref<1x128x128xf32, #tpu.memory_space<vmem>> -> memref<128x128xf32, #tpu.memory_space<vmem>>
        %dma_start3A_768 = arith.constant 0 : i32
        %dma_start3A_769 = arith.constant 0 : i32
        %dma_start3A_770 = tpu.memref_slice %arg8[%run_scoped3A_351, %dma_start3A_768, %dma_start3A_769] : memref<2x8x128xi32, #tpu.memory_space<vmem>> -> memref<1x8x128xi32, #tpu.memory_space<vmem>>
        %dma_start3A_771 = tpu.memref_squeeze %dma_start3A_770 : memref<1x8x128xi32, #tpu.memory_space<vmem>> -> memref<8x128xi32, #tpu.memory_space<vmem>>
        %dma_start3A_772 = arith.constant 0 : i32
        %dma_start3A_773 = tpu.memref_slice %dma_start3A_771[%run_scoped3A_352, %dma_start3A_772] : memref<8x128xi32, #tpu.memory_space<vmem>> -> memref<1x128xi32, #tpu.memory_space<vmem>>
        %dma_start3A_774 = tpu.memref_squeeze %dma_start3A_773 : memref<1x128xi32, #tpu.memory_space<vmem>> -> memref<128xi32, #tpu.memory_space<vmem>>
        %dma_start3A_775 = arith.constant 0 : i32
        %dma_start3A_776 = arith.constant 0 : i32
        %dma_start3A_777 = tpu.memref_slice %arg10[%dma_start3A_775, %dma_start3A_776] : memref<10240x128xf32, #tpu.memory_space<vmem_shared>> -> memref<10240x128xf32, #tpu.memory_space<vmem_shared>>
        tpu.enqueue_indirect_dma source(%dma_start3A_767 : memref<128x128xf32, #tpu.memory_space<vmem>>) target(%dma_start3A_777 : memref<10240x128xf32, #tpu.memory_space<vmem_shared>>) offsets(%dma_start3A_774 : memref<128xi32, #tpu.memory_space<vmem>>) semaphore(%run_scoped3A_763 : memref<!tpu.dma_semaphore, #tpu.memory_space<semaphore_mem>>) {add = true}
        %dma_wait3A_778 = arith.constant 0 : i32
        %dma_wait3A_779 = arith.constant 0 : i32
        %dma_wait3A_780 = tpu.memref_slice %arg9[%run_scoped3A_350, %dma_wait3A_778, %dma_wait3A_779] : memref<2x128x128xf32, #tpu.memory_space<vmem>> -> memref<1x128x128xf32, #tpu.memory_space<vmem>>
        %dma_wait3A_781 = tpu.memref_squeeze %dma_wait3A_780 : memref<1x128x128xf32, #tpu.memory_space<vmem>> -> memref<128x128xf32, #tpu.memory_space<vmem>>
        %dma_wait3A_782 = arith.constant 0 : i32
        %dma_wait3A_783 = arith.constant 0 : i32
        %dma_wait3A_784 = tpu.memref_slice %arg8[%run_scoped3A_351, %dma_wait3A_782, %dma_wait3A_783] : memref<2x8x128xi32, #tpu.memory_space<vmem>> -> memref<1x8x128xi32, #tpu.memory_space<vmem>>
        %dma_wait3A_785 = tpu.memref_squeeze %dma_wait3A_784 : memref<1x8x128xi32, #tpu.memory_space<vmem>> -> memref<8x128xi32, #tpu.memory_space<vmem>>
        %dma_wait3A_786 = arith.constant 0 : i32
        %dma_wait3A_787 = tpu.memref_slice %dma_wait3A_785[%run_scoped3A_352, %dma_wait3A_786] : memref<8x128xi32, #tpu.memory_space<vmem>> -> memref<1x128xi32, #tpu.memory_space<vmem>>
        %dma_wait3A_788 = tpu.memref_squeeze %dma_wait3A_787 : memref<1x128xi32, #tpu.memory_space<vmem>> -> memref<128xi32, #tpu.memory_space<vmem>>
        %dma_wait3A_789 = arith.constant 0 : i32
        %dma_wait3A_790 = arith.constant 0 : i32
        %dma_wait3A_791 = tpu.memref_slice %arg10[%dma_wait3A_789, %dma_wait3A_790] : memref<10240x128xf32, #tpu.memory_space<vmem_shared>> -> memref<10240x128xf32, #tpu.memory_space<vmem_shared>>
        tpu.wait_indirect_dma semaphore(%run_scoped3A_763 : memref<!tpu.dma_semaphore, #tpu.memory_space<semaphore_mem>>) src(%dma_wait3A_781 : memref<128x128xf32, #tpu.memory_space<vmem>>) dst(%dma_wait3A_791 : memref<10240x128xf32, #tpu.memory_space<vmem_shared>>)
        tpu.yield
      }) : () -> ()
      %dma_start3A_353 = arith.constant 0 : i32
      %dma_start3A_354 = arith.constant 7 : i32
      %dma_start3A_355 = arith.constant 1 : i32
      %dma_start3A_356 = arith.constant 0 : i32
      %dma_start3A_357 = arith.constant 0 : i32
      %dma_start3A_358 = tpu.memref_slice %arg9[%dma_start3A_355, %dma_start3A_356, %dma_start3A_357] : memref<2x128x128xf32, #tpu.memory_space<vmem>> -> memref<1x128x128xf32, #tpu.memory_space<vmem>>
      %dma_start3A_359 = tpu.memref_squeeze %dma_start3A_358 : memref<1x128x128xf32, #tpu.memory_space<vmem>> -> memref<128x128xf32, #tpu.memory_space<vmem>>
      %dma_start3A_360 = arith.constant 0 : i32
      %dma_start3A_361 = arith.constant 0 : i32
      %dma_start3A_362 = tpu.memref_slice %arg7[%dma_start3A_353, %dma_start3A_360, %dma_start3A_361] : memref<2x8x128xi32, #tpu.memory_space<vmem>> -> memref<1x8x128xi32, #tpu.memory_space<vmem>>
      %dma_start3A_363 = tpu.memref_squeeze %dma_start3A_362 : memref<1x8x128xi32, #tpu.memory_space<vmem>> -> memref<8x128xi32, #tpu.memory_space<vmem>>
      %dma_start3A_364 = arith.constant 0 : i32
      %dma_start3A_365 = tpu.memref_slice %dma_start3A_363[%dma_start3A_354, %dma_start3A_364] : memref<8x128xi32, #tpu.memory_space<vmem>> -> memref<1x128xi32, #tpu.memory_space<vmem>>
      %dma_start3A_366 = tpu.memref_squeeze %dma_start3A_365 : memref<1x128xi32, #tpu.memory_space<vmem>> -> memref<128xi32, #tpu.memory_space<vmem>>
      %dma_start3A_367 = arith.constant 0 : i32
      %dma_start3A_368 = arith.constant 0 : i32
      %dma_start3A_369 = tpu.memref_slice %arg2[%dma_start3A_367, %dma_start3A_368] : memref<10240x128xf32, #tpu.memory_space<hbm>> -> memref<10240x128xf32, #tpu.memory_space<hbm>>
      tpu.enqueue_indirect_dma source(%dma_start3A_369 : memref<10240x128xf32, #tpu.memory_space<hbm>>) target(%dma_start3A_359 : memref<128x128xf32, #tpu.memory_space<vmem>>) offsets(%dma_start3A_366 : memref<128xi32, #tpu.memory_space<vmem>>) semaphore(%arg12 : memref<!tpu.dma_semaphore, #tpu.memory_space<semaphore_mem>>)
      %dma_wait3A_370 = arith.constant 0 : i32
      %dma_wait3A_371 = arith.constant 6 : i32
      %dma_wait3A_372 = arith.constant 0 : i32
      %dma_wait3A_373 = arith.constant 0 : i32
      %dma_wait3A_374 = arith.constant 0 : i32
      %dma_wait3A_375 = tpu.memref_slice %arg9[%dma_wait3A_372, %dma_wait3A_373, %dma_wait3A_374] : memref<2x128x128xf32, #tpu.memory_space<vmem>> -> memref<1x128x128xf32, #tpu.memory_space<vmem>>
      %dma_wait3A_376 = tpu.memref_squeeze %dma_wait3A_375 : memref<1x128x128xf32, #tpu.memory_space<vmem>> -> memref<128x128xf32, #tpu.memory_space<vmem>>
      %dma_wait3A_377 = arith.constant 0 : i32
      %dma_wait3A_378 = arith.constant 0 : i32
      %dma_wait3A_379 = tpu.memref_slice %arg7[%dma_wait3A_370, %dma_wait3A_377, %dma_wait3A_378] : memref<2x8x128xi32, #tpu.memory_space<vmem>> -> memref<1x8x128xi32, #tpu.memory_space<vmem>>
      %dma_wait3A_380 = tpu.memref_squeeze %dma_wait3A_379 : memref<1x8x128xi32, #tpu.memory_space<vmem>> -> memref<8x128xi32, #tpu.memory_space<vmem>>
      %dma_wait3A_381 = arith.constant 0 : i32
      %dma_wait3A_382 = tpu.memref_slice %dma_wait3A_380[%dma_wait3A_371, %dma_wait3A_381] : memref<8x128xi32, #tpu.memory_space<vmem>> -> memref<1x128xi32, #tpu.memory_space<vmem>>
      %dma_wait3A_383 = tpu.memref_squeeze %dma_wait3A_382 : memref<1x128xi32, #tpu.memory_space<vmem>> -> memref<128xi32, #tpu.memory_space<vmem>>
      %dma_wait3A_384 = arith.constant 0 : i32
      %dma_wait3A_385 = arith.constant 0 : i32
      %dma_wait3A_386 = tpu.memref_slice %arg2[%dma_wait3A_384, %dma_wait3A_385] : memref<10240x128xf32, #tpu.memory_space<hbm>> -> memref<10240x128xf32, #tpu.memory_space<hbm>>
      tpu.wait_indirect_dma semaphore(%arg11 : memref<!tpu.dma_semaphore, #tpu.memory_space<semaphore_mem>>) src(%dma_wait3A_386 : memref<10240x128xf32, #tpu.memory_space<hbm>>) dst(%dma_wait3A_376 : memref<128x128xf32, #tpu.memory_space<vmem>>)
      %run_scoped3A_387 = arith.constant 0 : i32
      %run_scoped3A_388 = arith.constant 0 : i32
      %run_scoped3A_389 = arith.constant 6 : i32
      "tpu.region"() ({
        %run_scoped3A_763 = tpu.sem_alloc : memref<!tpu.dma_semaphore, #tpu.memory_space<semaphore_mem>>
        %dma_start3A_764 = arith.constant 0 : i32
        %dma_start3A_765 = arith.constant 0 : i32
        %dma_start3A_766 = tpu.memref_slice %arg9[%run_scoped3A_387, %dma_start3A_764, %dma_start3A_765] : memref<2x128x128xf32, #tpu.memory_space<vmem>> -> memref<1x128x128xf32, #tpu.memory_space<vmem>>
        %dma_start3A_767 = tpu.memref_squeeze %dma_start3A_766 : memref<1x128x128xf32, #tpu.memory_space<vmem>> -> memref<128x128xf32, #tpu.memory_space<vmem>>
        %dma_start3A_768 = arith.constant 0 : i32
        %dma_start3A_769 = arith.constant 0 : i32
        %dma_start3A_770 = tpu.memref_slice %arg8[%run_scoped3A_388, %dma_start3A_768, %dma_start3A_769] : memref<2x8x128xi32, #tpu.memory_space<vmem>> -> memref<1x8x128xi32, #tpu.memory_space<vmem>>
        %dma_start3A_771 = tpu.memref_squeeze %dma_start3A_770 : memref<1x8x128xi32, #tpu.memory_space<vmem>> -> memref<8x128xi32, #tpu.memory_space<vmem>>
        %dma_start3A_772 = arith.constant 0 : i32
        %dma_start3A_773 = tpu.memref_slice %dma_start3A_771[%run_scoped3A_389, %dma_start3A_772] : memref<8x128xi32, #tpu.memory_space<vmem>> -> memref<1x128xi32, #tpu.memory_space<vmem>>
        %dma_start3A_774 = tpu.memref_squeeze %dma_start3A_773 : memref<1x128xi32, #tpu.memory_space<vmem>> -> memref<128xi32, #tpu.memory_space<vmem>>
        %dma_start3A_775 = arith.constant 0 : i32
        %dma_start3A_776 = arith.constant 0 : i32
        %dma_start3A_777 = tpu.memref_slice %arg10[%dma_start3A_775, %dma_start3A_776] : memref<10240x128xf32, #tpu.memory_space<vmem_shared>> -> memref<10240x128xf32, #tpu.memory_space<vmem_shared>>
        tpu.enqueue_indirect_dma source(%dma_start3A_767 : memref<128x128xf32, #tpu.memory_space<vmem>>) target(%dma_start3A_777 : memref<10240x128xf32, #tpu.memory_space<vmem_shared>>) offsets(%dma_start3A_774 : memref<128xi32, #tpu.memory_space<vmem>>) semaphore(%run_scoped3A_763 : memref<!tpu.dma_semaphore, #tpu.memory_space<semaphore_mem>>) {add = true}
        %dma_wait3A_778 = arith.constant 0 : i32
        %dma_wait3A_779 = arith.constant 0 : i32
        %dma_wait3A_780 = tpu.memref_slice %arg9[%run_scoped3A_387, %dma_wait3A_778, %dma_wait3A_779] : memref<2x128x128xf32, #tpu.memory_space<vmem>> -> memref<1x128x128xf32, #tpu.memory_space<vmem>>
        %dma_wait3A_781 = tpu.memref_squeeze %dma_wait3A_780 : memref<1x128x128xf32, #tpu.memory_space<vmem>> -> memref<128x128xf32, #tpu.memory_space<vmem>>
        %dma_wait3A_782 = arith.constant 0 : i32
        %dma_wait3A_783 = arith.constant 0 : i32
        %dma_wait3A_784 = tpu.memref_slice %arg8[%run_scoped3A_388, %dma_wait3A_782, %dma_wait3A_783] : memref<2x8x128xi32, #tpu.memory_space<vmem>> -> memref<1x8x128xi32, #tpu.memory_space<vmem>>
        %dma_wait3A_785 = tpu.memref_squeeze %dma_wait3A_784 : memref<1x8x128xi32, #tpu.memory_space<vmem>> -> memref<8x128xi32, #tpu.memory_space<vmem>>
        %dma_wait3A_786 = arith.constant 0 : i32
        %dma_wait3A_787 = tpu.memref_slice %dma_wait3A_785[%run_scoped3A_389, %dma_wait3A_786] : memref<8x128xi32, #tpu.memory_space<vmem>> -> memref<1x128xi32, #tpu.memory_space<vmem>>
        %dma_wait3A_788 = tpu.memref_squeeze %dma_wait3A_787 : memref<1x128xi32, #tpu.memory_space<vmem>> -> memref<128xi32, #tpu.memory_space<vmem>>
        %dma_wait3A_789 = arith.constant 0 : i32
        %dma_wait3A_790 = arith.constant 0 : i32
        %dma_wait3A_791 = tpu.memref_slice %arg10[%dma_wait3A_789, %dma_wait3A_790] : memref<10240x128xf32, #tpu.memory_space<vmem_shared>> -> memref<10240x128xf32, #tpu.memory_space<vmem_shared>>
        tpu.wait_indirect_dma semaphore(%run_scoped3A_763 : memref<!tpu.dma_semaphore, #tpu.memory_space<semaphore_mem>>) src(%dma_wait3A_781 : memref<128x128xf32, #tpu.memory_space<vmem>>) dst(%dma_wait3A_791 : memref<10240x128xf32, #tpu.memory_space<vmem_shared>>)
        tpu.yield
      }) : () -> ()
      %dma_wait3A_390 = arith.constant 0 : i32
      %dma_wait3A_391 = arith.constant 7 : i32
      %dma_wait3A_392 = arith.constant 1 : i32
      %dma_wait3A_393 = arith.constant 0 : i32
      %dma_wait3A_394 = arith.constant 0 : i32
      %dma_wait3A_395 = tpu.memref_slice %arg9[%dma_wait3A_392, %dma_wait3A_393, %dma_wait3A_394] : memref<2x128x128xf32, #tpu.memory_space<vmem>> -> memref<1x128x128xf32, #tpu.memory_space<vmem>>
      %dma_wait3A_396 = tpu.memref_squeeze %dma_wait3A_395 : memref<1x128x128xf32, #tpu.memory_space<vmem>> -> memref<128x128xf32, #tpu.memory_space<vmem>>
      %dma_wait3A_397 = arith.constant 0 : i32
      %dma_wait3A_398 = arith.constant 0 : i32
      %dma_wait3A_399 = tpu.memref_slice %arg7[%dma_wait3A_390, %dma_wait3A_397, %dma_wait3A_398] : memref<2x8x128xi32, #tpu.memory_space<vmem>> -> memref<1x8x128xi32, #tpu.memory_space<vmem>>
      %dma_wait3A_400 = tpu.memref_squeeze %dma_wait3A_399 : memref<1x8x128xi32, #tpu.memory_space<vmem>> -> memref<8x128xi32, #tpu.memory_space<vmem>>
      %dma_wait3A_401 = arith.constant 0 : i32
      %dma_wait3A_402 = tpu.memref_slice %dma_wait3A_400[%dma_wait3A_391, %dma_wait3A_401] : memref<8x128xi32, #tpu.memory_space<vmem>> -> memref<1x128xi32, #tpu.memory_space<vmem>>
      %dma_wait3A_403 = tpu.memref_squeeze %dma_wait3A_402 : memref<1x128xi32, #tpu.memory_space<vmem>> -> memref<128xi32, #tpu.memory_space<vmem>>
      %dma_wait3A_404 = arith.constant 0 : i32
      %dma_wait3A_405 = arith.constant 0 : i32
      %dma_wait3A_406 = tpu.memref_slice %arg2[%dma_wait3A_404, %dma_wait3A_405] : memref<10240x128xf32, #tpu.memory_space<hbm>> -> memref<10240x128xf32, #tpu.memory_space<hbm>>
      tpu.wait_indirect_dma semaphore(%arg12 : memref<!tpu.dma_semaphore, #tpu.memory_space<semaphore_mem>>) src(%dma_wait3A_406 : memref<10240x128xf32, #tpu.memory_space<hbm>>) dst(%dma_wait3A_396 : memref<128x128xf32, #tpu.memory_space<vmem>>)
      %run_scoped3A_407 = arith.constant 1 : i32
      %run_scoped3A_408 = arith.constant 0 : i32
      %run_scoped3A_409 = arith.constant 7 : i32
      "tpu.region"() ({
        %run_scoped3A_763 = tpu.sem_alloc : memref<!tpu.dma_semaphore, #tpu.memory_space<semaphore_mem>>
        %dma_start3A_764 = arith.constant 0 : i32
        %dma_start3A_765 = arith.constant 0 : i32
        %dma_start3A_766 = tpu.memref_slice %arg9[%run_scoped3A_407, %dma_start3A_764, %dma_start3A_765] : memref<2x128x128xf32, #tpu.memory_space<vmem>> -> memref<1x128x128xf32, #tpu.memory_space<vmem>>
        %dma_start3A_767 = tpu.memref_squeeze %dma_start3A_766 : memref<1x128x128xf32, #tpu.memory_space<vmem>> -> memref<128x128xf32, #tpu.memory_space<vmem>>
        %dma_start3A_768 = arith.constant 0 : i32
        %dma_start3A_769 = arith.constant 0 : i32
        %dma_start3A_770 = tpu.memref_slice %arg8[%run_scoped3A_408, %dma_start3A_768, %dma_start3A_769] : memref<2x8x128xi32, #tpu.memory_space<vmem>> -> memref<1x8x128xi32, #tpu.memory_space<vmem>>
        %dma_start3A_771 = tpu.memref_squeeze %dma_start3A_770 : memref<1x8x128xi32, #tpu.memory_space<vmem>> -> memref<8x128xi32, #tpu.memory_space<vmem>>
        %dma_start3A_772 = arith.constant 0 : i32
        %dma_start3A_773 = tpu.memref_slice %dma_start3A_771[%run_scoped3A_409, %dma_start3A_772] : memref<8x128xi32, #tpu.memory_space<vmem>> -> memref<1x128xi32, #tpu.memory_space<vmem>>
        %dma_start3A_774 = tpu.memref_squeeze %dma_start3A_773 : memref<1x128xi32, #tpu.memory_space<vmem>> -> memref<128xi32, #tpu.memory_space<vmem>>
        %dma_start3A_775 = arith.constant 0 : i32
        %dma_start3A_776 = arith.constant 0 : i32
        %dma_start3A_777 = tpu.memref_slice %arg10[%dma_start3A_775, %dma_start3A_776] : memref<10240x128xf32, #tpu.memory_space<vmem_shared>> -> memref<10240x128xf32, #tpu.memory_space<vmem_shared>>
        tpu.enqueue_indirect_dma source(%dma_start3A_767 : memref<128x128xf32, #tpu.memory_space<vmem>>) target(%dma_start3A_777 : memref<10240x128xf32, #tpu.memory_space<vmem_shared>>) offsets(%dma_start3A_774 : memref<128xi32, #tpu.memory_space<vmem>>) semaphore(%run_scoped3A_763 : memref<!tpu.dma_semaphore, #tpu.memory_space<semaphore_mem>>) {add = true}
        %dma_wait3A_778 = arith.constant 0 : i32
        %dma_wait3A_779 = arith.constant 0 : i32
        %dma_wait3A_780 = tpu.memref_slice %arg9[%run_scoped3A_407, %dma_wait3A_778, %dma_wait3A_779] : memref<2x128x128xf32, #tpu.memory_space<vmem>> -> memref<1x128x128xf32, #tpu.memory_space<vmem>>
        %dma_wait3A_781 = tpu.memref_squeeze %dma_wait3A_780 : memref<1x128x128xf32, #tpu.memory_space<vmem>> -> memref<128x128xf32, #tpu.memory_space<vmem>>
        %dma_wait3A_782 = arith.constant 0 : i32
        %dma_wait3A_783 = arith.constant 0 : i32
        %dma_wait3A_784 = tpu.memref_slice %arg8[%run_scoped3A_408, %dma_wait3A_782, %dma_wait3A_783] : memref<2x8x128xi32, #tpu.memory_space<vmem>> -> memref<1x8x128xi32, #tpu.memory_space<vmem>>
        %dma_wait3A_785 = tpu.memref_squeeze %dma_wait3A_784 : memref<1x8x128xi32, #tpu.memory_space<vmem>> -> memref<8x128xi32, #tpu.memory_space<vmem>>
        %dma_wait3A_786 = arith.constant 0 : i32
        %dma_wait3A_787 = tpu.memref_slice %dma_wait3A_785[%run_scoped3A_409, %dma_wait3A_786] : memref<8x128xi32, #tpu.memory_space<vmem>> -> memref<1x128xi32, #tpu.memory_space<vmem>>
        %dma_wait3A_788 = tpu.memref_squeeze %dma_wait3A_787 : memref<1x128xi32, #tpu.memory_space<vmem>> -> memref<128xi32, #tpu.memory_space<vmem>>
        %dma_wait3A_789 = arith.constant 0 : i32
        %dma_wait3A_790 = arith.constant 0 : i32
        %dma_wait3A_791 = tpu.memref_slice %arg10[%dma_wait3A_789, %dma_wait3A_790] : memref<10240x128xf32, #tpu.memory_space<vmem_shared>> -> memref<10240x128xf32, #tpu.memory_space<vmem_shared>>
        tpu.wait_indirect_dma semaphore(%run_scoped3A_763 : memref<!tpu.dma_semaphore, #tpu.memory_space<semaphore_mem>>) src(%dma_wait3A_781 : memref<128x128xf32, #tpu.memory_space<vmem>>) dst(%dma_wait3A_791 : memref<10240x128xf32, #tpu.memory_space<vmem_shared>>)
        tpu.yield
      }) : () -> ()
      %mul3A_410 = arith.constant 2 : i32
      %mul3A_411 = arith.muli %mul3A_410, %add3A_61 : i32
      %add3A_412 = arith.constant 1 : i32
      %add3A_413 = arith.addi %mul3A_411, %add3A_412 : i32
      %mul3A_414 = arith.constant 8 : i32
      %mul3A_415 = arith.muli %add3A_413, %mul3A_414 : i32
      %dma_wait3A_416 = arith.constant 1 : i32
      %dma_wait3A_417 = arith.constant 0 : i32
      %dma_wait3A_418 = arith.constant 0 : i32
      %dma_wait3A_419 = tpu.memref_slice %arg7[%dma_wait3A_416, %dma_wait3A_417, %dma_wait3A_418] : memref<2x8x128xi32, #tpu.memory_space<vmem>> -> memref<1x8x128xi32, #tpu.memory_space<vmem>>
      %dma_wait3A_420 = tpu.memref_squeeze %dma_wait3A_419 : memref<1x8x128xi32, #tpu.memory_space<vmem>> -> memref<8x128xi32, #tpu.memory_space<vmem>>
      %dma_wait3A_421 = arith.constant 0 : i32
      %dma_wait3A_422 = arith.constant 0 : i32
      %dma_wait3A_423 = tpu.memref_slice %arg3[%add3A, %dma_wait3A_421, %dma_wait3A_422] : memref<32x80x128xi32, #tpu.memory_space<hbm>> -> memref<1x80x128xi32, #tpu.memory_space<hbm>>
      %dma_wait3A_424 = tpu.memref_squeeze %dma_wait3A_423 : memref<1x80x128xi32, #tpu.memory_space<hbm>> -> memref<80x128xi32, #tpu.memory_space<hbm>>
      %dma_wait3A_425 = arith.constant 0 : i32
      %dma_wait3A_426 = tpu.memref_slice %dma_wait3A_424[%mul3A_415, %dma_wait3A_425] : memref<80x128xi32, #tpu.memory_space<hbm>> -> memref<8x128xi32, #tpu.memory_space<hbm>>
      %dma_wait3A_427 = arith.constant 0 : i32
      %dma_wait3A_428 = arith.constant 0 : i32
      %dma_wait3A_429 = tpu.memref_slice %arg7[%dma_wait3A_416, %dma_wait3A_427, %dma_wait3A_428] : memref<2x8x128xi32, #tpu.memory_space<vmem>> -> memref<1x8x128xi32, #tpu.memory_space<vmem>>
      %dma_wait3A_430 = tpu.memref_squeeze %dma_wait3A_429 : memref<1x8x128xi32, #tpu.memory_space<vmem>> -> memref<8x128xi32, #tpu.memory_space<vmem>>
      %dma_wait3A_431 = arith.constant 0 : i32
      %dma_wait3A_432 = arith.constant 0 : i32
      %dma_wait3A_433 = tpu.memref_slice %arg3[%add3A, %dma_wait3A_431, %dma_wait3A_432] : memref<32x80x128xi32, #tpu.memory_space<hbm>> -> memref<1x80x128xi32, #tpu.memory_space<hbm>>
      %dma_wait3A_434 = tpu.memref_squeeze %dma_wait3A_433 : memref<1x80x128xi32, #tpu.memory_space<hbm>> -> memref<80x128xi32, #tpu.memory_space<hbm>>
      %dma_wait3A_435 = arith.constant 0 : i32
      %dma_wait3A_436 = tpu.memref_slice %dma_wait3A_434[%mul3A_415, %dma_wait3A_435] : memref<80x128xi32, #tpu.memory_space<hbm>> -> memref<8x128xi32, #tpu.memory_space<hbm>>
      tpu.wait_dma2 semaphore(%arg14 : memref<!tpu.dma_semaphore, #tpu.memory_space<semaphore_mem>>) src(%dma_wait3A_436 : memref<8x128xi32, #tpu.memory_space<hbm>>) dst(%dma_wait3A_430 : memref<8x128xi32, #tpu.memory_space<vmem>>)
      %mul3A_437 = arith.constant 8 : i32
      %mul3A_438 = arith.muli %add3A_413, %mul3A_437 : i32
      %dma_wait3A_439 = arith.constant 1 : i32
      %dma_wait3A_440 = arith.constant 0 : i32
      %dma_wait3A_441 = arith.constant 0 : i32
      %dma_wait3A_442 = tpu.memref_slice %arg8[%dma_wait3A_439, %dma_wait3A_440, %dma_wait3A_441] : memref<2x8x128xi32, #tpu.memory_space<vmem>> -> memref<1x8x128xi32, #tpu.memory_space<vmem>>
      %dma_wait3A_443 = tpu.memref_squeeze %dma_wait3A_442 : memref<1x8x128xi32, #tpu.memory_space<vmem>> -> memref<8x128xi32, #tpu.memory_space<vmem>>
      %dma_wait3A_444 = arith.constant 0 : i32
      %dma_wait3A_445 = arith.constant 0 : i32
      %dma_wait3A_446 = tpu.memref_slice %arg4[%add3A, %dma_wait3A_444, %dma_wait3A_445] : memref<32x80x128xi32, #tpu.memory_space<hbm>> -> memref<1x80x128xi32, #tpu.memory_space<hbm>>
      %dma_wait3A_447 = tpu.memref_squeeze %dma_wait3A_446 : memref<1x80x128xi32, #tpu.memory_space<hbm>> -> memref<80x128xi32, #tpu.memory_space<hbm>>
      %dma_wait3A_448 = arith.constant 0 : i32
      %dma_wait3A_449 = tpu.memref_slice %dma_wait3A_447[%mul3A_438, %dma_wait3A_448] : memref<80x128xi32, #tpu.memory_space<hbm>> -> memref<8x128xi32, #tpu.memory_space<hbm>>
      %dma_wait3A_450 = arith.constant 0 : i32
      %dma_wait3A_451 = arith.constant 0 : i32
      %dma_wait3A_452 = tpu.memref_slice %arg8[%dma_wait3A_439, %dma_wait3A_450, %dma_wait3A_451] : memref<2x8x128xi32, #tpu.memory_space<vmem>> -> memref<1x8x128xi32, #tpu.memory_space<vmem>>
      %dma_wait3A_453 = tpu.memref_squeeze %dma_wait3A_452 : memref<1x8x128xi32, #tpu.memory_space<vmem>> -> memref<8x128xi32, #tpu.memory_space<vmem>>
      %dma_wait3A_454 = arith.constant 0 : i32
      %dma_wait3A_455 = arith.constant 0 : i32
      %dma_wait3A_456 = tpu.memref_slice %arg4[%add3A, %dma_wait3A_454, %dma_wait3A_455] : memref<32x80x128xi32, #tpu.memory_space<hbm>> -> memref<1x80x128xi32, #tpu.memory_space<hbm>>
      %dma_wait3A_457 = tpu.memref_squeeze %dma_wait3A_456 : memref<1x80x128xi32, #tpu.memory_space<hbm>> -> memref<80x128xi32, #tpu.memory_space<hbm>>
      %dma_wait3A_458 = arith.constant 0 : i32
      %dma_wait3A_459 = tpu.memref_slice %dma_wait3A_457[%mul3A_438, %dma_wait3A_458] : memref<80x128xi32, #tpu.memory_space<hbm>> -> memref<8x128xi32, #tpu.memory_space<hbm>>
      tpu.wait_dma2 semaphore(%arg16 : memref<!tpu.dma_semaphore, #tpu.memory_space<semaphore_mem>>) src(%dma_wait3A_459 : memref<8x128xi32, #tpu.memory_space<hbm>>) dst(%dma_wait3A_453 : memref<8x128xi32, #tpu.memory_space<vmem>>)
      %add3A_460 = arith.constant 1 : i32
      %add3A_461 = arith.addi %add3A_413, %add3A_460 : i32
      %lt3A_462 = arith.constant 10 : i32
      %lt3A_463 = arith.cmpi slt, %add3A_461, %lt3A_462 : i32
      %convert_element_type3A_464 = arith.extui %lt3A_463 : i1 to i32
      %cond3A_465 = arith.constant 0 : i32
      %cond3A_466 = arith.cmpi ne, %convert_element_type3A_464, %cond3A_465 : i32
      scf.if %cond3A_466 {
        %add3A_763 = arith.constant 1 : i32
        %add3A_764 = arith.addi %add3A_413, %add3A_763 : i32
        %mul3A_765 = arith.constant 8 : i32
        %mul3A_766 = arith.muli %add3A_764, %mul3A_765 : i32
        %dma_start3A_767 = arith.constant 0 : i32
        %dma_start3A_768 = arith.constant 0 : i32
        %dma_start3A_769 = arith.constant 0 : i32
        %dma_start3A_770 = tpu.memref_slice %arg7[%dma_start3A_767, %dma_start3A_768, %dma_start3A_769] : memref<2x8x128xi32, #tpu.memory_space<vmem>> -> memref<1x8x128xi32, #tpu.memory_space<vmem>>
        %dma_start3A_771 = tpu.memref_squeeze %dma_start3A_770 : memref<1x8x128xi32, #tpu.memory_space<vmem>> -> memref<8x128xi32, #tpu.memory_space<vmem>>
        %dma_start3A_772 = arith.constant 0 : i32
        %dma_start3A_773 = arith.constant 0 : i32
        %dma_start3A_774 = tpu.memref_slice %arg3[%add3A, %dma_start3A_772, %dma_start3A_773] : memref<32x80x128xi32, #tpu.memory_space<hbm>> -> memref<1x80x128xi32, #tpu.memory_space<hbm>>
        %dma_start3A_775 = tpu.memref_squeeze %dma_start3A_774 : memref<1x80x128xi32, #tpu.memory_space<hbm>> -> memref<80x128xi32, #tpu.memory_space<hbm>>
        %dma_start3A_776 = arith.constant 0 : i32
        %dma_start3A_777 = tpu.memref_slice %dma_start3A_775[%mul3A_766, %dma_start3A_776] : memref<80x128xi32, #tpu.memory_space<hbm>> -> memref<8x128xi32, #tpu.memory_space<hbm>>
        %dma_start3A_778 = arith.constant 0 : i32
        %dma_start3A_779 = arith.constant 0 : i32
        %dma_start3A_780 = tpu.memref_slice %arg7[%dma_start3A_767, %dma_start3A_778, %dma_start3A_779] : memref<2x8x128xi32, #tpu.memory_space<vmem>> -> memref<1x8x128xi32, #tpu.memory_space<vmem>>
        %dma_start3A_781 = tpu.memref_squeeze %dma_start3A_780 : memref<1x8x128xi32, #tpu.memory_space<vmem>> -> memref<8x128xi32, #tpu.memory_space<vmem>>
        %dma_start3A_782 = arith.constant 0 : i32
        %dma_start3A_783 = arith.constant 0 : i32
        %dma_start3A_784 = tpu.memref_slice %arg3[%add3A, %dma_start3A_782, %dma_start3A_783] : memref<32x80x128xi32, #tpu.memory_space<hbm>> -> memref<1x80x128xi32, #tpu.memory_space<hbm>>
        %dma_start3A_785 = tpu.memref_squeeze %dma_start3A_784 : memref<1x80x128xi32, #tpu.memory_space<hbm>> -> memref<80x128xi32, #tpu.memory_space<hbm>>
        %dma_start3A_786 = arith.constant 0 : i32
        %dma_start3A_787 = tpu.memref_slice %dma_start3A_785[%mul3A_766, %dma_start3A_786] : memref<80x128xi32, #tpu.memory_space<hbm>> -> memref<8x128xi32, #tpu.memory_space<hbm>>
        tpu.enqueue_dma source(%dma_start3A_787 : memref<8x128xi32, #tpu.memory_space<hbm>>) target(%dma_start3A_781 : memref<8x128xi32, #tpu.memory_space<vmem>>) target_semaphore(%arg13 : memref<!tpu.dma_semaphore, #tpu.memory_space<semaphore_mem>>)
        %add3A_788 = arith.constant 1 : i32
        %add3A_789 = arith.addi %add3A_413, %add3A_788 : i32
        %mul3A_790 = arith.constant 8 : i32
        %mul3A_791 = arith.muli %add3A_789, %mul3A_790 : i32
        %dma_start3A_792 = arith.constant 0 : i32
        %dma_start3A_793 = arith.constant 0 : i32
        %dma_start3A_794 = arith.constant 0 : i32
        %dma_start3A_795 = tpu.memref_slice %arg8[%dma_start3A_792, %dma_start3A_793, %dma_start3A_794] : memref<2x8x128xi32, #tpu.memory_space<vmem>> -> memref<1x8x128xi32, #tpu.memory_space<vmem>>
        %dma_start3A_796 = tpu.memref_squeeze %dma_start3A_795 : memref<1x8x128xi32, #tpu.memory_space<vmem>> -> memref<8x128xi32, #tpu.memory_space<vmem>>
        %dma_start3A_797 = arith.constant 0 : i32
        %dma_start3A_798 = arith.constant 0 : i32
        %dma_start3A_799 = tpu.memref_slice %arg4[%add3A, %dma_start3A_797, %dma_start3A_798] : memref<32x80x128xi32, #tpu.memory_space<hbm>> -> memref<1x80x128xi32, #tpu.memory_space<hbm>>
        %dma_start3A_800 = tpu.memref_squeeze %dma_start3A_799 : memref<1x80x128xi32, #tpu.memory_space<hbm>> -> memref<80x128xi32, #tpu.memory_space<hbm>>
        %dma_start3A_801 = arith.constant 0 : i32
        %dma_start3A_802 = tpu.memref_slice %dma_start3A_800[%mul3A_791, %dma_start3A_801] : memref<80x128xi32, #tpu.memory_space<hbm>> -> memref<8x128xi32, #tpu.memory_space<hbm>>
        %dma_start3A_803 = arith.constant 0 : i32
        %dma_start3A_804 = arith.constant 0 : i32
        %dma_start3A_805 = tpu.memref_slice %arg8[%dma_start3A_792, %dma_start3A_803, %dma_start3A_804] : memref<2x8x128xi32, #tpu.memory_space<vmem>> -> memref<1x8x128xi32, #tpu.memory_space<vmem>>
        %dma_start3A_806 = tpu.memref_squeeze %dma_start3A_805 : memref<1x8x128xi32, #tpu.memory_space<vmem>> -> memref<8x128xi32, #tpu.memory_space<vmem>>
        %dma_start3A_807 = arith.constant 0 : i32
        %dma_start3A_808 = arith.constant 0 : i32
        %dma_start3A_809 = tpu.memref_slice %arg4[%add3A, %dma_start3A_807, %dma_start3A_808] : memref<32x80x128xi32, #tpu.memory_space<hbm>> -> memref<1x80x128xi32, #tpu.memory_space<hbm>>
        %dma_start3A_810 = tpu.memref_squeeze %dma_start3A_809 : memref<1x80x128xi32, #tpu.memory_space<hbm>> -> memref<80x128xi32, #tpu.memory_space<hbm>>
        %dma_start3A_811 = arith.constant 0 : i32
        %dma_start3A_812 = tpu.memref_slice %dma_start3A_810[%mul3A_791, %dma_start3A_811] : memref<80x128xi32, #tpu.memory_space<hbm>> -> memref<8x128xi32, #tpu.memory_space<hbm>>
        tpu.enqueue_dma source(%dma_start3A_812 : memref<8x128xi32, #tpu.memory_space<hbm>>) target(%dma_start3A_806 : memref<8x128xi32, #tpu.memory_space<vmem>>) target_semaphore(%arg15 : memref<!tpu.dma_semaphore, #tpu.memory_space<semaphore_mem>>)
      } else {
      }
      %dma_start3A_467 = arith.constant 1 : i32
      %dma_start3A_468 = arith.constant 0 : i32
      %dma_start3A_469 = arith.constant 0 : i32
      %dma_start3A_470 = arith.constant 0 : i32
      %dma_start3A_471 = arith.constant 0 : i32
      %dma_start3A_472 = tpu.memref_slice %arg9[%dma_start3A_469, %dma_start3A_470, %dma_start3A_471] : memref<2x128x128xf32, #tpu.memory_space<vmem>> -> memref<1x128x128xf32, #tpu.memory_space<vmem>>
      %dma_start3A_473 = tpu.memref_squeeze %dma_start3A_472 : memref<1x128x128xf32, #tpu.memory_space<vmem>> -> memref<128x128xf32, #tpu.memory_space<vmem>>
      %dma_start3A_474 = arith.constant 0 : i32
      %dma_start3A_475 = arith.constant 0 : i32
      %dma_start3A_476 = tpu.memref_slice %arg7[%dma_start3A_467, %dma_start3A_474, %dma_start3A_475] : memref<2x8x128xi32, #tpu.memory_space<vmem>> -> memref<1x8x128xi32, #tpu.memory_space<vmem>>
      %dma_start3A_477 = tpu.memref_squeeze %dma_start3A_476 : memref<1x8x128xi32, #tpu.memory_space<vmem>> -> memref<8x128xi32, #tpu.memory_space<vmem>>
      %dma_start3A_478 = arith.constant 0 : i32
      %dma_start3A_479 = tpu.memref_slice %dma_start3A_477[%dma_start3A_468, %dma_start3A_478] : memref<8x128xi32, #tpu.memory_space<vmem>> -> memref<1x128xi32, #tpu.memory_space<vmem>>
      %dma_start3A_480 = tpu.memref_squeeze %dma_start3A_479 : memref<1x128xi32, #tpu.memory_space<vmem>> -> memref<128xi32, #tpu.memory_space<vmem>>
      %dma_start3A_481 = arith.constant 0 : i32
      %dma_start3A_482 = arith.constant 0 : i32
      %dma_start3A_483 = tpu.memref_slice %arg2[%dma_start3A_481, %dma_start3A_482] : memref<10240x128xf32, #tpu.memory_space<hbm>> -> memref<10240x128xf32, #tpu.memory_space<hbm>>
      tpu.enqueue_indirect_dma source(%dma_start3A_483 : memref<10240x128xf32, #tpu.memory_space<hbm>>) target(%dma_start3A_473 : memref<128x128xf32, #tpu.memory_space<vmem>>) offsets(%dma_start3A_480 : memref<128xi32, #tpu.memory_space<vmem>>) semaphore(%arg11 : memref<!tpu.dma_semaphore, #tpu.memory_space<semaphore_mem>>)
      %dma_start3A_484 = arith.constant 1 : i32
      %dma_start3A_485 = arith.constant 1 : i32
      %dma_start3A_486 = arith.constant 1 : i32
      %dma_start3A_487 = arith.constant 0 : i32
      %dma_start3A_488 = arith.constant 0 : i32
      %dma_start3A_489 = tpu.memref_slice %arg9[%dma_start3A_486, %dma_start3A_487, %dma_start3A_488] : memref<2x128x128xf32, #tpu.memory_space<vmem>> -> memref<1x128x128xf32, #tpu.memory_space<vmem>>
      %dma_start3A_490 = tpu.memref_squeeze %dma_start3A_489 : memref<1x128x128xf32, #tpu.memory_space<vmem>> -> memref<128x128xf32, #tpu.memory_space<vmem>>
      %dma_start3A_491 = arith.constant 0 : i32
      %dma_start3A_492 = arith.constant 0 : i32
      %dma_start3A_493 = tpu.memref_slice %arg7[%dma_start3A_484, %dma_start3A_491, %dma_start3A_492] : memref<2x8x128xi32, #tpu.memory_space<vmem>> -> memref<1x8x128xi32, #tpu.memory_space<vmem>>
      %dma_start3A_494 = tpu.memref_squeeze %dma_start3A_493 : memref<1x8x128xi32, #tpu.memory_space<vmem>> -> memref<8x128xi32, #tpu.memory_space<vmem>>
      %dma_start3A_495 = arith.constant 0 : i32
      %dma_start3A_496 = tpu.memref_slice %dma_start3A_494[%dma_start3A_485, %dma_start3A_495] : memref<8x128xi32, #tpu.memory_space<vmem>> -> memref<1x128xi32, #tpu.memory_space<vmem>>
      %dma_start3A_497 = tpu.memref_squeeze %dma_start3A_496 : memref<1x128xi32, #tpu.memory_space<vmem>> -> memref<128xi32, #tpu.memory_space<vmem>>
      %dma_start3A_498 = arith.constant 0 : i32
      %dma_start3A_499 = arith.constant 0 : i32
      %dma_start3A_500 = tpu.memref_slice %arg2[%dma_start3A_498, %dma_start3A_499] : memref<10240x128xf32, #tpu.memory_space<hbm>> -> memref<10240x128xf32, #tpu.memory_space<hbm>>
      tpu.enqueue_indirect_dma source(%dma_start3A_500 : memref<10240x128xf32, #tpu.memory_space<hbm>>) target(%dma_start3A_490 : memref<128x128xf32, #tpu.memory_space<vmem>>) offsets(%dma_start3A_497 : memref<128xi32, #tpu.memory_space<vmem>>) semaphore(%arg12 : memref<!tpu.dma_semaphore, #tpu.memory_space<semaphore_mem>>)
      %dma_wait3A_501 = arith.constant 1 : i32
      %dma_wait3A_502 = arith.constant 0 : i32
      %dma_wait3A_503 = arith.constant 0 : i32
      %dma_wait3A_504 = arith.constant 0 : i32
      %dma_wait3A_505 = arith.constant 0 : i32
      %dma_wait3A_506 = tpu.memref_slice %arg9[%dma_wait3A_503, %dma_wait3A_504, %dma_wait3A_505] : memref<2x128x128xf32, #tpu.memory_space<vmem>> -> memref<1x128x128xf32, #tpu.memory_space<vmem>>
      %dma_wait3A_507 = tpu.memref_squeeze %dma_wait3A_506 : memref<1x128x128xf32, #tpu.memory_space<vmem>> -> memref<128x128xf32, #tpu.memory_space<vmem>>
      %dma_wait3A_508 = arith.constant 0 : i32
      %dma_wait3A_509 = arith.constant 0 : i32
      %dma_wait3A_510 = tpu.memref_slice %arg7[%dma_wait3A_501, %dma_wait3A_508, %dma_wait3A_509] : memref<2x8x128xi32, #tpu.memory_space<vmem>> -> memref<1x8x128xi32, #tpu.memory_space<vmem>>
      %dma_wait3A_511 = tpu.memref_squeeze %dma_wait3A_510 : memref<1x8x128xi32, #tpu.memory_space<vmem>> -> memref<8x128xi32, #tpu.memory_space<vmem>>
      %dma_wait3A_512 = arith.constant 0 : i32
      %dma_wait3A_513 = tpu.memref_slice %dma_wait3A_511[%dma_wait3A_502, %dma_wait3A_512] : memref<8x128xi32, #tpu.memory_space<vmem>> -> memref<1x128xi32, #tpu.memory_space<vmem>>
      %dma_wait3A_514 = tpu.memref_squeeze %dma_wait3A_513 : memref<1x128xi32, #tpu.memory_space<vmem>> -> memref<128xi32, #tpu.memory_space<vmem>>
      %dma_wait3A_515 = arith.constant 0 : i32
      %dma_wait3A_516 = arith.constant 0 : i32
      %dma_wait3A_517 = tpu.memref_slice %arg2[%dma_wait3A_515, %dma_wait3A_516] : memref<10240x128xf32, #tpu.memory_space<hbm>> -> memref<10240x128xf32, #tpu.memory_space<hbm>>
      tpu.wait_indirect_dma semaphore(%arg11 : memref<!tpu.dma_semaphore, #tpu.memory_space<semaphore_mem>>) src(%dma_wait3A_517 : memref<10240x128xf32, #tpu.memory_space<hbm>>) dst(%dma_wait3A_507 : memref<128x128xf32, #tpu.memory_space<vmem>>)
      %run_scoped3A_518 = arith.constant 0 : i32
      %run_scoped3A_519 = arith.constant 1 : i32
      %run_scoped3A_520 = arith.constant 0 : i32
      "tpu.region"() ({
        %run_scoped3A_763 = tpu.sem_alloc : memref<!tpu.dma_semaphore, #tpu.memory_space<semaphore_mem>>
        %dma_start3A_764 = arith.constant 0 : i32
        %dma_start3A_765 = arith.constant 0 : i32
        %dma_start3A_766 = tpu.memref_slice %arg9[%run_scoped3A_518, %dma_start3A_764, %dma_start3A_765] : memref<2x128x128xf32, #tpu.memory_space<vmem>> -> memref<1x128x128xf32, #tpu.memory_space<vmem>>
        %dma_start3A_767 = tpu.memref_squeeze %dma_start3A_766 : memref<1x128x128xf32, #tpu.memory_space<vmem>> -> memref<128x128xf32, #tpu.memory_space<vmem>>
        %dma_start3A_768 = arith.constant 0 : i32
        %dma_start3A_769 = arith.constant 0 : i32
        %dma_start3A_770 = tpu.memref_slice %arg8[%run_scoped3A_519, %dma_start3A_768, %dma_start3A_769] : memref<2x8x128xi32, #tpu.memory_space<vmem>> -> memref<1x8x128xi32, #tpu.memory_space<vmem>>
        %dma_start3A_771 = tpu.memref_squeeze %dma_start3A_770 : memref<1x8x128xi32, #tpu.memory_space<vmem>> -> memref<8x128xi32, #tpu.memory_space<vmem>>
        %dma_start3A_772 = arith.constant 0 : i32
        %dma_start3A_773 = tpu.memref_slice %dma_start3A_771[%run_scoped3A_520, %dma_start3A_772] : memref<8x128xi32, #tpu.memory_space<vmem>> -> memref<1x128xi32, #tpu.memory_space<vmem>>
        %dma_start3A_774 = tpu.memref_squeeze %dma_start3A_773 : memref<1x128xi32, #tpu.memory_space<vmem>> -> memref<128xi32, #tpu.memory_space<vmem>>
        %dma_start3A_775 = arith.constant 0 : i32
        %dma_start3A_776 = arith.constant 0 : i32
        %dma_start3A_777 = tpu.memref_slice %arg10[%dma_start3A_775, %dma_start3A_776] : memref<10240x128xf32, #tpu.memory_space<vmem_shared>> -> memref<10240x128xf32, #tpu.memory_space<vmem_shared>>
        tpu.enqueue_indirect_dma source(%dma_start3A_767 : memref<128x128xf32, #tpu.memory_space<vmem>>) target(%dma_start3A_777 : memref<10240x128xf32, #tpu.memory_space<vmem_shared>>) offsets(%dma_start3A_774 : memref<128xi32, #tpu.memory_space<vmem>>) semaphore(%run_scoped3A_763 : memref<!tpu.dma_semaphore, #tpu.memory_space<semaphore_mem>>) {add = true}
        %dma_wait3A_778 = arith.constant 0 : i32
        %dma_wait3A_779 = arith.constant 0 : i32
        %dma_wait3A_780 = tpu.memref_slice %arg9[%run_scoped3A_518, %dma_wait3A_778, %dma_wait3A_779] : memref<2x128x128xf32, #tpu.memory_space<vmem>> -> memref<1x128x128xf32, #tpu.memory_space<vmem>>
        %dma_wait3A_781 = tpu.memref_squeeze %dma_wait3A_780 : memref<1x128x128xf32, #tpu.memory_space<vmem>> -> memref<128x128xf32, #tpu.memory_space<vmem>>
        %dma_wait3A_782 = arith.constant 0 : i32
        %dma_wait3A_783 = arith.constant 0 : i32
        %dma_wait3A_784 = tpu.memref_slice %arg8[%run_scoped3A_519, %dma_wait3A_782, %dma_wait3A_783] : memref<2x8x128xi32, #tpu.memory_space<vmem>> -> memref<1x8x128xi32, #tpu.memory_space<vmem>>
        %dma_wait3A_785 = tpu.memref_squeeze %dma_wait3A_784 : memref<1x8x128xi32, #tpu.memory_space<vmem>> -> memref<8x128xi32, #tpu.memory_space<vmem>>
        %dma_wait3A_786 = arith.constant 0 : i32
        %dma_wait3A_787 = tpu.memref_slice %dma_wait3A_785[%run_scoped3A_520, %dma_wait3A_786] : memref<8x128xi32, #tpu.memory_space<vmem>> -> memref<1x128xi32, #tpu.memory_space<vmem>>
        %dma_wait3A_788 = tpu.memref_squeeze %dma_wait3A_787 : memref<1x128xi32, #tpu.memory_space<vmem>> -> memref<128xi32, #tpu.memory_space<vmem>>
        %dma_wait3A_789 = arith.constant 0 : i32
        %dma_wait3A_790 = arith.constant 0 : i32
        %dma_wait3A_791 = tpu.memref_slice %arg10[%dma_wait3A_789, %dma_wait3A_790] : memref<10240x128xf32, #tpu.memory_space<vmem_shared>> -> memref<10240x128xf32, #tpu.memory_space<vmem_shared>>
        tpu.wait_indirect_dma semaphore(%run_scoped3A_763 : memref<!tpu.dma_semaphore, #tpu.memory_space<semaphore_mem>>) src(%dma_wait3A_781 : memref<128x128xf32, #tpu.memory_space<vmem>>) dst(%dma_wait3A_791 : memref<10240x128xf32, #tpu.memory_space<vmem_shared>>)
        tpu.yield
      }) : () -> ()
      %dma_start3A_521 = arith.constant 1 : i32
      %dma_start3A_522 = arith.constant 2 : i32
      %dma_start3A_523 = arith.constant 0 : i32
      %dma_start3A_524 = arith.constant 0 : i32
      %dma_start3A_525 = arith.constant 0 : i32
      %dma_start3A_526 = tpu.memref_slice %arg9[%dma_start3A_523, %dma_start3A_524, %dma_start3A_525] : memref<2x128x128xf32, #tpu.memory_space<vmem>> -> memref<1x128x128xf32, #tpu.memory_space<vmem>>
      %dma_start3A_527 = tpu.memref_squeeze %dma_start3A_526 : memref<1x128x128xf32, #tpu.memory_space<vmem>> -> memref<128x128xf32, #tpu.memory_space<vmem>>
      %dma_start3A_528 = arith.constant 0 : i32
      %dma_start3A_529 = arith.constant 0 : i32
      %dma_start3A_530 = tpu.memref_slice %arg7[%dma_start3A_521, %dma_start3A_528, %dma_start3A_529] : memref<2x8x128xi32, #tpu.memory_space<vmem>> -> memref<1x8x128xi32, #tpu.memory_space<vmem>>
      %dma_start3A_531 = tpu.memref_squeeze %dma_start3A_530 : memref<1x8x128xi32, #tpu.memory_space<vmem>> -> memref<8x128xi32, #tpu.memory_space<vmem>>
      %dma_start3A_532 = arith.constant 0 : i32
      %dma_start3A_533 = tpu.memref_slice %dma_start3A_531[%dma_start3A_522, %dma_start3A_532] : memref<8x128xi32, #tpu.memory_space<vmem>> -> memref<1x128xi32, #tpu.memory_space<vmem>>
      %dma_start3A_534 = tpu.memref_squeeze %dma_start3A_533 : memref<1x128xi32, #tpu.memory_space<vmem>> -> memref<128xi32, #tpu.memory_space<vmem>>
      %dma_start3A_535 = arith.constant 0 : i32
      %dma_start3A_536 = arith.constant 0 : i32
      %dma_start3A_537 = tpu.memref_slice %arg2[%dma_start3A_535, %dma_start3A_536] : memref<10240x128xf32, #tpu.memory_space<hbm>> -> memref<10240x128xf32, #tpu.memory_space<hbm>>
      tpu.enqueue_indirect_dma source(%dma_start3A_537 : memref<10240x128xf32, #tpu.memory_space<hbm>>) target(%dma_start3A_527 : memref<128x128xf32, #tpu.memory_space<vmem>>) offsets(%dma_start3A_534 : memref<128xi32, #tpu.memory_space<vmem>>) semaphore(%arg11 : memref<!tpu.dma_semaphore, #tpu.memory_space<semaphore_mem>>)
      %dma_wait3A_538 = arith.constant 1 : i32
      %dma_wait3A_539 = arith.constant 1 : i32
      %dma_wait3A_540 = arith.constant 1 : i32
      %dma_wait3A_541 = arith.constant 0 : i32
      %dma_wait3A_542 = arith.constant 0 : i32
      %dma_wait3A_543 = tpu.memref_slice %arg9[%dma_wait3A_540, %dma_wait3A_541, %dma_wait3A_542] : memref<2x128x128xf32, #tpu.memory_space<vmem>> -> memref<1x128x128xf32, #tpu.memory_space<vmem>>
      %dma_wait3A_544 = tpu.memref_squeeze %dma_wait3A_543 : memref<1x128x128xf32, #tpu.memory_space<vmem>> -> memref<128x128xf32, #tpu.memory_space<vmem>>
      %dma_wait3A_545 = arith.constant 0 : i32
      %dma_wait3A_546 = arith.constant 0 : i32
      %dma_wait3A_547 = tpu.memref_slice %arg7[%dma_wait3A_538, %dma_wait3A_545, %dma_wait3A_546] : memref<2x8x128xi32, #tpu.memory_space<vmem>> -> memref<1x8x128xi32, #tpu.memory_space<vmem>>
      %dma_wait3A_548 = tpu.memref_squeeze %dma_wait3A_547 : memref<1x8x128xi32, #tpu.memory_space<vmem>> -> memref<8x128xi32, #tpu.memory_space<vmem>>
      %dma_wait3A_549 = arith.constant 0 : i32
      %dma_wait3A_550 = tpu.memref_slice %dma_wait3A_548[%dma_wait3A_539, %dma_wait3A_549] : memref<8x128xi32, #tpu.memory_space<vmem>> -> memref<1x128xi32, #tpu.memory_space<vmem>>
      %dma_wait3A_551 = tpu.memref_squeeze %dma_wait3A_550 : memref<1x128xi32, #tpu.memory_space<vmem>> -> memref<128xi32, #tpu.memory_space<vmem>>
      %dma_wait3A_552 = arith.constant 0 : i32
      %dma_wait3A_553 = arith.constant 0 : i32
      %dma_wait3A_554 = tpu.memref_slice %arg2[%dma_wait3A_552, %dma_wait3A_553] : memref<10240x128xf32, #tpu.memory_space<hbm>> -> memref<10240x128xf32, #tpu.memory_space<hbm>>
      tpu.wait_indirect_dma semaphore(%arg12 : memref<!tpu.dma_semaphore, #tpu.memory_space<semaphore_mem>>) src(%dma_wait3A_554 : memref<10240x128xf32, #tpu.memory_space<hbm>>) dst(%dma_wait3A_544 : memref<128x128xf32, #tpu.memory_space<vmem>>)
      %run_scoped3A_555 = arith.constant 1 : i32
      %run_scoped3A_556 = arith.constant 1 : i32
      %run_scoped3A_557 = arith.constant 1 : i32
      "tpu.region"() ({
        %run_scoped3A_763 = tpu.sem_alloc : memref<!tpu.dma_semaphore, #tpu.memory_space<semaphore_mem>>
        %dma_start3A_764 = arith.constant 0 : i32
        %dma_start3A_765 = arith.constant 0 : i32
        %dma_start3A_766 = tpu.memref_slice %arg9[%run_scoped3A_555, %dma_start3A_764, %dma_start3A_765] : memref<2x128x128xf32, #tpu.memory_space<vmem>> -> memref<1x128x128xf32, #tpu.memory_space<vmem>>
        %dma_start3A_767 = tpu.memref_squeeze %dma_start3A_766 : memref<1x128x128xf32, #tpu.memory_space<vmem>> -> memref<128x128xf32, #tpu.memory_space<vmem>>
        %dma_start3A_768 = arith.constant 0 : i32
        %dma_start3A_769 = arith.constant 0 : i32
        %dma_start3A_770 = tpu.memref_slice %arg8[%run_scoped3A_556, %dma_start3A_768, %dma_start3A_769] : memref<2x8x128xi32, #tpu.memory_space<vmem>> -> memref<1x8x128xi32, #tpu.memory_space<vmem>>
        %dma_start3A_771 = tpu.memref_squeeze %dma_start3A_770 : memref<1x8x128xi32, #tpu.memory_space<vmem>> -> memref<8x128xi32, #tpu.memory_space<vmem>>
        %dma_start3A_772 = arith.constant 0 : i32
        %dma_start3A_773 = tpu.memref_slice %dma_start3A_771[%run_scoped3A_557, %dma_start3A_772] : memref<8x128xi32, #tpu.memory_space<vmem>> -> memref<1x128xi32, #tpu.memory_space<vmem>>
        %dma_start3A_774 = tpu.memref_squeeze %dma_start3A_773 : memref<1x128xi32, #tpu.memory_space<vmem>> -> memref<128xi32, #tpu.memory_space<vmem>>
        %dma_start3A_775 = arith.constant 0 : i32
        %dma_start3A_776 = arith.constant 0 : i32
        %dma_start3A_777 = tpu.memref_slice %arg10[%dma_start3A_775, %dma_start3A_776] : memref<10240x128xf32, #tpu.memory_space<vmem_shared>> -> memref<10240x128xf32, #tpu.memory_space<vmem_shared>>
        tpu.enqueue_indirect_dma source(%dma_start3A_767 : memref<128x128xf32, #tpu.memory_space<vmem>>) target(%dma_start3A_777 : memref<10240x128xf32, #tpu.memory_space<vmem_shared>>) offsets(%dma_start3A_774 : memref<128xi32, #tpu.memory_space<vmem>>) semaphore(%run_scoped3A_763 : memref<!tpu.dma_semaphore, #tpu.memory_space<semaphore_mem>>) {add = true}
        %dma_wait3A_778 = arith.constant 0 : i32
        %dma_wait3A_779 = arith.constant 0 : i32
        %dma_wait3A_780 = tpu.memref_slice %arg9[%run_scoped3A_555, %dma_wait3A_778, %dma_wait3A_779] : memref<2x128x128xf32, #tpu.memory_space<vmem>> -> memref<1x128x128xf32, #tpu.memory_space<vmem>>
        %dma_wait3A_781 = tpu.memref_squeeze %dma_wait3A_780 : memref<1x128x128xf32, #tpu.memory_space<vmem>> -> memref<128x128xf32, #tpu.memory_space<vmem>>
        %dma_wait3A_782 = arith.constant 0 : i32
        %dma_wait3A_783 = arith.constant 0 : i32
        %dma_wait3A_784 = tpu.memref_slice %arg8[%run_scoped3A_556, %dma_wait3A_782, %dma_wait3A_783] : memref<2x8x128xi32, #tpu.memory_space<vmem>> -> memref<1x8x128xi32, #tpu.memory_space<vmem>>
        %dma_wait3A_785 = tpu.memref_squeeze %dma_wait3A_784 : memref<1x8x128xi32, #tpu.memory_space<vmem>> -> memref<8x128xi32, #tpu.memory_space<vmem>>
        %dma_wait3A_786 = arith.constant 0 : i32
        %dma_wait3A_787 = tpu.memref_slice %dma_wait3A_785[%run_scoped3A_557, %dma_wait3A_786] : memref<8x128xi32, #tpu.memory_space<vmem>> -> memref<1x128xi32, #tpu.memory_space<vmem>>
        %dma_wait3A_788 = tpu.memref_squeeze %dma_wait3A_787 : memref<1x128xi32, #tpu.memory_space<vmem>> -> memref<128xi32, #tpu.memory_space<vmem>>
        %dma_wait3A_789 = arith.constant 0 : i32
        %dma_wait3A_790 = arith.constant 0 : i32
        %dma_wait3A_791 = tpu.memref_slice %arg10[%dma_wait3A_789, %dma_wait3A_790] : memref<10240x128xf32, #tpu.memory_space<vmem_shared>> -> memref<10240x128xf32, #tpu.memory_space<vmem_shared>>
        tpu.wait_indirect_dma semaphore(%run_scoped3A_763 : memref<!tpu.dma_semaphore, #tpu.memory_space<semaphore_mem>>) src(%dma_wait3A_781 : memref<128x128xf32, #tpu.memory_space<vmem>>) dst(%dma_wait3A_791 : memref<10240x128xf32, #tpu.memory_space<vmem_shared>>)
        tpu.yield
      }) : () -> ()
      %dma_start3A_558 = arith.constant 1 : i32
      %dma_start3A_559 = arith.constant 3 : i32
      %dma_start3A_560 = arith.constant 1 : i32
      %dma_start3A_561 = arith.constant 0 : i32
      %dma_start3A_562 = arith.constant 0 : i32
      %dma_start3A_563 = tpu.memref_slice %arg9[%dma_start3A_560, %dma_start3A_561, %dma_start3A_562] : memref<2x128x128xf32, #tpu.memory_space<vmem>> -> memref<1x128x128xf32, #tpu.memory_space<vmem>>
      %dma_start3A_564 = tpu.memref_squeeze %dma_start3A_563 : memref<1x128x128xf32, #tpu.memory_space<vmem>> -> memref<128x128xf32, #tpu.memory_space<vmem>>
      %dma_start3A_565 = arith.constant 0 : i32
      %dma_start3A_566 = arith.constant 0 : i32
      %dma_start3A_567 = tpu.memref_slice %arg7[%dma_start3A_558, %dma_start3A_565, %dma_start3A_566] : memref<2x8x128xi32, #tpu.memory_space<vmem>> -> memref<1x8x128xi32, #tpu.memory_space<vmem>>
      %dma_start3A_568 = tpu.memref_squeeze %dma_start3A_567 : memref<1x8x128xi32, #tpu.memory_space<vmem>> -> memref<8x128xi32, #tpu.memory_space<vmem>>
      %dma_start3A_569 = arith.constant 0 : i32
      %dma_start3A_570 = tpu.memref_slice %dma_start3A_568[%dma_start3A_559, %dma_start3A_569] : memref<8x128xi32, #tpu.memory_space<vmem>> -> memref<1x128xi32, #tpu.memory_space<vmem>>
      %dma_start3A_571 = tpu.memref_squeeze %dma_start3A_570 : memref<1x128xi32, #tpu.memory_space<vmem>> -> memref<128xi32, #tpu.memory_space<vmem>>
      %dma_start3A_572 = arith.constant 0 : i32
      %dma_start3A_573 = arith.constant 0 : i32
      %dma_start3A_574 = tpu.memref_slice %arg2[%dma_start3A_572, %dma_start3A_573] : memref<10240x128xf32, #tpu.memory_space<hbm>> -> memref<10240x128xf32, #tpu.memory_space<hbm>>
      tpu.enqueue_indirect_dma source(%dma_start3A_574 : memref<10240x128xf32, #tpu.memory_space<hbm>>) target(%dma_start3A_564 : memref<128x128xf32, #tpu.memory_space<vmem>>) offsets(%dma_start3A_571 : memref<128xi32, #tpu.memory_space<vmem>>) semaphore(%arg12 : memref<!tpu.dma_semaphore, #tpu.memory_space<semaphore_mem>>)
      %dma_wait3A_575 = arith.constant 1 : i32
      %dma_wait3A_576 = arith.constant 2 : i32
      %dma_wait3A_577 = arith.constant 0 : i32
      %dma_wait3A_578 = arith.constant 0 : i32
      %dma_wait3A_579 = arith.constant 0 : i32
      %dma_wait3A_580 = tpu.memref_slice %arg9[%dma_wait3A_577, %dma_wait3A_578, %dma_wait3A_579] : memref<2x128x128xf32, #tpu.memory_space<vmem>> -> memref<1x128x128xf32, #tpu.memory_space<vmem>>
      %dma_wait3A_581 = tpu.memref_squeeze %dma_wait3A_580 : memref<1x128x128xf32, #tpu.memory_space<vmem>> -> memref<128x128xf32, #tpu.memory_space<vmem>>
      %dma_wait3A_582 = arith.constant 0 : i32
      %dma_wait3A_583 = arith.constant 0 : i32
      %dma_wait3A_584 = tpu.memref_slice %arg7[%dma_wait3A_575, %dma_wait3A_582, %dma_wait3A_583] : memref<2x8x128xi32, #tpu.memory_space<vmem>> -> memref<1x8x128xi32, #tpu.memory_space<vmem>>
      %dma_wait3A_585 = tpu.memref_squeeze %dma_wait3A_584 : memref<1x8x128xi32, #tpu.memory_space<vmem>> -> memref<8x128xi32, #tpu.memory_space<vmem>>
      %dma_wait3A_586 = arith.constant 0 : i32
      %dma_wait3A_587 = tpu.memref_slice %dma_wait3A_585[%dma_wait3A_576, %dma_wait3A_586] : memref<8x128xi32, #tpu.memory_space<vmem>> -> memref<1x128xi32, #tpu.memory_space<vmem>>
      %dma_wait3A_588 = tpu.memref_squeeze %dma_wait3A_587 : memref<1x128xi32, #tpu.memory_space<vmem>> -> memref<128xi32, #tpu.memory_space<vmem>>
      %dma_wait3A_589 = arith.constant 0 : i32
      %dma_wait3A_590 = arith.constant 0 : i32
      %dma_wait3A_591 = tpu.memref_slice %arg2[%dma_wait3A_589, %dma_wait3A_590] : memref<10240x128xf32, #tpu.memory_space<hbm>> -> memref<10240x128xf32, #tpu.memory_space<hbm>>
      tpu.wait_indirect_dma semaphore(%arg11 : memref<!tpu.dma_semaphore, #tpu.memory_space<semaphore_mem>>) src(%dma_wait3A_591 : memref<10240x128xf32, #tpu.memory_space<hbm>>) dst(%dma_wait3A_581 : memref<128x128xf32, #tpu.memory_space<vmem>>)
      %run_scoped3A_592 = arith.constant 0 : i32
      %run_scoped3A_593 = arith.constant 1 : i32
      %run_scoped3A_594 = arith.constant 2 : i32
      "tpu.region"() ({
        %run_scoped3A_763 = tpu.sem_alloc : memref<!tpu.dma_semaphore, #tpu.memory_space<semaphore_mem>>
        %dma_start3A_764 = arith.constant 0 : i32
        %dma_start3A_765 = arith.constant 0 : i32
        %dma_start3A_766 = tpu.memref_slice %arg9[%run_scoped3A_592, %dma_start3A_764, %dma_start3A_765] : memref<2x128x128xf32, #tpu.memory_space<vmem>> -> memref<1x128x128xf32, #tpu.memory_space<vmem>>
        %dma_start3A_767 = tpu.memref_squeeze %dma_start3A_766 : memref<1x128x128xf32, #tpu.memory_space<vmem>> -> memref<128x128xf32, #tpu.memory_space<vmem>>
        %dma_start3A_768 = arith.constant 0 : i32
        %dma_start3A_769 = arith.constant 0 : i32
        %dma_start3A_770 = tpu.memref_slice %arg8[%run_scoped3A_593, %dma_start3A_768, %dma_start3A_769] : memref<2x8x128xi32, #tpu.memory_space<vmem>> -> memref<1x8x128xi32, #tpu.memory_space<vmem>>
        %dma_start3A_771 = tpu.memref_squeeze %dma_start3A_770 : memref<1x8x128xi32, #tpu.memory_space<vmem>> -> memref<8x128xi32, #tpu.memory_space<vmem>>
        %dma_start3A_772 = arith.constant 0 : i32
        %dma_start3A_773 = tpu.memref_slice %dma_start3A_771[%run_scoped3A_594, %dma_start3A_772] : memref<8x128xi32, #tpu.memory_space<vmem>> -> memref<1x128xi32, #tpu.memory_space<vmem>>
        %dma_start3A_774 = tpu.memref_squeeze %dma_start3A_773 : memref<1x128xi32, #tpu.memory_space<vmem>> -> memref<128xi32, #tpu.memory_space<vmem>>
        %dma_start3A_775 = arith.constant 0 : i32
        %dma_start3A_776 = arith.constant 0 : i32
        %dma_start3A_777 = tpu.memref_slice %arg10[%dma_start3A_775, %dma_start3A_776] : memref<10240x128xf32, #tpu.memory_space<vmem_shared>> -> memref<10240x128xf32, #tpu.memory_space<vmem_shared>>
        tpu.enqueue_indirect_dma source(%dma_start3A_767 : memref<128x128xf32, #tpu.memory_space<vmem>>) target(%dma_start3A_777 : memref<10240x128xf32, #tpu.memory_space<vmem_shared>>) offsets(%dma_start3A_774 : memref<128xi32, #tpu.memory_space<vmem>>) semaphore(%run_scoped3A_763 : memref<!tpu.dma_semaphore, #tpu.memory_space<semaphore_mem>>) {add = true}
        %dma_wait3A_778 = arith.constant 0 : i32
        %dma_wait3A_779 = arith.constant 0 : i32
        %dma_wait3A_780 = tpu.memref_slice %arg9[%run_scoped3A_592, %dma_wait3A_778, %dma_wait3A_779] : memref<2x128x128xf32, #tpu.memory_space<vmem>> -> memref<1x128x128xf32, #tpu.memory_space<vmem>>
        %dma_wait3A_781 = tpu.memref_squeeze %dma_wait3A_780 : memref<1x128x128xf32, #tpu.memory_space<vmem>> -> memref<128x128xf32, #tpu.memory_space<vmem>>
        %dma_wait3A_782 = arith.constant 0 : i32
        %dma_wait3A_783 = arith.constant 0 : i32
        %dma_wait3A_784 = tpu.memref_slice %arg8[%run_scoped3A_593, %dma_wait3A_782, %dma_wait3A_783] : memref<2x8x128xi32, #tpu.memory_space<vmem>> -> memref<1x8x128xi32, #tpu.memory_space<vmem>>
        %dma_wait3A_785 = tpu.memref_squeeze %dma_wait3A_784 : memref<1x8x128xi32, #tpu.memory_space<vmem>> -> memref<8x128xi32, #tpu.memory_space<vmem>>
        %dma_wait3A_786 = arith.constant 0 : i32
        %dma_wait3A_787 = tpu.memref_slice %dma_wait3A_785[%run_scoped3A_594, %dma_wait3A_786] : memref<8x128xi32, #tpu.memory_space<vmem>> -> memref<1x128xi32, #tpu.memory_space<vmem>>
        %dma_wait3A_788 = tpu.memref_squeeze %dma_wait3A_787 : memref<1x128xi32, #tpu.memory_space<vmem>> -> memref<128xi32, #tpu.memory_space<vmem>>
        %dma_wait3A_789 = arith.constant 0 : i32
        %dma_wait3A_790 = arith.constant 0 : i32
        %dma_wait3A_791 = tpu.memref_slice %arg10[%dma_wait3A_789, %dma_wait3A_790] : memref<10240x128xf32, #tpu.memory_space<vmem_shared>> -> memref<10240x128xf32, #tpu.memory_space<vmem_shared>>
        tpu.wait_indirect_dma semaphore(%run_scoped3A_763 : memref<!tpu.dma_semaphore, #tpu.memory_space<semaphore_mem>>) src(%dma_wait3A_781 : memref<128x128xf32, #tpu.memory_space<vmem>>) dst(%dma_wait3A_791 : memref<10240x128xf32, #tpu.memory_space<vmem_shared>>)
        tpu.yield
      }) : () -> ()
      %dma_start3A_595 = arith.constant 1 : i32
      %dma_start3A_596 = arith.constant 4 : i32
      %dma_start3A_597 = arith.constant 0 : i32
      %dma_start3A_598 = arith.constant 0 : i32
      %dma_start3A_599 = arith.constant 0 : i32
      %dma_start3A_600 = tpu.memref_slice %arg9[%dma_start3A_597, %dma_start3A_598, %dma_start3A_599] : memref<2x128x128xf32, #tpu.memory_space<vmem>> -> memref<1x128x128xf32, #tpu.memory_space<vmem>>
      %dma_start3A_601 = tpu.memref_squeeze %dma_start3A_600 : memref<1x128x128xf32, #tpu.memory_space<vmem>> -> memref<128x128xf32, #tpu.memory_space<vmem>>
      %dma_start3A_602 = arith.constant 0 : i32
      %dma_start3A_603 = arith.constant 0 : i32
      %dma_start3A_604 = tpu.memref_slice %arg7[%dma_start3A_595, %dma_start3A_602, %dma_start3A_603] : memref<2x8x128xi32, #tpu.memory_space<vmem>> -> memref<1x8x128xi32, #tpu.memory_space<vmem>>
      %dma_start3A_605 = tpu.memref_squeeze %dma_start3A_604 : memref<1x8x128xi32, #tpu.memory_space<vmem>> -> memref<8x128xi32, #tpu.memory_space<vmem>>
      %dma_start3A_606 = arith.constant 0 : i32
      %dma_start3A_607 = tpu.memref_slice %dma_start3A_605[%dma_start3A_596, %dma_start3A_606] : memref<8x128xi32, #tpu.memory_space<vmem>> -> memref<1x128xi32, #tpu.memory_space<vmem>>
      %dma_start3A_608 = tpu.memref_squeeze %dma_start3A_607 : memref<1x128xi32, #tpu.memory_space<vmem>> -> memref<128xi32, #tpu.memory_space<vmem>>
      %dma_start3A_609 = arith.constant 0 : i32
      %dma_start3A_610 = arith.constant 0 : i32
      %dma_start3A_611 = tpu.memref_slice %arg2[%dma_start3A_609, %dma_start3A_610] : memref<10240x128xf32, #tpu.memory_space<hbm>> -> memref<10240x128xf32, #tpu.memory_space<hbm>>
      tpu.enqueue_indirect_dma source(%dma_start3A_611 : memref<10240x128xf32, #tpu.memory_space<hbm>>) target(%dma_start3A_601 : memref<128x128xf32, #tpu.memory_space<vmem>>) offsets(%dma_start3A_608 : memref<128xi32, #tpu.memory_space<vmem>>) semaphore(%arg11 : memref<!tpu.dma_semaphore, #tpu.memory_space<semaphore_mem>>)
      %dma_wait3A_612 = arith.constant 1 : i32
      %dma_wait3A_613 = arith.constant 3 : i32
      %dma_wait3A_614 = arith.constant 1 : i32
      %dma_wait3A_615 = arith.constant 0 : i32
      %dma_wait3A_616 = arith.constant 0 : i32
      %dma_wait3A_617 = tpu.memref_slice %arg9[%dma_wait3A_614, %dma_wait3A_615, %dma_wait3A_616] : memref<2x128x128xf32, #tpu.memory_space<vmem>> -> memref<1x128x128xf32, #tpu.memory_space<vmem>>
      %dma_wait3A_618 = tpu.memref_squeeze %dma_wait3A_617 : memref<1x128x128xf32, #tpu.memory_space<vmem>> -> memref<128x128xf32, #tpu.memory_space<vmem>>
      %dma_wait3A_619 = arith.constant 0 : i32
      %dma_wait3A_620 = arith.constant 0 : i32
      %dma_wait3A_621 = tpu.memref_slice %arg7[%dma_wait3A_612, %dma_wait3A_619, %dma_wait3A_620] : memref<2x8x128xi32, #tpu.memory_space<vmem>> -> memref<1x8x128xi32, #tpu.memory_space<vmem>>
      %dma_wait3A_622 = tpu.memref_squeeze %dma_wait3A_621 : memref<1x8x128xi32, #tpu.memory_space<vmem>> -> memref<8x128xi32, #tpu.memory_space<vmem>>
      %dma_wait3A_623 = arith.constant 0 : i32
      %dma_wait3A_624 = tpu.memref_slice %dma_wait3A_622[%dma_wait3A_613, %dma_wait3A_623] : memref<8x128xi32, #tpu.memory_space<vmem>> -> memref<1x128xi32, #tpu.memory_space<vmem>>
      %dma_wait3A_625 = tpu.memref_squeeze %dma_wait3A_624 : memref<1x128xi32, #tpu.memory_space<vmem>> -> memref<128xi32, #tpu.memory_space<vmem>>
      %dma_wait3A_626 = arith.constant 0 : i32
      %dma_wait3A_627 = arith.constant 0 : i32
      %dma_wait3A_628 = tpu.memref_slice %arg2[%dma_wait3A_626, %dma_wait3A_627] : memref<10240x128xf32, #tpu.memory_space<hbm>> -> memref<10240x128xf32, #tpu.memory_space<hbm>>
      tpu.wait_indirect_dma semaphore(%arg12 : memref<!tpu.dma_semaphore, #tpu.memory_space<semaphore_mem>>) src(%dma_wait3A_628 : memref<10240x128xf32, #tpu.memory_space<hbm>>) dst(%dma_wait3A_618 : memref<128x128xf32, #tpu.memory_space<vmem>>)
      %run_scoped3A_629 = arith.constant 1 : i32
      %run_scoped3A_630 = arith.constant 1 : i32
      %run_scoped3A_631 = arith.constant 3 : i32
      "tpu.region"() ({
        %run_scoped3A_763 = tpu.sem_alloc : memref<!tpu.dma_semaphore, #tpu.memory_space<semaphore_mem>>
        %dma_start3A_764 = arith.constant 0 : i32
        %dma_start3A_765 = arith.constant 0 : i32
        %dma_start3A_766 = tpu.memref_slice %arg9[%run_scoped3A_629, %dma_start3A_764, %dma_start3A_765] : memref<2x128x128xf32, #tpu.memory_space<vmem>> -> memref<1x128x128xf32, #tpu.memory_space<vmem>>
        %dma_start3A_767 = tpu.memref_squeeze %dma_start3A_766 : memref<1x128x128xf32, #tpu.memory_space<vmem>> -> memref<128x128xf32, #tpu.memory_space<vmem>>
        %dma_start3A_768 = arith.constant 0 : i32
        %dma_start3A_769 = arith.constant 0 : i32
        %dma_start3A_770 = tpu.memref_slice %arg8[%run_scoped3A_630, %dma_start3A_768, %dma_start3A_769] : memref<2x8x128xi32, #tpu.memory_space<vmem>> -> memref<1x8x128xi32, #tpu.memory_space<vmem>>
        %dma_start3A_771 = tpu.memref_squeeze %dma_start3A_770 : memref<1x8x128xi32, #tpu.memory_space<vmem>> -> memref<8x128xi32, #tpu.memory_space<vmem>>
        %dma_start3A_772 = arith.constant 0 : i32
        %dma_start3A_773 = tpu.memref_slice %dma_start3A_771[%run_scoped3A_631, %dma_start3A_772] : memref<8x128xi32, #tpu.memory_space<vmem>> -> memref<1x128xi32, #tpu.memory_space<vmem>>
        %dma_start3A_774 = tpu.memref_squeeze %dma_start3A_773 : memref<1x128xi32, #tpu.memory_space<vmem>> -> memref<128xi32, #tpu.memory_space<vmem>>
        %dma_start3A_775 = arith.constant 0 : i32
        %dma_start3A_776 = arith.constant 0 : i32
        %dma_start3A_777 = tpu.memref_slice %arg10[%dma_start3A_775, %dma_start3A_776] : memref<10240x128xf32, #tpu.memory_space<vmem_shared>> -> memref<10240x128xf32, #tpu.memory_space<vmem_shared>>
        tpu.enqueue_indirect_dma source(%dma_start3A_767 : memref<128x128xf32, #tpu.memory_space<vmem>>) target(%dma_start3A_777 : memref<10240x128xf32, #tpu.memory_space<vmem_shared>>) offsets(%dma_start3A_774 : memref<128xi32, #tpu.memory_space<vmem>>) semaphore(%run_scoped3A_763 : memref<!tpu.dma_semaphore, #tpu.memory_space<semaphore_mem>>) {add = true}
        %dma_wait3A_778 = arith.constant 0 : i32
        %dma_wait3A_779 = arith.constant 0 : i32
        %dma_wait3A_780 = tpu.memref_slice %arg9[%run_scoped3A_629, %dma_wait3A_778, %dma_wait3A_779] : memref<2x128x128xf32, #tpu.memory_space<vmem>> -> memref<1x128x128xf32, #tpu.memory_space<vmem>>
        %dma_wait3A_781 = tpu.memref_squeeze %dma_wait3A_780 : memref<1x128x128xf32, #tpu.memory_space<vmem>> -> memref<128x128xf32, #tpu.memory_space<vmem>>
        %dma_wait3A_782 = arith.constant 0 : i32
        %dma_wait3A_783 = arith.constant 0 : i32
        %dma_wait3A_784 = tpu.memref_slice %arg8[%run_scoped3A_630, %dma_wait3A_782, %dma_wait3A_783] : memref<2x8x128xi32, #tpu.memory_space<vmem>> -> memref<1x8x128xi32, #tpu.memory_space<vmem>>
        %dma_wait3A_785 = tpu.memref_squeeze %dma_wait3A_784 : memref<1x8x128xi32, #tpu.memory_space<vmem>> -> memref<8x128xi32, #tpu.memory_space<vmem>>
        %dma_wait3A_786 = arith.constant 0 : i32
        %dma_wait3A_787 = tpu.memref_slice %dma_wait3A_785[%run_scoped3A_631, %dma_wait3A_786] : memref<8x128xi32, #tpu.memory_space<vmem>> -> memref<1x128xi32, #tpu.memory_space<vmem>>
        %dma_wait3A_788 = tpu.memref_squeeze %dma_wait3A_787 : memref<1x128xi32, #tpu.memory_space<vmem>> -> memref<128xi32, #tpu.memory_space<vmem>>
        %dma_wait3A_789 = arith.constant 0 : i32
        %dma_wait3A_790 = arith.constant 0 : i32
        %dma_wait3A_791 = tpu.memref_slice %arg10[%dma_wait3A_789, %dma_wait3A_790] : memref<10240x128xf32, #tpu.memory_space<vmem_shared>> -> memref<10240x128xf32, #tpu.memory_space<vmem_shared>>
        tpu.wait_indirect_dma semaphore(%run_scoped3A_763 : memref<!tpu.dma_semaphore, #tpu.memory_space<semaphore_mem>>) src(%dma_wait3A_781 : memref<128x128xf32, #tpu.memory_space<vmem>>) dst(%dma_wait3A_791 : memref<10240x128xf32, #tpu.memory_space<vmem_shared>>)
        tpu.yield
      }) : () -> ()
      %dma_start3A_632 = arith.constant 1 : i32
      %dma_start3A_633 = arith.constant 5 : i32
      %dma_start3A_634 = arith.constant 1 : i32
      %dma_start3A_635 = arith.constant 0 : i32
      %dma_start3A_636 = arith.constant 0 : i32
      %dma_start3A_637 = tpu.memref_slice %arg9[%dma_start3A_634, %dma_start3A_635, %dma_start3A_636] : memref<2x128x128xf32, #tpu.memory_space<vmem>> -> memref<1x128x128xf32, #tpu.memory_space<vmem>>
      %dma_start3A_638 = tpu.memref_squeeze %dma_start3A_637 : memref<1x128x128xf32, #tpu.memory_space<vmem>> -> memref<128x128xf32, #tpu.memory_space<vmem>>
      %dma_start3A_639 = arith.constant 0 : i32
      %dma_start3A_640 = arith.constant 0 : i32
      %dma_start3A_641 = tpu.memref_slice %arg7[%dma_start3A_632, %dma_start3A_639, %dma_start3A_640] : memref<2x8x128xi32, #tpu.memory_space<vmem>> -> memref<1x8x128xi32, #tpu.memory_space<vmem>>
      %dma_start3A_642 = tpu.memref_squeeze %dma_start3A_641 : memref<1x8x128xi32, #tpu.memory_space<vmem>> -> memref<8x128xi32, #tpu.memory_space<vmem>>
      %dma_start3A_643 = arith.constant 0 : i32
      %dma_start3A_644 = tpu.memref_slice %dma_start3A_642[%dma_start3A_633, %dma_start3A_643] : memref<8x128xi32, #tpu.memory_space<vmem>> -> memref<1x128xi32, #tpu.memory_space<vmem>>
      %dma_start3A_645 = tpu.memref_squeeze %dma_start3A_644 : memref<1x128xi32, #tpu.memory_space<vmem>> -> memref<128xi32, #tpu.memory_space<vmem>>
      %dma_start3A_646 = arith.constant 0 : i32
      %dma_start3A_647 = arith.constant 0 : i32
      %dma_start3A_648 = tpu.memref_slice %arg2[%dma_start3A_646, %dma_start3A_647] : memref<10240x128xf32, #tpu.memory_space<hbm>> -> memref<10240x128xf32, #tpu.memory_space<hbm>>
      tpu.enqueue_indirect_dma source(%dma_start3A_648 : memref<10240x128xf32, #tpu.memory_space<hbm>>) target(%dma_start3A_638 : memref<128x128xf32, #tpu.memory_space<vmem>>) offsets(%dma_start3A_645 : memref<128xi32, #tpu.memory_space<vmem>>) semaphore(%arg12 : memref<!tpu.dma_semaphore, #tpu.memory_space<semaphore_mem>>)
      %dma_wait3A_649 = arith.constant 1 : i32
      %dma_wait3A_650 = arith.constant 4 : i32
      %dma_wait3A_651 = arith.constant 0 : i32
      %dma_wait3A_652 = arith.constant 0 : i32
      %dma_wait3A_653 = arith.constant 0 : i32
      %dma_wait3A_654 = tpu.memref_slice %arg9[%dma_wait3A_651, %dma_wait3A_652, %dma_wait3A_653] : memref<2x128x128xf32, #tpu.memory_space<vmem>> -> memref<1x128x128xf32, #tpu.memory_space<vmem>>
      %dma_wait3A_655 = tpu.memref_squeeze %dma_wait3A_654 : memref<1x128x128xf32, #tpu.memory_space<vmem>> -> memref<128x128xf32, #tpu.memory_space<vmem>>
      %dma_wait3A_656 = arith.constant 0 : i32
      %dma_wait3A_657 = arith.constant 0 : i32
      %dma_wait3A_658 = tpu.memref_slice %arg7[%dma_wait3A_649, %dma_wait3A_656, %dma_wait3A_657] : memref<2x8x128xi32, #tpu.memory_space<vmem>> -> memref<1x8x128xi32, #tpu.memory_space<vmem>>
      %dma_wait3A_659 = tpu.memref_squeeze %dma_wait3A_658 : memref<1x8x128xi32, #tpu.memory_space<vmem>> -> memref<8x128xi32, #tpu.memory_space<vmem>>
      %dma_wait3A_660 = arith.constant 0 : i32
      %dma_wait3A_661 = tpu.memref_slice %dma_wait3A_659[%dma_wait3A_650, %dma_wait3A_660] : memref<8x128xi32, #tpu.memory_space<vmem>> -> memref<1x128xi32, #tpu.memory_space<vmem>>
      %dma_wait3A_662 = tpu.memref_squeeze %dma_wait3A_661 : memref<1x128xi32, #tpu.memory_space<vmem>> -> memref<128xi32, #tpu.memory_space<vmem>>
      %dma_wait3A_663 = arith.constant 0 : i32
      %dma_wait3A_664 = arith.constant 0 : i32
      %dma_wait3A_665 = tpu.memref_slice %arg2[%dma_wait3A_663, %dma_wait3A_664] : memref<10240x128xf32, #tpu.memory_space<hbm>> -> memref<10240x128xf32, #tpu.memory_space<hbm>>
      tpu.wait_indirect_dma semaphore(%arg11 : memref<!tpu.dma_semaphore, #tpu.memory_space<semaphore_mem>>) src(%dma_wait3A_665 : memref<10240x128xf32, #tpu.memory_space<hbm>>) dst(%dma_wait3A_655 : memref<128x128xf32, #tpu.memory_space<vmem>>)
      %run_scoped3A_666 = arith.constant 0 : i32
      %run_scoped3A_667 = arith.constant 1 : i32
      %run_scoped3A_668 = arith.constant 4 : i32
      "tpu.region"() ({
        %run_scoped3A_763 = tpu.sem_alloc : memref<!tpu.dma_semaphore, #tpu.memory_space<semaphore_mem>>
        %dma_start3A_764 = arith.constant 0 : i32
        %dma_start3A_765 = arith.constant 0 : i32
        %dma_start3A_766 = tpu.memref_slice %arg9[%run_scoped3A_666, %dma_start3A_764, %dma_start3A_765] : memref<2x128x128xf32, #tpu.memory_space<vmem>> -> memref<1x128x128xf32, #tpu.memory_space<vmem>>
        %dma_start3A_767 = tpu.memref_squeeze %dma_start3A_766 : memref<1x128x128xf32, #tpu.memory_space<vmem>> -> memref<128x128xf32, #tpu.memory_space<vmem>>
        %dma_start3A_768 = arith.constant 0 : i32
        %dma_start3A_769 = arith.constant 0 : i32
        %dma_start3A_770 = tpu.memref_slice %arg8[%run_scoped3A_667, %dma_start3A_768, %dma_start3A_769] : memref<2x8x128xi32, #tpu.memory_space<vmem>> -> memref<1x8x128xi32, #tpu.memory_space<vmem>>
        %dma_start3A_771 = tpu.memref_squeeze %dma_start3A_770 : memref<1x8x128xi32, #tpu.memory_space<vmem>> -> memref<8x128xi32, #tpu.memory_space<vmem>>
        %dma_start3A_772 = arith.constant 0 : i32
        %dma_start3A_773 = tpu.memref_slice %dma_start3A_771[%run_scoped3A_668, %dma_start3A_772] : memref<8x128xi32, #tpu.memory_space<vmem>> -> memref<1x128xi32, #tpu.memory_space<vmem>>
        %dma_start3A_774 = tpu.memref_squeeze %dma_start3A_773 : memref<1x128xi32, #tpu.memory_space<vmem>> -> memref<128xi32, #tpu.memory_space<vmem>>
        %dma_start3A_775 = arith.constant 0 : i32
        %dma_start3A_776 = arith.constant 0 : i32
        %dma_start3A_777 = tpu.memref_slice %arg10[%dma_start3A_775, %dma_start3A_776] : memref<10240x128xf32, #tpu.memory_space<vmem_shared>> -> memref<10240x128xf32, #tpu.memory_space<vmem_shared>>
        tpu.enqueue_indirect_dma source(%dma_start3A_767 : memref<128x128xf32, #tpu.memory_space<vmem>>) target(%dma_start3A_777 : memref<10240x128xf32, #tpu.memory_space<vmem_shared>>) offsets(%dma_start3A_774 : memref<128xi32, #tpu.memory_space<vmem>>) semaphore(%run_scoped3A_763 : memref<!tpu.dma_semaphore, #tpu.memory_space<semaphore_mem>>) {add = true}
        %dma_wait3A_778 = arith.constant 0 : i32
        %dma_wait3A_779 = arith.constant 0 : i32
        %dma_wait3A_780 = tpu.memref_slice %arg9[%run_scoped3A_666, %dma_wait3A_778, %dma_wait3A_779] : memref<2x128x128xf32, #tpu.memory_space<vmem>> -> memref<1x128x128xf32, #tpu.memory_space<vmem>>
        %dma_wait3A_781 = tpu.memref_squeeze %dma_wait3A_780 : memref<1x128x128xf32, #tpu.memory_space<vmem>> -> memref<128x128xf32, #tpu.memory_space<vmem>>
        %dma_wait3A_782 = arith.constant 0 : i32
        %dma_wait3A_783 = arith.constant 0 : i32
        %dma_wait3A_784 = tpu.memref_slice %arg8[%run_scoped3A_667, %dma_wait3A_782, %dma_wait3A_783] : memref<2x8x128xi32, #tpu.memory_space<vmem>> -> memref<1x8x128xi32, #tpu.memory_space<vmem>>
        %dma_wait3A_785 = tpu.memref_squeeze %dma_wait3A_784 : memref<1x8x128xi32, #tpu.memory_space<vmem>> -> memref<8x128xi32, #tpu.memory_space<vmem>>
        %dma_wait3A_786 = arith.constant 0 : i32
        %dma_wait3A_787 = tpu.memref_slice %dma_wait3A_785[%run_scoped3A_668, %dma_wait3A_786] : memref<8x128xi32, #tpu.memory_space<vmem>> -> memref<1x128xi32, #tpu.memory_space<vmem>>
        %dma_wait3A_788 = tpu.memref_squeeze %dma_wait3A_787 : memref<1x128xi32, #tpu.memory_space<vmem>> -> memref<128xi32, #tpu.memory_space<vmem>>
        %dma_wait3A_789 = arith.constant 0 : i32
        %dma_wait3A_790 = arith.constant 0 : i32
        %dma_wait3A_791 = tpu.memref_slice %arg10[%dma_wait3A_789, %dma_wait3A_790] : memref<10240x128xf32, #tpu.memory_space<vmem_shared>> -> memref<10240x128xf32, #tpu.memory_space<vmem_shared>>
        tpu.wait_indirect_dma semaphore(%run_scoped3A_763 : memref<!tpu.dma_semaphore, #tpu.memory_space<semaphore_mem>>) src(%dma_wait3A_781 : memref<128x128xf32, #tpu.memory_space<vmem>>) dst(%dma_wait3A_791 : memref<10240x128xf32, #tpu.memory_space<vmem_shared>>)
        tpu.yield
      }) : () -> ()
      %dma_start3A_669 = arith.constant 1 : i32
      %dma_start3A_670 = arith.constant 6 : i32
      %dma_start3A_671 = arith.constant 0 : i32
      %dma_start3A_672 = arith.constant 0 : i32
      %dma_start3A_673 = arith.constant 0 : i32
      %dma_start3A_674 = tpu.memref_slice %arg9[%dma_start3A_671, %dma_start3A_672, %dma_start3A_673] : memref<2x128x128xf32, #tpu.memory_space<vmem>> -> memref<1x128x128xf32, #tpu.memory_space<vmem>>
      %dma_start3A_675 = tpu.memref_squeeze %dma_start3A_674 : memref<1x128x128xf32, #tpu.memory_space<vmem>> -> memref<128x128xf32, #tpu.memory_space<vmem>>
      %dma_start3A_676 = arith.constant 0 : i32
      %dma_start3A_677 = arith.constant 0 : i32
      %dma_start3A_678 = tpu.memref_slice %arg7[%dma_start3A_669, %dma_start3A_676, %dma_start3A_677] : memref<2x8x128xi32, #tpu.memory_space<vmem>> -> memref<1x8x128xi32, #tpu.memory_space<vmem>>
      %dma_start3A_679 = tpu.memref_squeeze %dma_start3A_678 : memref<1x8x128xi32, #tpu.memory_space<vmem>> -> memref<8x128xi32, #tpu.memory_space<vmem>>
      %dma_start3A_680 = arith.constant 0 : i32
      %dma_start3A_681 = tpu.memref_slice %dma_start3A_679[%dma_start3A_670, %dma_start3A_680] : memref<8x128xi32, #tpu.memory_space<vmem>> -> memref<1x128xi32, #tpu.memory_space<vmem>>
      %dma_start3A_682 = tpu.memref_squeeze %dma_start3A_681 : memref<1x128xi32, #tpu.memory_space<vmem>> -> memref<128xi32, #tpu.memory_space<vmem>>
      %dma_start3A_683 = arith.constant 0 : i32
      %dma_start3A_684 = arith.constant 0 : i32
      %dma_start3A_685 = tpu.memref_slice %arg2[%dma_start3A_683, %dma_start3A_684] : memref<10240x128xf32, #tpu.memory_space<hbm>> -> memref<10240x128xf32, #tpu.memory_space<hbm>>
      tpu.enqueue_indirect_dma source(%dma_start3A_685 : memref<10240x128xf32, #tpu.memory_space<hbm>>) target(%dma_start3A_675 : memref<128x128xf32, #tpu.memory_space<vmem>>) offsets(%dma_start3A_682 : memref<128xi32, #tpu.memory_space<vmem>>) semaphore(%arg11 : memref<!tpu.dma_semaphore, #tpu.memory_space<semaphore_mem>>)
      %dma_wait3A_686 = arith.constant 1 : i32
      %dma_wait3A_687 = arith.constant 5 : i32
      %dma_wait3A_688 = arith.constant 1 : i32
      %dma_wait3A_689 = arith.constant 0 : i32
      %dma_wait3A_690 = arith.constant 0 : i32
      %dma_wait3A_691 = tpu.memref_slice %arg9[%dma_wait3A_688, %dma_wait3A_689, %dma_wait3A_690] : memref<2x128x128xf32, #tpu.memory_space<vmem>> -> memref<1x128x128xf32, #tpu.memory_space<vmem>>
      %dma_wait3A_692 = tpu.memref_squeeze %dma_wait3A_691 : memref<1x128x128xf32, #tpu.memory_space<vmem>> -> memref<128x128xf32, #tpu.memory_space<vmem>>
      %dma_wait3A_693 = arith.constant 0 : i32
      %dma_wait3A_694 = arith.constant 0 : i32
      %dma_wait3A_695 = tpu.memref_slice %arg7[%dma_wait3A_686, %dma_wait3A_693, %dma_wait3A_694] : memref<2x8x128xi32, #tpu.memory_space<vmem>> -> memref<1x8x128xi32, #tpu.memory_space<vmem>>
      %dma_wait3A_696 = tpu.memref_squeeze %dma_wait3A_695 : memref<1x8x128xi32, #tpu.memory_space<vmem>> -> memref<8x128xi32, #tpu.memory_space<vmem>>
      %dma_wait3A_697 = arith.constant 0 : i32
      %dma_wait3A_698 = tpu.memref_slice %dma_wait3A_696[%dma_wait3A_687, %dma_wait3A_697] : memref<8x128xi32, #tpu.memory_space<vmem>> -> memref<1x128xi32, #tpu.memory_space<vmem>>
      %dma_wait3A_699 = tpu.memref_squeeze %dma_wait3A_698 : memref<1x128xi32, #tpu.memory_space<vmem>> -> memref<128xi32, #tpu.memory_space<vmem>>
      %dma_wait3A_700 = arith.constant 0 : i32
      %dma_wait3A_701 = arith.constant 0 : i32
      %dma_wait3A_702 = tpu.memref_slice %arg2[%dma_wait3A_700, %dma_wait3A_701] : memref<10240x128xf32, #tpu.memory_space<hbm>> -> memref<10240x128xf32, #tpu.memory_space<hbm>>
      tpu.wait_indirect_dma semaphore(%arg12 : memref<!tpu.dma_semaphore, #tpu.memory_space<semaphore_mem>>) src(%dma_wait3A_702 : memref<10240x128xf32, #tpu.memory_space<hbm>>) dst(%dma_wait3A_692 : memref<128x128xf32, #tpu.memory_space<vmem>>)
      %run_scoped3A_703 = arith.constant 1 : i32
      %run_scoped3A_704 = arith.constant 1 : i32
      %run_scoped3A_705 = arith.constant 5 : i32
      "tpu.region"() ({
        %run_scoped3A_763 = tpu.sem_alloc : memref<!tpu.dma_semaphore, #tpu.memory_space<semaphore_mem>>
        %dma_start3A_764 = arith.constant 0 : i32
        %dma_start3A_765 = arith.constant 0 : i32
        %dma_start3A_766 = tpu.memref_slice %arg9[%run_scoped3A_703, %dma_start3A_764, %dma_start3A_765] : memref<2x128x128xf32, #tpu.memory_space<vmem>> -> memref<1x128x128xf32, #tpu.memory_space<vmem>>
        %dma_start3A_767 = tpu.memref_squeeze %dma_start3A_766 : memref<1x128x128xf32, #tpu.memory_space<vmem>> -> memref<128x128xf32, #tpu.memory_space<vmem>>
        %dma_start3A_768 = arith.constant 0 : i32
        %dma_start3A_769 = arith.constant 0 : i32
        %dma_start3A_770 = tpu.memref_slice %arg8[%run_scoped3A_704, %dma_start3A_768, %dma_start3A_769] : memref<2x8x128xi32, #tpu.memory_space<vmem>> -> memref<1x8x128xi32, #tpu.memory_space<vmem>>
        %dma_start3A_771 = tpu.memref_squeeze %dma_start3A_770 : memref<1x8x128xi32, #tpu.memory_space<vmem>> -> memref<8x128xi32, #tpu.memory_space<vmem>>
        %dma_start3A_772 = arith.constant 0 : i32
        %dma_start3A_773 = tpu.memref_slice %dma_start3A_771[%run_scoped3A_705, %dma_start3A_772] : memref<8x128xi32, #tpu.memory_space<vmem>> -> memref<1x128xi32, #tpu.memory_space<vmem>>
        %dma_start3A_774 = tpu.memref_squeeze %dma_start3A_773 : memref<1x128xi32, #tpu.memory_space<vmem>> -> memref<128xi32, #tpu.memory_space<vmem>>
        %dma_start3A_775 = arith.constant 0 : i32
        %dma_start3A_776 = arith.constant 0 : i32
        %dma_start3A_777 = tpu.memref_slice %arg10[%dma_start3A_775, %dma_start3A_776] : memref<10240x128xf32, #tpu.memory_space<vmem_shared>> -> memref<10240x128xf32, #tpu.memory_space<vmem_shared>>
        tpu.enqueue_indirect_dma source(%dma_start3A_767 : memref<128x128xf32, #tpu.memory_space<vmem>>) target(%dma_start3A_777 : memref<10240x128xf32, #tpu.memory_space<vmem_shared>>) offsets(%dma_start3A_774 : memref<128xi32, #tpu.memory_space<vmem>>) semaphore(%run_scoped3A_763 : memref<!tpu.dma_semaphore, #tpu.memory_space<semaphore_mem>>) {add = true}
        %dma_wait3A_778 = arith.constant 0 : i32
        %dma_wait3A_779 = arith.constant 0 : i32
        %dma_wait3A_780 = tpu.memref_slice %arg9[%run_scoped3A_703, %dma_wait3A_778, %dma_wait3A_779] : memref<2x128x128xf32, #tpu.memory_space<vmem>> -> memref<1x128x128xf32, #tpu.memory_space<vmem>>
        %dma_wait3A_781 = tpu.memref_squeeze %dma_wait3A_780 : memref<1x128x128xf32, #tpu.memory_space<vmem>> -> memref<128x128xf32, #tpu.memory_space<vmem>>
        %dma_wait3A_782 = arith.constant 0 : i32
        %dma_wait3A_783 = arith.constant 0 : i32
        %dma_wait3A_784 = tpu.memref_slice %arg8[%run_scoped3A_704, %dma_wait3A_782, %dma_wait3A_783] : memref<2x8x128xi32, #tpu.memory_space<vmem>> -> memref<1x8x128xi32, #tpu.memory_space<vmem>>
        %dma_wait3A_785 = tpu.memref_squeeze %dma_wait3A_784 : memref<1x8x128xi32, #tpu.memory_space<vmem>> -> memref<8x128xi32, #tpu.memory_space<vmem>>
        %dma_wait3A_786 = arith.constant 0 : i32
        %dma_wait3A_787 = tpu.memref_slice %dma_wait3A_785[%run_scoped3A_705, %dma_wait3A_786] : memref<8x128xi32, #tpu.memory_space<vmem>> -> memref<1x128xi32, #tpu.memory_space<vmem>>
        %dma_wait3A_788 = tpu.memref_squeeze %dma_wait3A_787 : memref<1x128xi32, #tpu.memory_space<vmem>> -> memref<128xi32, #tpu.memory_space<vmem>>
        %dma_wait3A_789 = arith.constant 0 : i32
        %dma_wait3A_790 = arith.constant 0 : i32
        %dma_wait3A_791 = tpu.memref_slice %arg10[%dma_wait3A_789, %dma_wait3A_790] : memref<10240x128xf32, #tpu.memory_space<vmem_shared>> -> memref<10240x128xf32, #tpu.memory_space<vmem_shared>>
        tpu.wait_indirect_dma semaphore(%run_scoped3A_763 : memref<!tpu.dma_semaphore, #tpu.memory_space<semaphore_mem>>) src(%dma_wait3A_781 : memref<128x128xf32, #tpu.memory_space<vmem>>) dst(%dma_wait3A_791 : memref<10240x128xf32, #tpu.memory_space<vmem_shared>>)
        tpu.yield
      }) : () -> ()
      %dma_start3A_706 = arith.constant 1 : i32
      %dma_start3A_707 = arith.constant 7 : i32
      %dma_start3A_708 = arith.constant 1 : i32
      %dma_start3A_709 = arith.constant 0 : i32
      %dma_start3A_710 = arith.constant 0 : i32
      %dma_start3A_711 = tpu.memref_slice %arg9[%dma_start3A_708, %dma_start3A_709, %dma_start3A_710] : memref<2x128x128xf32, #tpu.memory_space<vmem>> -> memref<1x128x128xf32, #tpu.memory_space<vmem>>
      %dma_start3A_712 = tpu.memref_squeeze %dma_start3A_711 : memref<1x128x128xf32, #tpu.memory_space<vmem>> -> memref<128x128xf32, #tpu.memory_space<vmem>>
      %dma_start3A_713 = arith.constant 0 : i32
      %dma_start3A_714 = arith.constant 0 : i32
      %dma_start3A_715 = tpu.memref_slice %arg7[%dma_start3A_706, %dma_start3A_713, %dma_start3A_714] : memref<2x8x128xi32, #tpu.memory_space<vmem>> -> memref<1x8x128xi32, #tpu.memory_space<vmem>>
      %dma_start3A_716 = tpu.memref_squeeze %dma_start3A_715 : memref<1x8x128xi32, #tpu.memory_space<vmem>> -> memref<8x128xi32, #tpu.memory_space<vmem>>
      %dma_start3A_717 = arith.constant 0 : i32
      %dma_start3A_718 = tpu.memref_slice %dma_start3A_716[%dma_start3A_707, %dma_start3A_717] : memref<8x128xi32, #tpu.memory_space<vmem>> -> memref<1x128xi32, #tpu.memory_space<vmem>>
      %dma_start3A_719 = tpu.memref_squeeze %dma_start3A_718 : memref<1x128xi32, #tpu.memory_space<vmem>> -> memref<128xi32, #tpu.memory_space<vmem>>
      %dma_start3A_720 = arith.constant 0 : i32
      %dma_start3A_721 = arith.constant 0 : i32
      %dma_start3A_722 = tpu.memref_slice %arg2[%dma_start3A_720, %dma_start3A_721] : memref<10240x128xf32, #tpu.memory_space<hbm>> -> memref<10240x128xf32, #tpu.memory_space<hbm>>
      tpu.enqueue_indirect_dma source(%dma_start3A_722 : memref<10240x128xf32, #tpu.memory_space<hbm>>) target(%dma_start3A_712 : memref<128x128xf32, #tpu.memory_space<vmem>>) offsets(%dma_start3A_719 : memref<128xi32, #tpu.memory_space<vmem>>) semaphore(%arg12 : memref<!tpu.dma_semaphore, #tpu.memory_space<semaphore_mem>>)
      %dma_wait3A_723 = arith.constant 1 : i32
      %dma_wait3A_724 = arith.constant 6 : i32
      %dma_wait3A_725 = arith.constant 0 : i32
      %dma_wait3A_726 = arith.constant 0 : i32
      %dma_wait3A_727 = arith.constant 0 : i32
      %dma_wait3A_728 = tpu.memref_slice %arg9[%dma_wait3A_725, %dma_wait3A_726, %dma_wait3A_727] : memref<2x128x128xf32, #tpu.memory_space<vmem>> -> memref<1x128x128xf32, #tpu.memory_space<vmem>>
      %dma_wait3A_729 = tpu.memref_squeeze %dma_wait3A_728 : memref<1x128x128xf32, #tpu.memory_space<vmem>> -> memref<128x128xf32, #tpu.memory_space<vmem>>
      %dma_wait3A_730 = arith.constant 0 : i32
      %dma_wait3A_731 = arith.constant 0 : i32
      %dma_wait3A_732 = tpu.memref_slice %arg7[%dma_wait3A_723, %dma_wait3A_730, %dma_wait3A_731] : memref<2x8x128xi32, #tpu.memory_space<vmem>> -> memref<1x8x128xi32, #tpu.memory_space<vmem>>
      %dma_wait3A_733 = tpu.memref_squeeze %dma_wait3A_732 : memref<1x8x128xi32, #tpu.memory_space<vmem>> -> memref<8x128xi32, #tpu.memory_space<vmem>>
      %dma_wait3A_734 = arith.constant 0 : i32
      %dma_wait3A_735 = tpu.memref_slice %dma_wait3A_733[%dma_wait3A_724, %dma_wait3A_734] : memref<8x128xi32, #tpu.memory_space<vmem>> -> memref<1x128xi32, #tpu.memory_space<vmem>>
      %dma_wait3A_736 = tpu.memref_squeeze %dma_wait3A_735 : memref<1x128xi32, #tpu.memory_space<vmem>> -> memref<128xi32, #tpu.memory_space<vmem>>
      %dma_wait3A_737 = arith.constant 0 : i32
      %dma_wait3A_738 = arith.constant 0 : i32
      %dma_wait3A_739 = tpu.memref_slice %arg2[%dma_wait3A_737, %dma_wait3A_738] : memref<10240x128xf32, #tpu.memory_space<hbm>> -> memref<10240x128xf32, #tpu.memory_space<hbm>>
      tpu.wait_indirect_dma semaphore(%arg11 : memref<!tpu.dma_semaphore, #tpu.memory_space<semaphore_mem>>) src(%dma_wait3A_739 : memref<10240x128xf32, #tpu.memory_space<hbm>>) dst(%dma_wait3A_729 : memref<128x128xf32, #tpu.memory_space<vmem>>)
      %run_scoped3A_740 = arith.constant 0 : i32
      %run_scoped3A_741 = arith.constant 1 : i32
      %run_scoped3A_742 = arith.constant 6 : i32
      "tpu.region"() ({
        %run_scoped3A_763 = tpu.sem_alloc : memref<!tpu.dma_semaphore, #tpu.memory_space<semaphore_mem>>
        %dma_start3A_764 = arith.constant 0 : i32
        %dma_start3A_765 = arith.constant 0 : i32
        %dma_start3A_766 = tpu.memref_slice %arg9[%run_scoped3A_740, %dma_start3A_764, %dma_start3A_765] : memref<2x128x128xf32, #tpu.memory_space<vmem>> -> memref<1x128x128xf32, #tpu.memory_space<vmem>>
        %dma_start3A_767 = tpu.memref_squeeze %dma_start3A_766 : memref<1x128x128xf32, #tpu.memory_space<vmem>> -> memref<128x128xf32, #tpu.memory_space<vmem>>
        %dma_start3A_768 = arith.constant 0 : i32
        %dma_start3A_769 = arith.constant 0 : i32
        %dma_start3A_770 = tpu.memref_slice %arg8[%run_scoped3A_741, %dma_start3A_768, %dma_start3A_769] : memref<2x8x128xi32, #tpu.memory_space<vmem>> -> memref<1x8x128xi32, #tpu.memory_space<vmem>>
        %dma_start3A_771 = tpu.memref_squeeze %dma_start3A_770 : memref<1x8x128xi32, #tpu.memory_space<vmem>> -> memref<8x128xi32, #tpu.memory_space<vmem>>
        %dma_start3A_772 = arith.constant 0 : i32
        %dma_start3A_773 = tpu.memref_slice %dma_start3A_771[%run_scoped3A_742, %dma_start3A_772] : memref<8x128xi32, #tpu.memory_space<vmem>> -> memref<1x128xi32, #tpu.memory_space<vmem>>
        %dma_start3A_774 = tpu.memref_squeeze %dma_start3A_773 : memref<1x128xi32, #tpu.memory_space<vmem>> -> memref<128xi32, #tpu.memory_space<vmem>>
        %dma_start3A_775 = arith.constant 0 : i32
        %dma_start3A_776 = arith.constant 0 : i32
        %dma_start3A_777 = tpu.memref_slice %arg10[%dma_start3A_775, %dma_start3A_776] : memref<10240x128xf32, #tpu.memory_space<vmem_shared>> -> memref<10240x128xf32, #tpu.memory_space<vmem_shared>>
        tpu.enqueue_indirect_dma source(%dma_start3A_767 : memref<128x128xf32, #tpu.memory_space<vmem>>) target(%dma_start3A_777 : memref<10240x128xf32, #tpu.memory_space<vmem_shared>>) offsets(%dma_start3A_774 : memref<128xi32, #tpu.memory_space<vmem>>) semaphore(%run_scoped3A_763 : memref<!tpu.dma_semaphore, #tpu.memory_space<semaphore_mem>>) {add = true}
        %dma_wait3A_778 = arith.constant 0 : i32
        %dma_wait3A_779 = arith.constant 0 : i32
        %dma_wait3A_780 = tpu.memref_slice %arg9[%run_scoped3A_740, %dma_wait3A_778, %dma_wait3A_779] : memref<2x128x128xf32, #tpu.memory_space<vmem>> -> memref<1x128x128xf32, #tpu.memory_space<vmem>>
        %dma_wait3A_781 = tpu.memref_squeeze %dma_wait3A_780 : memref<1x128x128xf32, #tpu.memory_space<vmem>> -> memref<128x128xf32, #tpu.memory_space<vmem>>
        %dma_wait3A_782 = arith.constant 0 : i32
        %dma_wait3A_783 = arith.constant 0 : i32
        %dma_wait3A_784 = tpu.memref_slice %arg8[%run_scoped3A_741, %dma_wait3A_782, %dma_wait3A_783] : memref<2x8x128xi32, #tpu.memory_space<vmem>> -> memref<1x8x128xi32, #tpu.memory_space<vmem>>
        %dma_wait3A_785 = tpu.memref_squeeze %dma_wait3A_784 : memref<1x8x128xi32, #tpu.memory_space<vmem>> -> memref<8x128xi32, #tpu.memory_space<vmem>>
        %dma_wait3A_786 = arith.constant 0 : i32
        %dma_wait3A_787 = tpu.memref_slice %dma_wait3A_785[%run_scoped3A_742, %dma_wait3A_786] : memref<8x128xi32, #tpu.memory_space<vmem>> -> memref<1x128xi32, #tpu.memory_space<vmem>>
        %dma_wait3A_788 = tpu.memref_squeeze %dma_wait3A_787 : memref<1x128xi32, #tpu.memory_space<vmem>> -> memref<128xi32, #tpu.memory_space<vmem>>
        %dma_wait3A_789 = arith.constant 0 : i32
        %dma_wait3A_790 = arith.constant 0 : i32
        %dma_wait3A_791 = tpu.memref_slice %arg10[%dma_wait3A_789, %dma_wait3A_790] : memref<10240x128xf32, #tpu.memory_space<vmem_shared>> -> memref<10240x128xf32, #tpu.memory_space<vmem_shared>>
        tpu.wait_indirect_dma semaphore(%run_scoped3A_763 : memref<!tpu.dma_semaphore, #tpu.memory_space<semaphore_mem>>) src(%dma_wait3A_781 : memref<128x128xf32, #tpu.memory_space<vmem>>) dst(%dma_wait3A_791 : memref<10240x128xf32, #tpu.memory_space<vmem_shared>>)
        tpu.yield
      }) : () -> ()
      %dma_wait3A_743 = arith.constant 1 : i32
      %dma_wait3A_744 = arith.constant 7 : i32
      %dma_wait3A_745 = arith.constant 1 : i32
      %dma_wait3A_746 = arith.constant 0 : i32
      %dma_wait3A_747 = arith.constant 0 : i32
      %dma_wait3A_748 = tpu.memref_slice %arg9[%dma_wait3A_745, %dma_wait3A_746, %dma_wait3A_747] : memref<2x128x128xf32, #tpu.memory_space<vmem>> -> memref<1x128x128xf32, #tpu.memory_space<vmem>>
      %dma_wait3A_749 = tpu.memref_squeeze %dma_wait3A_748 : memref<1x128x128xf32, #tpu.memory_space<vmem>> -> memref<128x128xf32, #tpu.memory_space<vmem>>
      %dma_wait3A_750 = arith.constant 0 : i32
      %dma_wait3A_751 = arith.constant 0 : i32
      %dma_wait3A_752 = tpu.memref_slice %arg7[%dma_wait3A_743, %dma_wait3A_750, %dma_wait3A_751] : memref<2x8x128xi32, #tpu.memory_space<vmem>> -> memref<1x8x128xi32, #tpu.memory_space<vmem>>
      %dma_wait3A_753 = tpu.memref_squeeze %dma_wait3A_752 : memref<1x8x128xi32, #tpu.memory_space<vmem>> -> memref<8x128xi32, #tpu.memory_space<vmem>>
      %dma_wait3A_754 = arith.constant 0 : i32
      %dma_wait3A_755 = tpu.memref_slice %dma_wait3A_753[%dma_wait3A_744, %dma_wait3A_754] : memref<8x128xi32, #tpu.memory_space<vmem>> -> memref<1x128xi32, #tpu.memory_space<vmem>>
      %dma_wait3A_756 = tpu.memref_squeeze %dma_wait3A_755 : memref<1x128xi32, #tpu.memory_space<vmem>> -> memref<128xi32, #tpu.memory_space<vmem>>
      %dma_wait3A_757 = arith.constant 0 : i32
      %dma_wait3A_758 = arith.constant 0 : i32
      %dma_wait3A_759 = tpu.memref_slice %arg2[%dma_wait3A_757, %dma_wait3A_758] : memref<10240x128xf32, #tpu.memory_space<hbm>> -> memref<10240x128xf32, #tpu.memory_space<hbm>>
      tpu.wait_indirect_dma semaphore(%arg12 : memref<!tpu.dma_semaphore, #tpu.memory_space<semaphore_mem>>) src(%dma_wait3A_759 : memref<10240x128xf32, #tpu.memory_space<hbm>>) dst(%dma_wait3A_749 : memref<128x128xf32, #tpu.memory_space<vmem>>)
      %run_scoped3A_760 = arith.constant 1 : i32
      %run_scoped3A_761 = arith.constant 1 : i32
      %run_scoped3A_762 = arith.constant 7 : i32
      "tpu.region"() ({
        %run_scoped3A_763 = tpu.sem_alloc : memref<!tpu.dma_semaphore, #tpu.memory_space<semaphore_mem>>
        %dma_start3A_764 = arith.constant 0 : i32
        %dma_start3A_765 = arith.constant 0 : i32
        %dma_start3A_766 = tpu.memref_slice %arg9[%run_scoped3A_760, %dma_start3A_764, %dma_start3A_765] : memref<2x128x128xf32, #tpu.memory_space<vmem>> -> memref<1x128x128xf32, #tpu.memory_space<vmem>>
        %dma_start3A_767 = tpu.memref_squeeze %dma_start3A_766 : memref<1x128x128xf32, #tpu.memory_space<vmem>> -> memref<128x128xf32, #tpu.memory_space<vmem>>
        %dma_start3A_768 = arith.constant 0 : i32
        %dma_start3A_769 = arith.constant 0 : i32
        %dma_start3A_770 = tpu.memref_slice %arg8[%run_scoped3A_761, %dma_start3A_768, %dma_start3A_769] : memref<2x8x128xi32, #tpu.memory_space<vmem>> -> memref<1x8x128xi32, #tpu.memory_space<vmem>>
        %dma_start3A_771 = tpu.memref_squeeze %dma_start3A_770 : memref<1x8x128xi32, #tpu.memory_space<vmem>> -> memref<8x128xi32, #tpu.memory_space<vmem>>
        %dma_start3A_772 = arith.constant 0 : i32
        %dma_start3A_773 = tpu.memref_slice %dma_start3A_771[%run_scoped3A_762, %dma_start3A_772] : memref<8x128xi32, #tpu.memory_space<vmem>> -> memref<1x128xi32, #tpu.memory_space<vmem>>
        %dma_start3A_774 = tpu.memref_squeeze %dma_start3A_773 : memref<1x128xi32, #tpu.memory_space<vmem>> -> memref<128xi32, #tpu.memory_space<vmem>>
        %dma_start3A_775 = arith.constant 0 : i32
        %dma_start3A_776 = arith.constant 0 : i32
        %dma_start3A_777 = tpu.memref_slice %arg10[%dma_start3A_775, %dma_start3A_776] : memref<10240x128xf32, #tpu.memory_space<vmem_shared>> -> memref<10240x128xf32, #tpu.memory_space<vmem_shared>>
        tpu.enqueue_indirect_dma source(%dma_start3A_767 : memref<128x128xf32, #tpu.memory_space<vmem>>) target(%dma_start3A_777 : memref<10240x128xf32, #tpu.memory_space<vmem_shared>>) offsets(%dma_start3A_774 : memref<128xi32, #tpu.memory_space<vmem>>) semaphore(%run_scoped3A_763 : memref<!tpu.dma_semaphore, #tpu.memory_space<semaphore_mem>>) {add = true}
        %dma_wait3A_778 = arith.constant 0 : i32
        %dma_wait3A_779 = arith.constant 0 : i32
        %dma_wait3A_780 = tpu.memref_slice %arg9[%run_scoped3A_760, %dma_wait3A_778, %dma_wait3A_779] : memref<2x128x128xf32, #tpu.memory_space<vmem>> -> memref<1x128x128xf32, #tpu.memory_space<vmem>>
        %dma_wait3A_781 = tpu.memref_squeeze %dma_wait3A_780 : memref<1x128x128xf32, #tpu.memory_space<vmem>> -> memref<128x128xf32, #tpu.memory_space<vmem>>
        %dma_wait3A_782 = arith.constant 0 : i32
        %dma_wait3A_783 = arith.constant 0 : i32
        %dma_wait3A_784 = tpu.memref_slice %arg8[%run_scoped3A_761, %dma_wait3A_782, %dma_wait3A_783] : memref<2x8x128xi32, #tpu.memory_space<vmem>> -> memref<1x8x128xi32, #tpu.memory_space<vmem>>
        %dma_wait3A_785 = tpu.memref_squeeze %dma_wait3A_784 : memref<1x8x128xi32, #tpu.memory_space<vmem>> -> memref<8x128xi32, #tpu.memory_space<vmem>>
        %dma_wait3A_786 = arith.constant 0 : i32
        %dma_wait3A_787 = tpu.memref_slice %dma_wait3A_785[%run_scoped3A_762, %dma_wait3A_786] : memref<8x128xi32, #tpu.memory_space<vmem>> -> memref<1x128xi32, #tpu.memory_space<vmem>>
        %dma_wait3A_788 = tpu.memref_squeeze %dma_wait3A_787 : memref<1x128xi32, #tpu.memory_space<vmem>> -> memref<128xi32, #tpu.memory_space<vmem>>
        %dma_wait3A_789 = arith.constant 0 : i32
        %dma_wait3A_790 = arith.constant 0 : i32
        %dma_wait3A_791 = tpu.memref_slice %arg10[%dma_wait3A_789, %dma_wait3A_790] : memref<10240x128xf32, #tpu.memory_space<vmem_shared>> -> memref<10240x128xf32, #tpu.memory_space<vmem_shared>>
        tpu.wait_indirect_dma semaphore(%run_scoped3A_763 : memref<!tpu.dma_semaphore, #tpu.memory_space<semaphore_mem>>) src(%dma_wait3A_781 : memref<128x128xf32, #tpu.memory_space<vmem>>) dst(%dma_wait3A_791 : memref<10240x128xf32, #tpu.memory_space<vmem_shared>>)
        tpu.yield
      }) : () -> ()
    }
    %scan3A_51 = arith.constant 5 : i32
    %barrier3A_52 = arith.constant 0 : index
    tpu.barrier barrier_id(%barrier3A_52)
    %mul3A_53 = arith.constant 640 : i32
    %mul3A_54 = arith.muli %arg1, %mul3A_53 : i32
    %mul3A_55 = arith.constant 640 : i32
    %mul3A_56 = arith.muli %arg1, %mul3A_55 : i32
    "tpu.region"() ({
      %run_scoped3A = tpu.sem_alloc : memref<!tpu.dma_semaphore, #tpu.memory_space<semaphore_mem>>
      %dma_start3A_57 = arith.constant 0 : i32
      %dma_start3A_58 = arith.constant 0 : i32
      %dma_start3A_59 = tpu.memref_slice %arg6[%arg0, %dma_start3A_57, %dma_start3A_58] : memref<2x10240x128xf32, #tpu.memory_space<hbm>> -> memref<1x10240x128xf32, #tpu.memory_space<hbm>>
      %dma_start3A_60 = tpu.memref_squeeze %dma_start3A_59 : memref<1x10240x128xf32, #tpu.memory_space<hbm>> -> memref<10240x128xf32, #tpu.memory_space<hbm>>
      %dma_start3A_61 = arith.constant 0 : i32
      %dma_start3A_62 = tpu.memref_slice %dma_start3A_60[%mul3A_56, %dma_start3A_61] : memref<10240x128xf32, #tpu.memory_space<hbm>> -> memref<640x128xf32, #tpu.memory_space<hbm>>
      %dma_start3A_63 = arith.constant 0 : i32
      %dma_start3A_64 = tpu.memref_slice %arg10[%mul3A_54, %dma_start3A_63] : memref<10240x128xf32, #tpu.memory_space<vmem_shared>> -> memref<640x128xf32, #tpu.memory_space<vmem_shared>>
      tpu.enqueue_dma source(%dma_start3A_64 : memref<640x128xf32, #tpu.memory_space<vmem_shared>>) target(%dma_start3A_62 : memref<640x128xf32, #tpu.memory_space<hbm>>) target_semaphore(%run_scoped3A : memref<!tpu.dma_semaphore, #tpu.memory_space<semaphore_mem>>)
      %dma_wait3A = arith.constant 0 : i32
      %dma_wait3A_65 = arith.constant 0 : i32
      %dma_wait3A_66 = tpu.memref_slice %arg6[%arg0, %dma_wait3A, %dma_wait3A_65] : memref<2x10240x128xf32, #tpu.memory_space<hbm>> -> memref<1x10240x128xf32, #tpu.memory_space<hbm>>
      %dma_wait3A_67 = tpu.memref_squeeze %dma_wait3A_66 : memref<1x10240x128xf32, #tpu.memory_space<hbm>> -> memref<10240x128xf32, #tpu.memory_space<hbm>>
      %dma_wait3A_68 = arith.constant 0 : i32
      %dma_wait3A_69 = tpu.memref_slice %dma_wait3A_67[%mul3A_56, %dma_wait3A_68] : memref<10240x128xf32, #tpu.memory_space<hbm>> -> memref<640x128xf32, #tpu.memory_space<hbm>>
      %dma_wait3A_70 = arith.constant 0 : i32
      %dma_wait3A_71 = tpu.memref_slice %arg10[%mul3A_54, %dma_wait3A_70] : memref<10240x128xf32, #tpu.memory_space<vmem_shared>> -> memref<640x128xf32, #tpu.memory_space<vmem_shared>>
      tpu.wait_dma2 semaphore(%run_scoped3A : memref<!tpu.dma_semaphore, #tpu.memory_space<semaphore_mem>>) src(%dma_wait3A_71 : memref<640x128xf32, #tpu.memory_space<vmem_shared>>) dst(%dma_wait3A_69 : memref<640x128xf32, #tpu.memory_space<hbm>>)
      tpu.yield
    }) : () -> ()
    return
  }
}

module attributes {stable_mosaic.version = 14 : i64} {
  func.func @_layer1_body(%arg0: i32, %arg1: memref<512x128xf32, #tpu.memory_space<vmem>>, %arg2: memref<2x512x128xf32, #tpu.memory_space<vmem>>, %arg3: memref<2x16x512xf32, #tpu.memory_space<vmem>>, %arg4: memref<128x128xf32, #tpu.memory_space<vmem>>, %arg5: memref<128x128xf32, #tpu.memory_space<vmem>>, %arg6: memref<1x128xf32, #tpu.memory_space<vmem>>, %arg7: memref<512x128xf32, #tpu.memory_space<vmem>>) attributes {dimension_semantics = [#tpu.dimension_semantics<arbitrary>], iteration_bounds = array<i64: 20>, scalar_prefetch = 0 : i64, scratch_operands = 0 : i64, tpu.core_type = #tpu.core_type<tc>, window_params = [{transform_indices = @transform_0, window_bounds = array<i64: 512, 128>}, {transform_indices = @transform_1, window_bounds = array<i64: 2, 512, 128>}, {transform_indices = @transform_2, window_bounds = array<i64: 2, 16, 512>}, {pipeline_mode = #tpu.pipeline_mode<synchronous>, transform_indices = @transform_3, window_bounds = array<i64: 128, 128>}, {pipeline_mode = #tpu.pipeline_mode<synchronous>, transform_indices = @transform_4, window_bounds = array<i64: 128, 128>}, {pipeline_mode = #tpu.pipeline_mode<synchronous>, transform_indices = @transform_5, window_bounds = array<i64: 1, 128>}, {transform_indices = @transform_6, window_bounds = array<i64: 512, 128>}]} {
    %get3A = arith.constant 0 : index
    %get3A_0 = arith.constant 0 : index
    %get3A_1 = arith.constant 0 : index
    %get3A_2 = vector.load %arg2[%get3A, %get3A_0, %get3A_1] : memref<2x512x128xf32, #tpu.memory_space<vmem>>, vector<1x512x128xf32>
    %get3A_3 = vector.shape_cast %get3A_2 : vector<1x512x128xf32> to vector<512x128xf32>
    %get3A_4 = arith.constant 1 : index
    %get3A_5 = arith.constant 0 : index
    %get3A_6 = arith.constant 0 : index
    %get3A_7 = vector.load %arg2[%get3A_4, %get3A_5, %get3A_6] : memref<2x512x128xf32, #tpu.memory_space<vmem>>, vector<1x512x128xf32>
    %get3A_8 = vector.shape_cast %get3A_7 : vector<1x512x128xf32> to vector<512x128xf32>
    %add3A = arith.addf %get3A_3, %get3A_8 : vector<512x128xf32>
    %get3A_9 = arith.constant 0 : index
    %get3A_10 = arith.constant 0 : index
    %get3A_11 = arith.constant 0 : index
    %get3A_12 = vector.load %arg3[%get3A_9, %get3A_10, %get3A_11] : memref<2x16x512xf32, #tpu.memory_space<vmem>>, vector<2x16x512xf32>
    %reduce_sum3A = arith.constant dense<0.000000e+00> : vector<512xf32>
    %reduce_sum3A_13 = vector.multi_reduction <add>, %get3A_12, %reduce_sum3A [0, 1] : vector<2x16x512xf32> to vector<512xf32>
    %broadcast_in_dim3A = vector.shape_cast %reduce_sum3A_13 : vector<512xf32> to vector<512x1xf32>
    %max3A = arith.constant 1.000000e+00 : f32
    %max3A_14 = vector.broadcast %max3A : f32 to vector<512x1xf32>
    %max3A_15 = arith.maximumf %broadcast_in_dim3A, %max3A_14 : vector<512x1xf32>
    %div3A = arith.constant 1.000000e+00 : f32
    %div3A_16 = vector.broadcast %div3A : f32 to vector<512x1xf32>
    %div3A_17 = arith.divf %div3A_16, %max3A_15 : vector<512x1xf32>
    %mul3A = vector.broadcast %div3A_17 : vector<512x1xf32> to vector<512x128xf32>
    %mul3A_18 = arith.mulf %add3A, %mul3A : vector<512x128xf32>
    %get3A_19 = arith.constant 0 : index
    %get3A_20 = arith.constant 0 : index
    %get3A_21 = vector.load %arg1[%get3A_19, %get3A_20] : memref<512x128xf32, #tpu.memory_space<vmem>>, vector<512x128xf32>
    %get3A_22 = arith.constant 0 : index
    %get3A_23 = arith.constant 0 : index
    %get3A_24 = vector.load %arg4[%get3A_22, %get3A_23] : memref<128x128xf32, #tpu.memory_space<vmem>>, vector<128x128xf32>
    %dot_general3A = arith.constant dense<0.000000e+00> : vector<512x128xf32>
    %dot_general3A_25 = tpu.matmul %get3A_21, %get3A_24, %dot_general3A {dimension_numbers = #tpu.dot_dimension_numbers<[1], [0], [0], [1], [0, 0, 1, 1], [], []>, transpose_lhs_hint = false} : vector<512x128xf32>, vector<128x128xf32>, vector<512x128xf32> -> vector<512x128xf32>
    %get3A_26 = arith.constant 0 : index
    %get3A_27 = arith.constant 0 : index
    %get3A_28 = vector.load %arg5[%get3A_26, %get3A_27] : memref<128x128xf32, #tpu.memory_space<vmem>>, vector<128x128xf32>
    %dot_general3A_29 = arith.constant dense<0.000000e+00> : vector<512x128xf32>
    %dot_general3A_30 = tpu.matmul %mul3A_18, %get3A_28, %dot_general3A_29 {dimension_numbers = #tpu.dot_dimension_numbers<[1], [0], [0], [1], [0, 0, 1, 1], [], []>, transpose_lhs_hint = false} : vector<512x128xf32>, vector<128x128xf32>, vector<512x128xf32> -> vector<512x128xf32>
    %add3A_31 = arith.addf %dot_general3A_25, %dot_general3A_30 : vector<512x128xf32>
    %get3A_32 = arith.constant 0 : index
    %get3A_33 = arith.constant 0 : index
    %get3A_34 = vector.load %arg6[%get3A_32, %get3A_33] : memref<1x128xf32, #tpu.memory_space<vmem>>, vector<1x128xf32>
    %add3A_35 = vector.broadcast %get3A_34 : vector<1x128xf32> to vector<512x128xf32>
    %add3A_36 = arith.addf %add3A_31, %add3A_35 : vector<512x128xf32>
    %max3A_37 = arith.constant 0.000000e+00 : f32
    %max3A_38 = vector.broadcast %max3A_37 : f32 to vector<512x128xf32>
    %max3A_39 = arith.maximumf %add3A_36, %max3A_38 : vector<512x128xf32>
    %swap3A = arith.constant 0 : index
    %swap3A_40 = arith.constant 0 : index
    %swap3A_41 = vector.load %arg7[%swap3A, %swap3A_40] : memref<512x128xf32, #tpu.memory_space<vmem>>, vector<512x128xf32>
    tpu.vector_store %arg7[%swap3A, %swap3A_40], %max3A_39 {strides = array<i32>} : memref<512x128xf32, #tpu.memory_space<vmem>>, vector<512x128xf32>,
    return
  }
  func.func @transform_0(%arg0: i32) -> (i32, i32) {
    %c0_i32 = arith.constant 0 : i32
    %c0_i32_0 = arith.constant 0 : i32
    return %arg0, %c0_i32 : i32, i32
  }
  func.func @transform_1(%arg0: i32) -> (i32, i32, i32) {
    %c0_i32 = arith.constant 0 : i32
    %c0_i32_0 = arith.constant 0 : i32
    %c0_i32_1 = arith.constant 0 : i32
    return %c0_i32, %arg0, %c0_i32_0 : i32, i32, i32
  }
  func.func @transform_2(%arg0: i32) -> (i32, i32, i32) {
    %c0_i32 = arith.constant 0 : i32
    %c0_i32_0 = arith.constant 0 : i32
    %c0_i32_1 = arith.constant 0 : i32
    return %c0_i32, %c0_i32_0, %arg0 : i32, i32, i32
  }
  func.func @transform_3(%arg0: i32) -> (i32, i32) {
    %c0_i32 = arith.constant 0 : i32
    %c0_i32_0 = arith.constant 0 : i32
    %c0_i32_1 = arith.constant 0 : i32
    return %c0_i32, %c0_i32_0 : i32, i32
  }
  func.func @transform_4(%arg0: i32) -> (i32, i32) {
    %c0_i32 = arith.constant 0 : i32
    %c0_i32_0 = arith.constant 0 : i32
    %c0_i32_1 = arith.constant 0 : i32
    return %c0_i32, %c0_i32_0 : i32, i32
  }
  func.func @transform_5(%arg0: i32) -> (i32, i32) {
    %c0_i32 = arith.constant 0 : i32
    %c0_i32_0 = arith.constant 0 : i32
    %c0_i32_1 = arith.constant 0 : i32
    return %c0_i32, %c0_i32_0 : i32, i32
  }
  func.func @transform_6(%arg0: i32) -> (i32, i32) {
    %c0_i32 = arith.constant 0 : i32
    %c0_i32_0 = arith.constant 0 : i32
    return %arg0, %c0_i32 : i32, i32
  }
}

module attributes {stable_mosaic.version = 14 : i64} {
  func.func @_layer2_body(%arg0: i32, %arg1: memref<512x128xf32, #tpu.memory_space<vmem>>, %arg2: memref<2x512x128xf32, #tpu.memory_space<vmem>>, %arg3: memref<2x16x512xf32, #tpu.memory_space<vmem>>, %arg4: memref<128x128xf32, #tpu.memory_space<vmem>>, %arg5: memref<128x128xf32, #tpu.memory_space<vmem>>, %arg6: memref<1x128xf32, #tpu.memory_space<vmem>>, %arg7: memref<128x128xf32, #tpu.memory_space<vmem>>, %arg8: memref<1x128xf32, #tpu.memory_space<vmem>>, %arg9: memref<128x128xf32, #tpu.memory_space<vmem>>, %arg10: memref<1x128xf32, #tpu.memory_space<vmem>>, %arg11: memref<128x128xf32, #tpu.memory_space<vmem>>, %arg12: memref<1x128xf32, #tpu.memory_space<vmem>>, %arg13: memref<128x128xf32, #tpu.memory_space<vmem>>, %arg14: memref<1x128xf32, #tpu.memory_space<vmem>>, %arg15: memref<128x128xf32, #tpu.memory_space<vmem>>, %arg16: memref<1x128xf32, #tpu.memory_space<vmem>>, %arg17: memref<128x128xf32, #tpu.memory_space<vmem>>, %arg18: memref<1x128xf32, #tpu.memory_space<vmem>>, %arg19: memref<512x128xf32, #tpu.memory_space<vmem>>) attributes {dimension_semantics = [#tpu.dimension_semantics<arbitrary>], iteration_bounds = array<i64: 20>, scalar_prefetch = 0 : i64, scratch_operands = 0 : i64, tpu.core_type = #tpu.core_type<tc>, window_params = [{transform_indices = @transform_0, window_bounds = array<i64: 512, 128>}, {transform_indices = @transform_1, window_bounds = array<i64: 2, 512, 128>}, {transform_indices = @transform_2, window_bounds = array<i64: 2, 16, 512>}, {pipeline_mode = #tpu.pipeline_mode<synchronous>, transform_indices = @transform_3, window_bounds = array<i64: 128, 128>}, {pipeline_mode = #tpu.pipeline_mode<synchronous>, transform_indices = @transform_4, window_bounds = array<i64: 128, 128>}, {pipeline_mode = #tpu.pipeline_mode<synchronous>, transform_indices = @transform_5, window_bounds = array<i64: 1, 128>}, {pipeline_mode = #tpu.pipeline_mode<synchronous>, transform_indices = @transform_6, window_bounds = array<i64: 128, 128>}, {pipeline_mode = #tpu.pipeline_mode<synchronous>, transform_indices = @transform_7, window_bounds = array<i64: 1, 128>}, {pipeline_mode = #tpu.pipeline_mode<synchronous>, transform_indices = @transform_8, window_bounds = array<i64: 128, 128>}, {pipeline_mode = #tpu.pipeline_mode<synchronous>, transform_indices = @transform_9, window_bounds = array<i64: 1, 128>}, {pipeline_mode = #tpu.pipeline_mode<synchronous>, transform_indices = @transform_10, window_bounds = array<i64: 128, 128>}, {pipeline_mode = #tpu.pipeline_mode<synchronous>, transform_indices = @transform_11, window_bounds = array<i64: 1, 128>}, {pipeline_mode = #tpu.pipeline_mode<synchronous>, transform_indices = @transform_12, window_bounds = array<i64: 128, 128>}, {pipeline_mode = #tpu.pipeline_mode<synchronous>, transform_indices = @transform_13, window_bounds = array<i64: 1, 128>}, {pipeline_mode = #tpu.pipeline_mode<synchronous>, transform_indices = @transform_14, window_bounds = array<i64: 128, 128>}, {pipeline_mode = #tpu.pipeline_mode<synchronous>, transform_indices = @transform_15, window_bounds = array<i64: 1, 128>}, {pipeline_mode = #tpu.pipeline_mode<synchronous>, transform_indices = @transform_16, window_bounds = array<i64: 128, 128>}, {pipeline_mode = #tpu.pipeline_mode<synchronous>, transform_indices = @transform_17, window_bounds = array<i64: 1, 128>}, {transform_indices = @transform_18, window_bounds = array<i64: 512, 128>}]} {
    %get3A = arith.constant 0 : index
    %get3A_0 = arith.constant 0 : index
    %get3A_1 = arith.constant 0 : index
    %get3A_2 = vector.load %arg2[%get3A, %get3A_0, %get3A_1] : memref<2x512x128xf32, #tpu.memory_space<vmem>>, vector<1x512x128xf32>
    %get3A_3 = vector.shape_cast %get3A_2 : vector<1x512x128xf32> to vector<512x128xf32>
    %get3A_4 = arith.constant 1 : index
    %get3A_5 = arith.constant 0 : index
    %get3A_6 = arith.constant 0 : index
    %get3A_7 = vector.load %arg2[%get3A_4, %get3A_5, %get3A_6] : memref<2x512x128xf32, #tpu.memory_space<vmem>>, vector<1x512x128xf32>
    %get3A_8 = vector.shape_cast %get3A_7 : vector<1x512x128xf32> to vector<512x128xf32>
    %add3A = arith.addf %get3A_3, %get3A_8 : vector<512x128xf32>
    %get3A_9 = arith.constant 0 : index
    %get3A_10 = arith.constant 0 : index
    %get3A_11 = arith.constant 0 : index
    %get3A_12 = vector.load %arg3[%get3A_9, %get3A_10, %get3A_11] : memref<2x16x512xf32, #tpu.memory_space<vmem>>, vector<2x16x512xf32>
    %reduce_sum3A = arith.constant dense<0.000000e+00> : vector<512xf32>
    %reduce_sum3A_13 = vector.multi_reduction <add>, %get3A_12, %reduce_sum3A [0, 1] : vector<2x16x512xf32> to vector<512xf32>
    %broadcast_in_dim3A = vector.shape_cast %reduce_sum3A_13 : vector<512xf32> to vector<512x1xf32>
    %max3A = arith.constant 1.000000e+00 : f32
    %max3A_14 = vector.broadcast %max3A : f32 to vector<512x1xf32>
    %max3A_15 = arith.maximumf %broadcast_in_dim3A, %max3A_14 : vector<512x1xf32>
    %div3A = arith.constant 1.000000e+00 : f32
    %div3A_16 = vector.broadcast %div3A : f32 to vector<512x1xf32>
    %div3A_17 = arith.divf %div3A_16, %max3A_15 : vector<512x1xf32>
    %mul3A = vector.broadcast %div3A_17 : vector<512x1xf32> to vector<512x128xf32>
    %mul3A_18 = arith.mulf %add3A, %mul3A : vector<512x128xf32>
    %get3A_19 = arith.constant 0 : index
    %get3A_20 = arith.constant 0 : index
    %get3A_21 = vector.load %arg1[%get3A_19, %get3A_20] : memref<512x128xf32, #tpu.memory_space<vmem>>, vector<512x128xf32>
    %get3A_22 = arith.constant 0 : index
    %get3A_23 = arith.constant 0 : index
    %get3A_24 = vector.load %arg4[%get3A_22, %get3A_23] : memref<128x128xf32, #tpu.memory_space<vmem>>, vector<128x128xf32>
    %dot_general3A = arith.constant dense<0.000000e+00> : vector<512x128xf32>
    %dot_general3A_25 = tpu.matmul %get3A_21, %get3A_24, %dot_general3A {dimension_numbers = #tpu.dot_dimension_numbers<[1], [0], [0], [1], [0, 0, 1, 1], [], []>, transpose_lhs_hint = false} : vector<512x128xf32>, vector<128x128xf32>, vector<512x128xf32> -> vector<512x128xf32>
    %get3A_26 = arith.constant 0 : index
    %get3A_27 = arith.constant 0 : index
    %get3A_28 = vector.load %arg5[%get3A_26, %get3A_27] : memref<128x128xf32, #tpu.memory_space<vmem>>, vector<128x128xf32>
    %dot_general3A_29 = arith.constant dense<0.000000e+00> : vector<512x128xf32>
    %dot_general3A_30 = tpu.matmul %mul3A_18, %get3A_28, %dot_general3A_29 {dimension_numbers = #tpu.dot_dimension_numbers<[1], [0], [0], [1], [0, 0, 1, 1], [], []>, transpose_lhs_hint = false} : vector<512x128xf32>, vector<128x128xf32>, vector<512x128xf32> -> vector<512x128xf32>
    %add3A_31 = arith.addf %dot_general3A_25, %dot_general3A_30 : vector<512x128xf32>
    %get3A_32 = arith.constant 0 : index
    %get3A_33 = arith.constant 0 : index
    %get3A_34 = vector.load %arg6[%get3A_32, %get3A_33] : memref<1x128xf32, #tpu.memory_space<vmem>>, vector<1x128xf32>
    %add3A_35 = vector.broadcast %get3A_34 : vector<1x128xf32> to vector<512x128xf32>
    %add3A_36 = arith.addf %add3A_31, %add3A_35 : vector<512x128xf32>
    %get3A_37 = arith.constant 0 : index
    %get3A_38 = arith.constant 0 : index
    %get3A_39 = vector.load %arg7[%get3A_37, %get3A_38] : memref<128x128xf32, #tpu.memory_space<vmem>>, vector<128x128xf32>
    %dot_general3A_40 = arith.constant dense<0.000000e+00> : vector<512x128xf32>
    %dot_general3A_41 = tpu.matmul %add3A_36, %get3A_39, %dot_general3A_40 {dimension_numbers = #tpu.dot_dimension_numbers<[1], [0], [0], [1], [0, 0, 1, 1], [], []>, transpose_lhs_hint = false} : vector<512x128xf32>, vector<128x128xf32>, vector<512x128xf32> -> vector<512x128xf32>
    %get3A_42 = arith.constant 0 : index
    %get3A_43 = arith.constant 0 : index
    %get3A_44 = vector.load %arg8[%get3A_42, %get3A_43] : memref<1x128xf32, #tpu.memory_space<vmem>>, vector<1x128xf32>
    %add3A_45 = vector.broadcast %get3A_44 : vector<1x128xf32> to vector<512x128xf32>
    %add3A_46 = arith.addf %dot_general3A_41, %add3A_45 : vector<512x128xf32>
    %max3A_47 = arith.constant 0.000000e+00 : f32
    %max3A_48 = vector.broadcast %max3A_47 : f32 to vector<512x128xf32>
    %max3A_49 = arith.maximumf %add3A_46, %max3A_48 : vector<512x128xf32>
    %get3A_50 = arith.constant 0 : index
    %get3A_51 = arith.constant 0 : index
    %get3A_52 = vector.load %arg9[%get3A_50, %get3A_51] : memref<128x128xf32, #tpu.memory_space<vmem>>, vector<128x128xf32>
    %dot_general3A_53 = arith.constant dense<0.000000e+00> : vector<512x128xf32>
    %dot_general3A_54 = tpu.matmul %max3A_49, %get3A_52, %dot_general3A_53 {dimension_numbers = #tpu.dot_dimension_numbers<[1], [0], [0], [1], [0, 0, 1, 1], [], []>, transpose_lhs_hint = false} : vector<512x128xf32>, vector<128x128xf32>, vector<512x128xf32> -> vector<512x128xf32>
    %get3A_55 = arith.constant 0 : index
    %get3A_56 = arith.constant 0 : index
    %get3A_57 = vector.load %arg10[%get3A_55, %get3A_56] : memref<1x128xf32, #tpu.memory_space<vmem>>, vector<1x128xf32>
    %add3A_58 = vector.broadcast %get3A_57 : vector<1x128xf32> to vector<512x128xf32>
    %add3A_59 = arith.addf %dot_general3A_54, %add3A_58 : vector<512x128xf32>
    %max3A_60 = arith.constant 0.000000e+00 : f32
    %max3A_61 = vector.broadcast %max3A_60 : f32 to vector<512x128xf32>
    %max3A_62 = arith.maximumf %add3A_59, %max3A_61 : vector<512x128xf32>
    %get3A_63 = arith.constant 0 : index
    %get3A_64 = arith.constant 0 : index
    %get3A_65 = vector.load %arg11[%get3A_63, %get3A_64] : memref<128x128xf32, #tpu.memory_space<vmem>>, vector<128x128xf32>
    %dot_general3A_66 = arith.constant dense<0.000000e+00> : vector<512x128xf32>
    %dot_general3A_67 = tpu.matmul %max3A_62, %get3A_65, %dot_general3A_66 {dimension_numbers = #tpu.dot_dimension_numbers<[1], [0], [0], [1], [0, 0, 1, 1], [], []>, transpose_lhs_hint = false} : vector<512x128xf32>, vector<128x128xf32>, vector<512x128xf32> -> vector<512x128xf32>
    %add3A_68 = arith.addf %max3A_49, %dot_general3A_67 : vector<512x128xf32>
    %get3A_69 = arith.constant 0 : index
    %get3A_70 = arith.constant 0 : index
    %get3A_71 = vector.load %arg12[%get3A_69, %get3A_70] : memref<1x128xf32, #tpu.memory_space<vmem>>, vector<1x128xf32>
    %add3A_72 = vector.broadcast %get3A_71 : vector<1x128xf32> to vector<512x128xf32>
    %add3A_73 = arith.addf %add3A_68, %add3A_72 : vector<512x128xf32>
    %get3A_74 = arith.constant 0 : index
    %get3A_75 = arith.constant 0 : index
    %get3A_76 = vector.load %arg13[%get3A_74, %get3A_75] : memref<128x128xf32, #tpu.memory_space<vmem>>, vector<128x128xf32>
    %dot_general3A_77 = arith.constant dense<0.000000e+00> : vector<512x128xf32>
    %dot_general3A_78 = tpu.matmul %add3A_73, %get3A_76, %dot_general3A_77 {dimension_numbers = #tpu.dot_dimension_numbers<[1], [0], [0], [1], [0, 0, 1, 1], [], []>, transpose_lhs_hint = false} : vector<512x128xf32>, vector<128x128xf32>, vector<512x128xf32> -> vector<512x128xf32>
    %get3A_79 = arith.constant 0 : index
    %get3A_80 = arith.constant 0 : index
    %get3A_81 = vector.load %arg14[%get3A_79, %get3A_80] : memref<1x128xf32, #tpu.memory_space<vmem>>, vector<1x128xf32>
    %add3A_82 = vector.broadcast %get3A_81 : vector<1x128xf32> to vector<512x128xf32>
    %add3A_83 = arith.addf %dot_general3A_78, %add3A_82 : vector<512x128xf32>
    %max3A_84 = arith.constant 0.000000e+00 : f32
    %max3A_85 = vector.broadcast %max3A_84 : f32 to vector<512x128xf32>
    %max3A_86 = arith.maximumf %add3A_83, %max3A_85 : vector<512x128xf32>
    %get3A_87 = arith.constant 0 : index
    %get3A_88 = arith.constant 0 : index
    %get3A_89 = vector.load %arg15[%get3A_87, %get3A_88] : memref<128x128xf32, #tpu.memory_space<vmem>>, vector<128x128xf32>
    %dot_general3A_90 = arith.constant dense<0.000000e+00> : vector<512x128xf32>
    %dot_general3A_91 = tpu.matmul %max3A_86, %get3A_89, %dot_general3A_90 {dimension_numbers = #tpu.dot_dimension_numbers<[1], [0], [0], [1], [0, 0, 1, 1], [], []>, transpose_lhs_hint = false} : vector<512x128xf32>, vector<128x128xf32>, vector<512x128xf32> -> vector<512x128xf32>
    %add3A_92 = arith.addf %add3A_73, %dot_general3A_91 : vector<512x128xf32>
    %get3A_93 = arith.constant 0 : index
    %get3A_94 = arith.constant 0 : index
    %get3A_95 = vector.load %arg16[%get3A_93, %get3A_94] : memref<1x128xf32, #tpu.memory_space<vmem>>, vector<1x128xf32>
    %add3A_96 = vector.broadcast %get3A_95 : vector<1x128xf32> to vector<512x128xf32>
    %add3A_97 = arith.addf %add3A_92, %add3A_96 : vector<512x128xf32>
    %get3A_98 = arith.constant 0 : index
    %get3A_99 = arith.constant 0 : index
    %get3A_100 = vector.load %arg17[%get3A_98, %get3A_99] : memref<128x128xf32, #tpu.memory_space<vmem>>, vector<128x128xf32>
    %dot_general3A_101 = arith.constant dense<0.000000e+00> : vector<512x128xf32>
    %dot_general3A_102 = tpu.matmul %add3A_97, %get3A_100, %dot_general3A_101 {dimension_numbers = #tpu.dot_dimension_numbers<[1], [0], [0], [1], [0, 0, 1, 1], [], []>, transpose_lhs_hint = false} : vector<512x128xf32>, vector<128x128xf32>, vector<512x128xf32> -> vector<512x128xf32>
    %get3A_103 = arith.constant 0 : index
    %get3A_104 = arith.constant 0 : index
    %get3A_105 = vector.load %arg18[%get3A_103, %get3A_104] : memref<1x128xf32, #tpu.memory_space<vmem>>, vector<1x128xf32>
    %add3A_106 = vector.broadcast %get3A_105 : vector<1x128xf32> to vector<512x128xf32>
    %add3A_107 = arith.addf %dot_general3A_102, %add3A_106 : vector<512x128xf32>
    %swap3A = arith.constant 0 : index
    %swap3A_108 = arith.constant 0 : index
    %swap3A_109 = vector.load %arg19[%swap3A, %swap3A_108] : memref<512x128xf32, #tpu.memory_space<vmem>>, vector<512x128xf32>
    tpu.vector_store %arg19[%swap3A, %swap3A_108], %add3A_107 {strides = array<i32>} : memref<512x128xf32, #tpu.memory_space<vmem>>, vector<512x128xf32>,
    return
  }
  func.func @transform_0(%arg0: i32) -> (i32, i32) {
    %c0_i32 = arith.constant 0 : i32
    %c0_i32_0 = arith.constant 0 : i32
    return %arg0, %c0_i32 : i32, i32
  }
  func.func @transform_1(%arg0: i32) -> (i32, i32, i32) {
    %c0_i32 = arith.constant 0 : i32
    %c0_i32_0 = arith.constant 0 : i32
    %c0_i32_1 = arith.constant 0 : i32
    return %c0_i32, %arg0, %c0_i32_0 : i32, i32, i32
  }
  func.func @transform_2(%arg0: i32) -> (i32, i32, i32) {
    %c0_i32 = arith.constant 0 : i32
    %c0_i32_0 = arith.constant 0 : i32
    %c0_i32_1 = arith.constant 0 : i32
    return %c0_i32, %c0_i32_0, %arg0 : i32, i32, i32
  }
  func.func @transform_3(%arg0: i32) -> (i32, i32) {
    %c0_i32 = arith.constant 0 : i32
    %c0_i32_0 = arith.constant 0 : i32
    %c0_i32_1 = arith.constant 0 : i32
    return %c0_i32, %c0_i32_0 : i32, i32
  }
  func.func @transform_4(%arg0: i32) -> (i32, i32) {
    %c0_i32 = arith.constant 0 : i32
    %c0_i32_0 = arith.constant 0 : i32
    %c0_i32_1 = arith.constant 0 : i32
    return %c0_i32, %c0_i32_0 : i32, i32
  }
  func.func @transform_5(%arg0: i32) -> (i32, i32) {
    %c0_i32 = arith.constant 0 : i32
    %c0_i32_0 = arith.constant 0 : i32
    %c0_i32_1 = arith.constant 0 : i32
    return %c0_i32, %c0_i32_0 : i32, i32
  }
  func.func @transform_6(%arg0: i32) -> (i32, i32) {
    %c0_i32 = arith.constant 0 : i32
    %c0_i32_0 = arith.constant 0 : i32
    %c0_i32_1 = arith.constant 0 : i32
    return %c0_i32, %c0_i32_0 : i32, i32
  }
  func.func @transform_7(%arg0: i32) -> (i32, i32) {
    %c0_i32 = arith.constant 0 : i32
    %c0_i32_0 = arith.constant 0 : i32
    %c0_i32_1 = arith.constant 0 : i32
    return %c0_i32, %c0_i32_0 : i32, i32
  }
  func.func @transform_8(%arg0: i32) -> (i32, i32) {
    %c0_i32 = arith.constant 0 : i32
    %c0_i32_0 = arith.constant 0 : i32
    %c0_i32_1 = arith.constant 0 : i32
    return %c0_i32, %c0_i32_0 : i32, i32
  }
  func.func @transform_9(%arg0: i32) -> (i32, i32) {
    %c0_i32 = arith.constant 0 : i32
    %c0_i32_0 = arith.constant 0 : i32
    %c0_i32_1 = arith.constant 0 : i32
    return %c0_i32, %c0_i32_0 : i32, i32
  }
  func.func @transform_10(%arg0: i32) -> (i32, i32) {
    %c0_i32 = arith.constant 0 : i32
    %c0_i32_0 = arith.constant 0 : i32
    %c0_i32_1 = arith.constant 0 : i32
    return %c0_i32, %c0_i32_0 : i32, i32
  }
  func.func @transform_11(%arg0: i32) -> (i32, i32) {
    %c0_i32 = arith.constant 0 : i32
    %c0_i32_0 = arith.constant 0 : i32
    %c0_i32_1 = arith.constant 0 : i32
    return %c0_i32, %c0_i32_0 : i32, i32
  }
  func.func @transform_12(%arg0: i32) -> (i32, i32) {
    %c0_i32 = arith.constant 0 : i32
    %c0_i32_0 = arith.constant 0 : i32
    %c0_i32_1 = arith.constant 0 : i32
    return %c0_i32, %c0_i32_0 : i32, i32
  }
  func.func @transform_13(%arg0: i32) -> (i32, i32) {
    %c0_i32 = arith.constant 0 : i32
    %c0_i32_0 = arith.constant 0 : i32
    %c0_i32_1 = arith.constant 0 : i32
    return %c0_i32, %c0_i32_0 : i32, i32
  }
  func.func @transform_14(%arg0: i32) -> (i32, i32) {
    %c0_i32 = arith.constant 0 : i32
    %c0_i32_0 = arith.constant 0 : i32
    %c0_i32_1 = arith.constant 0 : i32
    return %c0_i32, %c0_i32_0 : i32, i32
  }
  func.func @transform_15(%arg0: i32) -> (i32, i32) {
    %c0_i32 = arith.constant 0 : i32
    %c0_i32_0 = arith.constant 0 : i32
    %c0_i32_1 = arith.constant 0 : i32
    return %c0_i32, %c0_i32_0 : i32, i32
  }
  func.func @transform_16(%arg0: i32) -> (i32, i32) {
    %c0_i32 = arith.constant 0 : i32
    %c0_i32_0 = arith.constant 0 : i32
    %c0_i32_1 = arith.constant 0 : i32
    return %c0_i32, %c0_i32_0 : i32, i32
  }
  func.func @transform_17(%arg0: i32) -> (i32, i32) {
    %c0_i32 = arith.constant 0 : i32
    %c0_i32_0 = arith.constant 0 : i32
    %c0_i32_1 = arith.constant 0 : i32
    return %c0_i32, %c0_i32_0 : i32, i32
  }
  func.func @transform_18(%arg0: i32) -> (i32, i32) {
    %c0_i32 = arith.constant 0 : i32
    %c0_i32_0 = arith.constant 0 : i32
    return %arg0, %c0_i32 : i32, i32
  }
}

</mosaic_0001>

<sc_bundles>
// kernel: kernel.6.cloned.1.call-start
scs
__scs_entry_jumppad:
0x0: {  	(pc) =	sbr.rel $0x88, $3  }
0x1: {  	(tag) =	ssettag $0x0;
	lr =	simm.s32 $0x1  }
0x2: {  	[smem:$0x3F8D] =	sst lr;
	_ =	strace $0xD0000000  }
0x3: {  	_ = 	snop  }
0x4: {  	_ = 	snop  }
0x5: {  	_ = 	snop  }
0x6: {  	_ = 	snop  }
0x7: {  	_ = 	snop  }
__scs_overlays_trampoline_lowered:
0x8: {  	[smem:$0x3F9C] =	sst s0  }
0x9: {  	[smem:$0x3F9D] =	sst s1  }
0xa: {  	[smem:$0x3F9E] =	sst s2  }
0xb: {  	[smem:$0x3F9F] =	sst s3  }
0xc: {  	[smem:$0x3FA0] =	sst s4  }
0xd: {  	[smem:$0x3FA1] =	sst s5  }
0xe: {  	[smem:$0x3FA2] =	sst s6  }
0xf: {  	[smem:$0x3FA3] =	sst s7  }
0x10: {  	[smem:$0x3FA4] =	sst s8  }
0x11: {  	[smem:$0x3FA5] =	sst s9;
	s0 =	simm.s32 @!p0 $0x0  }
0x12: {  	s1 =	sld [smem:$0x3F8B];
	s0 =	simm.s32 @p0 $0x1  }
0x13: {  	[smem:$0x3FA6] =	sst s0;
	s0 =	simm.s32 @!p1 $0x0  }
0x14: {  	s2 =	sld [smem:$0x3F8A];
	s0 =	simm.s32 @p1 $0x1  }
0x15: {  	[smem:$0x3FA7] =	sst s0;
	s0 =	simm.s32 @!p2 $0x0  }
0x16: {  	s3 =	sld [smem:$0x3FDB];
	s0 =	simm.s32 @p2 $0x1  }
0x17: {  	s4 =	simm.s32 $0x1BF5;
	[smem:$0x3FA9] =	sst s0  }
0x18: {  	s0 =	sld [smem:$0x3F8C];
	_ =	swait.ge [sflag:s4], $0x0  }
0x19: {  	s7 =	sld [smem:$0x3F8D]  }
0x1a: {  	s8 =	sadd.s32 $0xFFFFE003, lr  }
0x1b: {  	s9 =	sadd.s32 $0xFFFFFEF7, lr;
	s5 =	simm.s32 $0xFFFFFFFF;
	p2 =	slt.u32 s8, $0xFFFFF086  }
0x1c: {  	p1 =	slt.u32 s9, $0xF7A;
	s5 =	simm.s32 @!p2 $0x0  }
0x1d: {  	s5 =	simm.s32 @p1 $0x1;
	p0 =	seq.s32 s7, s2  }
0x1e: {  	s7 =	smul.u32 @!p0 $0xF7A, s2;
	p2 =	seq.s32 @!p0 s5, $0x0  }
0x1f: {  	s9 =	smul.u32 $0xF7A, s1;
	s8 =	simm.s32 @!p0 $0x1BF5;
	p2 =	por !p2, p0  }
0x20: {  	[sflag:s8] =	ssyncset.s32 @!p0 $0xFFFFF086;
	s6 =	sadd.s32 @!p0 s3, s7;
	s7 =	simm.s32 @!p0 $0x108  }
0x21: {  	s3 =	sadd.s32 s3, s9;
	s6 =	sadd.s32 @!p0 $0x88, s6;
	s7 =	simm.s32 @p2 $0x1082  }
0x22: {  	[simem:s7], [sflag:s8] =	dma.local @!p0 [hbm:s6], $0xF7A  }
0x23: {  	s9 =	sor.u32 $0xD0000000, s2;
	s6 =	simm.s32 $0x108;
	_ =	swait.ge @!p0 [sflag:s8], $0x0  }
0x24: {  	s3 =	sadd.s32 $0x88, s3;
	s6 =	simm.s32 @!p1 $0x1082;
	[sflag:s4] =	ssyncset.s32 $0xFFFFF086  }
0x25: {  	[simem:s6], [sflag:s4] =	dma.local [hbm:s3], $0xF7A  }
0x26: {  	[smem:$0x3F8D] =	sst s1;
	(tag) =	ssettag s2;
	_ =	strace s9  }
0x27: {  	s1 =	sld [smem:$0x3F9D]  }
0x28: {  	s2 =	sld [smem:$0x3F9E]  }
0x29: {  	s4 =	sld [smem:$0x3FA0]  }
0x2a: {  	p0 =	seq.s32 s5, $0x0;
	s5 =	sld [smem:$0x3FA1]  }
0x2b: {  	s6 =	sld [smem:$0x3FA2]  }
0x2c: {  	s7 =	sld [smem:$0x3FA3]  }
0x2d: {  	s3 =	simm.s32 $0x108;
	s8 =	sld [smem:$0x3FA4]  }
0x2e: {  	s3 =	simm.s32 @!p0 $0x1082;
	s9 =	sld [smem:$0x3FA5]  }
0x2f: {  	lr =	sadd.s32 s0, s3;
	s0 =	sld [smem:$0x3F9C]  }
0x30: {  	s3 =	sld [smem:$0x3F9F]  }
0x31: {  	[smem:$0x3FA8] =	sst s10  }
0x32: {  	s10 =	sld [smem:$0x3FA6];
	_ =	sdelay $0x3  }
0x33: {  	p0 =	seq.s32 s10, $0x1;
	s10 =	sld [smem:$0x3FA8];
	_ =	sdelay $0x3  }
0x34: {  	[smem:$0x3FA8] =	sst s10  }
0x35: {  	s10 =	sld [smem:$0x3FA7];
	_ =	sdelay $0x3  }
0x36: {  	p1 =	seq.s32 s10, $0x1;
	s10 =	sld [smem:$0x3FA8];
	_ =	sdelay $0x3  }
0x37: {  	[smem:$0x3FA8] =	sst s10  }
0x38: {  	s10 =	sld [smem:$0x3FA9]  }
0x39: {  	_ = 	snop;
	(pc) =	sbr.ind lr, $3  }
0x3a: {  	_ = 	snop  }
0x3b: {  	_ = 	snop  }
0x3c: {  	p2 =	seq.s32 s10, $0x1;
	s10 =	sld [smem:$0x3FA8]  }
0x3d: {  	_ =	shalt  }
0x3e: {  	_ =	shalt  }
0x3f: {  	_ =	shalt  }
0x40: {  	_ =	shalt  }
0x41: {  	_ =	shalt  }
0x42: {  	_ =	shalt  }
0x43: {  	_ =	shalt  }
0x44: {  	_ =	shalt  }
0x45: {  	_ =	shalt  }
0x46: {  	_ =	shalt  }
0x47: {  	_ =	shalt  }
0x48: {  	_ =	shalt  }
0x49: {  	_ =	shalt  }
0x4a: {  	_ =	shalt  }
0x4b: {  	_ =	shalt  }
0x4c: {  	_ =	shalt  }
0x4d: {  	_ =	shalt  }
0x4e: {  	_ =	shalt  }
0x4f: {  	_ =	shalt  }
0x50: {  	_ =	shalt  }
0x51: {  	_ =	shalt  }
0x52: {  	_ =	shalt  }
0x53: {  	_ =	shalt  }
0x54: {  	_ =	shalt  }
0x55: {  	_ =	shalt  }
0x56: {  	_ =	shalt  }
0x57: {  	_ =	shalt  }
0x58: {  	_ =	shalt  }
0x59: {  	_ =	shalt  }
0x5a: {  	_ =	shalt  }
0x5b: {  	_ =	shalt  }
0x5c: {  	_ =	shalt  }
0x5d: {  	_ =	shalt  }
0x5e: {  	_ =	shalt  }
0x5f: {  	_ =	shalt  }
0x60: {  	_ =	shalt  }
0x61: {  	_ =	shalt  }
0x62: {  	_ =	shalt  }
0x63: {  	_ =	shalt  }
0x64: {  	_ =	shalt  }
0x65: {  	_ =	shalt  }
0x66: {  	_ =	shalt  }
0x67: {  	_ =	shalt  }
0x68: {  	_ =	shalt  }
0x69: {  	_ =	shalt  }
0x6a: {  	_ =	shalt  }
0x6b: {  	_ =	shalt  }
0x6c: {  	_ =	shalt  }
0x6d: {  	_ =	shalt  }
0x6e: {  	_ =	shalt  }
0x6f: {  	_ =	shalt  }
0x70: {  	_ =	shalt  }
0x71: {  	_ =	shalt  }
0x72: {  	_ =	shalt  }
0x73: {  	_ =	shalt  }
0x74: {  	_ =	shalt  }
0x75: {  	_ =	shalt  }
0x76: {  	_ =	shalt  }
0x77: {  	_ =	shalt  }
0x78: {  	_ =	shalt  }
0x79: {  	_ =	shalt  }
0x7a: {  	_ =	shalt  }
0x7b: {  	_ =	shalt  }
0x7c: {  	_ =	shalt  }
0x7d: {  	_ =	shalt  }
0x7e: {  	_ =	shalt  }
0x7f: {  	_ =	shalt  }
0x80: {  	_ =	shalt  }
0x81: {  	_ =	shalt  }
0x82: {  	_ =	shalt  }
0x83: {  	_ =	shalt  }
0x84: {  	_ =	shalt  }
0x85: {  	_ =	shalt  }
0x86: {  	_ =	shalt  }
0x87: {  	_ =	shalt  }
.Lfunc_end0:
.L_simem_size_0:
called_computation_lowered:
.L_overlay_start_0:
0x88: {  	s2 =	sld [smem:$0x3FD9]  }
0x89: {  	s3 =	sld [smem:$0x3FFE];
	_ =	sdelay $0x1  }
0x8a: {  	s1 =	srdreg.scid  }
0x8b: {  	s0 =	sand.u32 $0x1, s1  }
0x8c: {  	s17 =	sshll.u32 s0, $0xA;
	s2 =	sadd.s32 s3, s2  }
0x8d: {  	s2 =	sadd.s32 s2, s17  }
0x8e: {  	[smem:$0x3FB4] =	sst s2  }
0x8f: {  	_ = 	snop  }
0x90: {  	s2 =	sld [smem:$0x3FD0];
	(tm) =	ssettm $0x1  }
0x91: {  	s18 =	sld [smem:$0x3FFB];
	_ =	sdelay $0x3  }
0x92: {  	_ =	strace s18  }
0x93: {  	s3 =	sld [smem:$0x3FFC];
	_ =	sdelay $0x3  }
0x94: {  	_ =	strace s3  }
0x95: {  	s3 =	sld [smem:$0x3FFD];
	_ =	sdelay $0x3  }
0x96: {  	_ =	strace s3  }
0x97: {  	_ =	strace $0x8FFFFFFF  }
0x98: {  	s19 =	sld [smem:$0x3FDB];
	_ =	sdelay $0x1  }
0x99: {  	s4 =	simm.s32 $_scs_section_size  }
0x9a: {  	s5 =	simm.s32 $_size__tile_overlayer_lowered;
	s6 =	simm.s32 $_tile_overlayer_lowered  }
0x9b: {  	s22 =	simm.s32 $0x1BFF;
	s21 =	sshll.u32 s6, $0x1;
	s3 =	sadd.s32 s4, s19  }
0x9c: {  	s7 =	simm.s32 $0x0;
	s20 =	sshll.u32 s5, $0x1;
	s5 =	sadd.s32 s21, s3  }
0x9d: {  	[timem:s7], [sflag:s22] =	dma.local [hbm:s5], s20  }
0x9e: {  	_ =	swait.ge [sflag:s22], s20  }
0x9f: {  	s4 =	ssub.s32 $0x0, s20;
	[sflag:s22] =	ssyncset.done $0x0  }
0xa0: {  	[sflag:s22] =	ssyncadd.s32 s4;
	_ =	sdelay $0x1  }
0xa1: {  	s23 =	simm.s32 $0x1B8B  }
0xa2: {  	_ =	swait.ge [sflag:s23], $0x1  }
0xa3: {  	[sflag:s23] =	ssyncset.done $0x0  }
0xa4: {  	s25 =	simm.s32 $0x1B8E;
	s24 =	sld [smem:$0x3FFE];
	[sflag:s23] =	ssyncadd.s32 $0xFFFFFFFF  }
0xa5: {  	s26 =	simm.s32 $execute0_lowered;
	[smem:$0x3FD2] =	sst s25  }
0xa6: {  	s5 =	sshll.u32 s26, $0x1;
	_ =	strace $0x80000046;
	[dreg:$0x1] =	wrdreg $0xFFFFFFFF  }
0xa7: {  	s28 =	simm.s32 $_size_execute0_lowered;
	s3 =	sadd.s32 s3, s5;
	[dreg:$0x0] =	wrdreg $0x0  }
0xa8: {  	s5 =	sshll.u32 s28, $0x1;
	[dreg:$0x2] =	wrdreg s3  }
0xa9: {  	[dreg:$0x3] =	wrdreg s5  }
0xaa: {  	[dreg:$0x4] =	wrdreg $0xC0  }
0xab: {  	_ =	task [dreg:s7], $0x5FFFF  }
0xac: {  	[dreg:$0x1] =	wrdreg $0xFFFFFFFF  }
0xad: {  	[dreg:$0x0] =	wrdreg $0x60  }
0xae: {  	[dreg:$0x2] =	wrdreg s24  }
0xaf: {  	[dreg:$0x3] =	wrdreg s2  }
0xb0: {  	[dreg:$0x4] =	wrdreg $0x90000  }
0xb1: {  	[dreg:$0x5] =	wrdreg $0x9  }
0xb2: {  	_ =	task.clear_ibuf [dreg:s7], $0x6FFFF;
	_ =	strace $0x90000046  }
0xb3: {  	s29 =	simm.s32 $0x9;
	_ =	strace $0x80000048  }
0xb4: {  	_ =	swait.ge [sflag:s29], $0x1  }
0xb5: {  	[sflag:s29] =	ssyncadd.s32 $0xFFFFFFFF  }
0xb6: {  	_ =	strace $0x90000048  }
0xb7: {  	_ =	sfence  }
0xb8: {  	s30 =	sld [smem:$0x0];
	_ =	sdelay $0x2  }
0xb9: {  	s31 =	sshll.u32 s1, $0xD;
	s1 =	sshrl.u32 s1, $0x2  }
0xba: {  	s3 =	sand.u32 $0x4000, s31;
	s1 =	sadd.s32 s1, s30  }
0xbb: {  	s0 =	sor.u32 s3, s0;
	s1 =	sshll.u32 s1, $0x11  }
0xbc: {  	s0 =	sor.u32 s1, s0  }
0xbd: {  	s0 =	sadd.s32 $0x8F2B, s0  }
0xbe: {  	[sflag:s0] =	ssyncadd.remote.s32 $0x1  }
0xbf: {  	_ =	sfence.sel $0xFFFF  }
0xc0: {  	[dreg:$0x0] =	wrdreg $0xFFFFFFFF;
	(pc) =	sbr.abs _section_cstart, $3  }
0xc1: {  	[dreg:$0x1] =	wrdreg $0xFFFFFFFF  }
0xc2: {  	_ =	task.clear_ibuf [dreg:s7], $0x2FFFF;
	_ =	strace $0x9FFFFFFF  }
0xc3: {  	(tm) =	ssettm $0x7FFFFFFF  }
tec
execute0_lowered:
.L_overlay_start_1:
0x0: {  	(tag) =	ssettag $0x1  }
0x1: {  	s1 =	rddreg [dreg:$0x0]  }
0x2: {  	s7 =	rddreg [dreg:$0x1];
	s3 =	srdreg.scid  }
0x3: {  	s0 =	stileid.u32;
	s2 =	rddreg [dreg:$0x2]  }
0x4: {  	s21 =	simm.s32 $0x100;
	s6 =	sand.u32 $0x1, s3;
	s3 =	simm.s32 $0x0  }
0x5: {  	s22 =	simm.s32 $0x880;
	s5 =	sadd.s32 $0x35A00, s1;
	[smem:$0x7FF] =	sst s3  }
0x6: {  	s14 =	simm.s32 $0x180;
	_ =	strace $0x80000047;
	[dreg:$0x1d] =	wrdreg s5  }
0x7: {  	s24 =	simm.s32 $0x900;
	s25 =	simm.s32 $0x200;
	[dreg:$0x4] =	wrdreg s21  }
0x8: {  	s26 =	simm.s32 $0x980;
	s31 =	simm.s32 $0x280;
	[dreg:$0x5] =	wrdreg s22  }
0x9: {  	s15 =	simm.s32 $0x380;
	s17 =	simm.s32 $0xB00;
	[dreg:$0x6] =	wrdreg s14  }
0xa: {  	s18 =	simm.s32 $0xB80;
	s28 =	simm.s32 $0xF00;
	[dreg:$0x7] =	wrdreg s24  }
0xb: {  	s29 =	simm.s32 $0xF80;
	s30 =	simm.s32 $0x0;
	[dreg:$0x8] =	wrdreg s25  }
0xc: {  	s4 =	sshll.u32 s0, $0x1;
	s12 =	smul.u32 $0x50000, s0;
	[dreg:$0x9] =	wrdreg s26  }
0xd: {  	s23 =	sshll.u32 s0, $0x6;
	s16 =	sshll.u32 s0, $0x7;
	[dreg:$0xa] =	wrdreg s31  }
0xe: {  	s4 =	sor.u32 s6, s4;
	s9 =	smul.u32 $0x28000, s6;
	[dreg:$0xe] =	wrdreg s15  }
0xf: {  	s11 =	smul.u32 $0x5000, s6;
	s6 =	ssub.s32 $0x2, s6;
	[dreg:$0xf] =	wrdreg s17  }
0x10: {  	s8 =	smul.u32 $0x500, s4;
	s5 =	simm.s32 $0xA00;
	[dreg:$0x10] =	wrdreg s18  }
0x11: {  	s4 =	sadd.s32 $0x3A00, s1;
	s14 =	simm.s32 $0xA80;
	[dreg:$0xb] =	wrdreg s5  }
0x12: {  	s19 =	sshrl.u32 s6, $0x1;
	s21 =	simm.s32 $0xC80;
	[dreg:$0xd] =	wrdreg s14  }
0x13: {  	s20 =	sshrl.u32 s12, $0x2;
	s25 =	simm.s32 $0x580;
	[dreg:$0x13] =	wrdreg s21  }
0x14: {  	s12 =	sshrl.u32 s0, $0x3;
	s26 =	simm.s32 $0xD00;
	[dreg:$0x14] =	wrdreg s25  }
0x15: {  	s31 =	simm.s32 $0x600;
	s15 =	simm.s32 $0xD80;
	[dreg:$0x15] =	wrdreg s26  }
0x16: {  	s17 =	simm.s32 $0xE00;
	s18 =	simm.s32 $0x700;
	[dreg:$0x16] =	wrdreg s31  }
0x17: {  	s9 =	sadd.s32 s9, s1;
	s13 =	sadd.s32 s20, s2;
	[dreg:$0x17] =	wrdreg s15  }
0x18: {  	s20 =	simm.s32 $0x500;
	s14 =	simm.s32 $0x5;
	[dreg:$0x19] =	wrdreg s17  }
0x19: {  	s15 =	simm.s32 $0x400;
	s17 =	simm.s32 $0x80;
	[dreg:$0x1a] =	wrdreg s18  }
0x1a: {  	s18 =	simm.s32 $0x1000;
	s21 =	simm.s32 $0x780;
	s25 =	simm.s32 $0x4  }
0x1b: {  	s26 =	simm.s32 $0x6;
	s10 =	sadd.s32 s8, s1;
	s1 =	sadd.s32 s11, s1  }
0x1c: {  	s11 =	ssub.s32 s6, s19;
	s6 =	sor.u32 $0x1C07, s23;
	s7 =	sadd.s32 s7, s8  }
0x1d: {  	s22 =	sadd.s32 $0x38200, s9;
	s23 =	smul.u32 $0x2800, s0;
	[dreg:$0x12] =	wrdreg s20  }
0x1e: {  	s19 =	simm.s32 $0x480;
	s20 =	simm.s32 $0x1;
	[dreg:$0x1c] =	wrdreg s21  }
0x1f: {  	s21 =	simm.s32 $0x1D000;
	s8 =	sadd.s32 $0x2BA00, s10;
	s1 =	sadd.s32 $0x88200, s1  }
0x20: {  	s10 =	simm.s32 $0x300;
	[dreg:$0x11] =	wrdreg s19;
	s9 =	smax.u32 s11, $0x1  }
0x21: {  	s11 =	simm.s32 $0x7;
	s19 =	simm.s32 $0xE80;
	[dreg:$0xc] =	wrdreg s10  }
0x22: {  	s10 =	smul.u32 $0x14000, s12;
	s12 =	sand.u32 $0x380, s16;
	s16 =	simm.s32 $0x680  }
0x23: {  	[dreg:$0x1b] =	wrdreg s19;
	s19 =	simm.s32 $0x5000;
	s22 =	sadd.s32 s23, s22  }
0x24: {  	s23 =	simm.s32 $0x2;
	[dreg:$0x18] =	wrdreg s16;
	s10 =	sor.u32 s12, s10  }
0x25: {  	s16 =	simm.s32 $0xC00;
	s12 =	simm.s32 $0x800;
	s24 =	sshrl.u32 s10, $0x3  }
0x26: {  	v0 =	vimm.f32 $0.0e+00;
	v1 =	vimm.f32 $1.000000000e+00;
	s10 =	sshrl.u32 s13, $0x3;
	s13 =	simm.s32 $0x3;
	s24 =	sadd.s32 s24, s1  }
.LBB2_1:
0x27: {  	s0 =	rddreg [dreg:$0x1d]  }
0x28: {  	[spmem:s10], [sflag:s6] =	dma.local [hbm:s0], $0x2800  }
0x29: {  	_ =	swait.ge [sflag:s11], $0x2800  }
0x2a: {  	[sflag:s11] =	ssyncset.done $0x0  }
0x2b: {  	[sflag:s11] =	ssyncadd.s32 $0xFFFFD800  }
0x2c: {  	[tilespmem:s3], [sflag:$0x3] =	stream.linear.gather [hbm4b:s7+s3], $0x400, $0x38;
	[tilespmem:$0x1F800] =	vst v63  }
0x2d: {  	s31 =	simm.s32 $0x40;
	s1 =	simm.s32 $0x0  }
0x2e: {  	[tilespmem:s12], [sflag:$0x5] =	stream.linear.gather [hbm4b:s8+s3], $0x400, $0x38;
	[tilespmem:$0x1F800] =	vst v63  }
.LBB2_2:
0x2f: {  	p0 =	sne.s32 s31, $0x9FC0;
	[tilespmem:s1+$0x1D000] =	vst v0;
	s1 =	smov.u32 s31;
	s31 =	sadd.s32 $0x40, s31  }
.Ltmp0:
0x30: {  	(pc) =	sbr.rel @p0 .LBB2_2-.Ltmp0, $2  }
0x31: {  	_ =	sdelay $0x2  }
0x32: {  	s1 =	sshra.s32 s1, $0x2  }
0x33: {  	[tilespmem:s1+$0x1D000] =	vst v0  }
0x34: {  	s31 =	simm.s32 $0x0;
	[bflag:$0x0] =	sbarrier.arrive $0xFFFF  }
.LBB2_4:
0x35: {  	_ =	swait.ge [sflag:s13], $0x400  }
0x36: {  	[sflag:s13] =	ssyncset.done $0x0  }
0x37: {  	[sflag:s13] =	ssyncadd.s32 $0xFFFFFC00  }
0x38: {  	_ =	swait.ge [sflag:s14], $0x400  }
0x39: {  	s1 =	sadd.s32 s31, s7;
	[sflag:s14] =	ssyncset.done $0x0  }
0x3a: {  	s5 =	sadd.s32 s31, s8;
	s1 =	sadd.s32 $0x80, s1;
	[sflag:s14] =	ssyncadd.s32 $0xFFFFFC00  }
0x3b: {  	[tilespmem:s15], [sflag:$0x4] =	stream.linear.gather [hbm4b:s1+s3], $0x400, $0x38;
	[tilespmem:$0x1F800] =	vst v63  }
0x3c: {  	s1 =	sadd.s32 $0x80, s5  }
0x3d: {  	[tilespmem:s16], [sflag:$0x6] =	stream.linear.gather [hbm4b:s1+s3], $0x400, $0x38;
	[tilespmem:$0x1F800] =	vst v63  }
0x3e: {  	_ = 	snop  }
0x3f: {  	[tilespmem:s18], [sflag:$0x1] =	stream.indirect.gather [hbm4b:s4+s17], $0x80, s3, s17, $0xb8;
	[tilespmem:$0x1F800] =	vst v63  }
0x40: {  	_ = 	snop  }
0x41: {  	[tilespmem:s19], [sflag:$0x2] =	stream.indirect.gather [hbm4b:s4+s17], $0x80, s17, s17, $0xb8;
	[tilespmem:$0x1F800] =	vst v63  }
0x42: {  	_ =	swait.ge [sflag:s20], $0x4000  }
0x43: {  	[sflag:s20] =	ssyncset.done $0x0  }
0x44: {  	[sflag:s20] =	ssyncadd.s32 $0xFFFFC000  }
0x45: {  	[spmem:s2] =	stream.indirect.scatter.add.f32 [tilespmem:s18], [sflag:$0x7], $0x80, s12, s17, $0xb8;
	[tilespmem:$0x1F800] =	vst v63  }
0x46: {  	_ =	swait.ge [sflag:s11], $0x4000  }
0x47: {  	[sflag:s11] =	ssyncset.done $0x0  }
0x48: {  	s0 =	rddreg [dreg:$0x4];
	[sflag:s11] =	ssyncadd.s32 $0xFFFFC000  }
0x49: {  	[tilespmem:s18], [sflag:$0x1] =	stream.indirect.gather [hbm4b:s4+s17], $0x80, s0, s17, $0xb8;
	[tilespmem:$0x1F800] =	vst v63  }
0x4a: {  	v2 =	vld [tilespmem:$0x800];
	_ =	sdelay $0x7  }
0x4b: {  	[tilespmem:v2+s21+$0x0] =	vst.idx.add.f32.msk $0xffff, v1  }
0x4c: {  	v2 =	vld [tilespmem:$0x810];
	_ =	sdelay $0x7  }
0x4d: {  	[tilespmem:v2+s21+$0x0] =	vst.idx.add.f32.msk $0xffff, v1  }
0x4e: {  	v2 =	vld [tilespmem:$0x820];
	_ =	sdelay $0x7  }
0x4f: {  	[tilespmem:v2+s21+$0x0] =	vst.idx.add.f32.msk $0xffff, v1  }
0x50: {  	v2 =	vld [tilespmem:$0x830];
	_ =	sdelay $0x7  }
0x51: {  	[tilespmem:v2+s21+$0x0] =	vst.idx.add.f32.msk $0xffff, v1  }
0x52: {  	v2 =	vld [tilespmem:$0x840];
	_ =	sdelay $0x7  }
0x53: {  	[tilespmem:v2+s21+$0x0] =	vst.idx.add.f32.msk $0xffff, v1  }
0x54: {  	v2 =	vld [tilespmem:$0x850];
	_ =	sdelay $0x7  }
0x55: {  	[tilespmem:v2+s21+$0x0] =	vst.idx.add.f32.msk $0xffff, v1  }
0x56: {  	v2 =	vld [tilespmem:$0x860];
	_ =	sdelay $0x7  }
0x57: {  	[tilespmem:v2+s21+$0x0] =	vst.idx.add.f32.msk $0xffff, v1  }
0x58: {  	v2 =	vld [tilespmem:$0x870];
	_ =	sdelay $0x7  }
0x59: {  	[tilespmem:v2+s21+$0x0] =	vst.idx.add.f32.msk $0xffff, v1  }
0x5a: {  	_ =	swait.ge [sflag:s23], $0x4000  }
0x5b: {  	[sflag:s23] =	ssyncset.done $0x0  }
0x5c: {  	s5 =	rddreg [dreg:$0x5];
	[sflag:s23] =	ssyncadd.s32 $0xFFFFC000  }
0x5d: {  	[spmem:s2] =	stream.indirect.scatter.add.f32 [tilespmem:s19], [sflag:$0x7], $0x80, s5, s17, $0xb8;
	[tilespmem:$0x1F800] =	vst v63  }
0x5e: {  	_ =	swait.ge [sflag:s11], $0x4000  }
0x5f: {  	[sflag:s11] =	ssyncset.done $0x0  }
0x60: {  	s0 =	rddreg [dreg:$0x6];
	[sflag:s11] =	ssyncadd.s32 $0xFFFFC000  }
0x61: {  	[tilespmem:s19], [sflag:$0x2] =	stream.indirect.gather [hbm4b:s4+s17], $0x80, s0, s17, $0xb8;
	[tilespmem:$0x1F800] =	vst v63  }
0x62: {  	v2 =	vld [tilespmem:$0x880];
	_ =	sdelay $0x7  }
0x63: {  	[tilespmem:v2+s21+$0x0] =	vst.idx.add.f32.msk $0xffff, v1  }
0x64: {  	v2 =	vld [tilespmem:$0x890];
	_ =	sdelay $0x7  }
0x65: {  	[tilespmem:v2+s21+$0x0] =	vst.idx.add.f32.msk $0xffff, v1  }
0x66: {  	v2 =	vld [tilespmem:$0x8A0];
	_ =	sdelay $0x7  }
0x67: {  	[tilespmem:v2+s21+$0x0] =	vst.idx.add.f32.msk $0xffff, v1  }
0x68: {  	v2 =	vld [tilespmem:$0x8B0];
	_ =	sdelay $0x7  }
0x69: {  	[tilespmem:v2+s21+$0x0] =	vst.idx.add.f32.msk $0xffff, v1  }
0x6a: {  	v2 =	vld [tilespmem:$0x8C0];
	_ =	sdelay $0x7  }
0x6b: {  	[tilespmem:v2+s21+$0x0] =	vst.idx.add.f32.msk $0xffff, v1  }
0x6c: {  	v2 =	vld [tilespmem:$0x8D0];
	_ =	sdelay $0x7  }
0x6d: {  	[tilespmem:v2+s21+$0x0] =	vst.idx.add.f32.msk $0xffff, v1  }
0x6e: {  	v2 =	vld [tilespmem:$0x8E0];
	_ =	sdelay $0x7  }
0x6f: {  	[tilespmem:v2+s21+$0x0] =	vst.idx.add.f32.msk $0xffff, v1  }
0x70: {  	v2 =	vld [tilespmem:$0x8F0];
	_ =	sdelay $0x7  }
0x71: {  	[tilespmem:v2+s21+$0x0] =	vst.idx.add.f32.msk $0xffff, v1  }
0x72: {  	_ =	swait.ge [sflag:s20], $0x4000  }
0x73: {  	[sflag:s20] =	ssyncset.done $0x0  }
0x74: {  	s5 =	rddreg [dreg:$0x7];
	[sflag:s20] =	ssyncadd.s32 $0xFFFFC000  }
0x75: {  	[spmem:s2] =	stream.indirect.scatter.add.f32 [tilespmem:s18], [sflag:$0x7], $0x80, s5, s17, $0xb8;
	[tilespmem:$0x1F800] =	vst v63  }
0x76: {  	_ =	swait.ge [sflag:s11], $0x4000  }
0x77: {  	[sflag:s11] =	ssyncset.done $0x0  }
0x78: {  	s0 =	rddreg [dreg:$0x8];
	[sflag:s11] =	ssyncadd.s32 $0xFFFFC000  }
0x79: {  	[tilespmem:s18], [sflag:$0x1] =	stream.indirect.gather [hbm4b:s4+s17], $0x80, s0, s17, $0xb8;
	[tilespmem:$0x1F800] =	vst v63  }
0x7a: {  	v2 =	vld [tilespmem:$0x900];
	_ =	sdelay $0x7  }
0x7b: {  	[tilespmem:v2+s21+$0x0] =	vst.idx.add.f32.msk $0xffff, v1  }
0x7c: {  	v2 =	vld [tilespmem:$0x910];
	_ =	sdelay $0x7  }
0x7d: {  	[tilespmem:v2+s21+$0x0] =	vst.idx.add.f32.msk $0xffff, v1  }
0x7e: {  	v2 =	vld [tilespmem:$0x920];
	_ =	sdelay $0x7  }
0x7f: {  	[tilespmem:v2+s21+$0x0] =	vst.idx.add.f32.msk $0xffff, v1  }
0x80: {  	v2 =	vld [tilespmem:$0x930];
	_ =	sdelay $0x7  }
0x81: {  	[tilespmem:v2+s21+$0x0] =	vst.idx.add.f32.msk $0xffff, v1  }
0x82: {  	v2 =	vld [tilespmem:$0x940];
	_ =	sdelay $0x7  }
0x83: {  	[tilespmem:v2+s21+$0x0] =	vst.idx.add.f32.msk $0xffff, v1  }
0x84: {  	v2 =	vld [tilespmem:$0x950];
	_ =	sdelay $0x7  }
0x85: {  	[tilespmem:v2+s21+$0x0] =	vst.idx.add.f32.msk $0xffff, v1  }
0x86: {  	v2 =	vld [tilespmem:$0x960];
	_ =	sdelay $0x7  }
0x87: {  	[tilespmem:v2+s21+$0x0] =	vst.idx.add.f32.msk $0xffff, v1  }
0x88: {  	v2 =	vld [tilespmem:$0x970];
	_ =	sdelay $0x7  }
0x89: {  	[tilespmem:v2+s21+$0x0] =	vst.idx.add.f32.msk $0xffff, v1  }
0x8a: {  	_ =	swait.ge [sflag:s23], $0x4000  }
0x8b: {  	[sflag:s23] =	ssyncset.done $0x0  }
0x8c: {  	s5 =	rddreg [dreg:$0x9];
	[sflag:s23] =	ssyncadd.s32 $0xFFFFC000  }
0x8d: {  	[spmem:s2] =	stream.indirect.scatter.add.f32 [tilespmem:s19], [sflag:$0x7], $0x80, s5, s17, $0xb8;
	[tilespmem:$0x1F800] =	vst v63  }
0x8e: {  	_ =	swait.ge [sflag:s11], $0x4000  }
0x8f: {  	[sflag:s11] =	ssyncset.done $0x0  }
0x90: {  	s0 =	rddreg [dreg:$0xa];
	[sflag:s11] =	ssyncadd.s32 $0xFFFFC000  }
0x91: {  	[tilespmem:s19], [sflag:$0x2] =	stream.indirect.gather [hbm4b:s4+s17], $0x80, s0, s17, $0xb8;
	[tilespmem:$0x1F800] =	vst v63  }
0x92: {  	v2 =	vld [tilespmem:$0x980];
	_ =	sdelay $0x7  }
0x93: {  	[tilespmem:v2+s21+$0x0] =	vst.idx.add.f32.msk $0xffff, v1  }
0x94: {  	v2 =	vld [tilespmem:$0x990];
	_ =	sdelay $0x7  }
0x95: {  	[tilespmem:v2+s21+$0x0] =	vst.idx.add.f32.msk $0xffff, v1  }
0x96: {  	v2 =	vld [tilespmem:$0x9A0];
	_ =	sdelay $0x7  }
0x97: {  	[tilespmem:v2+s21+$0x0] =	vst.idx.add.f32.msk $0xffff, v1  }
0x98: {  	v2 =	vld [tilespmem:$0x9B0];
	_ =	sdelay $0x7  }
0x99: {  	[tilespmem:v2+s21+$0x0] =	vst.idx.add.f32.msk $0xffff, v1  }
0x9a: {  	v2 =	vld [tilespmem:$0x9C0];
	_ =	sdelay $0x7  }
0x9b: {  	[tilespmem:v2+s21+$0x0] =	vst.idx.add.f32.msk $0xffff, v1  }
0x9c: {  	v2 =	vld [tilespmem:$0x9D0];
	_ =	sdelay $0x7  }
0x9d: {  	[tilespmem:v2+s21+$0x0] =	vst.idx.add.f32.msk $0xffff, v1  }
0x9e: {  	v2 =	vld [tilespmem:$0x9E0];
	_ =	sdelay $0x7  }
0x9f: {  	[tilespmem:v2+s21+$0x0] =	vst.idx.add.f32.msk $0xffff, v1  }
0xa0: {  	v2 =	vld [tilespmem:$0x9F0];
	_ =	sdelay $0x7  }
0xa1: {  	[tilespmem:v2+s21+$0x0] =	vst.idx.add.f32.msk $0xffff, v1  }
0xa2: {  	_ =	swait.ge [sflag:s20], $0x4000  }
0xa3: {  	[sflag:s20] =	ssyncset.done $0x0  }
0xa4: {  	s5 =	rddreg [dreg:$0xb];
	[sflag:s20] =	ssyncadd.s32 $0xFFFFC000  }
0xa5: {  	[spmem:s2] =	stream.indirect.scatter.add.f32 [tilespmem:s18], [sflag:$0x7], $0x80, s5, s17, $0xb8;
	[tilespmem:$0x1F800] =	vst v63  }
0xa6: {  	_ =	swait.ge [sflag:s11], $0x4000  }
0xa7: {  	[sflag:s11] =	ssyncset.done $0x0  }
0xa8: {  	s0 =	rddreg [dreg:$0xc];
	[sflag:s11] =	ssyncadd.s32 $0xFFFFC000  }
0xa9: {  	[tilespmem:s18], [sflag:$0x1] =	stream.indirect.gather [hbm4b:s4+s17], $0x80, s0, s17, $0xb8;
	[tilespmem:$0x1F800] =	vst v63  }
0xaa: {  	v2 =	vld [tilespmem:$0xA00];
	_ =	sdelay $0x7  }
0xab: {  	[tilespmem:v2+s21+$0x0] =	vst.idx.add.f32.msk $0xffff, v1  }
0xac: {  	v2 =	vld [tilespmem:$0xA10];
	_ =	sdelay $0x7  }
0xad: {  	[tilespmem:v2+s21+$0x0] =	vst.idx.add.f32.msk $0xffff, v1  }
0xae: {  	v2 =	vld [tilespmem:$0xA20];
	_ =	sdelay $0x7  }
0xaf: {  	[tilespmem:v2+s21+$0x0] =	vst.idx.add.f32.msk $0xffff, v1  }
0xb0: {  	v2 =	vld [tilespmem:$0xA30];
	_ =	sdelay $0x7  }
0xb1: {  	[tilespmem:v2+s21+$0x0] =	vst.idx.add.f32.msk $0xffff, v1  }
0xb2: {  	v2 =	vld [tilespmem:$0xA40];
	_ =	sdelay $0x7  }
0xb3: {  	[tilespmem:v2+s21+$0x0] =	vst.idx.add.f32.msk $0xffff, v1  }
0xb4: {  	v2 =	vld [tilespmem:$0xA50];
	_ =	sdelay $0x7  }
0xb5: {  	[tilespmem:v2+s21+$0x0] =	vst.idx.add.f32.msk $0xffff, v1  }
0xb6: {  	v2 =	vld [tilespmem:$0xA60];
	_ =	sdelay $0x7  }
0xb7: {  	[tilespmem:v2+s21+$0x0] =	vst.idx.add.f32.msk $0xffff, v1  }
0xb8: {  	v2 =	vld [tilespmem:$0xA70];
	_ =	sdelay $0x7  }
0xb9: {  	[tilespmem:v2+s21+$0x0] =	vst.idx.add.f32.msk $0xffff, v1  }
0xba: {  	_ =	swait.ge [sflag:s23], $0x4000  }
0xbb: {  	[sflag:s23] =	ssyncset.done $0x0  }
0xbc: {  	s5 =	rddreg [dreg:$0xd];
	[sflag:s23] =	ssyncadd.s32 $0xFFFFC000  }
0xbd: {  	[spmem:s2] =	stream.indirect.scatter.add.f32 [tilespmem:s19], [sflag:$0x7], $0x80, s5, s17, $0xb8;
	[tilespmem:$0x1F800] =	vst v63  }
0xbe: {  	_ =	swait.ge [sflag:s11], $0x4000  }
0xbf: {  	[sflag:s11] =	ssyncset.done $0x0  }
0xc0: {  	s0 =	rddreg [dreg:$0xe];
	[sflag:s11] =	ssyncadd.s32 $0xFFFFC000  }
0xc1: {  	[tilespmem:s19], [sflag:$0x2] =	stream.indirect.gather [hbm4b:s4+s17], $0x80, s0, s17, $0xb8;
	[tilespmem:$0x1F800] =	vst v63  }
0xc2: {  	v2 =	vld [tilespmem:$0xA80];
	_ =	sdelay $0x7  }
0xc3: {  	[tilespmem:v2+s21+$0x0] =	vst.idx.add.f32.msk $0xffff, v1  }
0xc4: {  	v2 =	vld [tilespmem:$0xA90];
	_ =	sdelay $0x7  }
0xc5: {  	[tilespmem:v2+s21+$0x0] =	vst.idx.add.f32.msk $0xffff, v1  }
0xc6: {  	v2 =	vld [tilespmem:$0xAA0];
	_ =	sdelay $0x7  }
0xc7: {  	[tilespmem:v2+s21+$0x0] =	vst.idx.add.f32.msk $0xffff, v1  }
0xc8: {  	v2 =	vld [tilespmem:$0xAB0];
	_ =	sdelay $0x7  }
0xc9: {  	[tilespmem:v2+s21+$0x0] =	vst.idx.add.f32.msk $0xffff, v1  }
0xca: {  	v2 =	vld [tilespmem:$0xAC0];
	_ =	sdelay $0x7  }
0xcb: {  	[tilespmem:v2+s21+$0x0] =	vst.idx.add.f32.msk $0xffff, v1  }
0xcc: {  	v2 =	vld [tilespmem:$0xAD0];
	_ =	sdelay $0x7  }
0xcd: {  	[tilespmem:v2+s21+$0x0] =	vst.idx.add.f32.msk $0xffff, v1  }
0xce: {  	v2 =	vld [tilespmem:$0xAE0];
	_ =	sdelay $0x7  }
0xcf: {  	[tilespmem:v2+s21+$0x0] =	vst.idx.add.f32.msk $0xffff, v1  }
0xd0: {  	v2 =	vld [tilespmem:$0xAF0];
	_ =	sdelay $0x7  }
0xd1: {  	[tilespmem:v2+s21+$0x0] =	vst.idx.add.f32.msk $0xffff, v1  }
0xd2: {  	_ =	swait.ge [sflag:s20], $0x4000  }
0xd3: {  	[sflag:s20] =	ssyncset.done $0x0  }
0xd4: {  	s5 =	rddreg [dreg:$0xf];
	[sflag:s20] =	ssyncadd.s32 $0xFFFFC000  }
0xd5: {  	[spmem:s2] =	stream.indirect.scatter.add.f32 [tilespmem:s18], [sflag:$0x7], $0x80, s5, s17, $0xb8;
	[tilespmem:$0x1F800] =	vst v63  }
0xd6: {  	_ =	swait.ge [sflag:s11], $0x4000  }
0xd7: {  	[sflag:s11] =	ssyncset.done $0x0  }
0xd8: {  	[sflag:s11] =	ssyncadd.s32 $0xFFFFC000  }
0xd9: {  	v2 =	vld [tilespmem:$0xB00];
	_ =	sdelay $0x7  }
0xda: {  	[tilespmem:v2+s21+$0x0] =	vst.idx.add.f32.msk $0xffff, v1  }
0xdb: {  	v2 =	vld [tilespmem:$0xB10];
	_ =	sdelay $0x7  }
0xdc: {  	[tilespmem:v2+s21+$0x0] =	vst.idx.add.f32.msk $0xffff, v1  }
0xdd: {  	v2 =	vld [tilespmem:$0xB20];
	_ =	sdelay $0x7  }
0xde: {  	[tilespmem:v2+s21+$0x0] =	vst.idx.add.f32.msk $0xffff, v1  }
0xdf: {  	v2 =	vld [tilespmem:$0xB30];
	_ =	sdelay $0x7  }
0xe0: {  	[tilespmem:v2+s21+$0x0] =	vst.idx.add.f32.msk $0xffff, v1  }
0xe1: {  	v2 =	vld [tilespmem:$0xB40];
	_ =	sdelay $0x7  }
0xe2: {  	[tilespmem:v2+s21+$0x0] =	vst.idx.add.f32.msk $0xffff, v1  }
0xe3: {  	v2 =	vld [tilespmem:$0xB50];
	_ =	sdelay $0x7  }
0xe4: {  	[tilespmem:v2+s21+$0x0] =	vst.idx.add.f32.msk $0xffff, v1  }
0xe5: {  	v2 =	vld [tilespmem:$0xB60];
	_ =	sdelay $0x7  }
0xe6: {  	[tilespmem:v2+s21+$0x0] =	vst.idx.add.f32.msk $0xffff, v1  }
0xe7: {  	v2 =	vld [tilespmem:$0xB70];
	_ =	sdelay $0x7  }
0xe8: {  	[tilespmem:v2+s21+$0x0] =	vst.idx.add.f32.msk $0xffff, v1  }
0xe9: {  	_ =	swait.ge [sflag:s23], $0x4000  }
0xea: {  	[sflag:s23] =	ssyncset.done $0x0  }
0xeb: {  	s0 =	rddreg [dreg:$0x10];
	[sflag:s23] =	ssyncadd.s32 $0xFFFFC000  }
0xec: {  	[spmem:s2] =	stream.indirect.scatter.add.f32 [tilespmem:s19], [sflag:$0x7], $0x80, s0, s17, $0xb8;
	[tilespmem:$0x1F800] =	vst v63  }
0xed: {  	_ =	swait.ge [sflag:s11], $0x4000  }
0xee: {  	[sflag:s11] =	ssyncset.done $0x0  }
0xef: {  	[sflag:s11] =	ssyncadd.s32 $0xFFFFC000  }
0xf0: {  	v2 =	vld [tilespmem:$0xB80];
	_ =	sdelay $0x7  }
0xf1: {  	[tilespmem:v2+s21+$0x0] =	vst.idx.add.f32.msk $0xffff, v1  }
0xf2: {  	v2 =	vld [tilespmem:$0xB90];
	_ =	sdelay $0x7  }
0xf3: {  	[tilespmem:v2+s21+$0x0] =	vst.idx.add.f32.msk $0xffff, v1  }
0xf4: {  	v2 =	vld [tilespmem:$0xBA0];
	_ =	sdelay $0x7  }
0xf5: {  	[tilespmem:v2+s21+$0x0] =	vst.idx.add.f32.msk $0xffff, v1  }
0xf6: {  	v2 =	vld [tilespmem:$0xBB0];
	_ =	sdelay $0x7  }
0xf7: {  	[tilespmem:v2+s21+$0x0] =	vst.idx.add.f32.msk $0xffff, v1  }
0xf8: {  	v2 =	vld [tilespmem:$0xBC0];
	_ =	sdelay $0x7  }
0xf9: {  	[tilespmem:v2+s21+$0x0] =	vst.idx.add.f32.msk $0xffff, v1  }
0xfa: {  	v2 =	vld [tilespmem:$0xBD0];
	_ =	sdelay $0x7  }
0xfb: {  	[tilespmem:v2+s21+$0x0] =	vst.idx.add.f32.msk $0xffff, v1  }
0xfc: {  	v2 =	vld [tilespmem:$0xBE0];
	_ =	sdelay $0x7  }
0xfd: {  	[tilespmem:v2+s21+$0x0] =	vst.idx.add.f32.msk $0xffff, v1  }
0xfe: {  	v2 =	vld [tilespmem:$0xBF0];
	_ =	sdelay $0x7  }
0xff: {  	[tilespmem:v2+s21+$0x0] =	vst.idx.add.f32.msk $0xffff, v1  }
0x100: {  	_ =	swait.ge [sflag:s25], $0x400  }
0x101: {  	[sflag:s25] =	ssyncset.done $0x0  }
0x102: {  	[sflag:s25] =	ssyncadd.s32 $0xFFFFFC00  }
0x103: {  	p0 =	seq.s32 s31, $0x400;
	_ =	swait.ge [sflag:s26], $0x400  }
0x104: {  	s1 =	sadd.s32 @!p0 s31, s7;
	[sflag:s26] =	ssyncset.done $0x0  }
0x105: {  	s1 =	sadd.s32 @!p0 $0x100, s1;
	s0 =	simm.s32 @!p0 $0x0;
	[sflag:s26] =	ssyncadd.s32 $0xFFFFFC00  }
0x106: {  	[tilespmem:s0], [sflag:$0x3] =	stream.linear.gather @!p0 [hbm4b:s1+s0], $0x400, $0x38;
	[tilespmem:$0x1F800] =	vst v63  }
0x107: {  	s1 =	sadd.s32 @!p0 s31, s8  }
0x108: {  	s5 =	simm.s32 @!p0 $0x800;
	s1 =	sadd.s32 @!p0 $0x100, s1  }
0x109: {  	[tilespmem:s5], [sflag:$0x5] =	stream.linear.gather @!p0 [hbm4b:s1+s0], $0x400, $0x38;
	[tilespmem:$0x1F800] =	vst v63  }
0x10a: {  	_ = 	snop  }
0x10b: {  	[tilespmem:s18], [sflag:$0x1] =	stream.indirect.gather [hbm4b:s4+s17], $0x80, s15, s17, $0xb8;
	[tilespmem:$0x1F800] =	vst v63  }
0x10c: {  	s1 =	rddreg [dreg:$0x11]  }
0x10d: {  	[tilespmem:s19], [sflag:$0x2] =	stream.indirect.gather [hbm4b:s4+s17], $0x80, s1, s17, $0xb8;
	[tilespmem:$0x1F800] =	vst v63  }
0x10e: {  	_ =	swait.ge [sflag:s20], $0x4000  }
0x10f: {  	[sflag:s20] =	ssyncset.done $0x0  }
0x110: {  	[sflag:s20] =	ssyncadd.s32 $0xFFFFC000  }
0x111: {  	[spmem:s2] =	stream.indirect.scatter.add.f32 [tilespmem:s18], [sflag:$0x7], $0x80, s16, s17, $0xb8;
	[tilespmem:$0x1F800] =	vst v63  }
0x112: {  	_ =	swait.ge [sflag:s11], $0x4000  }
0x113: {  	[sflag:s11] =	ssyncset.done $0x0  }
0x114: {  	s5 =	rddreg [dreg:$0x12];
	[sflag:s11] =	ssyncadd.s32 $0xFFFFC000  }
0x115: {  	[tilespmem:s18], [sflag:$0x1] =	stream.indirect.gather [hbm4b:s4+s17], $0x80, s5, s17, $0xb8;
	[tilespmem:$0x1F800] =	vst v63  }
0x116: {  	v2 =	vld [tilespmem:$0xC00];
	_ =	sdelay $0x7  }
0x117: {  	[tilespmem:v2+s21+$0x0] =	vst.idx.add.f32.msk $0xffff, v1  }
0x118: {  	v2 =	vld [tilespmem:$0xC10];
	_ =	sdelay $0x7  }
0x119: {  	[tilespmem:v2+s21+$0x0] =	vst.idx.add.f32.msk $0xffff, v1  }
0x11a: {  	v2 =	vld [tilespmem:$0xC20];
	_ =	sdelay $0x7  }
0x11b: {  	[tilespmem:v2+s21+$0x0] =	vst.idx.add.f32.msk $0xffff, v1  }
0x11c: {  	v2 =	vld [tilespmem:$0xC30];
	_ =	sdelay $0x7  }
0x11d: {  	[tilespmem:v2+s21+$0x0] =	vst.idx.add.f32.msk $0xffff, v1  }
0x11e: {  	v2 =	vld [tilespmem:$0xC40];
	_ =	sdelay $0x7  }
0x11f: {  	[tilespmem:v2+s21+$0x0] =	vst.idx.add.f32.msk $0xffff, v1  }
0x120: {  	v2 =	vld [tilespmem:$0xC50];
	_ =	sdelay $0x7  }
0x121: {  	[tilespmem:v2+s21+$0x0] =	vst.idx.add.f32.msk $0xffff, v1  }
0x122: {  	v2 =	vld [tilespmem:$0xC60];
	_ =	sdelay $0x7  }
0x123: {  	[tilespmem:v2+s21+$0x0] =	vst.idx.add.f32.msk $0xffff, v1  }
0x124: {  	v2 =	vld [tilespmem:$0xC70];
	_ =	sdelay $0x7  }
0x125: {  	[tilespmem:v2+s21+$0x0] =	vst.idx.add.f32.msk $0xffff, v1  }
0x126: {  	_ =	swait.ge [sflag:s23], $0x4000  }
0x127: {  	[sflag:s23] =	ssyncset.done $0x0  }
0x128: {  	s1 =	rddreg [dreg:$0x13];
	[sflag:s23] =	ssyncadd.s32 $0xFFFFC000  }
0x129: {  	[spmem:s2] =	stream.indirect.scatter.add.f32 [tilespmem:s19], [sflag:$0x7], $0x80, s1, s17, $0xb8;
	[tilespmem:$0x1F800] =	vst v63  }
0x12a: {  	_ =	swait.ge [sflag:s11], $0x4000  }
0x12b: {  	[sflag:s11] =	ssyncset.done $0x0  }
0x12c: {  	s5 =	rddreg [dreg:$0x14];
	[sflag:s11] =	ssyncadd.s32 $0xFFFFC000  }
0x12d: {  	[tilespmem:s19], [sflag:$0x2] =	stream.indirect.gather [hbm4b:s4+s17], $0x80, s5, s17, $0xb8;
	[tilespmem:$0x1F800] =	vst v63  }
0x12e: {  	v2 =	vld [tilespmem:$0xC80];
	_ =	sdelay $0x7  }
0x12f: {  	[tilespmem:v2+s21+$0x0] =	vst.idx.add.f32.msk $0xffff, v1  }
0x130: {  	v2 =	vld [tilespmem:$0xC90];
	_ =	sdelay $0x7  }
0x131: {  	[tilespmem:v2+s21+$0x0] =	vst.idx.add.f32.msk $0xffff, v1  }
0x132: {  	v2 =	vld [tilespmem:$0xCA0];
	_ =	sdelay $0x7  }
0x133: {  	[tilespmem:v2+s21+$0x0] =	vst.idx.add.f32.msk $0xffff, v1  }
0x134: {  	v2 =	vld [tilespmem:$0xCB0];
	_ =	sdelay $0x7  }
0x135: {  	[tilespmem:v2+s21+$0x0] =	vst.idx.add.f32.msk $0xffff, v1  }
0x136: {  	v2 =	vld [tilespmem:$0xCC0];
	_ =	sdelay $0x7  }
0x137: {  	[tilespmem:v2+s21+$0x0] =	vst.idx.add.f32.msk $0xffff, v1  }
0x138: {  	v2 =	vld [tilespmem:$0xCD0];
	_ =	sdelay $0x7  }
0x139: {  	[tilespmem:v2+s21+$0x0] =	vst.idx.add.f32.msk $0xffff, v1  }
0x13a: {  	v2 =	vld [tilespmem:$0xCE0];
	_ =	sdelay $0x7  }
0x13b: {  	[tilespmem:v2+s21+$0x0] =	vst.idx.add.f32.msk $0xffff, v1  }
0x13c: {  	v2 =	vld [tilespmem:$0xCF0];
	_ =	sdelay $0x7  }
0x13d: {  	[tilespmem:v2+s21+$0x0] =	vst.idx.add.f32.msk $0xffff, v1  }
0x13e: {  	_ =	swait.ge [sflag:s20], $0x4000  }
0x13f: {  	[sflag:s20] =	ssyncset.done $0x0  }
0x140: {  	s1 =	rddreg [dreg:$0x15];
	[sflag:s20] =	ssyncadd.s32 $0xFFFFC000  }
0x141: {  	[spmem:s2] =	stream.indirect.scatter.add.f32 [tilespmem:s18], [sflag:$0x7], $0x80, s1, s17, $0xb8;
	[tilespmem:$0x1F800] =	vst v63  }
0x142: {  	_ =	swait.ge [sflag:s11], $0x4000  }
0x143: {  	[sflag:s11] =	ssyncset.done $0x0  }
0x144: {  	s5 =	rddreg [dreg:$0x16];
	[sflag:s11] =	ssyncadd.s32 $0xFFFFC000  }
0x145: {  	[tilespmem:s18], [sflag:$0x1] =	stream.indirect.gather [hbm4b:s4+s17], $0x80, s5, s17, $0xb8;
	[tilespmem:$0x1F800] =	vst v63  }
0x146: {  	v2 =	vld [tilespmem:$0xD00];
	_ =	sdelay $0x7  }
0x147: {  	[tilespmem:v2+s21+$0x0] =	vst.idx.add.f32.msk $0xffff, v1  }
0x148: {  	v2 =	vld [tilespmem:$0xD10];
	_ =	sdelay $0x7  }
0x149: {  	[tilespmem:v2+s21+$0x0] =	vst.idx.add.f32.msk $0xffff, v1  }
0x14a: {  	v2 =	vld [tilespmem:$0xD20];
	_ =	sdelay $0x7  }
0x14b: {  	[tilespmem:v2+s21+$0x0] =	vst.idx.add.f32.msk $0xffff, v1  }
0x14c: {  	v2 =	vld [tilespmem:$0xD30];
	_ =	sdelay $0x7  }
0x14d: {  	[tilespmem:v2+s21+$0x0] =	vst.idx.add.f32.msk $0xffff, v1  }
0x14e: {  	v2 =	vld [tilespmem:$0xD40];
	_ =	sdelay $0x7  }
0x14f: {  	[tilespmem:v2+s21+$0x0] =	vst.idx.add.f32.msk $0xffff, v1  }
0x150: {  	v2 =	vld [tilespmem:$0xD50];
	_ =	sdelay $0x7  }
0x151: {  	[tilespmem:v2+s21+$0x0] =	vst.idx.add.f32.msk $0xffff, v1  }
0x152: {  	v2 =	vld [tilespmem:$0xD60];
	_ =	sdelay $0x7  }
0x153: {  	[tilespmem:v2+s21+$0x0] =	vst.idx.add.f32.msk $0xffff, v1  }
0x154: {  	v2 =	vld [tilespmem:$0xD70];
	_ =	sdelay $0x7  }
0x155: {  	[tilespmem:v2+s21+$0x0] =	vst.idx.add.f32.msk $0xffff, v1  }
0x156: {  	_ =	swait.ge [sflag:s23], $0x4000  }
0x157: {  	[sflag:s23] =	ssyncset.done $0x0  }
0x158: {  	s1 =	rddreg [dreg:$0x17];
	[sflag:s23] =	ssyncadd.s32 $0xFFFFC000  }
0x159: {  	[spmem:s2] =	stream.indirect.scatter.add.f32 [tilespmem:s19], [sflag:$0x7], $0x80, s1, s17, $0xb8;
	[tilespmem:$0x1F800] =	vst v63  }
0x15a: {  	_ =	swait.ge [sflag:s11], $0x4000  }
0x15b: {  	[sflag:s11] =	ssyncset.done $0x0  }
0x15c: {  	s5 =	rddreg [dreg:$0x18];
	[sflag:s11] =	ssyncadd.s32 $0xFFFFC000  }
0x15d: {  	[tilespmem:s19], [sflag:$0x2] =	stream.indirect.gather [hbm4b:s4+s17], $0x80, s5, s17, $0xb8;
	[tilespmem:$0x1F800] =	vst v63  }
0x15e: {  	v2 =	vld [tilespmem:$0xD80];
	_ =	sdelay $0x7  }
0x15f: {  	[tilespmem:v2+s21+$0x0] =	vst.idx.add.f32.msk $0xffff, v1  }
0x160: {  	v2 =	vld [tilespmem:$0xD90];
	_ =	sdelay $0x7  }
0x161: {  	[tilespmem:v2+s21+$0x0] =	vst.idx.add.f32.msk $0xffff, v1  }
0x162: {  	v2 =	vld [tilespmem:$0xDA0];
	_ =	sdelay $0x7  }
0x163: {  	[tilespmem:v2+s21+$0x0] =	vst.idx.add.f32.msk $0xffff, v1  }
0x164: {  	v2 =	vld [tilespmem:$0xDB0];
	_ =	sdelay $0x7  }
0x165: {  	[tilespmem:v2+s21+$0x0] =	vst.idx.add.f32.msk $0xffff, v1  }
0x166: {  	v2 =	vld [tilespmem:$0xDC0];
	_ =	sdelay $0x7  }
0x167: {  	[tilespmem:v2+s21+$0x0] =	vst.idx.add.f32.msk $0xffff, v1  }
0x168: {  	v2 =	vld [tilespmem:$0xDD0];
	_ =	sdelay $0x7  }
0x169: {  	[tilespmem:v2+s21+$0x0] =	vst.idx.add.f32.msk $0xffff, v1  }
0x16a: {  	v2 =	vld [tilespmem:$0xDE0];
	_ =	sdelay $0x7  }
0x16b: {  	[tilespmem:v2+s21+$0x0] =	vst.idx.add.f32.msk $0xffff, v1  }
0x16c: {  	v2 =	vld [tilespmem:$0xDF0];
	_ =	sdelay $0x7  }
0x16d: {  	[tilespmem:v2+s21+$0x0] =	vst.idx.add.f32.msk $0xffff, v1  }
0x16e: {  	_ =	swait.ge [sflag:s20], $0x4000  }
0x16f: {  	[sflag:s20] =	ssyncset.done $0x0  }
0x170: {  	s1 =	rddreg [dreg:$0x19];
	[sflag:s20] =	ssyncadd.s32 $0xFFFFC000  }
0x171: {  	[spmem:s2] =	stream.indirect.scatter.add.f32 [tilespmem:s18], [sflag:$0x7], $0x80, s1, s17, $0xb8;
	[tilespmem:$0x1F800] =	vst v63  }
0x172: {  	_ =	swait.ge [sflag:s11], $0x4000  }
0x173: {  	[sflag:s11] =	ssyncset.done $0x0  }
0x174: {  	s5 =	rddreg [dreg:$0x1a];
	[sflag:s11] =	ssyncadd.s32 $0xFFFFC000  }
0x175: {  	[tilespmem:s18], [sflag:$0x1] =	stream.indirect.gather [hbm4b:s4+s17], $0x80, s5, s17, $0xb8;
	[tilespmem:$0x1F800] =	vst v63  }
0x176: {  	v2 =	vld [tilespmem:$0xE00];
	_ =	sdelay $0x7  }
0x177: {  	[tilespmem:v2+s21+$0x0] =	vst.idx.add.f32.msk $0xffff, v1  }
0x178: {  	v2 =	vld [tilespmem:$0xE10];
	_ =	sdelay $0x7  }
0x179: {  	[tilespmem:v2+s21+$0x0] =	vst.idx.add.f32.msk $0xffff, v1  }
0x17a: {  	v2 =	vld [tilespmem:$0xE20];
	_ =	sdelay $0x7  }
0x17b: {  	[tilespmem:v2+s21+$0x0] =	vst.idx.add.f32.msk $0xffff, v1  }
0x17c: {  	v2 =	vld [tilespmem:$0xE30];
	_ =	sdelay $0x7  }
0x17d: {  	[tilespmem:v2+s21+$0x0] =	vst.idx.add.f32.msk $0xffff, v1  }
0x17e: {  	v2 =	vld [tilespmem:$0xE40];
	_ =	sdelay $0x7  }
0x17f: {  	[tilespmem:v2+s21+$0x0] =	vst.idx.add.f32.msk $0xffff, v1  }
0x180: {  	v2 =	vld [tilespmem:$0xE50];
	_ =	sdelay $0x7  }
0x181: {  	[tilespmem:v2+s21+$0x0] =	vst.idx.add.f32.msk $0xffff, v1  }
0x182: {  	v2 =	vld [tilespmem:$0xE60];
	_ =	sdelay $0x7  }
0x183: {  	[tilespmem:v2+s21+$0x0] =	vst.idx.add.f32.msk $0xffff, v1  }
0x184: {  	v2 =	vld [tilespmem:$0xE70];
	_ =	sdelay $0x7  }
0x185: {  	[tilespmem:v2+s21+$0x0] =	vst.idx.add.f32.msk $0xffff, v1  }
0x186: {  	_ =	swait.ge [sflag:s23], $0x4000  }
0x187: {  	[sflag:s23] =	ssyncset.done $0x0  }
0x188: {  	s1 =	rddreg [dreg:$0x1b];
	[sflag:s23] =	ssyncadd.s32 $0xFFFFC000  }
0x189: {  	[spmem:s2] =	stream.indirect.scatter.add.f32 [tilespmem:s19], [sflag:$0x7], $0x80, s1, s17, $0xb8;
	[tilespmem:$0x1F800] =	vst v63  }
0x18a: {  	_ =	swait.ge [sflag:s11], $0x4000  }
0x18b: {  	[sflag:s11] =	ssyncset.done $0x0  }
0x18c: {  	s5 =	rddreg [dreg:$0x1c];
	[sflag:s11] =	ssyncadd.s32 $0xFFFFC000  }
0x18d: {  	[tilespmem:s19], [sflag:$0x2] =	stream.indirect.gather [hbm4b:s4+s17], $0x80, s5, s17, $0xb8;
	[tilespmem:$0x1F800] =	vst v63  }
0x18e: {  	v2 =	vld [tilespmem:$0xE80];
	_ =	sdelay $0x7  }
0x18f: {  	[tilespmem:v2+s21+$0x0] =	vst.idx.add.f32.msk $0xffff, v1  }
0x190: {  	v2 =	vld [tilespmem:$0xE90];
	_ =	sdelay $0x7  }
0x191: {  	[tilespmem:v2+s21+$0x0] =	vst.idx.add.f32.msk $0xffff, v1  }
0x192: {  	v2 =	vld [tilespmem:$0xEA0];
	_ =	sdelay $0x7  }
0x193: {  	[tilespmem:v2+s21+$0x0] =	vst.idx.add.f32.msk $0xffff, v1  }
0x194: {  	v2 =	vld [tilespmem:$0xEB0];
	_ =	sdelay $0x7  }
0x195: {  	[tilespmem:v2+s21+$0x0] =	vst.idx.add.f32.msk $0xffff, v1  }
0x196: {  	v2 =	vld [tilespmem:$0xEC0];
	_ =	sdelay $0x7  }
0x197: {  	[tilespmem:v2+s21+$0x0] =	vst.idx.add.f32.msk $0xffff, v1  }
0x198: {  	v2 =	vld [tilespmem:$0xED0];
	_ =	sdelay $0x7  }
0x199: {  	[tilespmem:v2+s21+$0x0] =	vst.idx.add.f32.msk $0xffff, v1  }
0x19a: {  	v2 =	vld [tilespmem:$0xEE0];
	_ =	sdelay $0x7  }
0x19b: {  	[tilespmem:v2+s21+$0x0] =	vst.idx.add.f32.msk $0xffff, v1  }
0x19c: {  	v2 =	vld [tilespmem:$0xEF0];
	_ =	sdelay $0x7  }
0x19d: {  	[tilespmem:v2+s21+$0x0] =	vst.idx.add.f32.msk $0xffff, v1  }
0x19e: {  	_ =	swait.ge [sflag:s20], $0x4000  }
0x19f: {  	[sflag:s20] =	ssyncset.done $0x0  }
0x1a0: {  	[sflag:s20] =	ssyncadd.s32 $0xFFFFC000  }
0x1a1: {  	[spmem:s2] =	stream.indirect.scatter.add.f32 [tilespmem:s18], [sflag:$0x7], $0x80, s28, s17, $0xb8;
	[tilespmem:$0x1F800] =	vst v63  }
0x1a2: {  	_ =	swait.ge [sflag:s11], $0x4000  }
0x1a3: {  	[sflag:s11] =	ssyncset.done $0x0  }
0x1a4: {  	[sflag:s11] =	ssyncadd.s32 $0xFFFFC000  }
0x1a5: {  	v2 =	vld [tilespmem:$0xF00];
	_ =	sdelay $0x7  }
0x1a6: {  	[tilespmem:v2+s21+$0x0] =	vst.idx.add.f32.msk $0xffff, v1  }
0x1a7: {  	v2 =	vld [tilespmem:$0xF10];
	_ =	sdelay $0x7  }
0x1a8: {  	[tilespmem:v2+s21+$0x0] =	vst.idx.add.f32.msk $0xffff, v1  }
0x1a9: {  	v2 =	vld [tilespmem:$0xF20];
	_ =	sdelay $0x7  }
0x1aa: {  	[tilespmem:v2+s21+$0x0] =	vst.idx.add.f32.msk $0xffff, v1  }
0x1ab: {  	v2 =	vld [tilespmem:$0xF30];
	_ =	sdelay $0x7  }
0x1ac: {  	[tilespmem:v2+s21+$0x0] =	vst.idx.add.f32.msk $0xffff, v1  }
0x1ad: {  	v2 =	vld [tilespmem:$0xF40];
	_ =	sdelay $0x7  }
0x1ae: {  	[tilespmem:v2+s21+$0x0] =	vst.idx.add.f32.msk $0xffff, v1  }
0x1af: {  	v2 =	vld [tilespmem:$0xF50];
	_ =	sdelay $0x7  }
0x1b0: {  	[tilespmem:v2+s21+$0x0] =	vst.idx.add.f32.msk $0xffff, v1  }
0x1b1: {  	v2 =	vld [tilespmem:$0xF60];
	_ =	sdelay $0x7  }
0x1b2: {  	[tilespmem:v2+s21+$0x0] =	vst.idx.add.f32.msk $0xffff, v1  }
0x1b3: {  	v2 =	vld [tilespmem:$0xF70];
	_ =	sdelay $0x7  }
0x1b4: {  	[tilespmem:v2+s21+$0x0] =	vst.idx.add.f32.msk $0xffff, v1  }
0x1b5: {  	_ =	swait.ge [sflag:s23], $0x4000  }
0x1b6: {  	[sflag:s23] =	ssyncset.done $0x0  }
0x1b7: {  	[sflag:s23] =	ssyncadd.s32 $0xFFFFC000  }
0x1b8: {  	[spmem:s2] =	stream.indirect.scatter.add.f32 [tilespmem:s19], [sflag:$0x7], $0x80, s29, s17, $0xb8;
	[tilespmem:$0x1F800] =	vst v63  }
0x1b9: {  	_ =	swait.ge [sflag:s11], $0x4000  }
0x1ba: {  	[sflag:s11] =	ssyncset.done $0x0  }
0x1bb: {  	[sflag:s11] =	ssyncadd.s32 $0xFFFFC000  }
0x1bc: {  	v2 =	vld [tilespmem:$0xF80];
	_ =	sdelay $0x7  }
0x1bd: {  	[tilespmem:v2+s21+$0x0] =	vst.idx.add.f32.msk $0xffff, v1  }
0x1be: {  	v2 =	vld [tilespmem:$0xF90];
	_ =	sdelay $0x7  }
0x1bf: {  	[tilespmem:v2+s21+$0x0] =	vst.idx.add.f32.msk $0xffff, v1  }
0x1c0: {  	v2 =	vld [tilespmem:$0xFA0];
	_ =	sdelay $0x7  }
0x1c1: {  	[tilespmem:v2+s21+$0x0] =	vst.idx.add.f32.msk $0xffff, v1  }
0x1c2: {  	v2 =	vld [tilespmem:$0xFB0];
	_ =	sdelay $0x7  }
0x1c3: {  	[tilespmem:v2+s21+$0x0] =	vst.idx.add.f32.msk $0xffff, v1  }
0x1c4: {  	v2 =	vld [tilespmem:$0xFC0];
	_ =	sdelay $0x7  }
0x1c5: {  	[tilespmem:v2+s21+$0x0] =	vst.idx.add.f32.msk $0xffff, v1  }
0x1c6: {  	v2 =	vld [tilespmem:$0xFD0];
	_ =	sdelay $0x7  }
0x1c7: {  	[tilespmem:v2+s21+$0x0] =	vst.idx.add.f32.msk $0xffff, v1  }
0x1c8: {  	v2 =	vld [tilespmem:$0xFE0];
	_ =	sdelay $0x7  }
0x1c9: {  	[tilespmem:v2+s21+$0x0] =	vst.idx.add.f32.msk $0xffff, v1  }
0x1ca: {  	v2 =	vld [tilespmem:$0xFF0];
	_ =	sdelay $0x1  }
0x1cb: {  	s31 =	sadd.s32 $0x100, s31  }
0x1cc: {  	p0 =	sne.s32 s31, $0x500  }
.Ltmp1:
0x1cd: {  	_ = 	snop;
	(pc) =	sbr.rel @p0 .LBB2_4-.Ltmp1, $2  }
0x1ce: {  	_ =	sdelay $0x2  }
0x1cf: {  	[tilespmem:v2+s21+$0x0] =	vst.idx.add.f32.msk $0xffff, v1  }
0x1d0: {  	[bflag:$0x0] =	sbarrier.arrive $0xFFFF  }
0x1d1: {  	[hbm:s22], [sflag:s6] =	dma.local [spmem:s10], $0x2800  }
0x1d2: {  	s30 =	sadd.s32 $0x1, s30;
	_ =	swait.ge [sflag:s11], $0x2800  }
0x1d3: {  	p0 =	sne.s32 s30, s9;
	[sflag:s11] =	ssyncset.done $0x0  }
.Ltmp2:
0x1d4: {  	[sflag:s11] =	ssyncadd.s32 $0xFFFFD800;
	(pc) =	sbr.rel @p0 .LBB2_1-.Ltmp2, $4  }
0x1d5: {  	[hbm4b:s24+s17] =	stream.strided.scatter [tilespmem:s21], [sflag:$0x7], $0x2800, s15, s17, $0x38;
	[tilespmem:$0x1F800] =	vst v63  }
0x1d6: {  	_ =	swait.ge [sflag:s11], $0x2800  }
0x1d7: {  	[sflag:s11] =	ssyncset.done $0x0  }
0x1d8: {  	[sflag:s11] =	ssyncadd.s32 $0xFFFFD800  }
0x1d9: {  	_ =	sfence.sel $0x180000  }
0x1da: {  	[bflag:$0x0] =	sbarrier.arrive $0xFFFF  }
0x1db: {  	_ =	strace $0x90000047  }
0x1dc: {  	s0 =	stileid.u32;
	[bflag:$0x2] =	sbarrier.arrive $0xFFFF  }
0x1dd: {  	p0 =	sne.s32 s0, $0x0;
	s0 =	rddreg [dreg:$0x3]  }
0x1de: {  	s0 =	sadd.s32 @!p0 $0x100000, s0  }
0x1df: {  	[sflag:s0] =	ssyncadd.tile.s32 @!p0 $0x1;
	_ =	shalt  }
.Lfunc_end2:
_tile_overlayer_lowered:
.L_overlay_start_2:
0x1e0: {  	(tag) =	ssettag $0x2  }
0x1e1: {  	s0 =	rddreg [dreg:$0x0];
	s2 =	stileid.u32  }
0x1e2: {  	s1 =	rddreg [dreg:$0x1];
	p0 =	sne.s32 s2, $0x0  }
0x1e3: {  	s3 =	rddreg [dreg:$0x2];
	[bflag:$0x3] =	sbarrier.arrive $0xFFFF;
	s2 =	simm.s32 @!p0 $0x1C07  }
0x1e4: {  	[timem:s3], [sflag:s2] =	dma.local @!p0 [hbm:s0], s1  }
0x1e5: {  	s0 =	simm.s32 @!p0 $0x7  }
0x1e6: {  	_ =	swait.ge @!p0 [sflag:s0], s1  }
0x1e7: {  	s1 =	ssub.s32 @!p0 $0x0, s1;
	[sflag:s0] =	ssyncset.done @!p0 $0x0  }
0x1e8: {  	[sflag:s0] =	ssyncadd.s32 @!p0 s1  }
0x1e9: {  	[bflag:$0x3] =	sbarrier.arrive $0xFFFF  }
0x1ea: {  	_ =	shalt  }

// kernel: kernel.9.cloned.1.call-start
scs
__scs_entry_jumppad:
0x0: {  	(pc) =	sbr.rel $0x88, $3  }
0x1: {  	(tag) =	ssettag $0x0;
	lr =	simm.s32 $0x1  }
0x2: {  	[smem:$0x3F8D] =	sst lr;
	_ =	strace $0xD0000000  }
0x3: {  	_ = 	snop  }
0x4: {  	_ = 	snop  }
0x5: {  	_ = 	snop  }
0x6: {  	_ = 	snop  }
0x7: {  	_ = 	snop  }
__scs_overlays_trampoline_lowered:
0x8: {  	[smem:$0x3F9C] =	sst s0  }
0x9: {  	[smem:$0x3F9D] =	sst s1  }
0xa: {  	[smem:$0x3F9E] =	sst s2  }
0xb: {  	[smem:$0x3F9F] =	sst s3  }
0xc: {  	[smem:$0x3FA0] =	sst s4  }
0xd: {  	[smem:$0x3FA1] =	sst s5  }
0xe: {  	[smem:$0x3FA2] =	sst s6  }
0xf: {  	[smem:$0x3FA3] =	sst s7  }
0x10: {  	[smem:$0x3FA4] =	sst s8  }
0x11: {  	[smem:$0x3FA5] =	sst s9;
	s0 =	simm.s32 @!p0 $0x0  }
0x12: {  	s1 =	sld [smem:$0x3F8B];
	s0 =	simm.s32 @p0 $0x1  }
0x13: {  	[smem:$0x3FA6] =	sst s0;
	s0 =	simm.s32 @!p1 $0x0  }
0x14: {  	s2 =	sld [smem:$0x3F8A];
	s0 =	simm.s32 @p1 $0x1  }
0x15: {  	[smem:$0x3FA7] =	sst s0;
	s0 =	simm.s32 @!p2 $0x0  }
0x16: {  	s3 =	sld [smem:$0x3FDB];
	s0 =	simm.s32 @p2 $0x1  }
0x17: {  	s4 =	simm.s32 $0x1BF5;
	[smem:$0x3FA9] =	sst s0  }
0x18: {  	s0 =	sld [smem:$0x3F8C];
	_ =	swait.ge [sflag:s4], $0x0  }
0x19: {  	s7 =	sld [smem:$0x3F8D]  }
0x1a: {  	s8 =	sadd.s32 $0xFFFFE003, lr  }
0x1b: {  	s9 =	sadd.s32 $0xFFFFFEF7, lr;
	s5 =	simm.s32 $0xFFFFFFFF;
	p2 =	slt.u32 s8, $0xFFFFF086  }
0x1c: {  	p1 =	slt.u32 s9, $0xF7A;
	s5 =	simm.s32 @!p2 $0x0  }
0x1d: {  	s5 =	simm.s32 @p1 $0x1;
	p0 =	seq.s32 s7, s2  }
0x1e: {  	s7 =	smul.u32 @!p0 $0xF7A, s2;
	p2 =	seq.s32 @!p0 s5, $0x0  }
0x1f: {  	s9 =	smul.u32 $0xF7A, s1;
	s8 =	simm.s32 @!p0 $0x1BF5;
	p2 =	por !p2, p0  }
0x20: {  	[sflag:s8] =	ssyncset.s32 @!p0 $0xFFFFF086;
	s6 =	sadd.s32 @!p0 s3, s7;
	s7 =	simm.s32 @!p0 $0x108  }
0x21: {  	s3 =	sadd.s32 s3, s9;
	s6 =	sadd.s32 @!p0 $0x88, s6;
	s7 =	simm.s32 @p2 $0x1082  }
0x22: {  	[simem:s7], [sflag:s8] =	dma.local @!p0 [hbm:s6], $0xF7A  }
0x23: {  	s9 =	sor.u32 $0xD0000000, s2;
	s6 =	simm.s32 $0x108;
	_ =	swait.ge @!p0 [sflag:s8], $0x0  }
0x24: {  	s3 =	sadd.s32 $0x88, s3;
	s6 =	simm.s32 @!p1 $0x1082;
	[sflag:s4] =	ssyncset.s32 $0xFFFFF086  }
0x25: {  	[simem:s6], [sflag:s4] =	dma.local [hbm:s3], $0xF7A  }
0x26: {  	[smem:$0x3F8D] =	sst s1;
	(tag) =	ssettag s2;
	_ =	strace s9  }
0x27: {  	s1 =	sld [smem:$0x3F9D]  }
0x28: {  	s2 =	sld [smem:$0x3F9E]  }
0x29: {  	s4 =	sld [smem:$0x3FA0]  }
0x2a: {  	p0 =	seq.s32 s5, $0x0;
	s5 =	sld [smem:$0x3FA1]  }
0x2b: {  	s6 =	sld [smem:$0x3FA2]  }
0x2c: {  	s7 =	sld [smem:$0x3FA3]  }
0x2d: {  	s3 =	simm.s32 $0x108;
	s8 =	sld [smem:$0x3FA4]  }
0x2e: {  	s3 =	simm.s32 @!p0 $0x1082;
	s9 =	sld [smem:$0x3FA5]  }
0x2f: {  	lr =	sadd.s32 s0, s3;
	s0 =	sld [smem:$0x3F9C]  }
0x30: {  	s3 =	sld [smem:$0x3F9F]  }
0x31: {  	[smem:$0x3FA8] =	sst s10  }
0x32: {  	s10 =	sld [smem:$0x3FA6];
	_ =	sdelay $0x3  }
0x33: {  	p0 =	seq.s32 s10, $0x1;
	s10 =	sld [smem:$0x3FA8];
	_ =	sdelay $0x3  }
0x34: {  	[smem:$0x3FA8] =	sst s10  }
0x35: {  	s10 =	sld [smem:$0x3FA7];
	_ =	sdelay $0x3  }
0x36: {  	p1 =	seq.s32 s10, $0x1;
	s10 =	sld [smem:$0x3FA8];
	_ =	sdelay $0x3  }
0x37: {  	[smem:$0x3FA8] =	sst s10  }
0x38: {  	s10 =	sld [smem:$0x3FA9]  }
0x39: {  	_ = 	snop;
	(pc) =	sbr.ind lr, $3  }
0x3a: {  	_ = 	snop  }
0x3b: {  	_ = 	snop  }
0x3c: {  	p2 =	seq.s32 s10, $0x1;
	s10 =	sld [smem:$0x3FA8]  }
0x3d: {  	_ =	shalt  }
0x3e: {  	_ =	shalt  }
0x3f: {  	_ =	shalt  }
0x40: {  	_ =	shalt  }
0x41: {  	_ =	shalt  }
0x42: {  	_ =	shalt  }
0x43: {  	_ =	shalt  }
0x44: {  	_ =	shalt  }
0x45: {  	_ =	shalt  }
0x46: {  	_ =	shalt  }
0x47: {  	_ =	shalt  }
0x48: {  	_ =	shalt  }
0x49: {  	_ =	shalt  }
0x4a: {  	_ =	shalt  }
0x4b: {  	_ =	shalt  }
0x4c: {  	_ =	shalt  }
0x4d: {  	_ =	shalt  }
0x4e: {  	_ =	shalt  }
0x4f: {  	_ =	shalt  }
0x50: {  	_ =	shalt  }
0x51: {  	_ =	shalt  }
0x52: {  	_ =	shalt  }
0x53: {  	_ =	shalt  }
0x54: {  	_ =	shalt  }
0x55: {  	_ =	shalt  }
0x56: {  	_ =	shalt  }
0x57: {  	_ =	shalt  }
0x58: {  	_ =	shalt  }
0x59: {  	_ =	shalt  }
0x5a: {  	_ =	shalt  }
0x5b: {  	_ =	shalt  }
0x5c: {  	_ =	shalt  }
0x5d: {  	_ =	shalt  }
0x5e: {  	_ =	shalt  }
0x5f: {  	_ =	shalt  }
0x60: {  	_ =	shalt  }
0x61: {  	_ =	shalt  }
0x62: {  	_ =	shalt  }
0x63: {  	_ =	shalt  }
0x64: {  	_ =	shalt  }
0x65: {  	_ =	shalt  }
0x66: {  	_ =	shalt  }
0x67: {  	_ =	shalt  }
0x68: {  	_ =	shalt  }
0x69: {  	_ =	shalt  }
0x6a: {  	_ =	shalt  }
0x6b: {  	_ =	shalt  }
0x6c: {  	_ =	shalt  }
0x6d: {  	_ =	shalt  }
0x6e: {  	_ =	shalt  }
0x6f: {  	_ =	shalt  }
0x70: {  	_ =	shalt  }
0x71: {  	_ =	shalt  }
0x72: {  	_ =	shalt  }
0x73: {  	_ =	shalt  }
0x74: {  	_ =	shalt  }
0x75: {  	_ =	shalt  }
0x76: {  	_ =	shalt  }
0x77: {  	_ =	shalt  }
0x78: {  	_ =	shalt  }
0x79: {  	_ =	shalt  }
0x7a: {  	_ =	shalt  }
0x7b: {  	_ =	shalt  }
0x7c: {  	_ =	shalt  }
0x7d: {  	_ =	shalt  }
0x7e: {  	_ =	shalt  }
0x7f: {  	_ =	shalt  }
0x80: {  	_ =	shalt  }
0x81: {  	_ =	shalt  }
0x82: {  	_ =	shalt  }
0x83: {  	_ =	shalt  }
0x84: {  	_ =	shalt  }
0x85: {  	_ =	shalt  }
0x86: {  	_ =	shalt  }
0x87: {  	_ =	shalt  }
.Lfunc_end0:
.L_simem_size_0:
called_computation.1_lowered:
.L_overlay_start_0:
0x88: {  	s2 =	sld [smem:$0x3FD9]  }
0x89: {  	s3 =	sld [smem:$0x3FFE];
	_ =	sdelay $0x1  }
0x8a: {  	s1 =	srdreg.scid  }
0x8b: {  	s0 =	sand.u32 $0x1, s1  }
0x8c: {  	s17 =	sshll.u32 s0, $0xA;
	s2 =	sadd.s32 s3, s2  }
0x8d: {  	s2 =	sadd.s32 s2, s17  }
0x8e: {  	[smem:$0x3FB4] =	sst s2  }
0x8f: {  	_ = 	snop  }
0x90: {  	s2 =	sld [smem:$0x3FD0];
	(tm) =	ssettm $0x1  }
0x91: {  	s18 =	sld [smem:$0x3FFB];
	_ =	sdelay $0x3  }
0x92: {  	_ =	strace s18  }
0x93: {  	s3 =	sld [smem:$0x3FFC];
	_ =	sdelay $0x3  }
0x94: {  	_ =	strace s3  }
0x95: {  	s3 =	sld [smem:$0x3FFD];
	_ =	sdelay $0x3  }
0x96: {  	_ =	strace s3  }
0x97: {  	_ =	strace $0x8FFFFFFF  }
0x98: {  	s19 =	sld [smem:$0x3FDB];
	_ =	sdelay $0x1  }
0x99: {  	s4 =	simm.s32 $_scs_section_size  }
0x9a: {  	s5 =	simm.s32 $_size__tile_overlayer_lowered;
	s6 =	simm.s32 $_tile_overlayer_lowered  }
0x9b: {  	s22 =	simm.s32 $0x1BFF;
	s21 =	sshll.u32 s6, $0x1;
	s3 =	sadd.s32 s4, s19  }
0x9c: {  	s7 =	simm.s32 $0x0;
	s20 =	sshll.u32 s5, $0x1;
	s5 =	sadd.s32 s21, s3  }
0x9d: {  	[timem:s7], [sflag:s22] =	dma.local [hbm:s5], s20  }
0x9e: {  	_ =	swait.ge [sflag:s22], s20  }
0x9f: {  	s4 =	ssub.s32 $0x0, s20;
	[sflag:s22] =	ssyncset.done $0x0  }
0xa0: {  	[sflag:s22] =	ssyncadd.s32 s4;
	_ =	sdelay $0x1  }
0xa1: {  	s23 =	simm.s32 $0x1B8B  }
0xa2: {  	_ =	swait.ge [sflag:s23], $0x1  }
0xa3: {  	[sflag:s23] =	ssyncset.done $0x0  }
0xa4: {  	s25 =	simm.s32 $0x1B8E;
	s24 =	sld [smem:$0x3FFE];
	[sflag:s23] =	ssyncadd.s32 $0xFFFFFFFF  }
0xa5: {  	s26 =	simm.s32 $execute0_lowered;
	[smem:$0x3FD2] =	sst s25  }
0xa6: {  	s5 =	sshll.u32 s26, $0x1;
	_ =	strace $0x80000049;
	[dreg:$0x1] =	wrdreg $0xFFFFFFFF  }
0xa7: {  	s28 =	simm.s32 $_size_execute0_lowered;
	s3 =	sadd.s32 s3, s5;
	[dreg:$0x0] =	wrdreg $0x0  }
0xa8: {  	s5 =	sshll.u32 s28, $0x1;
	[dreg:$0x2] =	wrdreg s3  }
0xa9: {  	[dreg:$0x3] =	wrdreg s5  }
0xaa: {  	[dreg:$0x4] =	wrdreg $0xC0  }
0xab: {  	_ =	task [dreg:s7], $0x5FFFF  }
0xac: {  	[dreg:$0x1] =	wrdreg $0xFFFFFFFF  }
0xad: {  	[dreg:$0x0] =	wrdreg $0x60  }
0xae: {  	[dreg:$0x2] =	wrdreg s24  }
0xaf: {  	[dreg:$0x3] =	wrdreg s2  }
0xb0: {  	[dreg:$0x4] =	wrdreg $0x90000  }
0xb1: {  	[dreg:$0x5] =	wrdreg $0x9  }
0xb2: {  	_ =	task.clear_ibuf [dreg:s7], $0x6FFFF;
	_ =	strace $0x90000049  }
0xb3: {  	s29 =	simm.s32 $0x9;
	_ =	strace $0x8000004B  }
0xb4: {  	_ =	swait.ge [sflag:s29], $0x1  }
0xb5: {  	[sflag:s29] =	ssyncadd.s32 $0xFFFFFFFF  }
0xb6: {  	_ =	strace $0x9000004B  }
0xb7: {  	_ =	sfence  }
0xb8: {  	s30 =	sld [smem:$0x0];
	_ =	sdelay $0x2  }
0xb9: {  	s31 =	sshll.u32 s1, $0xD;
	s1 =	sshrl.u32 s1, $0x2  }
0xba: {  	s3 =	sand.u32 $0x4000, s31;
	s1 =	sadd.s32 s1, s30  }
0xbb: {  	s0 =	sor.u32 s3, s0;
	s1 =	sshll.u32 s1, $0x11  }
0xbc: {  	s0 =	sor.u32 s1, s0  }
0xbd: {  	s0 =	sadd.s32 $0x8F2B, s0  }
0xbe: {  	[sflag:s0] =	ssyncadd.remote.s32 $0x1  }
0xbf: {  	_ =	sfence.sel $0xFFFF  }
0xc0: {  	[dreg:$0x0] =	wrdreg $0xFFFFFFFF;
	(pc) =	sbr.abs _section_cstart, $3  }
0xc1: {  	[dreg:$0x1] =	wrdreg $0xFFFFFFFF  }
0xc2: {  	_ =	task.clear_ibuf [dreg:s7], $0x2FFFF;
	_ =	strace $0x9FFFFFFF  }
0xc3: {  	(tm) =	ssettm $0x7FFFFFFF  }
tec
execute0_lowered:
.L_overlay_start_1:
0x0: {  	(tag) =	ssettag $0x1  }
0x1: {  	s6 =	rddreg [dreg:$0x0]  }
0x2: {  	s7 =	rddreg [dreg:$0x1]  }
0x3: {  	s1 =	srdreg.scid;
	s0 =	stileid.u32  }
0x4: {  	s2 =	rddreg [dreg:$0x2];
	s3 =	simm.s32 $0x0;
	s30 =	simm.s32 $0x100  }
0x5: {  	s31 =	simm.s32 $0x880;
	s15 =	simm.s32 $0x200;
	[smem:$0x7FF] =	sst s3  }
0x6: {  	s16 =	simm.s32 $0x980;
	_ =	strace $0x8000004A;
	[dreg:$0x4] =	wrdreg s30  }
0x7: {  	s8 =	sand.u32 $0x1, s1;
	s1 =	simm.s32 $0x180;
	[dreg:$0x5] =	wrdreg s31  }
0x8: {  	s18 =	simm.s32 $0xA00;
	s19 =	simm.s32 $0x300;
	[dreg:$0x6] =	wrdreg s1  }
0x9: {  	s20 =	simm.s32 $0xA80;
	s21 =	simm.s32 $0x380;
	[dreg:$0x8] =	wrdreg s15  }
0xa: {  	s22 =	simm.s32 $0xB00;
	s23 =	simm.s32 $0xB80;
	[dreg:$0x9] =	wrdreg s16  }
0xb: {  	s28 =	simm.s32 $0xF80;
	s29 =	simm.s32 $0x0;
	[dreg:$0xb] =	wrdreg s18  }
0xc: {  	s4 =	sshll.u32 s0, $0x1;
	s5 =	sadd.s32 $0x35A00, s6;
	[dreg:$0xc] =	wrdreg s19  }
0xd: {  	s13 =	smul.u32 $0x50000, s0;
	s17 =	sshll.u32 s0, $0x6;
	[dreg:$0xd] =	wrdreg s20  }
0xe: {  	s25 =	smul.u32 $0x2800, s0;
	s4 =	sor.u32 s8, s4;
	[dreg:$0xe] =	wrdreg s21  }
0xf: {  	s10 =	smul.u32 $0x28000, s8;
	s26 =	ssub.s32 $0x2, s8;
	[dreg:$0xf] =	wrdreg s22  }
0x10: {  	s8 =	simm.s32 $0x900;
	[dreg:$0x10] =	wrdreg s23;
	s30 =	simm.s32 $0x500  }
0x11: {  	s31 =	simm.s32 $0xC80;
	s15 =	simm.s32 $0x580;
	[dreg:$0x7] =	wrdreg s8  }
0x12: {  	s16 =	simm.s32 $0xD00;
	s18 =	simm.s32 $0xD80;
	[dreg:$0x12] =	wrdreg s30  }
0x13: {  	s19 =	simm.s32 $0x680;
	s20 =	simm.s32 $0xE00;
	[dreg:$0x13] =	wrdreg s31  }
0x14: {  	s21 =	simm.s32 $0x700;
	s23 =	simm.s32 $0xE80;
	[dreg:$0x14] =	wrdreg s15  }
0x15: {  	s22 =	simm.s32 $0x4;
	s9 =	smul.u32 $0x500, s4;
	[dreg:$0x15] =	wrdreg s16  }
0x16: {  	s4 =	sadd.s32 $0x3A00, s6;
	s12 =	sshrl.u32 s26, $0x1;
	[dreg:$0x17] =	wrdreg s18  }
0x17: {  	s14 =	sshrl.u32 s13, $0x2;
	s15 =	simm.s32 $0x400;
	[dreg:$0x18] =	wrdreg s19  }
0x18: {  	s16 =	simm.s32 $0xC00;
	s18 =	simm.s32 $0x1000;
	[dreg:$0x19] =	wrdreg s20  }
0x19: {  	s19 =	simm.s32 $0x5000;
	s20 =	simm.s32 $0x1;
	[dreg:$0x1a] =	wrdreg s21  }
0x1a: {  	s21 =	simm.s32 $0x2;
	[dreg:$0x1b] =	wrdreg s23;
	s23 =	simm.s32 $0x6  }
0x1b: {  	s10 =	sadd.s32 s10, s6;
	s12 =	ssub.s32 s26, s12;
	s13 =	sadd.s32 s14, s2  }
0x1c: {  	s14 =	simm.s32 $0x280;
	s26 =	simm.s32 $0x480;
	s11 =	sadd.s32 s9, s6  }
0x1d: {  	s6 =	sor.u32 $0x1C07, s17;
	[dreg:$0xa] =	wrdreg s14;
	s7 =	sadd.s32 s7, s9  }
0x1e: {  	s24 =	sadd.s32 $0x38200, s10;
	s9 =	smax.u32 s12, $0x1;
	s10 =	sshrl.u32 s13, $0x3  }
0x1f: {  	[dreg:$0x11] =	wrdreg s26;
	s12 =	simm.s32 $0x800;
	s13 =	simm.s32 $0x3  }
0x20: {  	s14 =	simm.s32 $0x5;
	s17 =	simm.s32 $0x600;
	s26 =	simm.s32 $0xF00  }
0x21: {  	s8 =	sadd.s32 $0x2BA00, s11;
	s11 =	simm.s32 $0x7;
	[dreg:$0x16] =	wrdreg s17  }
0x22: {  	s17 =	simm.s32 $0x80;
	s24 =	sadd.s32 s25, s24;
	s25 =	simm.s32 $0x780  }
.LBB2_1:
0x23: {  	[spmem:s10], [sflag:s6] =	dma.local [hbm:s5], $0x2800  }
0x24: {  	_ =	swait.ge [sflag:s11], $0x2800  }
0x25: {  	[sflag:s11] =	ssyncset.done $0x0  }
0x26: {  	[sflag:s11] =	ssyncadd.s32 $0xFFFFD800  }
0x27: {  	[tilespmem:s3], [sflag:$0x3] =	stream.linear.gather [hbm4b:s7+s3], $0x400, $0x38;
	[tilespmem:$0x1D000] =	vst v63  }
0x28: {  	_ = 	snop  }
0x29: {  	[tilespmem:s12], [sflag:$0x5] =	stream.linear.gather [hbm4b:s8+s3], $0x400, $0x38;
	[tilespmem:$0x1D000] =	vst v63  }
0x2a: {  	[bflag:$0x0] =	sbarrier.arrive $0xFFFF  }
0x2b: {  	_ =	swait.ge [sflag:s13], $0x400  }
0x2c: {  	[sflag:s13] =	ssyncset.done $0x0  }
0x2d: {  	[sflag:s13] =	ssyncadd.s32 $0xFFFFFC00  }
0x2e: {  	_ =	swait.ge [sflag:s14], $0x400  }
0x2f: {  	s30 =	sadd.s32 $0x0, s7;
	[sflag:s14] =	ssyncset.done $0x0  }
0x30: {  	s31 =	sadd.s32 $0x0, s8;
	s30 =	sadd.s32 $0x80, s30;
	[sflag:s14] =	ssyncadd.s32 $0xFFFFFC00  }
0x31: {  	[tilespmem:s15], [sflag:$0x4] =	stream.linear.gather [hbm4b:s30+s3], $0x400, $0x38;
	[tilespmem:$0x1D000] =	vst v63  }
0x32: {  	s30 =	sadd.s32 $0x80, s31  }
0x33: {  	[tilespmem:s16], [sflag:$0x6] =	stream.linear.gather [hbm4b:s30+s3], $0x400, $0x38;
	[tilespmem:$0x1D000] =	vst v63  }
0x34: {  	_ = 	snop  }
0x35: {  	[tilespmem:s18], [sflag:$0x1] =	stream.indirect.gather [hbm4b:s4+s17], $0x80, s3, s17, $0xb8;
	[tilespmem:$0x1D000] =	vst v63  }
0x36: {  	_ = 	snop  }
0x37: {  	[tilespmem:s19], [sflag:$0x2] =	stream.indirect.gather [hbm4b:s4+s17], $0x80, s17, s17, $0xb8;
	[tilespmem:$0x1D000] =	vst v63  }
0x38: {  	_ =	swait.ge [sflag:s20], $0x4000  }
0x39: {  	[sflag:s20] =	ssyncset.done $0x0  }
0x3a: {  	[sflag:s20] =	ssyncadd.s32 $0xFFFFC000  }
0x3b: {  	[spmem:s2] =	stream.indirect.scatter.add.f32 [tilespmem:s18], [sflag:$0x7], $0x80, s12, s17, $0xb8;
	[tilespmem:$0x1D000] =	vst v63  }
0x3c: {  	_ =	swait.ge [sflag:s11], $0x4000  }
0x3d: {  	[sflag:s11] =	ssyncset.done $0x0  }
0x3e: {  	s30 =	rddreg [dreg:$0x4];
	[sflag:s11] =	ssyncadd.s32 $0xFFFFC000  }
0x3f: {  	[tilespmem:s18], [sflag:$0x1] =	stream.indirect.gather [hbm4b:s4+s17], $0x80, s30, s17, $0xb8;
	[tilespmem:$0x1D000] =	vst v63  }
0x40: {  	_ =	swait.ge [sflag:s21], $0x4000  }
0x41: {  	[sflag:s21] =	ssyncset.done $0x0  }
0x42: {  	s30 =	rddreg [dreg:$0x5];
	[sflag:s21] =	ssyncadd.s32 $0xFFFFC000  }
0x43: {  	[spmem:s2] =	stream.indirect.scatter.add.f32 [tilespmem:s19], [sflag:$0x7], $0x80, s30, s17, $0xb8;
	[tilespmem:$0x1D000] =	vst v63  }
0x44: {  	_ =	swait.ge [sflag:s11], $0x4000  }
0x45: {  	[sflag:s11] =	ssyncset.done $0x0  }
0x46: {  	s30 =	rddreg [dreg:$0x6];
	[sflag:s11] =	ssyncadd.s32 $0xFFFFC000  }
0x47: {  	[tilespmem:s19], [sflag:$0x2] =	stream.indirect.gather [hbm4b:s4+s17], $0x80, s30, s17, $0xb8;
	[tilespmem:$0x1D000] =	vst v63  }
0x48: {  	_ =	swait.ge [sflag:s20], $0x4000  }
0x49: {  	[sflag:s20] =	ssyncset.done $0x0  }
0x4a: {  	s30 =	rddreg [dreg:$0x7];
	[sflag:s20] =	ssyncadd.s32 $0xFFFFC000  }
0x4b: {  	[spmem:s2] =	stream.indirect.scatter.add.f32 [tilespmem:s18], [sflag:$0x7], $0x80, s30, s17, $0xb8;
	[tilespmem:$0x1D000] =	vst v63  }
0x4c: {  	_ =	swait.ge [sflag:s11], $0x4000  }
0x4d: {  	[sflag:s11] =	ssyncset.done $0x0  }
0x4e: {  	s30 =	rddreg [dreg:$0x8];
	[sflag:s11] =	ssyncadd.s32 $0xFFFFC000  }
0x4f: {  	[tilespmem:s18], [sflag:$0x1] =	stream.indirect.gather [hbm4b:s4+s17], $0x80, s30, s17, $0xb8;
	[tilespmem:$0x1D000] =	vst v63  }
0x50: {  	_ =	swait.ge [sflag:s21], $0x4000  }
0x51: {  	[sflag:s21] =	ssyncset.done $0x0  }
0x52: {  	s30 =	rddreg [dreg:$0x9];
	[sflag:s21] =	ssyncadd.s32 $0xFFFFC000  }
0x53: {  	[spmem:s2] =	stream.indirect.scatter.add.f32 [tilespmem:s19], [sflag:$0x7], $0x80, s30, s17, $0xb8;
	[tilespmem:$0x1D000] =	vst v63  }
0x54: {  	_ =	swait.ge [sflag:s11], $0x4000  }
0x55: {  	[sflag:s11] =	ssyncset.done $0x0  }
0x56: {  	s30 =	rddreg [dreg:$0xa];
	[sflag:s11] =	ssyncadd.s32 $0xFFFFC000  }
0x57: {  	[tilespmem:s19], [sflag:$0x2] =	stream.indirect.gather [hbm4b:s4+s17], $0x80, s30, s17, $0xb8;
	[tilespmem:$0x1D000] =	vst v63  }
0x58: {  	_ =	swait.ge [sflag:s20], $0x4000  }
0x59: {  	[sflag:s20] =	ssyncset.done $0x0  }
0x5a: {  	s30 =	rddreg [dreg:$0xb];
	[sflag:s20] =	ssyncadd.s32 $0xFFFFC000  }
0x5b: {  	[spmem:s2] =	stream.indirect.scatter.add.f32 [tilespmem:s18], [sflag:$0x7], $0x80, s30, s17, $0xb8;
	[tilespmem:$0x1D000] =	vst v63  }
0x5c: {  	_ =	swait.ge [sflag:s11], $0x4000  }
0x5d: {  	[sflag:s11] =	ssyncset.done $0x0  }
0x5e: {  	s30 =	rddreg [dreg:$0xc];
	[sflag:s11] =	ssyncadd.s32 $0xFFFFC000  }
0x5f: {  	[tilespmem:s18], [sflag:$0x1] =	stream.indirect.gather [hbm4b:s4+s17], $0x80, s30, s17, $0xb8;
	[tilespmem:$0x1D000] =	vst v63  }
0x60: {  	_ =	swait.ge [sflag:s21], $0x4000  }
0x61: {  	[sflag:s21] =	ssyncset.done $0x0  }
0x62: {  	s30 =	rddreg [dreg:$0xd];
	[sflag:s21] =	ssyncadd.s32 $0xFFFFC000  }
0x63: {  	[spmem:s2] =	stream.indirect.scatter.add.f32 [tilespmem:s19], [sflag:$0x7], $0x80, s30, s17, $0xb8;
	[tilespmem:$0x1D000] =	vst v63  }
0x64: {  	_ =	swait.ge [sflag:s11], $0x4000  }
0x65: {  	[sflag:s11] =	ssyncset.done $0x0  }
0x66: {  	s30 =	rddreg [dreg:$0xe];
	[sflag:s11] =	ssyncadd.s32 $0xFFFFC000  }
0x67: {  	[tilespmem:s19], [sflag:$0x2] =	stream.indirect.gather [hbm4b:s4+s17], $0x80, s30, s17, $0xb8;
	[tilespmem:$0x1D000] =	vst v63  }
0x68: {  	_ =	swait.ge [sflag:s20], $0x4000  }
0x69: {  	[sflag:s20] =	ssyncset.done $0x0  }
0x6a: {  	s30 =	rddreg [dreg:$0xf];
	[sflag:s20] =	ssyncadd.s32 $0xFFFFC000  }
0x6b: {  	[spmem:s2] =	stream.indirect.scatter.add.f32 [tilespmem:s18], [sflag:$0x7], $0x80, s30, s17, $0xb8;
	[tilespmem:$0x1D000] =	vst v63  }
0x6c: {  	_ =	swait.ge [sflag:s11], $0x4000  }
0x6d: {  	[sflag:s11] =	ssyncset.done $0x0  }
0x6e: {  	[sflag:s11] =	ssyncadd.s32 $0xFFFFC000  }
0x6f: {  	_ =	swait.ge [sflag:s21], $0x4000  }
0x70: {  	[sflag:s21] =	ssyncset.done $0x0  }
0x71: {  	s30 =	rddreg [dreg:$0x10];
	[sflag:s21] =	ssyncadd.s32 $0xFFFFC000  }
0x72: {  	[spmem:s2] =	stream.indirect.scatter.add.f32 [tilespmem:s19], [sflag:$0x7], $0x80, s30, s17, $0xb8;
	[tilespmem:$0x1D000] =	vst v63  }
0x73: {  	_ =	swait.ge [sflag:s11], $0x4000  }
0x74: {  	[sflag:s11] =	ssyncset.done $0x0  }
0x75: {  	[sflag:s11] =	ssyncadd.s32 $0xFFFFC000  }
0x76: {  	_ =	swait.ge [sflag:s22], $0x400  }
0x77: {  	[sflag:s22] =	ssyncset.done $0x0  }
0x78: {  	[sflag:s22] =	ssyncadd.s32 $0xFFFFFC00  }
0x79: {  	p0 =	por $0x0, $0x0;
	_ =	swait.ge [sflag:s23], $0x400  }
0x7a: {  	s1 =	simm.s32 @!p0 $0x0;
	s30 =	sadd.s32 @!p0 $0x0, s7;
	[sflag:s23] =	ssyncset.done $0x0  }
0x7b: {  	s31 =	sadd.s32 @!p0 $0x0, s8;
	s30 =	sadd.s32 @!p0 $0x100, s30;
	[sflag:s23] =	ssyncadd.s32 $0xFFFFFC00  }
0x7c: {  	[tilespmem:s1], [sflag:$0x3] =	stream.linear.gather @!p0 [hbm4b:s30+s1], $0x400, $0x38;
	[tilespmem:$0x1D000] =	vst v63  }
0x7d: {  	s30 =	sadd.s32 @!p0 $0x100, s31;
	s31 =	simm.s32 @!p0 $0x800  }
0x7e: {  	[tilespmem:s31], [sflag:$0x5] =	stream.linear.gather @!p0 [hbm4b:s30+s1], $0x400, $0x38;
	[tilespmem:$0x1D000] =	vst v63  }
0x7f: {  	_ = 	snop  }
0x80: {  	[tilespmem:s18], [sflag:$0x1] =	stream.indirect.gather [hbm4b:s4+s17], $0x80, s15, s17, $0xb8;
	[tilespmem:$0x1D000] =	vst v63  }
0x81: {  	s31 =	rddreg [dreg:$0x11]  }
0x82: {  	[tilespmem:s19], [sflag:$0x2] =	stream.indirect.gather [hbm4b:s4+s17], $0x80, s31, s17, $0xb8;
	[tilespmem:$0x1D000] =	vst v63  }
0x83: {  	_ =	swait.ge [sflag:s20], $0x4000  }
0x84: {  	[sflag:s20] =	ssyncset.done $0x0  }
0x85: {  	[sflag:s20] =	ssyncadd.s32 $0xFFFFC000  }
0x86: {  	[spmem:s2] =	stream.indirect.scatter.add.f32 [tilespmem:s18], [sflag:$0x7], $0x80, s16, s17, $0xb8;
	[tilespmem:$0x1D000] =	vst v63  }
0x87: {  	_ =	swait.ge [sflag:s11], $0x4000  }
0x88: {  	[sflag:s11] =	ssyncset.done $0x0  }
0x89: {  	s0 =	rddreg [dreg:$0x12];
	[sflag:s11] =	ssyncadd.s32 $0xFFFFC000  }
0x8a: {  	[tilespmem:s18], [sflag:$0x1] =	stream.indirect.gather [hbm4b:s4+s17], $0x80, s0, s17, $0xb8;
	[tilespmem:$0x1D000] =	vst v63  }
0x8b: {  	_ =	swait.ge [sflag:s21], $0x4000  }
0x8c: {  	[sflag:s21] =	ssyncset.done $0x0  }
0x8d: {  	s31 =	rddreg [dreg:$0x13];
	[sflag:s21] =	ssyncadd.s32 $0xFFFFC000  }
0x8e: {  	[spmem:s2] =	stream.indirect.scatter.add.f32 [tilespmem:s19], [sflag:$0x7], $0x80, s31, s17, $0xb8;
	[tilespmem:$0x1D000] =	vst v63  }
0x8f: {  	_ =	swait.ge [sflag:s11], $0x4000  }
0x90: {  	[sflag:s11] =	ssyncset.done $0x0  }
0x91: {  	s0 =	rddreg [dreg:$0x14];
	[sflag:s11] =	ssyncadd.s32 $0xFFFFC000  }
0x92: {  	[tilespmem:s19], [sflag:$0x2] =	stream.indirect.gather [hbm4b:s4+s17], $0x80, s0, s17, $0xb8;
	[tilespmem:$0x1D000] =	vst v63  }
0x93: {  	_ =	swait.ge [sflag:s20], $0x4000  }
0x94: {  	[sflag:s20] =	ssyncset.done $0x0  }
0x95: {  	s31 =	rddreg [dreg:$0x15];
	[sflag:s20] =	ssyncadd.s32 $0xFFFFC000  }
0x96: {  	[spmem:s2] =	stream.indirect.scatter.add.f32 [tilespmem:s18], [sflag:$0x7], $0x80, s31, s17, $0xb8;
	[tilespmem:$0x1D000] =	vst v63  }
0x97: {  	_ =	swait.ge [sflag:s11], $0x4000  }
0x98: {  	[sflag:s11] =	ssyncset.done $0x0  }
0x99: {  	s0 =	rddreg [dreg:$0x16];
	[sflag:s11] =	ssyncadd.s32 $0xFFFFC000  }
0x9a: {  	[tilespmem:s18], [sflag:$0x1] =	stream.indirect.gather [hbm4b:s4+s17], $0x80, s0, s17, $0xb8;
	[tilespmem:$0x1D000] =	vst v63  }
0x9b: {  	_ =	swait.ge [sflag:s21], $0x4000  }
0x9c: {  	[sflag:s21] =	ssyncset.done $0x0  }
0x9d: {  	s31 =	rddreg [dreg:$0x17];
	[sflag:s21] =	ssyncadd.s32 $0xFFFFC000  }
0x9e: {  	[spmem:s2] =	stream.indirect.scatter.add.f32 [tilespmem:s19], [sflag:$0x7], $0x80, s31, s17, $0xb8;
	[tilespmem:$0x1D000] =	vst v63  }
0x9f: {  	_ =	swait.ge [sflag:s11], $0x4000  }
0xa0: {  	[sflag:s11] =	ssyncset.done $0x0  }
0xa1: {  	s0 =	rddreg [dreg:$0x18];
	[sflag:s11] =	ssyncadd.s32 $0xFFFFC000  }
0xa2: {  	[tilespmem:s19], [sflag:$0x2] =	stream.indirect.gather [hbm4b:s4+s17], $0x80, s0, s17, $0xb8;
	[tilespmem:$0x1D000] =	vst v63  }
0xa3: {  	_ =	swait.ge [sflag:s20], $0x4000  }
0xa4: {  	[sflag:s20] =	ssyncset.done $0x0  }
0xa5: {  	s31 =	rddreg [dreg:$0x19];
	[sflag:s20] =	ssyncadd.s32 $0xFFFFC000  }
0xa6: {  	[spmem:s2] =	stream.indirect.scatter.add.f32 [tilespmem:s18], [sflag:$0x7], $0x80, s31, s17, $0xb8;
	[tilespmem:$0x1D000] =	vst v63  }
0xa7: {  	_ =	swait.ge [sflag:s11], $0x4000  }
0xa8: {  	[sflag:s11] =	ssyncset.done $0x0  }
0xa9: {  	s0 =	rddreg [dreg:$0x1a];
	[sflag:s11] =	ssyncadd.s32 $0xFFFFC000  }
0xaa: {  	[tilespmem:s18], [sflag:$0x1] =	stream.indirect.gather [hbm4b:s4+s17], $0x80, s0, s17, $0xb8;
	[tilespmem:$0x1D000] =	vst v63  }
0xab: {  	_ =	swait.ge [sflag:s21], $0x4000  }
0xac: {  	[sflag:s21] =	ssyncset.done $0x0  }
0xad: {  	s31 =	rddreg [dreg:$0x1b];
	[sflag:s21] =	ssyncadd.s32 $0xFFFFC000  }
0xae: {  	[spmem:s2] =	stream.indirect.scatter.add.f32 [tilespmem:s19], [sflag:$0x7], $0x80, s31, s17, $0xb8;
	[tilespmem:$0x1D000] =	vst v63  }
0xaf: {  	_ =	swait.ge [sflag:s11], $0x4000  }
0xb0: {  	[sflag:s11] =	ssyncset.done $0x0  }
0xb1: {  	[sflag:s11] =	ssyncadd.s32 $0xFFFFC000  }
0xb2: {  	[tilespmem:s19], [sflag:$0x2] =	stream.indirect.gather [hbm4b:s4+s17], $0x80, s25, s17, $0xb8;
	[tilespmem:$0x1D000] =	vst v63  }
0xb3: {  	_ =	swait.ge [sflag:s20], $0x4000  }
0xb4: {  	[sflag:s20] =	ssyncset.done $0x0  }
0xb5: {  	[sflag:s20] =	ssyncadd.s32 $0xFFFFC000  }
0xb6: {  	[spmem:s2] =	stream.indirect.scatter.add.f32 [tilespmem:s18], [sflag:$0x7], $0x80, s26, s17, $0xb8;
	[tilespmem:$0x1D000] =	vst v63  }
0xb7: {  	_ =	swait.ge [sflag:s11], $0x4000  }
0xb8: {  	[sflag:s11] =	ssyncset.done $0x0  }
0xb9: {  	[sflag:s11] =	ssyncadd.s32 $0xFFFFC000  }
0xba: {  	_ =	swait.ge [sflag:s21], $0x4000  }
0xbb: {  	[sflag:s21] =	ssyncset.done $0x0  }
0xbc: {  	[sflag:s21] =	ssyncadd.s32 $0xFFFFC000  }
0xbd: {  	[spmem:s2] =	stream.indirect.scatter.add.f32 [tilespmem:s19], [sflag:$0x7], $0x80, s28, s17, $0xb8;
	[tilespmem:$0x1D000] =	vst v63  }
0xbe: {  	_ =	swait.ge [sflag:s11], $0x4000  }
0xbf: {  	s30 =	simm.s32 $0x100;
	[sflag:s11] =	ssyncset.done $0x0  }
.LBB2_2:
0xc0: {  	[sflag:s11] =	ssyncadd.s32 $0xFFFFC000  }
0xc1: {  	_ =	swait.ge [sflag:s13], $0x400  }
0xc2: {  	[sflag:s13] =	ssyncset.done $0x0  }
0xc3: {  	[sflag:s13] =	ssyncadd.s32 $0xFFFFFC00  }
0xc4: {  	s31 =	smov.u32 s30;
	_ =	swait.ge [sflag:s14], $0x400  }
0xc5: {  	s1 =	sadd.s32 s31, s7;
	[sflag:s14] =	ssyncset.done $0x0  }
0xc6: {  	s0 =	sadd.s32 s31, s8;
	s1 =	sadd.s32 $0x80, s1;
	[sflag:s14] =	ssyncadd.s32 $0xFFFFFC00  }
0xc7: {  	[tilespmem:s15], [sflag:$0x4] =	stream.linear.gather [hbm4b:s1+s3], $0x400, $0x38;
	[tilespmem:$0x1D000] =	vst v63  }
0xc8: {  	s0 =	sadd.s32 $0x80, s0  }
0xc9: {  	[tilespmem:s16], [sflag:$0x6] =	stream.linear.gather [hbm4b:s0+s3], $0x400, $0x38;
	[tilespmem:$0x1D000] =	vst v63  }
0xca: {  	_ = 	snop  }
0xcb: {  	[tilespmem:s18], [sflag:$0x1] =	stream.indirect.gather [hbm4b:s4+s17], $0x80, s3, s17, $0xb8;
	[tilespmem:$0x1D000] =	vst v63  }
0xcc: {  	_ = 	snop  }
0xcd: {  	[tilespmem:s19], [sflag:$0x2] =	stream.indirect.gather [hbm4b:s4+s17], $0x80, s17, s17, $0xb8;
	[tilespmem:$0x1D000] =	vst v63  }
0xce: {  	_ =	swait.ge [sflag:s20], $0x4000  }
0xcf: {  	[sflag:s20] =	ssyncset.done $0x0  }
0xd0: {  	[sflag:s20] =	ssyncadd.s32 $0xFFFFC000  }
0xd1: {  	[spmem:s2] =	stream.indirect.scatter.add.f32 [tilespmem:s18], [sflag:$0x7], $0x80, s12, s17, $0xb8;
	[tilespmem:$0x1D000] =	vst v63  }
0xd2: {  	_ =	swait.ge [sflag:s11], $0x4000  }
0xd3: {  	[sflag:s11] =	ssyncset.done $0x0  }
0xd4: {  	s1 =	rddreg [dreg:$0x4];
	[sflag:s11] =	ssyncadd.s32 $0xFFFFC000  }
0xd5: {  	[tilespmem:s18], [sflag:$0x1] =	stream.indirect.gather [hbm4b:s4+s17], $0x80, s1, s17, $0xb8;
	[tilespmem:$0x1D000] =	vst v63  }
0xd6: {  	_ =	swait.ge [sflag:s21], $0x4000  }
0xd7: {  	[sflag:s21] =	ssyncset.done $0x0  }
0xd8: {  	s1 =	rddreg [dreg:$0x5];
	[sflag:s21] =	ssyncadd.s32 $0xFFFFC000  }
0xd9: {  	[spmem:s2] =	stream.indirect.scatter.add.f32 [tilespmem:s19], [sflag:$0x7], $0x80, s1, s17, $0xb8;
	[tilespmem:$0x1D000] =	vst v63  }
0xda: {  	_ =	swait.ge [sflag:s11], $0x4000  }
0xdb: {  	[sflag:s11] =	ssyncset.done $0x0  }
0xdc: {  	s1 =	rddreg [dreg:$0x6];
	[sflag:s11] =	ssyncadd.s32 $0xFFFFC000  }
0xdd: {  	[tilespmem:s19], [sflag:$0x2] =	stream.indirect.gather [hbm4b:s4+s17], $0x80, s1, s17, $0xb8;
	[tilespmem:$0x1D000] =	vst v63  }
0xde: {  	_ =	swait.ge [sflag:s20], $0x4000  }
0xdf: {  	[sflag:s20] =	ssyncset.done $0x0  }
0xe0: {  	s1 =	rddreg [dreg:$0x7];
	[sflag:s20] =	ssyncadd.s32 $0xFFFFC000  }
0xe1: {  	[spmem:s2] =	stream.indirect.scatter.add.f32 [tilespmem:s18], [sflag:$0x7], $0x80, s1, s17, $0xb8;
	[tilespmem:$0x1D000] =	vst v63  }
0xe2: {  	_ =	swait.ge [sflag:s11], $0x4000  }
0xe3: {  	[sflag:s11] =	ssyncset.done $0x0  }
0xe4: {  	s1 =	rddreg [dreg:$0x8];
	[sflag:s11] =	ssyncadd.s32 $0xFFFFC000  }
0xe5: {  	[tilespmem:s18], [sflag:$0x1] =	stream.indirect.gather [hbm4b:s4+s17], $0x80, s1, s17, $0xb8;
	[tilespmem:$0x1D000] =	vst v63  }
0xe6: {  	_ =	swait.ge [sflag:s21], $0x4000  }
0xe7: {  	[sflag:s21] =	ssyncset.done $0x0  }
0xe8: {  	s1 =	rddreg [dreg:$0x9];
	[sflag:s21] =	ssyncadd.s32 $0xFFFFC000  }
0xe9: {  	[spmem:s2] =	stream.indirect.scatter.add.f32 [tilespmem:s19], [sflag:$0x7], $0x80, s1, s17, $0xb8;
	[tilespmem:$0x1D000] =	vst v63  }
0xea: {  	_ =	swait.ge [sflag:s11], $0x4000  }
0xeb: {  	[sflag:s11] =	ssyncset.done $0x0  }
0xec: {  	s1 =	rddreg [dreg:$0xa];
	[sflag:s11] =	ssyncadd.s32 $0xFFFFC000  }
0xed: {  	[tilespmem:s19], [sflag:$0x2] =	stream.indirect.gather [hbm4b:s4+s17], $0x80, s1, s17, $0xb8;
	[tilespmem:$0x1D000] =	vst v63  }
0xee: {  	_ =	swait.ge [sflag:s20], $0x4000  }
0xef: {  	[sflag:s20] =	ssyncset.done $0x0  }
0xf0: {  	s1 =	rddreg [dreg:$0xb];
	[sflag:s20] =	ssyncadd.s32 $0xFFFFC000  }
0xf1: {  	[spmem:s2] =	stream.indirect.scatter.add.f32 [tilespmem:s18], [sflag:$0x7], $0x80, s1, s17, $0xb8;
	[tilespmem:$0x1D000] =	vst v63  }
0xf2: {  	_ =	swait.ge [sflag:s11], $0x4000  }
0xf3: {  	[sflag:s11] =	ssyncset.done $0x0  }
0xf4: {  	s1 =	rddreg [dreg:$0xc];
	[sflag:s11] =	ssyncadd.s32 $0xFFFFC000  }
0xf5: {  	[tilespmem:s18], [sflag:$0x1] =	stream.indirect.gather [hbm4b:s4+s17], $0x80, s1, s17, $0xb8;
	[tilespmem:$0x1D000] =	vst v63  }
0xf6: {  	_ =	swait.ge [sflag:s21], $0x4000  }
0xf7: {  	[sflag:s21] =	ssyncset.done $0x0  }
0xf8: {  	s1 =	rddreg [dreg:$0xd];
	[sflag:s21] =	ssyncadd.s32 $0xFFFFC000  }
0xf9: {  	[spmem:s2] =	stream.indirect.scatter.add.f32 [tilespmem:s19], [sflag:$0x7], $0x80, s1, s17, $0xb8;
	[tilespmem:$0x1D000] =	vst v63  }
0xfa: {  	_ =	swait.ge [sflag:s11], $0x4000  }
0xfb: {  	[sflag:s11] =	ssyncset.done $0x0  }
0xfc: {  	s1 =	rddreg [dreg:$0xe];
	[sflag:s11] =	ssyncadd.s32 $0xFFFFC000  }
0xfd: {  	[tilespmem:s19], [sflag:$0x2] =	stream.indirect.gather [hbm4b:s4+s17], $0x80, s1, s17, $0xb8;
	[tilespmem:$0x1D000] =	vst v63  }
0xfe: {  	_ =	swait.ge [sflag:s20], $0x4000  }
0xff: {  	[sflag:s20] =	ssyncset.done $0x0  }
0x100: {  	s1 =	rddreg [dreg:$0xf];
	[sflag:s20] =	ssyncadd.s32 $0xFFFFC000  }
0x101: {  	[spmem:s2] =	stream.indirect.scatter.add.f32 [tilespmem:s18], [sflag:$0x7], $0x80, s1, s17, $0xb8;
	[tilespmem:$0x1D000] =	vst v63  }
0x102: {  	_ =	swait.ge [sflag:s11], $0x4000  }
0x103: {  	[sflag:s11] =	ssyncset.done $0x0  }
0x104: {  	[sflag:s11] =	ssyncadd.s32 $0xFFFFC000  }
0x105: {  	_ =	swait.ge [sflag:s21], $0x4000  }
0x106: {  	[sflag:s21] =	ssyncset.done $0x0  }
0x107: {  	s1 =	rddreg [dreg:$0x10];
	[sflag:s21] =	ssyncadd.s32 $0xFFFFC000  }
0x108: {  	[spmem:s2] =	stream.indirect.scatter.add.f32 [tilespmem:s19], [sflag:$0x7], $0x80, s1, s17, $0xb8;
	[tilespmem:$0x1D000] =	vst v63  }
0x109: {  	_ =	swait.ge [sflag:s11], $0x4000  }
0x10a: {  	[sflag:s11] =	ssyncset.done $0x0  }
0x10b: {  	[sflag:s11] =	ssyncadd.s32 $0xFFFFC000  }
0x10c: {  	_ =	swait.ge [sflag:s22], $0x400  }
0x10d: {  	[sflag:s22] =	ssyncset.done $0x0  }
0x10e: {  	p1 =	seq.s32 s31, $0x400;
	[sflag:s22] =	ssyncadd.s32 $0xFFFFFC00  }
0x10f: {  	s0 =	sadd.s32 @!p1 s31, s7;
	_ =	swait.ge [sflag:s23], $0x400  }
0x110: {  	s0 =	sadd.s32 @!p1 $0x100, s0;
	[sflag:s23] =	ssyncset.done $0x0  }
0x111: {  	s1 =	sadd.s32 @!p1 s31, s8;
	s31 =	simm.s32 @!p1 $0x0;
	[sflag:s23] =	ssyncadd.s32 $0xFFFFFC00  }
0x112: {  	[tilespmem:s31], [sflag:$0x3] =	stream.linear.gather @!p1 [hbm4b:s0+s31], $0x400, $0x38;
	[tilespmem:$0x1D000] =	vst v63  }
0x113: {  	s0 =	sadd.s32 @!p1 $0x100, s1;
	s1 =	simm.s32 @!p1 $0x800  }
0x114: {  	[tilespmem:s1], [sflag:$0x5] =	stream.linear.gather @!p1 [hbm4b:s0+s31], $0x400, $0x38;
	[tilespmem:$0x1D000] =	vst v63  }
0x115: {  	_ = 	snop  }
0x116: {  	[tilespmem:s18], [sflag:$0x1] =	stream.indirect.gather [hbm4b:s4+s17], $0x80, s15, s17, $0xb8;
	[tilespmem:$0x1D000] =	vst v63  }
0x117: {  	s31 =	rddreg [dreg:$0x11]  }
0x118: {  	[tilespmem:s19], [sflag:$0x2] =	stream.indirect.gather [hbm4b:s4+s17], $0x80, s31, s17, $0xb8;
	[tilespmem:$0x1D000] =	vst v63  }
0x119: {  	_ =	swait.ge [sflag:s20], $0x4000  }
0x11a: {  	[sflag:s20] =	ssyncset.done $0x0  }
0x11b: {  	[sflag:s20] =	ssyncadd.s32 $0xFFFFC000  }
0x11c: {  	[spmem:s2] =	stream.indirect.scatter.add.f32 [tilespmem:s18], [sflag:$0x7], $0x80, s16, s17, $0xb8;
	[tilespmem:$0x1D000] =	vst v63  }
0x11d: {  	_ =	swait.ge [sflag:s11], $0x4000  }
0x11e: {  	[sflag:s11] =	ssyncset.done $0x0  }
0x11f: {  	s1 =	rddreg [dreg:$0x12];
	[sflag:s11] =	ssyncadd.s32 $0xFFFFC000  }
0x120: {  	[tilespmem:s18], [sflag:$0x1] =	stream.indirect.gather [hbm4b:s4+s17], $0x80, s1, s17, $0xb8;
	[tilespmem:$0x1D000] =	vst v63  }
0x121: {  	_ =	swait.ge [sflag:s21], $0x4000  }
0x122: {  	[sflag:s21] =	ssyncset.done $0x0  }
0x123: {  	s31 =	rddreg [dreg:$0x13];
	[sflag:s21] =	ssyncadd.s32 $0xFFFFC000  }
0x124: {  	[spmem:s2] =	stream.indirect.scatter.add.f32 [tilespmem:s19], [sflag:$0x7], $0x80, s31, s17, $0xb8;
	[tilespmem:$0x1D000] =	vst v63  }
0x125: {  	_ =	swait.ge [sflag:s11], $0x4000  }
0x126: {  	[sflag:s11] =	ssyncset.done $0x0  }
0x127: {  	s1 =	rddreg [dreg:$0x14];
	[sflag:s11] =	ssyncadd.s32 $0xFFFFC000  }
0x128: {  	[tilespmem:s19], [sflag:$0x2] =	stream.indirect.gather [hbm4b:s4+s17], $0x80, s1, s17, $0xb8;
	[tilespmem:$0x1D000] =	vst v63  }
0x129: {  	_ =	swait.ge [sflag:s20], $0x4000  }
0x12a: {  	[sflag:s20] =	ssyncset.done $0x0  }
0x12b: {  	s31 =	rddreg [dreg:$0x15];
	[sflag:s20] =	ssyncadd.s32 $0xFFFFC000  }
0x12c: {  	[spmem:s2] =	stream.indirect.scatter.add.f32 [tilespmem:s18], [sflag:$0x7], $0x80, s31, s17, $0xb8;
	[tilespmem:$0x1D000] =	vst v63  }
0x12d: {  	_ =	swait.ge [sflag:s11], $0x4000  }
0x12e: {  	[sflag:s11] =	ssyncset.done $0x0  }
0x12f: {  	s1 =	rddreg [dreg:$0x16];
	[sflag:s11] =	ssyncadd.s32 $0xFFFFC000  }
0x130: {  	[tilespmem:s18], [sflag:$0x1] =	stream.indirect.gather [hbm4b:s4+s17], $0x80, s1, s17, $0xb8;
	[tilespmem:$0x1D000] =	vst v63  }
0x131: {  	_ =	swait.ge [sflag:s21], $0x4000  }
0x132: {  	[sflag:s21] =	ssyncset.done $0x0  }
0x133: {  	s31 =	rddreg [dreg:$0x17];
	[sflag:s21] =	ssyncadd.s32 $0xFFFFC000  }
0x134: {  	[spmem:s2] =	stream.indirect.scatter.add.f32 [tilespmem:s19], [sflag:$0x7], $0x80, s31, s17, $0xb8;
	[tilespmem:$0x1D000] =	vst v63  }
0x135: {  	_ =	swait.ge [sflag:s11], $0x4000  }
0x136: {  	[sflag:s11] =	ssyncset.done $0x0  }
0x137: {  	s1 =	rddreg [dreg:$0x18];
	[sflag:s11] =	ssyncadd.s32 $0xFFFFC000  }
0x138: {  	[tilespmem:s19], [sflag:$0x2] =	stream.indirect.gather [hbm4b:s4+s17], $0x80, s1, s17, $0xb8;
	[tilespmem:$0x1D000] =	vst v63  }
0x139: {  	_ =	swait.ge [sflag:s20], $0x4000  }
0x13a: {  	[sflag:s20] =	ssyncset.done $0x0  }
0x13b: {  	s31 =	rddreg [dreg:$0x19];
	[sflag:s20] =	ssyncadd.s32 $0xFFFFC000  }
0x13c: {  	[spmem:s2] =	stream.indirect.scatter.add.f32 [tilespmem:s18], [sflag:$0x7], $0x80, s31, s17, $0xb8;
	[tilespmem:$0x1D000] =	vst v63  }
0x13d: {  	_ =	swait.ge [sflag:s11], $0x4000  }
0x13e: {  	[sflag:s11] =	ssyncset.done $0x0  }
0x13f: {  	s1 =	rddreg [dreg:$0x1a];
	[sflag:s11] =	ssyncadd.s32 $0xFFFFC000  }
0x140: {  	[tilespmem:s18], [sflag:$0x1] =	stream.indirect.gather [hbm4b:s4+s17], $0x80, s1, s17, $0xb8;
	[tilespmem:$0x1D000] =	vst v63  }
0x141: {  	_ =	swait.ge [sflag:s21], $0x4000  }
0x142: {  	[sflag:s21] =	ssyncset.done $0x0  }
0x143: {  	s31 =	rddreg [dreg:$0x1b];
	[sflag:s21] =	ssyncadd.s32 $0xFFFFC000  }
0x144: {  	[spmem:s2] =	stream.indirect.scatter.add.f32 [tilespmem:s19], [sflag:$0x7], $0x80, s31, s17, $0xb8;
	[tilespmem:$0x1D000] =	vst v63  }
0x145: {  	_ =	swait.ge [sflag:s11], $0x4000  }
0x146: {  	[sflag:s11] =	ssyncset.done $0x0  }
0x147: {  	[sflag:s11] =	ssyncadd.s32 $0xFFFFC000  }
0x148: {  	[tilespmem:s19], [sflag:$0x2] =	stream.indirect.gather [hbm4b:s4+s17], $0x80, s25, s17, $0xb8;
	[tilespmem:$0x1D000] =	vst v63  }
0x149: {  	_ =	swait.ge [sflag:s20], $0x4000  }
0x14a: {  	[sflag:s20] =	ssyncset.done $0x0  }
0x14b: {  	[sflag:s20] =	ssyncadd.s32 $0xFFFFC000  }
0x14c: {  	[spmem:s2] =	stream.indirect.scatter.add.f32 [tilespmem:s18], [sflag:$0x7], $0x80, s26, s17, $0xb8;
	[tilespmem:$0x1D000] =	vst v63  }
0x14d: {  	_ =	swait.ge [sflag:s11], $0x4000  }
0x14e: {  	[sflag:s11] =	ssyncset.done $0x0  }
0x14f: {  	s30 =	sadd.s32 $0x100, s30;
	[sflag:s11] =	ssyncadd.s32 $0xFFFFC000  }
0x150: {  	p0 =	sne.s32 s30, $0x500;
	_ =	swait.ge [sflag:s21], $0x4000  }
.Ltmp0:
0x151: {  	[sflag:s21] =	ssyncset.done $0x0;
	(pc) =	sbr.rel @p0 .LBB2_2-.Ltmp0, $4  }
0x152: {  	[sflag:s21] =	ssyncadd.s32 $0xFFFFC000  }
0x153: {  	[spmem:s2] =	stream.indirect.scatter.add.f32 [tilespmem:s19], [sflag:$0x7], $0x80, s28, s17, $0xb8;
	[tilespmem:$0x1D000] =	vst v63  }
0x154: {  	_ =	swait.ge [sflag:s11], $0x4000  }
0x155: {  	[sflag:s11] =	ssyncset.done $0x0  }
0x156: {  	s29 =	sadd.s32 $0x1, s29  }
0x157: {  	[sflag:s11] =	ssyncadd.s32 $0xFFFFC000;
	p0 =	sne.s32 s29, s9  }
.Ltmp1:
0x158: {  	[bflag:$0x0] =	sbarrier.arrive $0xFFFF;
	(pc) =	sbr.rel @p0 .LBB2_1-.Ltmp1, $4  }
0x159: {  	[hbm:s24], [sflag:s6] =	dma.local [spmem:s10], $0x2800  }
0x15a: {  	_ =	swait.ge [sflag:s11], $0x2800  }
0x15b: {  	[sflag:s11] =	ssyncset.done $0x0  }
0x15c: {  	[sflag:s11] =	ssyncadd.s32 $0xFFFFD800  }
0x15d: {  	_ =	sfence.sel $0x180000  }
0x15e: {  	[bflag:$0x0] =	sbarrier.arrive $0xFFFF  }
0x15f: {  	_ =	strace $0x9000004A  }
0x160: {  	s0 =	stileid.u32;
	[bflag:$0x2] =	sbarrier.arrive $0xFFFF  }
0x161: {  	p0 =	sne.s32 s0, $0x0;
	s0 =	rddreg [dreg:$0x3]  }
0x162: {  	s0 =	sadd.s32 @!p0 $0x100000, s0  }
0x163: {  	[sflag:s0] =	ssyncadd.tile.s32 @!p0 $0x1;
	_ =	shalt  }
.Lfunc_end2:
_tile_overlayer_lowered:
.L_overlay_start_2:
0x164: {  	(tag) =	ssettag $0x2  }
0x165: {  	s0 =	rddreg [dreg:$0x0];
	s2 =	stileid.u32  }
0x166: {  	s1 =	rddreg [dreg:$0x1];
	p0 =	sne.s32 s2, $0x0  }
0x167: {  	s3 =	rddreg [dreg:$0x2];
	[bflag:$0x3] =	sbarrier.arrive $0xFFFF;
	s2 =	simm.s32 @!p0 $0x1C07  }
0x168: {  	[timem:s3], [sflag:s2] =	dma.local @!p0 [hbm:s0], s1  }
0x169: {  	s0 =	simm.s32 @!p0 $0x7  }
0x16a: {  	_ =	swait.ge @!p0 [sflag:s0], s1  }
0x16b: {  	s1 =	ssub.s32 @!p0 $0x0, s1;
	[sflag:s0] =	ssyncset.done @!p0 $0x0  }
0x16c: {  	[sflag:s0] =	ssyncadd.s32 @!p0 s1  }
0x16d: {  	[bflag:$0x3] =	sbarrier.arrive $0xFFFF  }
0x16e: {  	_ =	shalt  }

</sc_bundles>
